<compile_context>
chip_gen: v7x
topology: tpu7x:2x2x1
jax: 0.10.2.dev20260603
libtpu: 0.0.44.dev20260713+nightly
codegen_flags: <defaults>
</compile_context>

<pallas_src>
import functools

import jax
import jax.numpy as jnp
from jax import lax
from jax.experimental import pallas as pl
from jax.experimental.pallas import tpu as pltpu
from jax.experimental.pallas import tpu_sc as plsc

_N = 10000
_E = 160000
_DIN = 256
_H = 512
_OUT = 128
_B = 128
_L = 4

_CW = 128
_NCH = _H // _CW
_NS = 16
_RPT = 624
_RTAIL = _N - _RPT * _NS
_EB = 128
_EPT_PAD = 10112
_NB = _EPT_PAD // _EB
_TRASH = _N
_RB = 1000
_GRID = _N // _RB


def _make_seg_sum():
    mesh = plsc.VectorSubcoreMesh(core_axis_name="c", subcore_axis_name="s",
                                  num_cores=2, num_subcores=_NS)

    @functools.partial(
        pl.kernel,
        out_type=[jax.ShapeDtypeStruct((_N, _CW), jnp.float32)] * _NCH,
        mesh=mesh,
        scratch_types=[
            pltpu.VMEM((_EB,), jnp.int32),
            pltpu.VMEM((_EB,), jnp.int32),
            pltpu.VMEM((_EB, _CW), jnp.float32),
            pltpu.VMEM_SHARED((_N + 16, _CW), jnp.float32),
            pltpu.SemaphoreType.DMA,
        ],
    )
    def seg(h0, h1, h2, h3, src_hbm, dst_hbm, o0, o1, o2, o3,
            sidx, didx, rows, acc, sem):
        c = lax.axis_index("c")
        s = lax.axis_index("s")
        row0 = pl.multiple_of(s * _RPT, 8)
        ebase = s * _EPT_PAD

        def do_chunk(h_hbm, out_hbm):
            pltpu.sync_copy(h_hbm.at[pl.ds(row0, _RPT)],
                            acc.at[pl.ds(row0, _RPT)])

            @pl.when(s == _NS - 1)
            def _init_tail():
                pltpu.sync_copy(h_hbm.at[pl.ds(_RPT * _NS, _RTAIL)],
                                acc.at[pl.ds(_RPT * _NS, _RTAIL)])

            plsc.subcore_barrier()

            def body(i, carry):
                base = pl.multiple_of(ebase + i * _EB, 8)
                pltpu.sync_copy(src_hbm.at[pl.ds(base, _EB)], sidx)
                pltpu.sync_copy(dst_hbm.at[pl.ds(base, _EB)], didx)
                pltpu.async_copy(h_hbm.at[sidx], rows, sem).wait()
                pltpu.sync_copy(rows, acc.at[didx], add=True)
                return carry

            lax.fori_loop(0, _NB, body, 0)
            plsc.subcore_barrier()
            pltpu.sync_copy(acc.at[pl.ds(row0, _RPT)],
                            out_hbm.at[pl.ds(row0, _RPT)])

            @pl.when(s == _NS - 1)
            def _wb_tail():
                pltpu.sync_copy(acc.at[pl.ds(_RPT * _NS, _RTAIL)],
                                out_hbm.at[pl.ds(_RPT * _NS, _RTAIL)])

            plsc.subcore_barrier()

        def path01():
            do_chunk(h0, o0)
            do_chunk(h1, o1)

        def path23():
            do_chunk(h2, o2)
            do_chunk(h3, o3)

        lax.cond(c == 0, path01, path23)

    return seg


_seg_sum_cache = None


def _seg_sum(*args):
    global _seg_sum_cache
    if _seg_sum_cache is None:
        _seg_sum_cache = _make_seg_sum()
    return _seg_sum_cache(*args)


def _enc_body(x_ref, w_ref, b_ref, o0, o1, o2, o3):
    y = jnp.dot(x_ref[...], w_ref[...],
                preferred_element_type=jnp.float32) + b_ref[...]
    o0[...] = y[:, 0:128]
    o1[...] = y[:, 128:256]
    o2[...] = y[:, 256:384]
    o3[...] = y[:, 384:512]


_enc_call = pl.pallas_call(
    _enc_body,
    grid=(_GRID,),
    in_specs=[
        pl.BlockSpec((_RB, _DIN), lambda i: (i, 0)),
        pl.BlockSpec((_DIN, _H), lambda i: (0, 0)),
        pl.BlockSpec((1, _H), lambda i: (0, 0)),
    ],
    out_specs=[pl.BlockSpec((_RB, _CW), lambda i: (i, 0))] * _NCH,
    out_shape=[jax.ShapeDtypeStruct((_N, _CW), jnp.float32)] * _NCH,
)


def _mlp_body(z0, z1, z2, z3, w1, b1, w2, b2, o0, o1, o2, o3):
    zin = jnp.concatenate([z0[...], z1[...], z2[...], z3[...]], axis=1)
    y = jnp.dot(zin, w1[...], preferred_element_type=jnp.float32) + b1[...]
    y = jnp.maximum(y, 0.0)
    z = jnp.dot(y, w2[...], preferred_element_type=jnp.float32) + b2[...]
    z = jnp.maximum(z, 0.0)
    o0[...] = z[:, 0:128]
    o1[...] = z[:, 128:256]
    o2[...] = z[:, 256:384]
    o3[...] = z[:, 384:512]


_mlp_call = pl.pallas_call(
    _mlp_body,
    grid=(_GRID,),
    in_specs=[pl.BlockSpec((_RB, _CW), lambda i: (i, 0))] * _NCH + [
        pl.BlockSpec((_H, _H), lambda i: (0, 0)),
        pl.BlockSpec((1, _H), lambda i: (0, 0)),
        pl.BlockSpec((_H, _H), lambda i: (0, 0)),
        pl.BlockSpec((1, _H), lambda i: (0, 0)),
    ],
    out_specs=[pl.BlockSpec((_RB, _CW), lambda i: (i, 0))] * _NCH,
    out_shape=[jax.ShapeDtypeStruct((_N, _CW), jnp.float32)] * _NCH,
)


def _final_body(*refs):
    zs = refs[:_L * _NCH]
    (wj, bj, batch3, gf, wg, bg, wd1a, wd1b, bd1, wd2, bd2) = \
        refs[_L * _NCH:_L * _NCH + 11]
    out = refs[-3]
    pool_acc = refs[-2]
    cnt_acc = refs[-1]
    i = pl.program_id(0)

    @pl.when(i == 0)
    def _init():
        pool_acc[...] = jnp.zeros((_B, _H), jnp.float32)
        cnt_acc[...] = jnp.zeros((_B, _B), jnp.float32)

    wjv = wj[...]
    jb = bj[...]
    for k in range(_L * _NCH):
        jb = jb + jnp.dot(zs[k][...], wjv[k * _CW:(k + 1) * _CW, :],
                          preferred_element_type=jnp.float32)

    bb = batch3[0, 0, :]
    oh = (bb[:, None] == lax.broadcasted_iota(jnp.int32, (1, _B), 1)
          ).astype(jnp.float32)
    pool_acc[...] += lax.dot_general(
        oh, jb, (((0,), (0,)), ((), ())),
        preferred_element_type=jnp.float32)
    cnt_acc[...] += lax.dot_general(
        oh, jnp.ones((_RB, _B), jnp.float32), (((0,), (0,)), ((), ())),
        preferred_element_type=jnp.float32)

    @pl.when(i == _GRID - 1)
    def _decode():
        counts = jnp.maximum(cnt_acc[...][:, 0:1], 1.0)
        pooled = pool_acc[...] / counts
        ge = jnp.maximum(
            jnp.dot(gf[...], wg[...], preferred_element_type=jnp.float32)
            + bg[...], 0.0)
        d = (jnp.dot(pooled, wd1a[...], preferred_element_type=jnp.float32)
             + jnp.dot(ge, wd1b[...], preferred_element_type=jnp.float32)
             + bd1[...])
        d = jnp.maximum(d, 0.0)
        logits = jnp.dot(d, wd2[...],
                         preferred_element_type=jnp.float32) + bd2[...]
        m = jnp.max(logits, axis=1, keepdims=True)
        e = jnp.exp(logits - m)
        out[...] = e / jnp.sum(e, axis=1, keepdims=True)


_final_call = pl.pallas_call(
    _final_body,
    grid=(_GRID,),
    in_specs=[pl.BlockSpec((_RB, _CW), lambda i: (i, 0))] * (_L * _NCH) + [
        pl.BlockSpec((_L * _H, _H), lambda i: (0, 0)),
        pl.BlockSpec((1, _H), lambda i: (0, 0)),
        pl.BlockSpec((1, 1, _RB), lambda i: (i, 0, 0)),
        pl.BlockSpec((_B, 4), lambda i: (0, 0)),
        pl.BlockSpec((4, _H), lambda i: (0, 0)),
        pl.BlockSpec((1, _H), lambda i: (0, 0)),
        pl.BlockSpec((_H, _H), lambda i: (0, 0)),
        pl.BlockSpec((_H, _H), lambda i: (0, 0)),
        pl.BlockSpec((1, _H), lambda i: (0, 0)),
        pl.BlockSpec((_H, _OUT), lambda i: (0, 0)),
        pl.BlockSpec((1, _OUT), lambda i: (0, 0)),
    ],
    out_specs=pl.BlockSpec((_B, _OUT), lambda i: (0, 0)),
    out_shape=jax.ShapeDtypeStruct((_B, _OUT), jnp.float32),
    scratch_shapes=[
        pltpu.VMEM((_B, _H), jnp.float32),
        pltpu.VMEM((_B, _B), jnp.float32),
    ],
)

_BN_S = (1.0 + 1e-5) ** -0.5


def _fold(lin, bn):
    g = bn["g"] * _BN_S
    return lin["W"] * g[None, :], (lin["b"] * g + bn["b"])[None, :]


def kernel(x, edge_index, batch, global_features, params):
    src, dst = edge_index[0], edge_index[1]
    src_p = jnp.pad(src.reshape(_NS, _E // _NS),
                    ((0, 0), (0, _EPT_PAD - _E // _NS))).reshape(-1)
    dst_p = jnp.pad(dst.reshape(_NS, _E // _NS),
                    ((0, 0), (0, _EPT_PAD - _E // _NS)),
                    constant_values=_TRASH).reshape(-1)

    h = _enc_call(x, params["enc"]["W"], params["enc"]["b"][None, :])
    zs = []
    for i in range(_L):
        c = params["convs"][i]
        w1, b1 = _fold(c["lin1"], c["bn1"])
        w2, b2 = _fold(c["lin2"], params["bns"][i])
        a = _seg_sum(h[0], h[1], h[2], h[3], src_p, dst_p)
        h = _mlp_call(a[0], a[1], a[2], a[3], w1, b1, w2, b2)
        zs.extend(h)

    wd1, bd1 = _fold(params["dec1"], params["dec_bn"])
    out = _final_call(
        *zs,
        params["jump"]["W"], params["jump"]["b"][None, :],
        batch.reshape(_GRID, 1, _RB),
        global_features,
        params["glob"]["W"], params["glob"]["b"][None, :],
        wd1[:_H, :], wd1[_H:, :], bd1,
        params["dec2"]["W"], params["dec2"]["b"][None, :],
    )
    return out

# --- scband reference (transcript-rebuilt; emitter-appended) ---
"""Pipeline reference for scband-column-gin-60232621359201 (READ-ONLY COPY).

The authoritative reference and input builder live on the scoring server;
editing this copy changes nothing except your own understanding.
"""

import jax, jax.numpy as jnp
import numpy as np

N = 10000
E = 160000
D_IN = 256
H = 512
OUT = 128
GF = 4
B = 128
L = 4


def _lin(key, fi, fo):
    return {"W": jax.random.normal(key, (fi, fo), jnp.float32) * 0.02, "b": jnp.zeros((fo,), jnp.float32)}


def _bn_params(fo):
    return {"g": jnp.ones((fo,), jnp.float32), "b": jnp.zeros((fo,), jnp.float32)}


def setup_inputs(seed: int = 0):
    key = jax.random.key(seed)
    ks = jax.random.split(key, 40)
    x = jax.random.normal(ks[0], (N, D_IN), jnp.float32)
    edge_index = jax.random.randint(ks[1], (2, E), 0, N, dtype=jnp.int32)
    batch = jnp.sort(jax.random.randint(ks[2], (N,), 0, B, dtype=jnp.int32))
    global_features = jax.random.normal(ks[3], (B, GF), jnp.float32)
    convs = []
    bns = []
    for i in range(L):
        convs.append({"lin1": _lin(ks[4 + 2 * i], H, H), "bn1": _bn_params(H), "lin2": _lin(ks[5 + 2 * i], H, H)})
        bns.append(_bn_params(H))
    params = {
        "enc": _lin(ks[20], D_IN, H),
        "convs": convs,
        "bns": bns,
        "glob": _lin(ks[21], GF, H),
        "jump": _lin(ks[22], L * H, H),
        "dec1": _lin(ks[23], 2 * H, H),
        "dec_bn": _bn_params(H),
        "dec2": _lin(ks[24], H, OUT),
    }
    return {"x": x, "edge_index": edge_index, "batch": batch, "global_features": global_features, "params": params}


def _bn_eval(x, g, b):
    # fresh BatchNorm1d in eval mode: running_mean=0, running_var=1
    return x / jnp.sqrt(1.0 + 1e-5) * g + b


def reference(x, edge_index, batch, global_features, params):
    src, dst = edge_index[0], edge_index[1]
    h = x @ params["enc"]["W"] + params["enc"]["b"]
    outs = []
    for i in range(L):
        c = params["convs"][i]
        agg = jax.ops.segment_sum(h[src], dst, num_segments=N)
        z = h + agg  # GINConv: (1 + eps) * x + sum_{j in N(i)} x_j, eps = 0
        z = z @ c["lin1"]["W"] + c["lin1"]["b"]
        z = _bn_eval(z, c["bn1"]["g"], c["bn1"]["b"])
        z = jax.nn.relu(z)
        z = z @ c["lin2"]["W"] + c["lin2"]["b"]
        z = _bn_eval(z, params["bns"][i]["g"], params["bns"][i]["b"])
        z = jax.nn.relu(z)
        # dropout is identity in eval mode
        h = z
        outs.append(z)
    j = jnp.concatenate(outs, axis=1) @ params["jump"]["W"] + params["jump"]["b"]
    sums = jax.ops.segment_sum(j, batch, num_segments=B)
    counts = jax.ops.segment_sum(jnp.ones((N, 1), jnp.float32), batch, num_segments=B)
    pooled = sums / jnp.maximum(counts, 1.0)
    ge = jax.nn.relu(global_features @ params["glob"]["W"] + params["glob"]["b"])
    cat = jnp.concatenate([pooled, ge], axis=1)
    d = cat @ params["dec1"]["W"] + params["dec1"]["b"]
    d = _bn_eval(d, params["dec_bn"]["g"], params["dec_bn"]["b"])
    d = jax.nn.relu(d)
    out = d @ params["dec2"]["W"] + params["dec2"]["b"]
    return jax.nn.softmax(out, axis=1)

if __name__ == "__main__":
    import jax
    _d = setup_inputs()
    print(jax.jit(kernel)(*tuple(_d.values())))

</pallas_src>

<mosaic_0001>
#map = affine_map<(d0, d1) -> (0, 0)>
#map1 = affine_map<(d0, d1) -> (0)>
module attributes {stable_mosaic.version = 14 : i64} {
  func.func @seg(%arg0: i32, %arg1: i32, %arg2: memref<10000x128xf32, #tpu.memory_space<hbm>>, %arg3: memref<10000x128xf32, #tpu.memory_space<hbm>>, %arg4: memref<10000x128xf32, #tpu.memory_space<hbm>>, %arg5: memref<10000x128xf32, #tpu.memory_space<hbm>>, %arg6: memref<161792xi32, #tpu.memory_space<hbm>>, %arg7: memref<161792xi32, #tpu.memory_space<hbm>>, %arg8: memref<10000x128xf32, #tpu.memory_space<hbm>>, %arg9: memref<10000x128xf32, #tpu.memory_space<hbm>>, %arg10: memref<10000x128xf32, #tpu.memory_space<hbm>>, %arg11: memref<10000x128xf32, #tpu.memory_space<hbm>>, %arg12: memref<128xi32, #tpu.memory_space<vmem>>, %arg13: memref<128xi32, #tpu.memory_space<vmem>>, %arg14: memref<128x128xf32, #tpu.memory_space<vmem>>, %arg15: memref<10016x128xf32, #tpu.memory_space<vmem_shared>>, %arg16: memref<!tpu.dma_semaphore, #tpu.memory_space<semaphore_mem>>) attributes {dimension_semantics = [#tpu.dimension_semantics<core_parallel>, #tpu.dimension_semantics<subcore_parallel>], iteration_bounds = array<i64: 2, 16>, scalar_prefetch = 0 : i64, scratch_operands = 5 : i64, tpu.core_type = #tpu.core_type<sc_vector_subcore>, window_params = [{transform_indices = #map}, {transform_indices = #map}, {transform_indices = #map}, {transform_indices = #map}, {transform_indices = #map1}, {transform_indices = #map1}, {transform_indices = #map}, {transform_indices = #map}, {transform_indices = #map}, {transform_indices = #map}]} {
    %mul3A = arith.constant 624 : i32
    %mul3A_0 = arith.muli %arg1, %mul3A : i32
    %multiple_of3A = tpu.assume_multiple %mul3A_0, 8 : i32
    %mul3A_1 = arith.constant 10112 : i32
    %mul3A_2 = arith.muli %arg1, %mul3A_1 : i32
    %eq3A = arith.constant 0 : i32
    %eq3A_3 = arith.cmpi eq, %arg0, %eq3A : i32
    %convert_element_type3A = arith.extui %eq3A_3 : i1 to i32
    %cond3A = arith.constant 0 : i32
    %cond3A_4 = arith.cmpi ne, %convert_element_type3A, %cond3A : i32
    scf.if %cond3A_4 {
      "tpu.region"() ({
        %run_scoped3A = tpu.sem_alloc : memref<!tpu.dma_semaphore, #tpu.memory_space<semaphore_mem>>
        %dma_start3A = arith.constant 0 : i32
        %dma_start3A_41 = tpu.memref_slice %arg15[%multiple_of3A, %dma_start3A] : memref<10016x128xf32, #tpu.memory_space<vmem_shared>> -> memref<624x128xf32, #tpu.memory_space<vmem_shared>>
        %dma_start3A_42 = arith.constant 0 : i32
        %dma_start3A_43 = tpu.memref_slice %arg2[%multiple_of3A, %dma_start3A_42] : memref<10000x128xf32, #tpu.memory_space<hbm>> -> memref<624x128xf32, #tpu.memory_space<hbm>>
        tpu.enqueue_dma source(%dma_start3A_43 : memref<624x128xf32, #tpu.memory_space<hbm>>) target(%dma_start3A_41 : memref<624x128xf32, #tpu.memory_space<vmem_shared>>) target_semaphore(%run_scoped3A : memref<!tpu.dma_semaphore, #tpu.memory_space<semaphore_mem>>)
        %dma_wait3A = arith.constant 0 : i32
        %dma_wait3A_44 = tpu.memref_slice %arg15[%multiple_of3A, %dma_wait3A] : memref<10016x128xf32, #tpu.memory_space<vmem_shared>> -> memref<624x128xf32, #tpu.memory_space<vmem_shared>>
        %dma_wait3A_45 = arith.constant 0 : i32
        %dma_wait3A_46 = tpu.memref_slice %arg2[%multiple_of3A, %dma_wait3A_45] : memref<10000x128xf32, #tpu.memory_space<hbm>> -> memref<624x128xf32, #tpu.memory_space<hbm>>
        tpu.wait_dma2 semaphore(%run_scoped3A : memref<!tpu.dma_semaphore, #tpu.memory_space<semaphore_mem>>) src(%dma_wait3A_46 : memref<624x128xf32, #tpu.memory_space<hbm>>) dst(%dma_wait3A_44 : memref<624x128xf32, #tpu.memory_space<vmem_shared>>)
        tpu.yield
      }) : () -> ()
      %eq3A_5 = arith.constant 15 : i32
      %eq3A_6 = arith.cmpi eq, %arg1, %eq3A_5 : i32
      %convert_element_type3A_7 = arith.extui %eq3A_6 : i1 to i32
      %cond3A_8 = arith.constant 0 : i32
      %cond3A_9 = arith.cmpi ne, %convert_element_type3A_7, %cond3A_8 : i32
      scf.if %cond3A_9 {
        "tpu.region"() ({
          %run_scoped3A = tpu.sem_alloc : memref<!tpu.dma_semaphore, #tpu.memory_space<semaphore_mem>>
          %dma_start3A = arith.constant 9984 : i32
          %dma_start3A_41 = arith.constant 0 : i32
          %dma_start3A_42 = tpu.memref_slice %arg15[%dma_start3A, %dma_start3A_41] : memref<10016x128xf32, #tpu.memory_space<vmem_shared>> -> memref<16x128xf32, #tpu.memory_space<vmem_shared>>
          %dma_start3A_43 = arith.constant 9984 : i32
          %dma_start3A_44 = arith.constant 0 : i32
          %dma_start3A_45 = tpu.memref_slice %arg2[%dma_start3A_43, %dma_start3A_44] : memref<10000x128xf32, #tpu.memory_space<hbm>> -> memref<16x128xf32, #tpu.memory_space<hbm>>
          tpu.enqueue_dma source(%dma_start3A_45 : memref<16x128xf32, #tpu.memory_space<hbm>>) target(%dma_start3A_42 : memref<16x128xf32, #tpu.memory_space<vmem_shared>>) target_semaphore(%run_scoped3A : memref<!tpu.dma_semaphore, #tpu.memory_space<semaphore_mem>>)
          %dma_wait3A = arith.constant 9984 : i32
          %dma_wait3A_46 = arith.constant 0 : i32
          %dma_wait3A_47 = tpu.memref_slice %arg15[%dma_wait3A, %dma_wait3A_46] : memref<10016x128xf32, #tpu.memory_space<vmem_shared>> -> memref<16x128xf32, #tpu.memory_space<vmem_shared>>
          %dma_wait3A_48 = arith.constant 9984 : i32
          %dma_wait3A_49 = arith.constant 0 : i32
          %dma_wait3A_50 = tpu.memref_slice %arg2[%dma_wait3A_48, %dma_wait3A_49] : memref<10000x128xf32, #tpu.memory_space<hbm>> -> memref<16x128xf32, #tpu.memory_space<hbm>>
          tpu.wait_dma2 semaphore(%run_scoped3A : memref<!tpu.dma_semaphore, #tpu.memory_space<semaphore_mem>>) src(%dma_wait3A_50 : memref<16x128xf32, #tpu.memory_space<hbm>>) dst(%dma_wait3A_47 : memref<16x128xf32, #tpu.memory_space<vmem_shared>>)
          tpu.yield
        }) : () -> ()
      } else {
      }
      %barrier3A = arith.constant 0 : index
      tpu.barrier barrier_id(%barrier3A)
      %scan3A = arith.constant 0 : i32
      %scan3A_10 = arith.constant 0 : i32
      %scan3A_11 = arith.constant 79 : i32
      %scan3A_12 = arith.addi %scan3A_10, %scan3A_11 : i32
      %scan3A_13 = arith.constant 1 : i32
      scf.for %scan3A_41 = %scan3A_10 to %scan3A_12 step %scan3A_13  : i32 {
        %mul3A_42 = arith.constant 128 : i32
        %mul3A_43 = arith.muli %scan3A_41, %mul3A_42 : i32
        %add3A = arith.addi %mul3A_2, %mul3A_43 : i32
        %multiple_of3A_44 = tpu.assume_multiple %add3A, 8 : i32
        "tpu.region"() ({
          %run_scoped3A = tpu.sem_alloc : memref<!tpu.dma_semaphore, #tpu.memory_space<semaphore_mem>>
          %dma_start3A_49 = tpu.memref_slice %arg6[%multiple_of3A_44] : memref<161792xi32, #tpu.memory_space<hbm>> -> memref<128xi32, #tpu.memory_space<hbm>>
          %dma_start3A_50 = tpu.memref_slice %arg6[%multiple_of3A_44] : memref<161792xi32, #tpu.memory_space<hbm>> -> memref<128xi32, #tpu.memory_space<hbm>>
          tpu.enqueue_dma source(%dma_start3A_50 : memref<128xi32, #tpu.memory_space<hbm>>) target(%arg12 : memref<128xi32, #tpu.memory_space<vmem>>) target_semaphore(%run_scoped3A : memref<!tpu.dma_semaphore, #tpu.memory_space<semaphore_mem>>)
          %dma_wait3A_51 = tpu.memref_slice %arg6[%multiple_of3A_44] : memref<161792xi32, #tpu.memory_space<hbm>> -> memref<128xi32, #tpu.memory_space<hbm>>
          %dma_wait3A_52 = tpu.memref_slice %arg6[%multiple_of3A_44] : memref<161792xi32, #tpu.memory_space<hbm>> -> memref<128xi32, #tpu.memory_space<hbm>>
          tpu.wait_dma2 semaphore(%run_scoped3A : memref<!tpu.dma_semaphore, #tpu.memory_space<semaphore_mem>>) src(%dma_wait3A_52 : memref<128xi32, #tpu.memory_space<hbm>>) dst(%arg12 : memref<128xi32, #tpu.memory_space<vmem>>)
          tpu.yield
        }) : () -> ()
        "tpu.region"() ({
          %run_scoped3A = tpu.sem_alloc : memref<!tpu.dma_semaphore, #tpu.memory_space<semaphore_mem>>
          %dma_start3A_49 = tpu.memref_slice %arg7[%multiple_of3A_44] : memref<161792xi32, #tpu.memory_space<hbm>> -> memref<128xi32, #tpu.memory_space<hbm>>
          %dma_start3A_50 = tpu.memref_slice %arg7[%multiple_of3A_44] : memref<161792xi32, #tpu.memory_space<hbm>> -> memref<128xi32, #tpu.memory_space<hbm>>
          tpu.enqueue_dma source(%dma_start3A_50 : memref<128xi32, #tpu.memory_space<hbm>>) target(%arg13 : memref<128xi32, #tpu.memory_space<vmem>>) target_semaphore(%run_scoped3A : memref<!tpu.dma_semaphore, #tpu.memory_space<semaphore_mem>>)
          %dma_wait3A_51 = tpu.memref_slice %arg7[%multiple_of3A_44] : memref<161792xi32, #tpu.memory_space<hbm>> -> memref<128xi32, #tpu.memory_space<hbm>>
          %dma_wait3A_52 = tpu.memref_slice %arg7[%multiple_of3A_44] : memref<161792xi32, #tpu.memory_space<hbm>> -> memref<128xi32, #tpu.memory_space<hbm>>
          tpu.wait_dma2 semaphore(%run_scoped3A : memref<!tpu.dma_semaphore, #tpu.memory_space<semaphore_mem>>) src(%dma_wait3A_52 : memref<128xi32, #tpu.memory_space<hbm>>) dst(%arg13 : memref<128xi32, #tpu.memory_space<vmem>>)
          tpu.yield
        }) : () -> ()
        %dma_start3A = arith.constant 0 : i32
        %dma_start3A_45 = arith.constant 0 : i32
        %dma_start3A_46 = tpu.memref_slice %arg2[%dma_start3A, %dma_start3A_45] : memref<10000x128xf32, #tpu.memory_space<hbm>> -> memref<10000x128xf32, #tpu.memory_space<hbm>>
        tpu.enqueue_indirect_dma source(%dma_start3A_46 : memref<10000x128xf32, #tpu.memory_space<hbm>>) target(%arg14 : memref<128x128xf32, #tpu.memory_space<vmem>>) offsets(%arg12 : memref<128xi32, #tpu.memory_space<vmem>>) semaphore(%arg16 : memref<!tpu.dma_semaphore, #tpu.memory_space<semaphore_mem>>)
        %dma_wait3A = arith.constant 0 : i32
        %dma_wait3A_47 = arith.constant 0 : i32
        %dma_wait3A_48 = tpu.memref_slice %arg2[%dma_wait3A, %dma_wait3A_47] : memref<10000x128xf32, #tpu.memory_space<hbm>> -> memref<10000x128xf32, #tpu.memory_space<hbm>>
        tpu.wait_indirect_dma semaphore(%arg16 : memref<!tpu.dma_semaphore, #tpu.memory_space<semaphore_mem>>) src(%dma_wait3A_48 : memref<10000x128xf32, #tpu.memory_space<hbm>>) dst(%arg14 : memref<128x128xf32, #tpu.memory_space<vmem>>)
        "tpu.region"() ({
          %run_scoped3A = tpu.sem_alloc : memref<!tpu.dma_semaphore, #tpu.memory_space<semaphore_mem>>
          %dma_start3A_49 = arith.constant 0 : i32
          %dma_start3A_50 = arith.constant 0 : i32
          %dma_start3A_51 = tpu.memref_slice %arg15[%dma_start3A_49, %dma_start3A_50] : memref<10016x128xf32, #tpu.memory_space<vmem_shared>> -> memref<10016x128xf32, #tpu.memory_space<vmem_shared>>
          tpu.enqueue_indirect_dma source(%arg14 : memref<128x128xf32, #tpu.memory_space<vmem>>) target(%dma_start3A_51 : memref<10016x128xf32, #tpu.memory_space<vmem_shared>>) offsets(%arg13 : memref<128xi32, #tpu.memory_space<vmem>>) semaphore(%run_scoped3A : memref<!tpu.dma_semaphore, #tpu.memory_space<semaphore_mem>>) {add = true}
          %dma_wait3A_52 = arith.constant 0 : i32
          %dma_wait3A_53 = arith.constant 0 : i32
          %dma_wait3A_54 = tpu.memref_slice %arg15[%dma_wait3A_52, %dma_wait3A_53] : memref<10016x128xf32, #tpu.memory_space<vmem_shared>> -> memref<10016x128xf32, #tpu.memory_space<vmem_shared>>
          tpu.wait_indirect_dma semaphore(%run_scoped3A : memref<!tpu.dma_semaphore, #tpu.memory_space<semaphore_mem>>) src(%arg14 : memref<128x128xf32, #tpu.memory_space<vmem>>) dst(%dma_wait3A_54 : memref<10016x128xf32, #tpu.memory_space<vmem_shared>>)
          tpu.yield
        }) : () -> ()
      }
      %scan3A_14 = arith.constant 79 : i32
      %barrier3A_15 = arith.constant 0 : index
      tpu.barrier barrier_id(%barrier3A_15)
      "tpu.region"() ({
        %run_scoped3A = tpu.sem_alloc : memref<!tpu.dma_semaphore, #tpu.memory_space<semaphore_mem>>
        %dma_start3A = arith.constant 0 : i32
        %dma_start3A_41 = tpu.memref_slice %arg8[%multiple_of3A, %dma_start3A] : memref<10000x128xf32, #tpu.memory_space<hbm>> -> memref<624x128xf32, #tpu.memory_space<hbm>>
        %dma_start3A_42 = arith.constant 0 : i32
        %dma_start3A_43 = tpu.memref_slice %arg15[%multiple_of3A, %dma_start3A_42] : memref<10016x128xf32, #tpu.memory_space<vmem_shared>> -> memref<624x128xf32, #tpu.memory_space<vmem_shared>>
        tpu.enqueue_dma source(%dma_start3A_43 : memref<624x128xf32, #tpu.memory_space<vmem_shared>>) target(%dma_start3A_41 : memref<624x128xf32, #tpu.memory_space<hbm>>) target_semaphore(%run_scoped3A : memref<!tpu.dma_semaphore, #tpu.memory_space<semaphore_mem>>)
        %dma_wait3A = arith.constant 0 : i32
        %dma_wait3A_44 = tpu.memref_slice %arg8[%multiple_of3A, %dma_wait3A] : memref<10000x128xf32, #tpu.memory_space<hbm>> -> memref<624x128xf32, #tpu.memory_space<hbm>>
        %dma_wait3A_45 = arith.constant 0 : i32
        %dma_wait3A_46 = tpu.memref_slice %arg15[%multiple_of3A, %dma_wait3A_45] : memref<10016x128xf32, #tpu.memory_space<vmem_shared>> -> memref<624x128xf32, #tpu.memory_space<vmem_shared>>
        tpu.wait_dma2 semaphore(%run_scoped3A : memref<!tpu.dma_semaphore, #tpu.memory_space<semaphore_mem>>) src(%dma_wait3A_46 : memref<624x128xf32, #tpu.memory_space<vmem_shared>>) dst(%dma_wait3A_44 : memref<624x128xf32, #tpu.memory_space<hbm>>)
        tpu.yield
      }) : () -> ()
      %eq3A_16 = arith.constant 15 : i32
      %eq3A_17 = arith.cmpi eq, %arg1, %eq3A_16 : i32
      %convert_element_type3A_18 = arith.extui %eq3A_17 : i1 to i32
      %cond3A_19 = arith.constant 0 : i32
      %cond3A_20 = arith.cmpi ne, %convert_element_type3A_18, %cond3A_19 : i32
      scf.if %cond3A_20 {
        "tpu.region"() ({
          %run_scoped3A = tpu.sem_alloc : memref<!tpu.dma_semaphore, #tpu.memory_space<semaphore_mem>>
          %dma_start3A = arith.constant 9984 : i32
          %dma_start3A_41 = arith.constant 0 : i32
          %dma_start3A_42 = tpu.memref_slice %arg8[%dma_start3A, %dma_start3A_41] : memref<10000x128xf32, #tpu.memory_space<hbm>> -> memref<16x128xf32, #tpu.memory_space<hbm>>
          %dma_start3A_43 = arith.constant 9984 : i32
          %dma_start3A_44 = arith.constant 0 : i32
          %dma_start3A_45 = tpu.memref_slice %arg15[%dma_start3A_43, %dma_start3A_44] : memref<10016x128xf32, #tpu.memory_space<vmem_shared>> -> memref<16x128xf32, #tpu.memory_space<vmem_shared>>
          tpu.enqueue_dma source(%dma_start3A_45 : memref<16x128xf32, #tpu.memory_space<vmem_shared>>) target(%dma_start3A_42 : memref<16x128xf32, #tpu.memory_space<hbm>>) target_semaphore(%run_scoped3A : memref<!tpu.dma_semaphore, #tpu.memory_space<semaphore_mem>>)
          %dma_wait3A = arith.constant 9984 : i32
          %dma_wait3A_46 = arith.constant 0 : i32
          %dma_wait3A_47 = tpu.memref_slice %arg8[%dma_wait3A, %dma_wait3A_46] : memref<10000x128xf32, #tpu.memory_space<hbm>> -> memref<16x128xf32, #tpu.memory_space<hbm>>
          %dma_wait3A_48 = arith.constant 9984 : i32
          %dma_wait3A_49 = arith.constant 0 : i32
          %dma_wait3A_50 = tpu.memref_slice %arg15[%dma_wait3A_48, %dma_wait3A_49] : memref<10016x128xf32, #tpu.memory_space<vmem_shared>> -> memref<16x128xf32, #tpu.memory_space<vmem_shared>>
          tpu.wait_dma2 semaphore(%run_scoped3A : memref<!tpu.dma_semaphore, #tpu.memory_space<semaphore_mem>>) src(%dma_wait3A_50 : memref<16x128xf32, #tpu.memory_space<vmem_shared>>) dst(%dma_wait3A_47 : memref<16x128xf32, #tpu.memory_space<hbm>>)
          tpu.yield
        }) : () -> ()
      } else {
      }
      %barrier3A_21 = arith.constant 0 : index
      tpu.barrier barrier_id(%barrier3A_21)
      "tpu.region"() ({
        %run_scoped3A = tpu.sem_alloc : memref<!tpu.dma_semaphore, #tpu.memory_space<semaphore_mem>>
        %dma_start3A = arith.constant 0 : i32
        %dma_start3A_41 = tpu.memref_slice %arg15[%multiple_of3A, %dma_start3A] : memref<10016x128xf32, #tpu.memory_space<vmem_shared>> -> memref<624x128xf32, #tpu.memory_space<vmem_shared>>
        %dma_start3A_42 = arith.constant 0 : i32
        %dma_start3A_43 = tpu.memref_slice %arg3[%multiple_of3A, %dma_start3A_42] : memref<10000x128xf32, #tpu.memory_space<hbm>> -> memref<624x128xf32, #tpu.memory_space<hbm>>
        tpu.enqueue_dma source(%dma_start3A_43 : memref<624x128xf32, #tpu.memory_space<hbm>>) target(%dma_start3A_41 : memref<624x128xf32, #tpu.memory_space<vmem_shared>>) target_semaphore(%run_scoped3A : memref<!tpu.dma_semaphore, #tpu.memory_space<semaphore_mem>>)
        %dma_wait3A = arith.constant 0 : i32
        %dma_wait3A_44 = tpu.memref_slice %arg15[%multiple_of3A, %dma_wait3A] : memref<10016x128xf32, #tpu.memory_space<vmem_shared>> -> memref<624x128xf32, #tpu.memory_space<vmem_shared>>
        %dma_wait3A_45 = arith.constant 0 : i32
        %dma_wait3A_46 = tpu.memref_slice %arg3[%multiple_of3A, %dma_wait3A_45] : memref<10000x128xf32, #tpu.memory_space<hbm>> -> memref<624x128xf32, #tpu.memory_space<hbm>>
        tpu.wait_dma2 semaphore(%run_scoped3A : memref<!tpu.dma_semaphore, #tpu.memory_space<semaphore_mem>>) src(%dma_wait3A_46 : memref<624x128xf32, #tpu.memory_space<hbm>>) dst(%dma_wait3A_44 : memref<624x128xf32, #tpu.memory_space<vmem_shared>>)
        tpu.yield
      }) : () -> ()
      %eq3A_22 = arith.constant 15 : i32
      %eq3A_23 = arith.cmpi eq, %arg1, %eq3A_22 : i32
      %convert_element_type3A_24 = arith.extui %eq3A_23 : i1 to i32
      %cond3A_25 = arith.constant 0 : i32
      %cond3A_26 = arith.cmpi ne, %convert_element_type3A_24, %cond3A_25 : i32
      scf.if %cond3A_26 {
        "tpu.region"() ({
          %run_scoped3A = tpu.sem_alloc : memref<!tpu.dma_semaphore, #tpu.memory_space<semaphore_mem>>
          %dma_start3A = arith.constant 9984 : i32
          %dma_start3A_41 = arith.constant 0 : i32
          %dma_start3A_42 = tpu.memref_slice %arg15[%dma_start3A, %dma_start3A_41] : memref<10016x128xf32, #tpu.memory_space<vmem_shared>> -> memref<16x128xf32, #tpu.memory_space<vmem_shared>>
          %dma_start3A_43 = arith.constant 9984 : i32
          %dma_start3A_44 = arith.constant 0 : i32
          %dma_start3A_45 = tpu.memref_slice %arg3[%dma_start3A_43, %dma_start3A_44] : memref<10000x128xf32, #tpu.memory_space<hbm>> -> memref<16x128xf32, #tpu.memory_space<hbm>>
          tpu.enqueue_dma source(%dma_start3A_45 : memref<16x128xf32, #tpu.memory_space<hbm>>) target(%dma_start3A_42 : memref<16x128xf32, #tpu.memory_space<vmem_shared>>) target_semaphore(%run_scoped3A : memref<!tpu.dma_semaphore, #tpu.memory_space<semaphore_mem>>)
          %dma_wait3A = arith.constant 9984 : i32
          %dma_wait3A_46 = arith.constant 0 : i32
          %dma_wait3A_47 = tpu.memref_slice %arg15[%dma_wait3A, %dma_wait3A_46] : memref<10016x128xf32, #tpu.memory_space<vmem_shared>> -> memref<16x128xf32, #tpu.memory_space<vmem_shared>>
          %dma_wait3A_48 = arith.constant 9984 : i32
          %dma_wait3A_49 = arith.constant 0 : i32
          %dma_wait3A_50 = tpu.memref_slice %arg3[%dma_wait3A_48, %dma_wait3A_49] : memref<10000x128xf32, #tpu.memory_space<hbm>> -> memref<16x128xf32, #tpu.memory_space<hbm>>
          tpu.wait_dma2 semaphore(%run_scoped3A : memref<!tpu.dma_semaphore, #tpu.memory_space<semaphore_mem>>) src(%dma_wait3A_50 : memref<16x128xf32, #tpu.memory_space<hbm>>) dst(%dma_wait3A_47 : memref<16x128xf32, #tpu.memory_space<vmem_shared>>)
          tpu.yield
        }) : () -> ()
      } else {
      }
      %barrier3A_27 = arith.constant 0 : index
      tpu.barrier barrier_id(%barrier3A_27)
      %scan3A_28 = arith.constant 0 : i32
      %scan3A_29 = arith.constant 0 : i32
      %scan3A_30 = arith.constant 79 : i32
      %scan3A_31 = arith.addi %scan3A_29, %scan3A_30 : i32
      %scan3A_32 = arith.constant 1 : i32
      scf.for %scan3A_41 = %scan3A_29 to %scan3A_31 step %scan3A_32  : i32 {
        %mul3A_42 = arith.constant 128 : i32
        %mul3A_43 = arith.muli %scan3A_41, %mul3A_42 : i32
        %add3A = arith.addi %mul3A_2, %mul3A_43 : i32
        %multiple_of3A_44 = tpu.assume_multiple %add3A, 8 : i32
        "tpu.region"() ({
          %run_scoped3A = tpu.sem_alloc : memref<!tpu.dma_semaphore, #tpu.memory_space<semaphore_mem>>
          %dma_start3A_49 = tpu.memref_slice %arg6[%multiple_of3A_44] : memref<161792xi32, #tpu.memory_space<hbm>> -> memref<128xi32, #tpu.memory_space<hbm>>
          %dma_start3A_50 = tpu.memref_slice %arg6[%multiple_of3A_44] : memref<161792xi32, #tpu.memory_space<hbm>> -> memref<128xi32, #tpu.memory_space<hbm>>
          tpu.enqueue_dma source(%dma_start3A_50 : memref<128xi32, #tpu.memory_space<hbm>>) target(%arg12 : memref<128xi32, #tpu.memory_space<vmem>>) target_semaphore(%run_scoped3A : memref<!tpu.dma_semaphore, #tpu.memory_space<semaphore_mem>>)
          %dma_wait3A_51 = tpu.memref_slice %arg6[%multiple_of3A_44] : memref<161792xi32, #tpu.memory_space<hbm>> -> memref<128xi32, #tpu.memory_space<hbm>>
          %dma_wait3A_52 = tpu.memref_slice %arg6[%multiple_of3A_44] : memref<161792xi32, #tpu.memory_space<hbm>> -> memref<128xi32, #tpu.memory_space<hbm>>
          tpu.wait_dma2 semaphore(%run_scoped3A : memref<!tpu.dma_semaphore, #tpu.memory_space<semaphore_mem>>) src(%dma_wait3A_52 : memref<128xi32, #tpu.memory_space<hbm>>) dst(%arg12 : memref<128xi32, #tpu.memory_space<vmem>>)
          tpu.yield
        }) : () -> ()
        "tpu.region"() ({
          %run_scoped3A = tpu.sem_alloc : memref<!tpu.dma_semaphore, #tpu.memory_space<semaphore_mem>>
          %dma_start3A_49 = tpu.memref_slice %arg7[%multiple_of3A_44] : memref<161792xi32, #tpu.memory_space<hbm>> -> memref<128xi32, #tpu.memory_space<hbm>>
          %dma_start3A_50 = tpu.memref_slice %arg7[%multiple_of3A_44] : memref<161792xi32, #tpu.memory_space<hbm>> -> memref<128xi32, #tpu.memory_space<hbm>>
          tpu.enqueue_dma source(%dma_start3A_50 : memref<128xi32, #tpu.memory_space<hbm>>) target(%arg13 : memref<128xi32, #tpu.memory_space<vmem>>) target_semaphore(%run_scoped3A : memref<!tpu.dma_semaphore, #tpu.memory_space<semaphore_mem>>)
          %dma_wait3A_51 = tpu.memref_slice %arg7[%multiple_of3A_44] : memref<161792xi32, #tpu.memory_space<hbm>> -> memref<128xi32, #tpu.memory_space<hbm>>
          %dma_wait3A_52 = tpu.memref_slice %arg7[%multiple_of3A_44] : memref<161792xi32, #tpu.memory_space<hbm>> -> memref<128xi32, #tpu.memory_space<hbm>>
          tpu.wait_dma2 semaphore(%run_scoped3A : memref<!tpu.dma_semaphore, #tpu.memory_space<semaphore_mem>>) src(%dma_wait3A_52 : memref<128xi32, #tpu.memory_space<hbm>>) dst(%arg13 : memref<128xi32, #tpu.memory_space<vmem>>)
          tpu.yield
        }) : () -> ()
        %dma_start3A = arith.constant 0 : i32
        %dma_start3A_45 = arith.constant 0 : i32
        %dma_start3A_46 = tpu.memref_slice %arg3[%dma_start3A, %dma_start3A_45] : memref<10000x128xf32, #tpu.memory_space<hbm>> -> memref<10000x128xf32, #tpu.memory_space<hbm>>
        tpu.enqueue_indirect_dma source(%dma_start3A_46 : memref<10000x128xf32, #tpu.memory_space<hbm>>) target(%arg14 : memref<128x128xf32, #tpu.memory_space<vmem>>) offsets(%arg12 : memref<128xi32, #tpu.memory_space<vmem>>) semaphore(%arg16 : memref<!tpu.dma_semaphore, #tpu.memory_space<semaphore_mem>>)
        %dma_wait3A = arith.constant 0 : i32
        %dma_wait3A_47 = arith.constant 0 : i32
        %dma_wait3A_48 = tpu.memref_slice %arg3[%dma_wait3A, %dma_wait3A_47] : memref<10000x128xf32, #tpu.memory_space<hbm>> -> memref<10000x128xf32, #tpu.memory_space<hbm>>
        tpu.wait_indirect_dma semaphore(%arg16 : memref<!tpu.dma_semaphore, #tpu.memory_space<semaphore_mem>>) src(%dma_wait3A_48 : memref<10000x128xf32, #tpu.memory_space<hbm>>) dst(%arg14 : memref<128x128xf32, #tpu.memory_space<vmem>>)
        "tpu.region"() ({
          %run_scoped3A = tpu.sem_alloc : memref<!tpu.dma_semaphore, #tpu.memory_space<semaphore_mem>>
          %dma_start3A_49 = arith.constant 0 : i32
          %dma_start3A_50 = arith.constant 0 : i32
          %dma_start3A_51 = tpu.memref_slice %arg15[%dma_start3A_49, %dma_start3A_50] : memref<10016x128xf32, #tpu.memory_space<vmem_shared>> -> memref<10016x128xf32, #tpu.memory_space<vmem_shared>>
          tpu.enqueue_indirect_dma source(%arg14 : memref<128x128xf32, #tpu.memory_space<vmem>>) target(%dma_start3A_51 : memref<10016x128xf32, #tpu.memory_space<vmem_shared>>) offsets(%arg13 : memref<128xi32, #tpu.memory_space<vmem>>) semaphore(%run_scoped3A : memref<!tpu.dma_semaphore, #tpu.memory_space<semaphore_mem>>) {add = true}
          %dma_wait3A_52 = arith.constant 0 : i32
          %dma_wait3A_53 = arith.constant 0 : i32
          %dma_wait3A_54 = tpu.memref_slice %arg15[%dma_wait3A_52, %dma_wait3A_53] : memref<10016x128xf32, #tpu.memory_space<vmem_shared>> -> memref<10016x128xf32, #tpu.memory_space<vmem_shared>>
          tpu.wait_indirect_dma semaphore(%run_scoped3A : memref<!tpu.dma_semaphore, #tpu.memory_space<semaphore_mem>>) src(%arg14 : memref<128x128xf32, #tpu.memory_space<vmem>>) dst(%dma_wait3A_54 : memref<10016x128xf32, #tpu.memory_space<vmem_shared>>)
          tpu.yield
        }) : () -> ()
      }
      %scan3A_33 = arith.constant 79 : i32
      %barrier3A_34 = arith.constant 0 : index
      tpu.barrier barrier_id(%barrier3A_34)
      "tpu.region"() ({
        %run_scoped3A = tpu.sem_alloc : memref<!tpu.dma_semaphore, #tpu.memory_space<semaphore_mem>>
        %dma_start3A = arith.constant 0 : i32
        %dma_start3A_41 = tpu.memref_slice %arg9[%multiple_of3A, %dma_start3A] : memref<10000x128xf32, #tpu.memory_space<hbm>> -> memref<624x128xf32, #tpu.memory_space<hbm>>
        %dma_start3A_42 = arith.constant 0 : i32
        %dma_start3A_43 = tpu.memref_slice %arg15[%multiple_of3A, %dma_start3A_42] : memref<10016x128xf32, #tpu.memory_space<vmem_shared>> -> memref<624x128xf32, #tpu.memory_space<vmem_shared>>
        tpu.enqueue_dma source(%dma_start3A_43 : memref<624x128xf32, #tpu.memory_space<vmem_shared>>) target(%dma_start3A_41 : memref<624x128xf32, #tpu.memory_space<hbm>>) target_semaphore(%run_scoped3A : memref<!tpu.dma_semaphore, #tpu.memory_space<semaphore_mem>>)
        %dma_wait3A = arith.constant 0 : i32
        %dma_wait3A_44 = tpu.memref_slice %arg9[%multiple_of3A, %dma_wait3A] : memref<10000x128xf32, #tpu.memory_space<hbm>> -> memref<624x128xf32, #tpu.memory_space<hbm>>
        %dma_wait3A_45 = arith.constant 0 : i32
        %dma_wait3A_46 = tpu.memref_slice %arg15[%multiple_of3A, %dma_wait3A_45] : memref<10016x128xf32, #tpu.memory_space<vmem_shared>> -> memref<624x128xf32, #tpu.memory_space<vmem_shared>>
        tpu.wait_dma2 semaphore(%run_scoped3A : memref<!tpu.dma_semaphore, #tpu.memory_space<semaphore_mem>>) src(%dma_wait3A_46 : memref<624x128xf32, #tpu.memory_space<vmem_shared>>) dst(%dma_wait3A_44 : memref<624x128xf32, #tpu.memory_space<hbm>>)
        tpu.yield
      }) : () -> ()
      %eq3A_35 = arith.constant 15 : i32
      %eq3A_36 = arith.cmpi eq, %arg1, %eq3A_35 : i32
      %convert_element_type3A_37 = arith.extui %eq3A_36 : i1 to i32
      %cond3A_38 = arith.constant 0 : i32
      %cond3A_39 = arith.cmpi ne, %convert_element_type3A_37, %cond3A_38 : i32
      scf.if %cond3A_39 {
        "tpu.region"() ({
          %run_scoped3A = tpu.sem_alloc : memref<!tpu.dma_semaphore, #tpu.memory_space<semaphore_mem>>
          %dma_start3A = arith.constant 9984 : i32
          %dma_start3A_41 = arith.constant 0 : i32
          %dma_start3A_42 = tpu.memref_slice %arg9[%dma_start3A, %dma_start3A_41] : memref<10000x128xf32, #tpu.memory_space<hbm>> -> memref<16x128xf32, #tpu.memory_space<hbm>>
          %dma_start3A_43 = arith.constant 9984 : i32
          %dma_start3A_44 = arith.constant 0 : i32
          %dma_start3A_45 = tpu.memref_slice %arg15[%dma_start3A_43, %dma_start3A_44] : memref<10016x128xf32, #tpu.memory_space<vmem_shared>> -> memref<16x128xf32, #tpu.memory_space<vmem_shared>>
          tpu.enqueue_dma source(%dma_start3A_45 : memref<16x128xf32, #tpu.memory_space<vmem_shared>>) target(%dma_start3A_42 : memref<16x128xf32, #tpu.memory_space<hbm>>) target_semaphore(%run_scoped3A : memref<!tpu.dma_semaphore, #tpu.memory_space<semaphore_mem>>)
          %dma_wait3A = arith.constant 9984 : i32
          %dma_wait3A_46 = arith.constant 0 : i32
          %dma_wait3A_47 = tpu.memref_slice %arg9[%dma_wait3A, %dma_wait3A_46] : memref<10000x128xf32, #tpu.memory_space<hbm>> -> memref<16x128xf32, #tpu.memory_space<hbm>>
          %dma_wait3A_48 = arith.constant 9984 : i32
          %dma_wait3A_49 = arith.constant 0 : i32
          %dma_wait3A_50 = tpu.memref_slice %arg15[%dma_wait3A_48, %dma_wait3A_49] : memref<10016x128xf32, #tpu.memory_space<vmem_shared>> -> memref<16x128xf32, #tpu.memory_space<vmem_shared>>
          tpu.wait_dma2 semaphore(%run_scoped3A : memref<!tpu.dma_semaphore, #tpu.memory_space<semaphore_mem>>) src(%dma_wait3A_50 : memref<16x128xf32, #tpu.memory_space<vmem_shared>>) dst(%dma_wait3A_47 : memref<16x128xf32, #tpu.memory_space<hbm>>)
          tpu.yield
        }) : () -> ()
      } else {
      }
      %barrier3A_40 = arith.constant 0 : index
      tpu.barrier barrier_id(%barrier3A_40)
    } else {
      "tpu.region"() ({
        %run_scoped3A = tpu.sem_alloc : memref<!tpu.dma_semaphore, #tpu.memory_space<semaphore_mem>>
        %dma_start3A = arith.constant 0 : i32
        %dma_start3A_41 = tpu.memref_slice %arg15[%multiple_of3A, %dma_start3A] : memref<10016x128xf32, #tpu.memory_space<vmem_shared>> -> memref<624x128xf32, #tpu.memory_space<vmem_shared>>
        %dma_start3A_42 = arith.constant 0 : i32
        %dma_start3A_43 = tpu.memref_slice %arg4[%multiple_of3A, %dma_start3A_42] : memref<10000x128xf32, #tpu.memory_space<hbm>> -> memref<624x128xf32, #tpu.memory_space<hbm>>
        tpu.enqueue_dma source(%dma_start3A_43 : memref<624x128xf32, #tpu.memory_space<hbm>>) target(%dma_start3A_41 : memref<624x128xf32, #tpu.memory_space<vmem_shared>>) target_semaphore(%run_scoped3A : memref<!tpu.dma_semaphore, #tpu.memory_space<semaphore_mem>>)
        %dma_wait3A = arith.constant 0 : i32
        %dma_wait3A_44 = tpu.memref_slice %arg15[%multiple_of3A, %dma_wait3A] : memref<10016x128xf32, #tpu.memory_space<vmem_shared>> -> memref<624x128xf32, #tpu.memory_space<vmem_shared>>
        %dma_wait3A_45 = arith.constant 0 : i32
        %dma_wait3A_46 = tpu.memref_slice %arg4[%multiple_of3A, %dma_wait3A_45] : memref<10000x128xf32, #tpu.memory_space<hbm>> -> memref<624x128xf32, #tpu.memory_space<hbm>>
        tpu.wait_dma2 semaphore(%run_scoped3A : memref<!tpu.dma_semaphore, #tpu.memory_space<semaphore_mem>>) src(%dma_wait3A_46 : memref<624x128xf32, #tpu.memory_space<hbm>>) dst(%dma_wait3A_44 : memref<624x128xf32, #tpu.memory_space<vmem_shared>>)
        tpu.yield
      }) : () -> ()
      %eq3A_5 = arith.constant 15 : i32
      %eq3A_6 = arith.cmpi eq, %arg1, %eq3A_5 : i32
      %convert_element_type3A_7 = arith.extui %eq3A_6 : i1 to i32
      %cond3A_8 = arith.constant 0 : i32
      %cond3A_9 = arith.cmpi ne, %convert_element_type3A_7, %cond3A_8 : i32
      scf.if %cond3A_9 {
        "tpu.region"() ({
          %run_scoped3A = tpu.sem_alloc : memref<!tpu.dma_semaphore, #tpu.memory_space<semaphore_mem>>
          %dma_start3A = arith.constant 9984 : i32
          %dma_start3A_41 = arith.constant 0 : i32
          %dma_start3A_42 = tpu.memref_slice %arg15[%dma_start3A, %dma_start3A_41] : memref<10016x128xf32, #tpu.memory_space<vmem_shared>> -> memref<16x128xf32, #tpu.memory_space<vmem_shared>>
          %dma_start3A_43 = arith.constant 9984 : i32
          %dma_start3A_44 = arith.constant 0 : i32
          %dma_start3A_45 = tpu.memref_slice %arg4[%dma_start3A_43, %dma_start3A_44] : memref<10000x128xf32, #tpu.memory_space<hbm>> -> memref<16x128xf32, #tpu.memory_space<hbm>>
          tpu.enqueue_dma source(%dma_start3A_45 : memref<16x128xf32, #tpu.memory_space<hbm>>) target(%dma_start3A_42 : memref<16x128xf32, #tpu.memory_space<vmem_shared>>) target_semaphore(%run_scoped3A : memref<!tpu.dma_semaphore, #tpu.memory_space<semaphore_mem>>)
          %dma_wait3A = arith.constant 9984 : i32
          %dma_wait3A_46 = arith.constant 0 : i32
          %dma_wait3A_47 = tpu.memref_slice %arg15[%dma_wait3A, %dma_wait3A_46] : memref<10016x128xf32, #tpu.memory_space<vmem_shared>> -> memref<16x128xf32, #tpu.memory_space<vmem_shared>>
          %dma_wait3A_48 = arith.constant 9984 : i32
          %dma_wait3A_49 = arith.constant 0 : i32
          %dma_wait3A_50 = tpu.memref_slice %arg4[%dma_wait3A_48, %dma_wait3A_49] : memref<10000x128xf32, #tpu.memory_space<hbm>> -> memref<16x128xf32, #tpu.memory_space<hbm>>
          tpu.wait_dma2 semaphore(%run_scoped3A : memref<!tpu.dma_semaphore, #tpu.memory_space<semaphore_mem>>) src(%dma_wait3A_50 : memref<16x128xf32, #tpu.memory_space<hbm>>) dst(%dma_wait3A_47 : memref<16x128xf32, #tpu.memory_space<vmem_shared>>)
          tpu.yield
        }) : () -> ()
      } else {
      }
      %barrier3A = arith.constant 0 : index
      tpu.barrier barrier_id(%barrier3A)
      %scan3A = arith.constant 0 : i32
      %scan3A_10 = arith.constant 0 : i32
      %scan3A_11 = arith.constant 79 : i32
      %scan3A_12 = arith.addi %scan3A_10, %scan3A_11 : i32
      %scan3A_13 = arith.constant 1 : i32
      scf.for %scan3A_41 = %scan3A_10 to %scan3A_12 step %scan3A_13  : i32 {
        %mul3A_42 = arith.constant 128 : i32
        %mul3A_43 = arith.muli %scan3A_41, %mul3A_42 : i32
        %add3A = arith.addi %mul3A_2, %mul3A_43 : i32
        %multiple_of3A_44 = tpu.assume_multiple %add3A, 8 : i32
        "tpu.region"() ({
          %run_scoped3A = tpu.sem_alloc : memref<!tpu.dma_semaphore, #tpu.memory_space<semaphore_mem>>
          %dma_start3A_49 = tpu.memref_slice %arg6[%multiple_of3A_44] : memref<161792xi32, #tpu.memory_space<hbm>> -> memref<128xi32, #tpu.memory_space<hbm>>
          %dma_start3A_50 = tpu.memref_slice %arg6[%multiple_of3A_44] : memref<161792xi32, #tpu.memory_space<hbm>> -> memref<128xi32, #tpu.memory_space<hbm>>
          tpu.enqueue_dma source(%dma_start3A_50 : memref<128xi32, #tpu.memory_space<hbm>>) target(%arg12 : memref<128xi32, #tpu.memory_space<vmem>>) target_semaphore(%run_scoped3A : memref<!tpu.dma_semaphore, #tpu.memory_space<semaphore_mem>>)
          %dma_wait3A_51 = tpu.memref_slice %arg6[%multiple_of3A_44] : memref<161792xi32, #tpu.memory_space<hbm>> -> memref<128xi32, #tpu.memory_space<hbm>>
          %dma_wait3A_52 = tpu.memref_slice %arg6[%multiple_of3A_44] : memref<161792xi32, #tpu.memory_space<hbm>> -> memref<128xi32, #tpu.memory_space<hbm>>
          tpu.wait_dma2 semaphore(%run_scoped3A : memref<!tpu.dma_semaphore, #tpu.memory_space<semaphore_mem>>) src(%dma_wait3A_52 : memref<128xi32, #tpu.memory_space<hbm>>) dst(%arg12 : memref<128xi32, #tpu.memory_space<vmem>>)
          tpu.yield
        }) : () -> ()
        "tpu.region"() ({
          %run_scoped3A = tpu.sem_alloc : memref<!tpu.dma_semaphore, #tpu.memory_space<semaphore_mem>>
          %dma_start3A_49 = tpu.memref_slice %arg7[%multiple_of3A_44] : memref<161792xi32, #tpu.memory_space<hbm>> -> memref<128xi32, #tpu.memory_space<hbm>>
          %dma_start3A_50 = tpu.memref_slice %arg7[%multiple_of3A_44] : memref<161792xi32, #tpu.memory_space<hbm>> -> memref<128xi32, #tpu.memory_space<hbm>>
          tpu.enqueue_dma source(%dma_start3A_50 : memref<128xi32, #tpu.memory_space<hbm>>) target(%arg13 : memref<128xi32, #tpu.memory_space<vmem>>) target_semaphore(%run_scoped3A : memref<!tpu.dma_semaphore, #tpu.memory_space<semaphore_mem>>)
          %dma_wait3A_51 = tpu.memref_slice %arg7[%multiple_of3A_44] : memref<161792xi32, #tpu.memory_space<hbm>> -> memref<128xi32, #tpu.memory_space<hbm>>
          %dma_wait3A_52 = tpu.memref_slice %arg7[%multiple_of3A_44] : memref<161792xi32, #tpu.memory_space<hbm>> -> memref<128xi32, #tpu.memory_space<hbm>>
          tpu.wait_dma2 semaphore(%run_scoped3A : memref<!tpu.dma_semaphore, #tpu.memory_space<semaphore_mem>>) src(%dma_wait3A_52 : memref<128xi32, #tpu.memory_space<hbm>>) dst(%arg13 : memref<128xi32, #tpu.memory_space<vmem>>)
          tpu.yield
        }) : () -> ()
        %dma_start3A = arith.constant 0 : i32
        %dma_start3A_45 = arith.constant 0 : i32
        %dma_start3A_46 = tpu.memref_slice %arg4[%dma_start3A, %dma_start3A_45] : memref<10000x128xf32, #tpu.memory_space<hbm>> -> memref<10000x128xf32, #tpu.memory_space<hbm>>
        tpu.enqueue_indirect_dma source(%dma_start3A_46 : memref<10000x128xf32, #tpu.memory_space<hbm>>) target(%arg14 : memref<128x128xf32, #tpu.memory_space<vmem>>) offsets(%arg12 : memref<128xi32, #tpu.memory_space<vmem>>) semaphore(%arg16 : memref<!tpu.dma_semaphore, #tpu.memory_space<semaphore_mem>>)
        %dma_wait3A = arith.constant 0 : i32
        %dma_wait3A_47 = arith.constant 0 : i32
        %dma_wait3A_48 = tpu.memref_slice %arg4[%dma_wait3A, %dma_wait3A_47] : memref<10000x128xf32, #tpu.memory_space<hbm>> -> memref<10000x128xf32, #tpu.memory_space<hbm>>
        tpu.wait_indirect_dma semaphore(%arg16 : memref<!tpu.dma_semaphore, #tpu.memory_space<semaphore_mem>>) src(%dma_wait3A_48 : memref<10000x128xf32, #tpu.memory_space<hbm>>) dst(%arg14 : memref<128x128xf32, #tpu.memory_space<vmem>>)
        "tpu.region"() ({
          %run_scoped3A = tpu.sem_alloc : memref<!tpu.dma_semaphore, #tpu.memory_space<semaphore_mem>>
          %dma_start3A_49 = arith.constant 0 : i32
          %dma_start3A_50 = arith.constant 0 : i32
          %dma_start3A_51 = tpu.memref_slice %arg15[%dma_start3A_49, %dma_start3A_50] : memref<10016x128xf32, #tpu.memory_space<vmem_shared>> -> memref<10016x128xf32, #tpu.memory_space<vmem_shared>>
          tpu.enqueue_indirect_dma source(%arg14 : memref<128x128xf32, #tpu.memory_space<vmem>>) target(%dma_start3A_51 : memref<10016x128xf32, #tpu.memory_space<vmem_shared>>) offsets(%arg13 : memref<128xi32, #tpu.memory_space<vmem>>) semaphore(%run_scoped3A : memref<!tpu.dma_semaphore, #tpu.memory_space<semaphore_mem>>) {add = true}
          %dma_wait3A_52 = arith.constant 0 : i32
          %dma_wait3A_53 = arith.constant 0 : i32
          %dma_wait3A_54 = tpu.memref_slice %arg15[%dma_wait3A_52, %dma_wait3A_53] : memref<10016x128xf32, #tpu.memory_space<vmem_shared>> -> memref<10016x128xf32, #tpu.memory_space<vmem_shared>>
          tpu.wait_indirect_dma semaphore(%run_scoped3A : memref<!tpu.dma_semaphore, #tpu.memory_space<semaphore_mem>>) src(%arg14 : memref<128x128xf32, #tpu.memory_space<vmem>>) dst(%dma_wait3A_54 : memref<10016x128xf32, #tpu.memory_space<vmem_shared>>)
          tpu.yield
        }) : () -> ()
      }
      %scan3A_14 = arith.constant 79 : i32
      %barrier3A_15 = arith.constant 0 : index
      tpu.barrier barrier_id(%barrier3A_15)
      "tpu.region"() ({
        %run_scoped3A = tpu.sem_alloc : memref<!tpu.dma_semaphore, #tpu.memory_space<semaphore_mem>>
        %dma_start3A = arith.constant 0 : i32
        %dma_start3A_41 = tpu.memref_slice %arg10[%multiple_of3A, %dma_start3A] : memref<10000x128xf32, #tpu.memory_space<hbm>> -> memref<624x128xf32, #tpu.memory_space<hbm>>
        %dma_start3A_42 = arith.constant 0 : i32
        %dma_start3A_43 = tpu.memref_slice %arg15[%multiple_of3A, %dma_start3A_42] : memref<10016x128xf32, #tpu.memory_space<vmem_shared>> -> memref<624x128xf32, #tpu.memory_space<vmem_shared>>
        tpu.enqueue_dma source(%dma_start3A_43 : memref<624x128xf32, #tpu.memory_space<vmem_shared>>) target(%dma_start3A_41 : memref<624x128xf32, #tpu.memory_space<hbm>>) target_semaphore(%run_scoped3A : memref<!tpu.dma_semaphore, #tpu.memory_space<semaphore_mem>>)
        %dma_wait3A = arith.constant 0 : i32
        %dma_wait3A_44 = tpu.memref_slice %arg10[%multiple_of3A, %dma_wait3A] : memref<10000x128xf32, #tpu.memory_space<hbm>> -> memref<624x128xf32, #tpu.memory_space<hbm>>
        %dma_wait3A_45 = arith.constant 0 : i32
        %dma_wait3A_46 = tpu.memref_slice %arg15[%multiple_of3A, %dma_wait3A_45] : memref<10016x128xf32, #tpu.memory_space<vmem_shared>> -> memref<624x128xf32, #tpu.memory_space<vmem_shared>>
        tpu.wait_dma2 semaphore(%run_scoped3A : memref<!tpu.dma_semaphore, #tpu.memory_space<semaphore_mem>>) src(%dma_wait3A_46 : memref<624x128xf32, #tpu.memory_space<vmem_shared>>) dst(%dma_wait3A_44 : memref<624x128xf32, #tpu.memory_space<hbm>>)
        tpu.yield
      }) : () -> ()
      %eq3A_16 = arith.constant 15 : i32
      %eq3A_17 = arith.cmpi eq, %arg1, %eq3A_16 : i32
      %convert_element_type3A_18 = arith.extui %eq3A_17 : i1 to i32
      %cond3A_19 = arith.constant 0 : i32
      %cond3A_20 = arith.cmpi ne, %convert_element_type3A_18, %cond3A_19 : i32
      scf.if %cond3A_20 {
        "tpu.region"() ({
          %run_scoped3A = tpu.sem_alloc : memref<!tpu.dma_semaphore, #tpu.memory_space<semaphore_mem>>
          %dma_start3A = arith.constant 9984 : i32
          %dma_start3A_41 = arith.constant 0 : i32
          %dma_start3A_42 = tpu.memref_slice %arg10[%dma_start3A, %dma_start3A_41] : memref<10000x128xf32, #tpu.memory_space<hbm>> -> memref<16x128xf32, #tpu.memory_space<hbm>>
          %dma_start3A_43 = arith.constant 9984 : i32
          %dma_start3A_44 = arith.constant 0 : i32
          %dma_start3A_45 = tpu.memref_slice %arg15[%dma_start3A_43, %dma_start3A_44] : memref<10016x128xf32, #tpu.memory_space<vmem_shared>> -> memref<16x128xf32, #tpu.memory_space<vmem_shared>>
          tpu.enqueue_dma source(%dma_start3A_45 : memref<16x128xf32, #tpu.memory_space<vmem_shared>>) target(%dma_start3A_42 : memref<16x128xf32, #tpu.memory_space<hbm>>) target_semaphore(%run_scoped3A : memref<!tpu.dma_semaphore, #tpu.memory_space<semaphore_mem>>)
          %dma_wait3A = arith.constant 9984 : i32
          %dma_wait3A_46 = arith.constant 0 : i32
          %dma_wait3A_47 = tpu.memref_slice %arg10[%dma_wait3A, %dma_wait3A_46] : memref<10000x128xf32, #tpu.memory_space<hbm>> -> memref<16x128xf32, #tpu.memory_space<hbm>>
          %dma_wait3A_48 = arith.constant 9984 : i32
          %dma_wait3A_49 = arith.constant 0 : i32
          %dma_wait3A_50 = tpu.memref_slice %arg15[%dma_wait3A_48, %dma_wait3A_49] : memref<10016x128xf32, #tpu.memory_space<vmem_shared>> -> memref<16x128xf32, #tpu.memory_space<vmem_shared>>
          tpu.wait_dma2 semaphore(%run_scoped3A : memref<!tpu.dma_semaphore, #tpu.memory_space<semaphore_mem>>) src(%dma_wait3A_50 : memref<16x128xf32, #tpu.memory_space<vmem_shared>>) dst(%dma_wait3A_47 : memref<16x128xf32, #tpu.memory_space<hbm>>)
          tpu.yield
        }) : () -> ()
      } else {
      }
      %barrier3A_21 = arith.constant 0 : index
      tpu.barrier barrier_id(%barrier3A_21)
      "tpu.region"() ({
        %run_scoped3A = tpu.sem_alloc : memref<!tpu.dma_semaphore, #tpu.memory_space<semaphore_mem>>
        %dma_start3A = arith.constant 0 : i32
        %dma_start3A_41 = tpu.memref_slice %arg15[%multiple_of3A, %dma_start3A] : memref<10016x128xf32, #tpu.memory_space<vmem_shared>> -> memref<624x128xf32, #tpu.memory_space<vmem_shared>>
        %dma_start3A_42 = arith.constant 0 : i32
        %dma_start3A_43 = tpu.memref_slice %arg5[%multiple_of3A, %dma_start3A_42] : memref<10000x128xf32, #tpu.memory_space<hbm>> -> memref<624x128xf32, #tpu.memory_space<hbm>>
        tpu.enqueue_dma source(%dma_start3A_43 : memref<624x128xf32, #tpu.memory_space<hbm>>) target(%dma_start3A_41 : memref<624x128xf32, #tpu.memory_space<vmem_shared>>) target_semaphore(%run_scoped3A : memref<!tpu.dma_semaphore, #tpu.memory_space<semaphore_mem>>)
        %dma_wait3A = arith.constant 0 : i32
        %dma_wait3A_44 = tpu.memref_slice %arg15[%multiple_of3A, %dma_wait3A] : memref<10016x128xf32, #tpu.memory_space<vmem_shared>> -> memref<624x128xf32, #tpu.memory_space<vmem_shared>>
        %dma_wait3A_45 = arith.constant 0 : i32
        %dma_wait3A_46 = tpu.memref_slice %arg5[%multiple_of3A, %dma_wait3A_45] : memref<10000x128xf32, #tpu.memory_space<hbm>> -> memref<624x128xf32, #tpu.memory_space<hbm>>
        tpu.wait_dma2 semaphore(%run_scoped3A : memref<!tpu.dma_semaphore, #tpu.memory_space<semaphore_mem>>) src(%dma_wait3A_46 : memref<624x128xf32, #tpu.memory_space<hbm>>) dst(%dma_wait3A_44 : memref<624x128xf32, #tpu.memory_space<vmem_shared>>)
        tpu.yield
      }) : () -> ()
      %eq3A_22 = arith.constant 15 : i32
      %eq3A_23 = arith.cmpi eq, %arg1, %eq3A_22 : i32
      %convert_element_type3A_24 = arith.extui %eq3A_23 : i1 to i32
      %cond3A_25 = arith.constant 0 : i32
      %cond3A_26 = arith.cmpi ne, %convert_element_type3A_24, %cond3A_25 : i32
      scf.if %cond3A_26 {
        "tpu.region"() ({
          %run_scoped3A = tpu.sem_alloc : memref<!tpu.dma_semaphore, #tpu.memory_space<semaphore_mem>>
          %dma_start3A = arith.constant 9984 : i32
          %dma_start3A_41 = arith.constant 0 : i32
          %dma_start3A_42 = tpu.memref_slice %arg15[%dma_start3A, %dma_start3A_41] : memref<10016x128xf32, #tpu.memory_space<vmem_shared>> -> memref<16x128xf32, #tpu.memory_space<vmem_shared>>
          %dma_start3A_43 = arith.constant 9984 : i32
          %dma_start3A_44 = arith.constant 0 : i32
          %dma_start3A_45 = tpu.memref_slice %arg5[%dma_start3A_43, %dma_start3A_44] : memref<10000x128xf32, #tpu.memory_space<hbm>> -> memref<16x128xf32, #tpu.memory_space<hbm>>
          tpu.enqueue_dma source(%dma_start3A_45 : memref<16x128xf32, #tpu.memory_space<hbm>>) target(%dma_start3A_42 : memref<16x128xf32, #tpu.memory_space<vmem_shared>>) target_semaphore(%run_scoped3A : memref<!tpu.dma_semaphore, #tpu.memory_space<semaphore_mem>>)
          %dma_wait3A = arith.constant 9984 : i32
          %dma_wait3A_46 = arith.constant 0 : i32
          %dma_wait3A_47 = tpu.memref_slice %arg15[%dma_wait3A, %dma_wait3A_46] : memref<10016x128xf32, #tpu.memory_space<vmem_shared>> -> memref<16x128xf32, #tpu.memory_space<vmem_shared>>
          %dma_wait3A_48 = arith.constant 9984 : i32
          %dma_wait3A_49 = arith.constant 0 : i32
          %dma_wait3A_50 = tpu.memref_slice %arg5[%dma_wait3A_48, %dma_wait3A_49] : memref<10000x128xf32, #tpu.memory_space<hbm>> -> memref<16x128xf32, #tpu.memory_space<hbm>>
          tpu.wait_dma2 semaphore(%run_scoped3A : memref<!tpu.dma_semaphore, #tpu.memory_space<semaphore_mem>>) src(%dma_wait3A_50 : memref<16x128xf32, #tpu.memory_space<hbm>>) dst(%dma_wait3A_47 : memref<16x128xf32, #tpu.memory_space<vmem_shared>>)
          tpu.yield
        }) : () -> ()
      } else {
      }
      %barrier3A_27 = arith.constant 0 : index
      tpu.barrier barrier_id(%barrier3A_27)
      %scan3A_28 = arith.constant 0 : i32
      %scan3A_29 = arith.constant 0 : i32
      %scan3A_30 = arith.constant 79 : i32
      %scan3A_31 = arith.addi %scan3A_29, %scan3A_30 : i32
      %scan3A_32 = arith.constant 1 : i32
      scf.for %scan3A_41 = %scan3A_29 to %scan3A_31 step %scan3A_32  : i32 {
        %mul3A_42 = arith.constant 128 : i32
        %mul3A_43 = arith.muli %scan3A_41, %mul3A_42 : i32
        %add3A = arith.addi %mul3A_2, %mul3A_43 : i32
        %multiple_of3A_44 = tpu.assume_multiple %add3A, 8 : i32
        "tpu.region"() ({
          %run_scoped3A = tpu.sem_alloc : memref<!tpu.dma_semaphore, #tpu.memory_space<semaphore_mem>>
          %dma_start3A_49 = tpu.memref_slice %arg6[%multiple_of3A_44] : memref<161792xi32, #tpu.memory_space<hbm>> -> memref<128xi32, #tpu.memory_space<hbm>>
          %dma_start3A_50 = tpu.memref_slice %arg6[%multiple_of3A_44] : memref<161792xi32, #tpu.memory_space<hbm>> -> memref<128xi32, #tpu.memory_space<hbm>>
          tpu.enqueue_dma source(%dma_start3A_50 : memref<128xi32, #tpu.memory_space<hbm>>) target(%arg12 : memref<128xi32, #tpu.memory_space<vmem>>) target_semaphore(%run_scoped3A : memref<!tpu.dma_semaphore, #tpu.memory_space<semaphore_mem>>)
          %dma_wait3A_51 = tpu.memref_slice %arg6[%multiple_of3A_44] : memref<161792xi32, #tpu.memory_space<hbm>> -> memref<128xi32, #tpu.memory_space<hbm>>
          %dma_wait3A_52 = tpu.memref_slice %arg6[%multiple_of3A_44] : memref<161792xi32, #tpu.memory_space<hbm>> -> memref<128xi32, #tpu.memory_space<hbm>>
          tpu.wait_dma2 semaphore(%run_scoped3A : memref<!tpu.dma_semaphore, #tpu.memory_space<semaphore_mem>>) src(%dma_wait3A_52 : memref<128xi32, #tpu.memory_space<hbm>>) dst(%arg12 : memref<128xi32, #tpu.memory_space<vmem>>)
          tpu.yield
        }) : () -> ()
        "tpu.region"() ({
          %run_scoped3A = tpu.sem_alloc : memref<!tpu.dma_semaphore, #tpu.memory_space<semaphore_mem>>
          %dma_start3A_49 = tpu.memref_slice %arg7[%multiple_of3A_44] : memref<161792xi32, #tpu.memory_space<hbm>> -> memref<128xi32, #tpu.memory_space<hbm>>
          %dma_start3A_50 = tpu.memref_slice %arg7[%multiple_of3A_44] : memref<161792xi32, #tpu.memory_space<hbm>> -> memref<128xi32, #tpu.memory_space<hbm>>
          tpu.enqueue_dma source(%dma_start3A_50 : memref<128xi32, #tpu.memory_space<hbm>>) target(%arg13 : memref<128xi32, #tpu.memory_space<vmem>>) target_semaphore(%run_scoped3A : memref<!tpu.dma_semaphore, #tpu.memory_space<semaphore_mem>>)
          %dma_wait3A_51 = tpu.memref_slice %arg7[%multiple_of3A_44] : memref<161792xi32, #tpu.memory_space<hbm>> -> memref<128xi32, #tpu.memory_space<hbm>>
          %dma_wait3A_52 = tpu.memref_slice %arg7[%multiple_of3A_44] : memref<161792xi32, #tpu.memory_space<hbm>> -> memref<128xi32, #tpu.memory_space<hbm>>
          tpu.wait_dma2 semaphore(%run_scoped3A : memref<!tpu.dma_semaphore, #tpu.memory_space<semaphore_mem>>) src(%dma_wait3A_52 : memref<128xi32, #tpu.memory_space<hbm>>) dst(%arg13 : memref<128xi32, #tpu.memory_space<vmem>>)
          tpu.yield
        }) : () -> ()
        %dma_start3A = arith.constant 0 : i32
        %dma_start3A_45 = arith.constant 0 : i32
        %dma_start3A_46 = tpu.memref_slice %arg5[%dma_start3A, %dma_start3A_45] : memref<10000x128xf32, #tpu.memory_space<hbm>> -> memref<10000x128xf32, #tpu.memory_space<hbm>>
        tpu.enqueue_indirect_dma source(%dma_start3A_46 : memref<10000x128xf32, #tpu.memory_space<hbm>>) target(%arg14 : memref<128x128xf32, #tpu.memory_space<vmem>>) offsets(%arg12 : memref<128xi32, #tpu.memory_space<vmem>>) semaphore(%arg16 : memref<!tpu.dma_semaphore, #tpu.memory_space<semaphore_mem>>)
        %dma_wait3A = arith.constant 0 : i32
        %dma_wait3A_47 = arith.constant 0 : i32
        %dma_wait3A_48 = tpu.memref_slice %arg5[%dma_wait3A, %dma_wait3A_47] : memref<10000x128xf32, #tpu.memory_space<hbm>> -> memref<10000x128xf32, #tpu.memory_space<hbm>>
        tpu.wait_indirect_dma semaphore(%arg16 : memref<!tpu.dma_semaphore, #tpu.memory_space<semaphore_mem>>) src(%dma_wait3A_48 : memref<10000x128xf32, #tpu.memory_space<hbm>>) dst(%arg14 : memref<128x128xf32, #tpu.memory_space<vmem>>)
        "tpu.region"() ({
          %run_scoped3A = tpu.sem_alloc : memref<!tpu.dma_semaphore, #tpu.memory_space<semaphore_mem>>
          %dma_start3A_49 = arith.constant 0 : i32
          %dma_start3A_50 = arith.constant 0 : i32
          %dma_start3A_51 = tpu.memref_slice %arg15[%dma_start3A_49, %dma_start3A_50] : memref<10016x128xf32, #tpu.memory_space<vmem_shared>> -> memref<10016x128xf32, #tpu.memory_space<vmem_shared>>
          tpu.enqueue_indirect_dma source(%arg14 : memref<128x128xf32, #tpu.memory_space<vmem>>) target(%dma_start3A_51 : memref<10016x128xf32, #tpu.memory_space<vmem_shared>>) offsets(%arg13 : memref<128xi32, #tpu.memory_space<vmem>>) semaphore(%run_scoped3A : memref<!tpu.dma_semaphore, #tpu.memory_space<semaphore_mem>>) {add = true}
          %dma_wait3A_52 = arith.constant 0 : i32
          %dma_wait3A_53 = arith.constant 0 : i32
          %dma_wait3A_54 = tpu.memref_slice %arg15[%dma_wait3A_52, %dma_wait3A_53] : memref<10016x128xf32, #tpu.memory_space<vmem_shared>> -> memref<10016x128xf32, #tpu.memory_space<vmem_shared>>
          tpu.wait_indirect_dma semaphore(%run_scoped3A : memref<!tpu.dma_semaphore, #tpu.memory_space<semaphore_mem>>) src(%arg14 : memref<128x128xf32, #tpu.memory_space<vmem>>) dst(%dma_wait3A_54 : memref<10016x128xf32, #tpu.memory_space<vmem_shared>>)
          tpu.yield
        }) : () -> ()
      }
      %scan3A_33 = arith.constant 79 : i32
      %barrier3A_34 = arith.constant 0 : index
      tpu.barrier barrier_id(%barrier3A_34)
      "tpu.region"() ({
        %run_scoped3A = tpu.sem_alloc : memref<!tpu.dma_semaphore, #tpu.memory_space<semaphore_mem>>
        %dma_start3A = arith.constant 0 : i32
        %dma_start3A_41 = tpu.memref_slice %arg11[%multiple_of3A, %dma_start3A] : memref<10000x128xf32, #tpu.memory_space<hbm>> -> memref<624x128xf32, #tpu.memory_space<hbm>>
        %dma_start3A_42 = arith.constant 0 : i32
        %dma_start3A_43 = tpu.memref_slice %arg15[%multiple_of3A, %dma_start3A_42] : memref<10016x128xf32, #tpu.memory_space<vmem_shared>> -> memref<624x128xf32, #tpu.memory_space<vmem_shared>>
        tpu.enqueue_dma source(%dma_start3A_43 : memref<624x128xf32, #tpu.memory_space<vmem_shared>>) target(%dma_start3A_41 : memref<624x128xf32, #tpu.memory_space<hbm>>) target_semaphore(%run_scoped3A : memref<!tpu.dma_semaphore, #tpu.memory_space<semaphore_mem>>)
        %dma_wait3A = arith.constant 0 : i32
        %dma_wait3A_44 = tpu.memref_slice %arg11[%multiple_of3A, %dma_wait3A] : memref<10000x128xf32, #tpu.memory_space<hbm>> -> memref<624x128xf32, #tpu.memory_space<hbm>>
        %dma_wait3A_45 = arith.constant 0 : i32
        %dma_wait3A_46 = tpu.memref_slice %arg15[%multiple_of3A, %dma_wait3A_45] : memref<10016x128xf32, #tpu.memory_space<vmem_shared>> -> memref<624x128xf32, #tpu.memory_space<vmem_shared>>
        tpu.wait_dma2 semaphore(%run_scoped3A : memref<!tpu.dma_semaphore, #tpu.memory_space<semaphore_mem>>) src(%dma_wait3A_46 : memref<624x128xf32, #tpu.memory_space<vmem_shared>>) dst(%dma_wait3A_44 : memref<624x128xf32, #tpu.memory_space<hbm>>)
        tpu.yield
      }) : () -> ()
      %eq3A_35 = arith.constant 15 : i32
      %eq3A_36 = arith.cmpi eq, %arg1, %eq3A_35 : i32
      %convert_element_type3A_37 = arith.extui %eq3A_36 : i1 to i32
      %cond3A_38 = arith.constant 0 : i32
      %cond3A_39 = arith.cmpi ne, %convert_element_type3A_37, %cond3A_38 : i32
      scf.if %cond3A_39 {
        "tpu.region"() ({
          %run_scoped3A = tpu.sem_alloc : memref<!tpu.dma_semaphore, #tpu.memory_space<semaphore_mem>>
          %dma_start3A = arith.constant 9984 : i32
          %dma_start3A_41 = arith.constant 0 : i32
          %dma_start3A_42 = tpu.memref_slice %arg11[%dma_start3A, %dma_start3A_41] : memref<10000x128xf32, #tpu.memory_space<hbm>> -> memref<16x128xf32, #tpu.memory_space<hbm>>
          %dma_start3A_43 = arith.constant 9984 : i32
          %dma_start3A_44 = arith.constant 0 : i32
          %dma_start3A_45 = tpu.memref_slice %arg15[%dma_start3A_43, %dma_start3A_44] : memref<10016x128xf32, #tpu.memory_space<vmem_shared>> -> memref<16x128xf32, #tpu.memory_space<vmem_shared>>
          tpu.enqueue_dma source(%dma_start3A_45 : memref<16x128xf32, #tpu.memory_space<vmem_shared>>) target(%dma_start3A_42 : memref<16x128xf32, #tpu.memory_space<hbm>>) target_semaphore(%run_scoped3A : memref<!tpu.dma_semaphore, #tpu.memory_space<semaphore_mem>>)
          %dma_wait3A = arith.constant 9984 : i32
          %dma_wait3A_46 = arith.constant 0 : i32
          %dma_wait3A_47 = tpu.memref_slice %arg11[%dma_wait3A, %dma_wait3A_46] : memref<10000x128xf32, #tpu.memory_space<hbm>> -> memref<16x128xf32, #tpu.memory_space<hbm>>
          %dma_wait3A_48 = arith.constant 9984 : i32
          %dma_wait3A_49 = arith.constant 0 : i32
          %dma_wait3A_50 = tpu.memref_slice %arg15[%dma_wait3A_48, %dma_wait3A_49] : memref<10016x128xf32, #tpu.memory_space<vmem_shared>> -> memref<16x128xf32, #tpu.memory_space<vmem_shared>>
          tpu.wait_dma2 semaphore(%run_scoped3A : memref<!tpu.dma_semaphore, #tpu.memory_space<semaphore_mem>>) src(%dma_wait3A_50 : memref<16x128xf32, #tpu.memory_space<vmem_shared>>) dst(%dma_wait3A_47 : memref<16x128xf32, #tpu.memory_space<hbm>>)
          tpu.yield
        }) : () -> ()
      } else {
      }
      %barrier3A_40 = arith.constant 0 : index
      tpu.barrier barrier_id(%barrier3A_40)
    }
    return
  }
}

#map = affine_map<(d0, d1) -> (0, 0)>
#map1 = affine_map<(d0, d1) -> (0)>
module attributes {stable_mosaic.version = 14 : i64} {
  func.func @seg(%arg0: i32, %arg1: i32, %arg2: memref<10000x128xf32, #tpu.memory_space<hbm>>, %arg3: memref<10000x128xf32, #tpu.memory_space<hbm>>, %arg4: memref<10000x128xf32, #tpu.memory_space<hbm>>, %arg5: memref<10000x128xf32, #tpu.memory_space<hbm>>, %arg6: memref<161792xi32, #tpu.memory_space<hbm>>, %arg7: memref<161792xi32, #tpu.memory_space<hbm>>, %arg8: memref<10000x128xf32, #tpu.memory_space<hbm>>, %arg9: memref<10000x128xf32, #tpu.memory_space<hbm>>, %arg10: memref<10000x128xf32, #tpu.memory_space<hbm>>, %arg11: memref<10000x128xf32, #tpu.memory_space<hbm>>, %arg12: memref<128xi32, #tpu.memory_space<vmem>>, %arg13: memref<128xi32, #tpu.memory_space<vmem>>, %arg14: memref<128x128xf32, #tpu.memory_space<vmem>>, %arg15: memref<10016x128xf32, #tpu.memory_space<vmem_shared>>, %arg16: memref<!tpu.dma_semaphore, #tpu.memory_space<semaphore_mem>>) attributes {dimension_semantics = [#tpu.dimension_semantics<core_parallel>, #tpu.dimension_semantics<subcore_parallel>], iteration_bounds = array<i64: 2, 16>, scalar_prefetch = 0 : i64, scratch_operands = 5 : i64, tpu.core_type = #tpu.core_type<sc_vector_subcore>, window_params = [{transform_indices = #map}, {transform_indices = #map}, {transform_indices = #map}, {transform_indices = #map}, {transform_indices = #map1}, {transform_indices = #map1}, {transform_indices = #map}, {transform_indices = #map}, {transform_indices = #map}, {transform_indices = #map}]} {
    %mul3A = arith.constant 624 : i32
    %mul3A_0 = arith.muli %arg1, %mul3A : i32
    %multiple_of3A = tpu.assume_multiple %mul3A_0, 8 : i32
    %mul3A_1 = arith.constant 10112 : i32
    %mul3A_2 = arith.muli %arg1, %mul3A_1 : i32
    %eq3A = arith.constant 0 : i32
    %eq3A_3 = arith.cmpi eq, %arg0, %eq3A : i32
    %convert_element_type3A = arith.extui %eq3A_3 : i1 to i32
    %cond3A = arith.constant 0 : i32
    %cond3A_4 = arith.cmpi ne, %convert_element_type3A, %cond3A : i32
    scf.if %cond3A_4 {
      "tpu.region"() ({
        %run_scoped3A = tpu.sem_alloc : memref<!tpu.dma_semaphore, #tpu.memory_space<semaphore_mem>>
        %dma_start3A = arith.constant 0 : i32
        %dma_start3A_41 = tpu.memref_slice %arg15[%multiple_of3A, %dma_start3A] : memref<10016x128xf32, #tpu.memory_space<vmem_shared>> -> memref<624x128xf32, #tpu.memory_space<vmem_shared>>
        %dma_start3A_42 = arith.constant 0 : i32
        %dma_start3A_43 = tpu.memref_slice %arg2[%multiple_of3A, %dma_start3A_42] : memref<10000x128xf32, #tpu.memory_space<hbm>> -> memref<624x128xf32, #tpu.memory_space<hbm>>
        tpu.enqueue_dma source(%dma_start3A_43 : memref<624x128xf32, #tpu.memory_space<hbm>>) target(%dma_start3A_41 : memref<624x128xf32, #tpu.memory_space<vmem_shared>>) target_semaphore(%run_scoped3A : memref<!tpu.dma_semaphore, #tpu.memory_space<semaphore_mem>>)
        %dma_wait3A = arith.constant 0 : i32
        %dma_wait3A_44 = tpu.memref_slice %arg15[%multiple_of3A, %dma_wait3A] : memref<10016x128xf32, #tpu.memory_space<vmem_shared>> -> memref<624x128xf32, #tpu.memory_space<vmem_shared>>
        %dma_wait3A_45 = arith.constant 0 : i32
        %dma_wait3A_46 = tpu.memref_slice %arg2[%multiple_of3A, %dma_wait3A_45] : memref<10000x128xf32, #tpu.memory_space<hbm>> -> memref<624x128xf32, #tpu.memory_space<hbm>>
        tpu.wait_dma2 semaphore(%run_scoped3A : memref<!tpu.dma_semaphore, #tpu.memory_space<semaphore_mem>>) src(%dma_wait3A_46 : memref<624x128xf32, #tpu.memory_space<hbm>>) dst(%dma_wait3A_44 : memref<624x128xf32, #tpu.memory_space<vmem_shared>>)
        tpu.yield
      }) : () -> ()
      %eq3A_5 = arith.constant 15 : i32
      %eq3A_6 = arith.cmpi eq, %arg1, %eq3A_5 : i32
      %convert_element_type3A_7 = arith.extui %eq3A_6 : i1 to i32
      %cond3A_8 = arith.constant 0 : i32
      %cond3A_9 = arith.cmpi ne, %convert_element_type3A_7, %cond3A_8 : i32
      scf.if %cond3A_9 {
        "tpu.region"() ({
          %run_scoped3A = tpu.sem_alloc : memref<!tpu.dma_semaphore, #tpu.memory_space<semaphore_mem>>
          %dma_start3A = arith.constant 9984 : i32
          %dma_start3A_41 = arith.constant 0 : i32
          %dma_start3A_42 = tpu.memref_slice %arg15[%dma_start3A, %dma_start3A_41] : memref<10016x128xf32, #tpu.memory_space<vmem_shared>> -> memref<16x128xf32, #tpu.memory_space<vmem_shared>>
          %dma_start3A_43 = arith.constant 9984 : i32
          %dma_start3A_44 = arith.constant 0 : i32
          %dma_start3A_45 = tpu.memref_slice %arg2[%dma_start3A_43, %dma_start3A_44] : memref<10000x128xf32, #tpu.memory_space<hbm>> -> memref<16x128xf32, #tpu.memory_space<hbm>>
          tpu.enqueue_dma source(%dma_start3A_45 : memref<16x128xf32, #tpu.memory_space<hbm>>) target(%dma_start3A_42 : memref<16x128xf32, #tpu.memory_space<vmem_shared>>) target_semaphore(%run_scoped3A : memref<!tpu.dma_semaphore, #tpu.memory_space<semaphore_mem>>)
          %dma_wait3A = arith.constant 9984 : i32
          %dma_wait3A_46 = arith.constant 0 : i32
          %dma_wait3A_47 = tpu.memref_slice %arg15[%dma_wait3A, %dma_wait3A_46] : memref<10016x128xf32, #tpu.memory_space<vmem_shared>> -> memref<16x128xf32, #tpu.memory_space<vmem_shared>>
          %dma_wait3A_48 = arith.constant 9984 : i32
          %dma_wait3A_49 = arith.constant 0 : i32
          %dma_wait3A_50 = tpu.memref_slice %arg2[%dma_wait3A_48, %dma_wait3A_49] : memref<10000x128xf32, #tpu.memory_space<hbm>> -> memref<16x128xf32, #tpu.memory_space<hbm>>
          tpu.wait_dma2 semaphore(%run_scoped3A : memref<!tpu.dma_semaphore, #tpu.memory_space<semaphore_mem>>) src(%dma_wait3A_50 : memref<16x128xf32, #tpu.memory_space<hbm>>) dst(%dma_wait3A_47 : memref<16x128xf32, #tpu.memory_space<vmem_shared>>)
          tpu.yield
        }) : () -> ()
      } else {
      }
      %barrier3A = arith.constant 0 : index
      tpu.barrier barrier_id(%barrier3A)
      %scan3A = arith.constant 0 : i32
      %scan3A_10 = arith.constant 0 : i32
      %scan3A_11 = arith.constant 79 : i32
      %scan3A_12 = arith.addi %scan3A_10, %scan3A_11 : i32
      %scan3A_13 = arith.constant 1 : i32
      scf.for %scan3A_41 = %scan3A_10 to %scan3A_12 step %scan3A_13  : i32 {
        %mul3A_42 = arith.constant 128 : i32
        %mul3A_43 = arith.muli %scan3A_41, %mul3A_42 : i32
        %add3A = arith.addi %mul3A_2, %mul3A_43 : i32
        %multiple_of3A_44 = tpu.assume_multiple %add3A, 8 : i32
        "tpu.region"() ({
          %run_scoped3A = tpu.sem_alloc : memref<!tpu.dma_semaphore, #tpu.memory_space<semaphore_mem>>
          %dma_start3A_49 = tpu.memref_slice %arg6[%multiple_of3A_44] : memref<161792xi32, #tpu.memory_space<hbm>> -> memref<128xi32, #tpu.memory_space<hbm>>
          %dma_start3A_50 = tpu.memref_slice %arg6[%multiple_of3A_44] : memref<161792xi32, #tpu.memory_space<hbm>> -> memref<128xi32, #tpu.memory_space<hbm>>
          tpu.enqueue_dma source(%dma_start3A_50 : memref<128xi32, #tpu.memory_space<hbm>>) target(%arg12 : memref<128xi32, #tpu.memory_space<vmem>>) target_semaphore(%run_scoped3A : memref<!tpu.dma_semaphore, #tpu.memory_space<semaphore_mem>>)
          %dma_wait3A_51 = tpu.memref_slice %arg6[%multiple_of3A_44] : memref<161792xi32, #tpu.memory_space<hbm>> -> memref<128xi32, #tpu.memory_space<hbm>>
          %dma_wait3A_52 = tpu.memref_slice %arg6[%multiple_of3A_44] : memref<161792xi32, #tpu.memory_space<hbm>> -> memref<128xi32, #tpu.memory_space<hbm>>
          tpu.wait_dma2 semaphore(%run_scoped3A : memref<!tpu.dma_semaphore, #tpu.memory_space<semaphore_mem>>) src(%dma_wait3A_52 : memref<128xi32, #tpu.memory_space<hbm>>) dst(%arg12 : memref<128xi32, #tpu.memory_space<vmem>>)
          tpu.yield
        }) : () -> ()
        "tpu.region"() ({
          %run_scoped3A = tpu.sem_alloc : memref<!tpu.dma_semaphore, #tpu.memory_space<semaphore_mem>>
          %dma_start3A_49 = tpu.memref_slice %arg7[%multiple_of3A_44] : memref<161792xi32, #tpu.memory_space<hbm>> -> memref<128xi32, #tpu.memory_space<hbm>>
          %dma_start3A_50 = tpu.memref_slice %arg7[%multiple_of3A_44] : memref<161792xi32, #tpu.memory_space<hbm>> -> memref<128xi32, #tpu.memory_space<hbm>>
          tpu.enqueue_dma source(%dma_start3A_50 : memref<128xi32, #tpu.memory_space<hbm>>) target(%arg13 : memref<128xi32, #tpu.memory_space<vmem>>) target_semaphore(%run_scoped3A : memref<!tpu.dma_semaphore, #tpu.memory_space<semaphore_mem>>)
          %dma_wait3A_51 = tpu.memref_slice %arg7[%multiple_of3A_44] : memref<161792xi32, #tpu.memory_space<hbm>> -> memref<128xi32, #tpu.memory_space<hbm>>
          %dma_wait3A_52 = tpu.memref_slice %arg7[%multiple_of3A_44] : memref<161792xi32, #tpu.memory_space<hbm>> -> memref<128xi32, #tpu.memory_space<hbm>>
          tpu.wait_dma2 semaphore(%run_scoped3A : memref<!tpu.dma_semaphore, #tpu.memory_space<semaphore_mem>>) src(%dma_wait3A_52 : memref<128xi32, #tpu.memory_space<hbm>>) dst(%arg13 : memref<128xi32, #tpu.memory_space<vmem>>)
          tpu.yield
        }) : () -> ()
        %dma_start3A = arith.constant 0 : i32
        %dma_start3A_45 = arith.constant 0 : i32
        %dma_start3A_46 = tpu.memref_slice %arg2[%dma_start3A, %dma_start3A_45] : memref<10000x128xf32, #tpu.memory_space<hbm>> -> memref<10000x128xf32, #tpu.memory_space<hbm>>
        tpu.enqueue_indirect_dma source(%dma_start3A_46 : memref<10000x128xf32, #tpu.memory_space<hbm>>) target(%arg14 : memref<128x128xf32, #tpu.memory_space<vmem>>) offsets(%arg12 : memref<128xi32, #tpu.memory_space<vmem>>) semaphore(%arg16 : memref<!tpu.dma_semaphore, #tpu.memory_space<semaphore_mem>>)
        %dma_wait3A = arith.constant 0 : i32
        %dma_wait3A_47 = arith.constant 0 : i32
        %dma_wait3A_48 = tpu.memref_slice %arg2[%dma_wait3A, %dma_wait3A_47] : memref<10000x128xf32, #tpu.memory_space<hbm>> -> memref<10000x128xf32, #tpu.memory_space<hbm>>
        tpu.wait_indirect_dma semaphore(%arg16 : memref<!tpu.dma_semaphore, #tpu.memory_space<semaphore_mem>>) src(%dma_wait3A_48 : memref<10000x128xf32, #tpu.memory_space<hbm>>) dst(%arg14 : memref<128x128xf32, #tpu.memory_space<vmem>>)
        "tpu.region"() ({
          %run_scoped3A = tpu.sem_alloc : memref<!tpu.dma_semaphore, #tpu.memory_space<semaphore_mem>>
          %dma_start3A_49 = arith.constant 0 : i32
          %dma_start3A_50 = arith.constant 0 : i32
          %dma_start3A_51 = tpu.memref_slice %arg15[%dma_start3A_49, %dma_start3A_50] : memref<10016x128xf32, #tpu.memory_space<vmem_shared>> -> memref<10016x128xf32, #tpu.memory_space<vmem_shared>>
          tpu.enqueue_indirect_dma source(%arg14 : memref<128x128xf32, #tpu.memory_space<vmem>>) target(%dma_start3A_51 : memref<10016x128xf32, #tpu.memory_space<vmem_shared>>) offsets(%arg13 : memref<128xi32, #tpu.memory_space<vmem>>) semaphore(%run_scoped3A : memref<!tpu.dma_semaphore, #tpu.memory_space<semaphore_mem>>) {add = true}
          %dma_wait3A_52 = arith.constant 0 : i32
          %dma_wait3A_53 = arith.constant 0 : i32
          %dma_wait3A_54 = tpu.memref_slice %arg15[%dma_wait3A_52, %dma_wait3A_53] : memref<10016x128xf32, #tpu.memory_space<vmem_shared>> -> memref<10016x128xf32, #tpu.memory_space<vmem_shared>>
          tpu.wait_indirect_dma semaphore(%run_scoped3A : memref<!tpu.dma_semaphore, #tpu.memory_space<semaphore_mem>>) src(%arg14 : memref<128x128xf32, #tpu.memory_space<vmem>>) dst(%dma_wait3A_54 : memref<10016x128xf32, #tpu.memory_space<vmem_shared>>)
          tpu.yield
        }) : () -> ()
      }
      %scan3A_14 = arith.constant 79 : i32
      %barrier3A_15 = arith.constant 0 : index
      tpu.barrier barrier_id(%barrier3A_15)
      "tpu.region"() ({
        %run_scoped3A = tpu.sem_alloc : memref<!tpu.dma_semaphore, #tpu.memory_space<semaphore_mem>>
        %dma_start3A = arith.constant 0 : i32
        %dma_start3A_41 = tpu.memref_slice %arg8[%multiple_of3A, %dma_start3A] : memref<10000x128xf32, #tpu.memory_space<hbm>> -> memref<624x128xf32, #tpu.memory_space<hbm>>
        %dma_start3A_42 = arith.constant 0 : i32
        %dma_start3A_43 = tpu.memref_slice %arg15[%multiple_of3A, %dma_start3A_42] : memref<10016x128xf32, #tpu.memory_space<vmem_shared>> -> memref<624x128xf32, #tpu.memory_space<vmem_shared>>
        tpu.enqueue_dma source(%dma_start3A_43 : memref<624x128xf32, #tpu.memory_space<vmem_shared>>) target(%dma_start3A_41 : memref<624x128xf32, #tpu.memory_space<hbm>>) target_semaphore(%run_scoped3A : memref<!tpu.dma_semaphore, #tpu.memory_space<semaphore_mem>>)
        %dma_wait3A = arith.constant 0 : i32
        %dma_wait3A_44 = tpu.memref_slice %arg8[%multiple_of3A, %dma_wait3A] : memref<10000x128xf32, #tpu.memory_space<hbm>> -> memref<624x128xf32, #tpu.memory_space<hbm>>
        %dma_wait3A_45 = arith.constant 0 : i32
        %dma_wait3A_46 = tpu.memref_slice %arg15[%multiple_of3A, %dma_wait3A_45] : memref<10016x128xf32, #tpu.memory_space<vmem_shared>> -> memref<624x128xf32, #tpu.memory_space<vmem_shared>>
        tpu.wait_dma2 semaphore(%run_scoped3A : memref<!tpu.dma_semaphore, #tpu.memory_space<semaphore_mem>>) src(%dma_wait3A_46 : memref<624x128xf32, #tpu.memory_space<vmem_shared>>) dst(%dma_wait3A_44 : memref<624x128xf32, #tpu.memory_space<hbm>>)
        tpu.yield
      }) : () -> ()
      %eq3A_16 = arith.constant 15 : i32
      %eq3A_17 = arith.cmpi eq, %arg1, %eq3A_16 : i32
      %convert_element_type3A_18 = arith.extui %eq3A_17 : i1 to i32
      %cond3A_19 = arith.constant 0 : i32
      %cond3A_20 = arith.cmpi ne, %convert_element_type3A_18, %cond3A_19 : i32
      scf.if %cond3A_20 {
        "tpu.region"() ({
          %run_scoped3A = tpu.sem_alloc : memref<!tpu.dma_semaphore, #tpu.memory_space<semaphore_mem>>
          %dma_start3A = arith.constant 9984 : i32
          %dma_start3A_41 = arith.constant 0 : i32
          %dma_start3A_42 = tpu.memref_slice %arg8[%dma_start3A, %dma_start3A_41] : memref<10000x128xf32, #tpu.memory_space<hbm>> -> memref<16x128xf32, #tpu.memory_space<hbm>>
          %dma_start3A_43 = arith.constant 9984 : i32
          %dma_start3A_44 = arith.constant 0 : i32
          %dma_start3A_45 = tpu.memref_slice %arg15[%dma_start3A_43, %dma_start3A_44] : memref<10016x128xf32, #tpu.memory_space<vmem_shared>> -> memref<16x128xf32, #tpu.memory_space<vmem_shared>>
          tpu.enqueue_dma source(%dma_start3A_45 : memref<16x128xf32, #tpu.memory_space<vmem_shared>>) target(%dma_start3A_42 : memref<16x128xf32, #tpu.memory_space<hbm>>) target_semaphore(%run_scoped3A : memref<!tpu.dma_semaphore, #tpu.memory_space<semaphore_mem>>)
          %dma_wait3A = arith.constant 9984 : i32
          %dma_wait3A_46 = arith.constant 0 : i32
          %dma_wait3A_47 = tpu.memref_slice %arg8[%dma_wait3A, %dma_wait3A_46] : memref<10000x128xf32, #tpu.memory_space<hbm>> -> memref<16x128xf32, #tpu.memory_space<hbm>>
          %dma_wait3A_48 = arith.constant 9984 : i32
          %dma_wait3A_49 = arith.constant 0 : i32
          %dma_wait3A_50 = tpu.memref_slice %arg15[%dma_wait3A_48, %dma_wait3A_49] : memref<10016x128xf32, #tpu.memory_space<vmem_shared>> -> memref<16x128xf32, #tpu.memory_space<vmem_shared>>
          tpu.wait_dma2 semaphore(%run_scoped3A : memref<!tpu.dma_semaphore, #tpu.memory_space<semaphore_mem>>) src(%dma_wait3A_50 : memref<16x128xf32, #tpu.memory_space<vmem_shared>>) dst(%dma_wait3A_47 : memref<16x128xf32, #tpu.memory_space<hbm>>)
          tpu.yield
        }) : () -> ()
      } else {
      }
      %barrier3A_21 = arith.constant 0 : index
      tpu.barrier barrier_id(%barrier3A_21)
      "tpu.region"() ({
        %run_scoped3A = tpu.sem_alloc : memref<!tpu.dma_semaphore, #tpu.memory_space<semaphore_mem>>
        %dma_start3A = arith.constant 0 : i32
        %dma_start3A_41 = tpu.memref_slice %arg15[%multiple_of3A, %dma_start3A] : memref<10016x128xf32, #tpu.memory_space<vmem_shared>> -> memref<624x128xf32, #tpu.memory_space<vmem_shared>>
        %dma_start3A_42 = arith.constant 0 : i32
        %dma_start3A_43 = tpu.memref_slice %arg3[%multiple_of3A, %dma_start3A_42] : memref<10000x128xf32, #tpu.memory_space<hbm>> -> memref<624x128xf32, #tpu.memory_space<hbm>>
        tpu.enqueue_dma source(%dma_start3A_43 : memref<624x128xf32, #tpu.memory_space<hbm>>) target(%dma_start3A_41 : memref<624x128xf32, #tpu.memory_space<vmem_shared>>) target_semaphore(%run_scoped3A : memref<!tpu.dma_semaphore, #tpu.memory_space<semaphore_mem>>)
        %dma_wait3A = arith.constant 0 : i32
        %dma_wait3A_44 = tpu.memref_slice %arg15[%multiple_of3A, %dma_wait3A] : memref<10016x128xf32, #tpu.memory_space<vmem_shared>> -> memref<624x128xf32, #tpu.memory_space<vmem_shared>>
        %dma_wait3A_45 = arith.constant 0 : i32
        %dma_wait3A_46 = tpu.memref_slice %arg3[%multiple_of3A, %dma_wait3A_45] : memref<10000x128xf32, #tpu.memory_space<hbm>> -> memref<624x128xf32, #tpu.memory_space<hbm>>
        tpu.wait_dma2 semaphore(%run_scoped3A : memref<!tpu.dma_semaphore, #tpu.memory_space<semaphore_mem>>) src(%dma_wait3A_46 : memref<624x128xf32, #tpu.memory_space<hbm>>) dst(%dma_wait3A_44 : memref<624x128xf32, #tpu.memory_space<vmem_shared>>)
        tpu.yield
      }) : () -> ()
      %eq3A_22 = arith.constant 15 : i32
      %eq3A_23 = arith.cmpi eq, %arg1, %eq3A_22 : i32
      %convert_element_type3A_24 = arith.extui %eq3A_23 : i1 to i32
      %cond3A_25 = arith.constant 0 : i32
      %cond3A_26 = arith.cmpi ne, %convert_element_type3A_24, %cond3A_25 : i32
      scf.if %cond3A_26 {
        "tpu.region"() ({
          %run_scoped3A = tpu.sem_alloc : memref<!tpu.dma_semaphore, #tpu.memory_space<semaphore_mem>>
          %dma_start3A = arith.constant 9984 : i32
          %dma_start3A_41 = arith.constant 0 : i32
          %dma_start3A_42 = tpu.memref_slice %arg15[%dma_start3A, %dma_start3A_41] : memref<10016x128xf32, #tpu.memory_space<vmem_shared>> -> memref<16x128xf32, #tpu.memory_space<vmem_shared>>
          %dma_start3A_43 = arith.constant 9984 : i32
          %dma_start3A_44 = arith.constant 0 : i32
          %dma_start3A_45 = tpu.memref_slice %arg3[%dma_start3A_43, %dma_start3A_44] : memref<10000x128xf32, #tpu.memory_space<hbm>> -> memref<16x128xf32, #tpu.memory_space<hbm>>
          tpu.enqueue_dma source(%dma_start3A_45 : memref<16x128xf32, #tpu.memory_space<hbm>>) target(%dma_start3A_42 : memref<16x128xf32, #tpu.memory_space<vmem_shared>>) target_semaphore(%run_scoped3A : memref<!tpu.dma_semaphore, #tpu.memory_space<semaphore_mem>>)
          %dma_wait3A = arith.constant 9984 : i32
          %dma_wait3A_46 = arith.constant 0 : i32
          %dma_wait3A_47 = tpu.memref_slice %arg15[%dma_wait3A, %dma_wait3A_46] : memref<10016x128xf32, #tpu.memory_space<vmem_shared>> -> memref<16x128xf32, #tpu.memory_space<vmem_shared>>
          %dma_wait3A_48 = arith.constant 9984 : i32
          %dma_wait3A_49 = arith.constant 0 : i32
          %dma_wait3A_50 = tpu.memref_slice %arg3[%dma_wait3A_48, %dma_wait3A_49] : memref<10000x128xf32, #tpu.memory_space<hbm>> -> memref<16x128xf32, #tpu.memory_space<hbm>>
          tpu.wait_dma2 semaphore(%run_scoped3A : memref<!tpu.dma_semaphore, #tpu.memory_space<semaphore_mem>>) src(%dma_wait3A_50 : memref<16x128xf32, #tpu.memory_space<hbm>>) dst(%dma_wait3A_47 : memref<16x128xf32, #tpu.memory_space<vmem_shared>>)
          tpu.yield
        }) : () -> ()
      } else {
      }
      %barrier3A_27 = arith.constant 0 : index
      tpu.barrier barrier_id(%barrier3A_27)
      %scan3A_28 = arith.constant 0 : i32
      %scan3A_29 = arith.constant 0 : i32
      %scan3A_30 = arith.constant 79 : i32
      %scan3A_31 = arith.addi %scan3A_29, %scan3A_30 : i32
      %scan3A_32 = arith.constant 1 : i32
      scf.for %scan3A_41 = %scan3A_29 to %scan3A_31 step %scan3A_32  : i32 {
        %mul3A_42 = arith.constant 128 : i32
        %mul3A_43 = arith.muli %scan3A_41, %mul3A_42 : i32
        %add3A = arith.addi %mul3A_2, %mul3A_43 : i32
        %multiple_of3A_44 = tpu.assume_multiple %add3A, 8 : i32
        "tpu.region"() ({
          %run_scoped3A = tpu.sem_alloc : memref<!tpu.dma_semaphore, #tpu.memory_space<semaphore_mem>>
          %dma_start3A_49 = tpu.memref_slice %arg6[%multiple_of3A_44] : memref<161792xi32, #tpu.memory_space<hbm>> -> memref<128xi32, #tpu.memory_space<hbm>>
          %dma_start3A_50 = tpu.memref_slice %arg6[%multiple_of3A_44] : memref<161792xi32, #tpu.memory_space<hbm>> -> memref<128xi32, #tpu.memory_space<hbm>>
          tpu.enqueue_dma source(%dma_start3A_50 : memref<128xi32, #tpu.memory_space<hbm>>) target(%arg12 : memref<128xi32, #tpu.memory_space<vmem>>) target_semaphore(%run_scoped3A : memref<!tpu.dma_semaphore, #tpu.memory_space<semaphore_mem>>)
          %dma_wait3A_51 = tpu.memref_slice %arg6[%multiple_of3A_44] : memref<161792xi32, #tpu.memory_space<hbm>> -> memref<128xi32, #tpu.memory_space<hbm>>
          %dma_wait3A_52 = tpu.memref_slice %arg6[%multiple_of3A_44] : memref<161792xi32, #tpu.memory_space<hbm>> -> memref<128xi32, #tpu.memory_space<hbm>>
          tpu.wait_dma2 semaphore(%run_scoped3A : memref<!tpu.dma_semaphore, #tpu.memory_space<semaphore_mem>>) src(%dma_wait3A_52 : memref<128xi32, #tpu.memory_space<hbm>>) dst(%arg12 : memref<128xi32, #tpu.memory_space<vmem>>)
          tpu.yield
        }) : () -> ()
        "tpu.region"() ({
          %run_scoped3A = tpu.sem_alloc : memref<!tpu.dma_semaphore, #tpu.memory_space<semaphore_mem>>
          %dma_start3A_49 = tpu.memref_slice %arg7[%multiple_of3A_44] : memref<161792xi32, #tpu.memory_space<hbm>> -> memref<128xi32, #tpu.memory_space<hbm>>
          %dma_start3A_50 = tpu.memref_slice %arg7[%multiple_of3A_44] : memref<161792xi32, #tpu.memory_space<hbm>> -> memref<128xi32, #tpu.memory_space<hbm>>
          tpu.enqueue_dma source(%dma_start3A_50 : memref<128xi32, #tpu.memory_space<hbm>>) target(%arg13 : memref<128xi32, #tpu.memory_space<vmem>>) target_semaphore(%run_scoped3A : memref<!tpu.dma_semaphore, #tpu.memory_space<semaphore_mem>>)
          %dma_wait3A_51 = tpu.memref_slice %arg7[%multiple_of3A_44] : memref<161792xi32, #tpu.memory_space<hbm>> -> memref<128xi32, #tpu.memory_space<hbm>>
          %dma_wait3A_52 = tpu.memref_slice %arg7[%multiple_of3A_44] : memref<161792xi32, #tpu.memory_space<hbm>> -> memref<128xi32, #tpu.memory_space<hbm>>
          tpu.wait_dma2 semaphore(%run_scoped3A : memref<!tpu.dma_semaphore, #tpu.memory_space<semaphore_mem>>) src(%dma_wait3A_52 : memref<128xi32, #tpu.memory_space<hbm>>) dst(%arg13 : memref<128xi32, #tpu.memory_space<vmem>>)
          tpu.yield
        }) : () -> ()
        %dma_start3A = arith.constant 0 : i32
        %dma_start3A_45 = arith.constant 0 : i32
        %dma_start3A_46 = tpu.memref_slice %arg3[%dma_start3A, %dma_start3A_45] : memref<10000x128xf32, #tpu.memory_space<hbm>> -> memref<10000x128xf32, #tpu.memory_space<hbm>>
        tpu.enqueue_indirect_dma source(%dma_start3A_46 : memref<10000x128xf32, #tpu.memory_space<hbm>>) target(%arg14 : memref<128x128xf32, #tpu.memory_space<vmem>>) offsets(%arg12 : memref<128xi32, #tpu.memory_space<vmem>>) semaphore(%arg16 : memref<!tpu.dma_semaphore, #tpu.memory_space<semaphore_mem>>)
        %dma_wait3A = arith.constant 0 : i32
        %dma_wait3A_47 = arith.constant 0 : i32
        %dma_wait3A_48 = tpu.memref_slice %arg3[%dma_wait3A, %dma_wait3A_47] : memref<10000x128xf32, #tpu.memory_space<hbm>> -> memref<10000x128xf32, #tpu.memory_space<hbm>>
        tpu.wait_indirect_dma semaphore(%arg16 : memref<!tpu.dma_semaphore, #tpu.memory_space<semaphore_mem>>) src(%dma_wait3A_48 : memref<10000x128xf32, #tpu.memory_space<hbm>>) dst(%arg14 : memref<128x128xf32, #tpu.memory_space<vmem>>)
        "tpu.region"() ({
          %run_scoped3A = tpu.sem_alloc : memref<!tpu.dma_semaphore, #tpu.memory_space<semaphore_mem>>
          %dma_start3A_49 = arith.constant 0 : i32
          %dma_start3A_50 = arith.constant 0 : i32
          %dma_start3A_51 = tpu.memref_slice %arg15[%dma_start3A_49, %dma_start3A_50] : memref<10016x128xf32, #tpu.memory_space<vmem_shared>> -> memref<10016x128xf32, #tpu.memory_space<vmem_shared>>
          tpu.enqueue_indirect_dma source(%arg14 : memref<128x128xf32, #tpu.memory_space<vmem>>) target(%dma_start3A_51 : memref<10016x128xf32, #tpu.memory_space<vmem_shared>>) offsets(%arg13 : memref<128xi32, #tpu.memory_space<vmem>>) semaphore(%run_scoped3A : memref<!tpu.dma_semaphore, #tpu.memory_space<semaphore_mem>>) {add = true}
          %dma_wait3A_52 = arith.constant 0 : i32
          %dma_wait3A_53 = arith.constant 0 : i32
          %dma_wait3A_54 = tpu.memref_slice %arg15[%dma_wait3A_52, %dma_wait3A_53] : memref<10016x128xf32, #tpu.memory_space<vmem_shared>> -> memref<10016x128xf32, #tpu.memory_space<vmem_shared>>
          tpu.wait_indirect_dma semaphore(%run_scoped3A : memref<!tpu.dma_semaphore, #tpu.memory_space<semaphore_mem>>) src(%arg14 : memref<128x128xf32, #tpu.memory_space<vmem>>) dst(%dma_wait3A_54 : memref<10016x128xf32, #tpu.memory_space<vmem_shared>>)
          tpu.yield
        }) : () -> ()
      }
      %scan3A_33 = arith.constant 79 : i32
      %barrier3A_34 = arith.constant 0 : index
      tpu.barrier barrier_id(%barrier3A_34)
      "tpu.region"() ({
        %run_scoped3A = tpu.sem_alloc : memref<!tpu.dma_semaphore, #tpu.memory_space<semaphore_mem>>
        %dma_start3A = arith.constant 0 : i32
        %dma_start3A_41 = tpu.memref_slice %arg9[%multiple_of3A, %dma_start3A] : memref<10000x128xf32, #tpu.memory_space<hbm>> -> memref<624x128xf32, #tpu.memory_space<hbm>>
        %dma_start3A_42 = arith.constant 0 : i32
        %dma_start3A_43 = tpu.memref_slice %arg15[%multiple_of3A, %dma_start3A_42] : memref<10016x128xf32, #tpu.memory_space<vmem_shared>> -> memref<624x128xf32, #tpu.memory_space<vmem_shared>>
        tpu.enqueue_dma source(%dma_start3A_43 : memref<624x128xf32, #tpu.memory_space<vmem_shared>>) target(%dma_start3A_41 : memref<624x128xf32, #tpu.memory_space<hbm>>) target_semaphore(%run_scoped3A : memref<!tpu.dma_semaphore, #tpu.memory_space<semaphore_mem>>)
        %dma_wait3A = arith.constant 0 : i32
        %dma_wait3A_44 = tpu.memref_slice %arg9[%multiple_of3A, %dma_wait3A] : memref<10000x128xf32, #tpu.memory_space<hbm>> -> memref<624x128xf32, #tpu.memory_space<hbm>>
        %dma_wait3A_45 = arith.constant 0 : i32
        %dma_wait3A_46 = tpu.memref_slice %arg15[%multiple_of3A, %dma_wait3A_45] : memref<10016x128xf32, #tpu.memory_space<vmem_shared>> -> memref<624x128xf32, #tpu.memory_space<vmem_shared>>
        tpu.wait_dma2 semaphore(%run_scoped3A : memref<!tpu.dma_semaphore, #tpu.memory_space<semaphore_mem>>) src(%dma_wait3A_46 : memref<624x128xf32, #tpu.memory_space<vmem_shared>>) dst(%dma_wait3A_44 : memref<624x128xf32, #tpu.memory_space<hbm>>)
        tpu.yield
      }) : () -> ()
      %eq3A_35 = arith.constant 15 : i32
      %eq3A_36 = arith.cmpi eq, %arg1, %eq3A_35 : i32
      %convert_element_type3A_37 = arith.extui %eq3A_36 : i1 to i32
      %cond3A_38 = arith.constant 0 : i32
      %cond3A_39 = arith.cmpi ne, %convert_element_type3A_37, %cond3A_38 : i32
      scf.if %cond3A_39 {
        "tpu.region"() ({
          %run_scoped3A = tpu.sem_alloc : memref<!tpu.dma_semaphore, #tpu.memory_space<semaphore_mem>>
          %dma_start3A = arith.constant 9984 : i32
          %dma_start3A_41 = arith.constant 0 : i32
          %dma_start3A_42 = tpu.memref_slice %arg9[%dma_start3A, %dma_start3A_41] : memref<10000x128xf32, #tpu.memory_space<hbm>> -> memref<16x128xf32, #tpu.memory_space<hbm>>
          %dma_start3A_43 = arith.constant 9984 : i32
          %dma_start3A_44 = arith.constant 0 : i32
          %dma_start3A_45 = tpu.memref_slice %arg15[%dma_start3A_43, %dma_start3A_44] : memref<10016x128xf32, #tpu.memory_space<vmem_shared>> -> memref<16x128xf32, #tpu.memory_space<vmem_shared>>
          tpu.enqueue_dma source(%dma_start3A_45 : memref<16x128xf32, #tpu.memory_space<vmem_shared>>) target(%dma_start3A_42 : memref<16x128xf32, #tpu.memory_space<hbm>>) target_semaphore(%run_scoped3A : memref<!tpu.dma_semaphore, #tpu.memory_space<semaphore_mem>>)
          %dma_wait3A = arith.constant 9984 : i32
          %dma_wait3A_46 = arith.constant 0 : i32
          %dma_wait3A_47 = tpu.memref_slice %arg9[%dma_wait3A, %dma_wait3A_46] : memref<10000x128xf32, #tpu.memory_space<hbm>> -> memref<16x128xf32, #tpu.memory_space<hbm>>
          %dma_wait3A_48 = arith.constant 9984 : i32
          %dma_wait3A_49 = arith.constant 0 : i32
          %dma_wait3A_50 = tpu.memref_slice %arg15[%dma_wait3A_48, %dma_wait3A_49] : memref<10016x128xf32, #tpu.memory_space<vmem_shared>> -> memref<16x128xf32, #tpu.memory_space<vmem_shared>>
          tpu.wait_dma2 semaphore(%run_scoped3A : memref<!tpu.dma_semaphore, #tpu.memory_space<semaphore_mem>>) src(%dma_wait3A_50 : memref<16x128xf32, #tpu.memory_space<vmem_shared>>) dst(%dma_wait3A_47 : memref<16x128xf32, #tpu.memory_space<hbm>>)
          tpu.yield
        }) : () -> ()
      } else {
      }
      %barrier3A_40 = arith.constant 0 : index
      tpu.barrier barrier_id(%barrier3A_40)
    } else {
      "tpu.region"() ({
        %run_scoped3A = tpu.sem_alloc : memref<!tpu.dma_semaphore, #tpu.memory_space<semaphore_mem>>
        %dma_start3A = arith.constant 0 : i32
        %dma_start3A_41 = tpu.memref_slice %arg15[%multiple_of3A, %dma_start3A] : memref<10016x128xf32, #tpu.memory_space<vmem_shared>> -> memref<624x128xf32, #tpu.memory_space<vmem_shared>>
        %dma_start3A_42 = arith.constant 0 : i32
        %dma_start3A_43 = tpu.memref_slice %arg4[%multiple_of3A, %dma_start3A_42] : memref<10000x128xf32, #tpu.memory_space<hbm>> -> memref<624x128xf32, #tpu.memory_space<hbm>>
        tpu.enqueue_dma source(%dma_start3A_43 : memref<624x128xf32, #tpu.memory_space<hbm>>) target(%dma_start3A_41 : memref<624x128xf32, #tpu.memory_space<vmem_shared>>) target_semaphore(%run_scoped3A : memref<!tpu.dma_semaphore, #tpu.memory_space<semaphore_mem>>)
        %dma_wait3A = arith.constant 0 : i32
        %dma_wait3A_44 = tpu.memref_slice %arg15[%multiple_of3A, %dma_wait3A] : memref<10016x128xf32, #tpu.memory_space<vmem_shared>> -> memref<624x128xf32, #tpu.memory_space<vmem_shared>>
        %dma_wait3A_45 = arith.constant 0 : i32
        %dma_wait3A_46 = tpu.memref_slice %arg4[%multiple_of3A, %dma_wait3A_45] : memref<10000x128xf32, #tpu.memory_space<hbm>> -> memref<624x128xf32, #tpu.memory_space<hbm>>
        tpu.wait_dma2 semaphore(%run_scoped3A : memref<!tpu.dma_semaphore, #tpu.memory_space<semaphore_mem>>) src(%dma_wait3A_46 : memref<624x128xf32, #tpu.memory_space<hbm>>) dst(%dma_wait3A_44 : memref<624x128xf32, #tpu.memory_space<vmem_shared>>)
        tpu.yield
      }) : () -> ()
      %eq3A_5 = arith.constant 15 : i32
      %eq3A_6 = arith.cmpi eq, %arg1, %eq3A_5 : i32
      %convert_element_type3A_7 = arith.extui %eq3A_6 : i1 to i32
      %cond3A_8 = arith.constant 0 : i32
      %cond3A_9 = arith.cmpi ne, %convert_element_type3A_7, %cond3A_8 : i32
      scf.if %cond3A_9 {
        "tpu.region"() ({
          %run_scoped3A = tpu.sem_alloc : memref<!tpu.dma_semaphore, #tpu.memory_space<semaphore_mem>>
          %dma_start3A = arith.constant 9984 : i32
          %dma_start3A_41 = arith.constant 0 : i32
          %dma_start3A_42 = tpu.memref_slice %arg15[%dma_start3A, %dma_start3A_41] : memref<10016x128xf32, #tpu.memory_space<vmem_shared>> -> memref<16x128xf32, #tpu.memory_space<vmem_shared>>
          %dma_start3A_43 = arith.constant 9984 : i32
          %dma_start3A_44 = arith.constant 0 : i32
          %dma_start3A_45 = tpu.memref_slice %arg4[%dma_start3A_43, %dma_start3A_44] : memref<10000x128xf32, #tpu.memory_space<hbm>> -> memref<16x128xf32, #tpu.memory_space<hbm>>
          tpu.enqueue_dma source(%dma_start3A_45 : memref<16x128xf32, #tpu.memory_space<hbm>>) target(%dma_start3A_42 : memref<16x128xf32, #tpu.memory_space<vmem_shared>>) target_semaphore(%run_scoped3A : memref<!tpu.dma_semaphore, #tpu.memory_space<semaphore_mem>>)
          %dma_wait3A = arith.constant 9984 : i32
          %dma_wait3A_46 = arith.constant 0 : i32
          %dma_wait3A_47 = tpu.memref_slice %arg15[%dma_wait3A, %dma_wait3A_46] : memref<10016x128xf32, #tpu.memory_space<vmem_shared>> -> memref<16x128xf32, #tpu.memory_space<vmem_shared>>
          %dma_wait3A_48 = arith.constant 9984 : i32
          %dma_wait3A_49 = arith.constant 0 : i32
          %dma_wait3A_50 = tpu.memref_slice %arg4[%dma_wait3A_48, %dma_wait3A_49] : memref<10000x128xf32, #tpu.memory_space<hbm>> -> memref<16x128xf32, #tpu.memory_space<hbm>>
          tpu.wait_dma2 semaphore(%run_scoped3A : memref<!tpu.dma_semaphore, #tpu.memory_space<semaphore_mem>>) src(%dma_wait3A_50 : memref<16x128xf32, #tpu.memory_space<hbm>>) dst(%dma_wait3A_47 : memref<16x128xf32, #tpu.memory_space<vmem_shared>>)
          tpu.yield
        }) : () -> ()
      } else {
      }
      %barrier3A = arith.constant 0 : index
      tpu.barrier barrier_id(%barrier3A)
      %scan3A = arith.constant 0 : i32
      %scan3A_10 = arith.constant 0 : i32
      %scan3A_11 = arith.constant 79 : i32
      %scan3A_12 = arith.addi %scan3A_10, %scan3A_11 : i32
      %scan3A_13 = arith.constant 1 : i32
      scf.for %scan3A_41 = %scan3A_10 to %scan3A_12 step %scan3A_13  : i32 {
        %mul3A_42 = arith.constant 128 : i32
        %mul3A_43 = arith.muli %scan3A_41, %mul3A_42 : i32
        %add3A = arith.addi %mul3A_2, %mul3A_43 : i32
        %multiple_of3A_44 = tpu.assume_multiple %add3A, 8 : i32
        "tpu.region"() ({
          %run_scoped3A = tpu.sem_alloc : memref<!tpu.dma_semaphore, #tpu.memory_space<semaphore_mem>>
          %dma_start3A_49 = tpu.memref_slice %arg6[%multiple_of3A_44] : memref<161792xi32, #tpu.memory_space<hbm>> -> memref<128xi32, #tpu.memory_space<hbm>>
          %dma_start3A_50 = tpu.memref_slice %arg6[%multiple_of3A_44] : memref<161792xi32, #tpu.memory_space<hbm>> -> memref<128xi32, #tpu.memory_space<hbm>>
          tpu.enqueue_dma source(%dma_start3A_50 : memref<128xi32, #tpu.memory_space<hbm>>) target(%arg12 : memref<128xi32, #tpu.memory_space<vmem>>) target_semaphore(%run_scoped3A : memref<!tpu.dma_semaphore, #tpu.memory_space<semaphore_mem>>)
          %dma_wait3A_51 = tpu.memref_slice %arg6[%multiple_of3A_44] : memref<161792xi32, #tpu.memory_space<hbm>> -> memref<128xi32, #tpu.memory_space<hbm>>
          %dma_wait3A_52 = tpu.memref_slice %arg6[%multiple_of3A_44] : memref<161792xi32, #tpu.memory_space<hbm>> -> memref<128xi32, #tpu.memory_space<hbm>>
          tpu.wait_dma2 semaphore(%run_scoped3A : memref<!tpu.dma_semaphore, #tpu.memory_space<semaphore_mem>>) src(%dma_wait3A_52 : memref<128xi32, #tpu.memory_space<hbm>>) dst(%arg12 : memref<128xi32, #tpu.memory_space<vmem>>)
          tpu.yield
        }) : () -> ()
        "tpu.region"() ({
          %run_scoped3A = tpu.sem_alloc : memref<!tpu.dma_semaphore, #tpu.memory_space<semaphore_mem>>
          %dma_start3A_49 = tpu.memref_slice %arg7[%multiple_of3A_44] : memref<161792xi32, #tpu.memory_space<hbm>> -> memref<128xi32, #tpu.memory_space<hbm>>
          %dma_start3A_50 = tpu.memref_slice %arg7[%multiple_of3A_44] : memref<161792xi32, #tpu.memory_space<hbm>> -> memref<128xi32, #tpu.memory_space<hbm>>
          tpu.enqueue_dma source(%dma_start3A_50 : memref<128xi32, #tpu.memory_space<hbm>>) target(%arg13 : memref<128xi32, #tpu.memory_space<vmem>>) target_semaphore(%run_scoped3A : memref<!tpu.dma_semaphore, #tpu.memory_space<semaphore_mem>>)
          %dma_wait3A_51 = tpu.memref_slice %arg7[%multiple_of3A_44] : memref<161792xi32, #tpu.memory_space<hbm>> -> memref<128xi32, #tpu.memory_space<hbm>>
          %dma_wait3A_52 = tpu.memref_slice %arg7[%multiple_of3A_44] : memref<161792xi32, #tpu.memory_space<hbm>> -> memref<128xi32, #tpu.memory_space<hbm>>
          tpu.wait_dma2 semaphore(%run_scoped3A : memref<!tpu.dma_semaphore, #tpu.memory_space<semaphore_mem>>) src(%dma_wait3A_52 : memref<128xi32, #tpu.memory_space<hbm>>) dst(%arg13 : memref<128xi32, #tpu.memory_space<vmem>>)
          tpu.yield
        }) : () -> ()
        %dma_start3A = arith.constant 0 : i32
        %dma_start3A_45 = arith.constant 0 : i32
        %dma_start3A_46 = tpu.memref_slice %arg4[%dma_start3A, %dma_start3A_45] : memref<10000x128xf32, #tpu.memory_space<hbm>> -> memref<10000x128xf32, #tpu.memory_space<hbm>>
        tpu.enqueue_indirect_dma source(%dma_start3A_46 : memref<10000x128xf32, #tpu.memory_space<hbm>>) target(%arg14 : memref<128x128xf32, #tpu.memory_space<vmem>>) offsets(%arg12 : memref<128xi32, #tpu.memory_space<vmem>>) semaphore(%arg16 : memref<!tpu.dma_semaphore, #tpu.memory_space<semaphore_mem>>)
        %dma_wait3A = arith.constant 0 : i32
        %dma_wait3A_47 = arith.constant 0 : i32
        %dma_wait3A_48 = tpu.memref_slice %arg4[%dma_wait3A, %dma_wait3A_47] : memref<10000x128xf32, #tpu.memory_space<hbm>> -> memref<10000x128xf32, #tpu.memory_space<hbm>>
        tpu.wait_indirect_dma semaphore(%arg16 : memref<!tpu.dma_semaphore, #tpu.memory_space<semaphore_mem>>) src(%dma_wait3A_48 : memref<10000x128xf32, #tpu.memory_space<hbm>>) dst(%arg14 : memref<128x128xf32, #tpu.memory_space<vmem>>)
        "tpu.region"() ({
          %run_scoped3A = tpu.sem_alloc : memref<!tpu.dma_semaphore, #tpu.memory_space<semaphore_mem>>
          %dma_start3A_49 = arith.constant 0 : i32
          %dma_start3A_50 = arith.constant 0 : i32
          %dma_start3A_51 = tpu.memref_slice %arg15[%dma_start3A_49, %dma_start3A_50] : memref<10016x128xf32, #tpu.memory_space<vmem_shared>> -> memref<10016x128xf32, #tpu.memory_space<vmem_shared>>
          tpu.enqueue_indirect_dma source(%arg14 : memref<128x128xf32, #tpu.memory_space<vmem>>) target(%dma_start3A_51 : memref<10016x128xf32, #tpu.memory_space<vmem_shared>>) offsets(%arg13 : memref<128xi32, #tpu.memory_space<vmem>>) semaphore(%run_scoped3A : memref<!tpu.dma_semaphore, #tpu.memory_space<semaphore_mem>>) {add = true}
          %dma_wait3A_52 = arith.constant 0 : i32
          %dma_wait3A_53 = arith.constant 0 : i32
          %dma_wait3A_54 = tpu.memref_slice %arg15[%dma_wait3A_52, %dma_wait3A_53] : memref<10016x128xf32, #tpu.memory_space<vmem_shared>> -> memref<10016x128xf32, #tpu.memory_space<vmem_shared>>
          tpu.wait_indirect_dma semaphore(%run_scoped3A : memref<!tpu.dma_semaphore, #tpu.memory_space<semaphore_mem>>) src(%arg14 : memref<128x128xf32, #tpu.memory_space<vmem>>) dst(%dma_wait3A_54 : memref<10016x128xf32, #tpu.memory_space<vmem_shared>>)
          tpu.yield
        }) : () -> ()
      }
      %scan3A_14 = arith.constant 79 : i32
      %barrier3A_15 = arith.constant 0 : index
      tpu.barrier barrier_id(%barrier3A_15)
      "tpu.region"() ({
        %run_scoped3A = tpu.sem_alloc : memref<!tpu.dma_semaphore, #tpu.memory_space<semaphore_mem>>
        %dma_start3A = arith.constant 0 : i32
        %dma_start3A_41 = tpu.memref_slice %arg10[%multiple_of3A, %dma_start3A] : memref<10000x128xf32, #tpu.memory_space<hbm>> -> memref<624x128xf32, #tpu.memory_space<hbm>>
        %dma_start3A_42 = arith.constant 0 : i32
        %dma_start3A_43 = tpu.memref_slice %arg15[%multiple_of3A, %dma_start3A_42] : memref<10016x128xf32, #tpu.memory_space<vmem_shared>> -> memref<624x128xf32, #tpu.memory_space<vmem_shared>>
        tpu.enqueue_dma source(%dma_start3A_43 : memref<624x128xf32, #tpu.memory_space<vmem_shared>>) target(%dma_start3A_41 : memref<624x128xf32, #tpu.memory_space<hbm>>) target_semaphore(%run_scoped3A : memref<!tpu.dma_semaphore, #tpu.memory_space<semaphore_mem>>)
        %dma_wait3A = arith.constant 0 : i32
        %dma_wait3A_44 = tpu.memref_slice %arg10[%multiple_of3A, %dma_wait3A] : memref<10000x128xf32, #tpu.memory_space<hbm>> -> memref<624x128xf32, #tpu.memory_space<hbm>>
        %dma_wait3A_45 = arith.constant 0 : i32
        %dma_wait3A_46 = tpu.memref_slice %arg15[%multiple_of3A, %dma_wait3A_45] : memref<10016x128xf32, #tpu.memory_space<vmem_shared>> -> memref<624x128xf32, #tpu.memory_space<vmem_shared>>
        tpu.wait_dma2 semaphore(%run_scoped3A : memref<!tpu.dma_semaphore, #tpu.memory_space<semaphore_mem>>) src(%dma_wait3A_46 : memref<624x128xf32, #tpu.memory_space<vmem_shared>>) dst(%dma_wait3A_44 : memref<624x128xf32, #tpu.memory_space<hbm>>)
        tpu.yield
      }) : () -> ()
      %eq3A_16 = arith.constant 15 : i32
      %eq3A_17 = arith.cmpi eq, %arg1, %eq3A_16 : i32
      %convert_element_type3A_18 = arith.extui %eq3A_17 : i1 to i32
      %cond3A_19 = arith.constant 0 : i32
      %cond3A_20 = arith.cmpi ne, %convert_element_type3A_18, %cond3A_19 : i32
      scf.if %cond3A_20 {
        "tpu.region"() ({
          %run_scoped3A = tpu.sem_alloc : memref<!tpu.dma_semaphore, #tpu.memory_space<semaphore_mem>>
          %dma_start3A = arith.constant 9984 : i32
          %dma_start3A_41 = arith.constant 0 : i32
          %dma_start3A_42 = tpu.memref_slice %arg10[%dma_start3A, %dma_start3A_41] : memref<10000x128xf32, #tpu.memory_space<hbm>> -> memref<16x128xf32, #tpu.memory_space<hbm>>
          %dma_start3A_43 = arith.constant 9984 : i32
          %dma_start3A_44 = arith.constant 0 : i32
          %dma_start3A_45 = tpu.memref_slice %arg15[%dma_start3A_43, %dma_start3A_44] : memref<10016x128xf32, #tpu.memory_space<vmem_shared>> -> memref<16x128xf32, #tpu.memory_space<vmem_shared>>
          tpu.enqueue_dma source(%dma_start3A_45 : memref<16x128xf32, #tpu.memory_space<vmem_shared>>) target(%dma_start3A_42 : memref<16x128xf32, #tpu.memory_space<hbm>>) target_semaphore(%run_scoped3A : memref<!tpu.dma_semaphore, #tpu.memory_space<semaphore_mem>>)
          %dma_wait3A = arith.constant 9984 : i32
          %dma_wait3A_46 = arith.constant 0 : i32
          %dma_wait3A_47 = tpu.memref_slice %arg10[%dma_wait3A, %dma_wait3A_46] : memref<10000x128xf32, #tpu.memory_space<hbm>> -> memref<16x128xf32, #tpu.memory_space<hbm>>
          %dma_wait3A_48 = arith.constant 9984 : i32
          %dma_wait3A_49 = arith.constant 0 : i32
          %dma_wait3A_50 = tpu.memref_slice %arg15[%dma_wait3A_48, %dma_wait3A_49] : memref<10016x128xf32, #tpu.memory_space<vmem_shared>> -> memref<16x128xf32, #tpu.memory_space<vmem_shared>>
          tpu.wait_dma2 semaphore(%run_scoped3A : memref<!tpu.dma_semaphore, #tpu.memory_space<semaphore_mem>>) src(%dma_wait3A_50 : memref<16x128xf32, #tpu.memory_space<vmem_shared>>) dst(%dma_wait3A_47 : memref<16x128xf32, #tpu.memory_space<hbm>>)
          tpu.yield
        }) : () -> ()
      } else {
      }
      %barrier3A_21 = arith.constant 0 : index
      tpu.barrier barrier_id(%barrier3A_21)
      "tpu.region"() ({
        %run_scoped3A = tpu.sem_alloc : memref<!tpu.dma_semaphore, #tpu.memory_space<semaphore_mem>>
        %dma_start3A = arith.constant 0 : i32
        %dma_start3A_41 = tpu.memref_slice %arg15[%multiple_of3A, %dma_start3A] : memref<10016x128xf32, #tpu.memory_space<vmem_shared>> -> memref<624x128xf32, #tpu.memory_space<vmem_shared>>
        %dma_start3A_42 = arith.constant 0 : i32
        %dma_start3A_43 = tpu.memref_slice %arg5[%multiple_of3A, %dma_start3A_42] : memref<10000x128xf32, #tpu.memory_space<hbm>> -> memref<624x128xf32, #tpu.memory_space<hbm>>
        tpu.enqueue_dma source(%dma_start3A_43 : memref<624x128xf32, #tpu.memory_space<hbm>>) target(%dma_start3A_41 : memref<624x128xf32, #tpu.memory_space<vmem_shared>>) target_semaphore(%run_scoped3A : memref<!tpu.dma_semaphore, #tpu.memory_space<semaphore_mem>>)
        %dma_wait3A = arith.constant 0 : i32
        %dma_wait3A_44 = tpu.memref_slice %arg15[%multiple_of3A, %dma_wait3A] : memref<10016x128xf32, #tpu.memory_space<vmem_shared>> -> memref<624x128xf32, #tpu.memory_space<vmem_shared>>
        %dma_wait3A_45 = arith.constant 0 : i32
        %dma_wait3A_46 = tpu.memref_slice %arg5[%multiple_of3A, %dma_wait3A_45] : memref<10000x128xf32, #tpu.memory_space<hbm>> -> memref<624x128xf32, #tpu.memory_space<hbm>>
        tpu.wait_dma2 semaphore(%run_scoped3A : memref<!tpu.dma_semaphore, #tpu.memory_space<semaphore_mem>>) src(%dma_wait3A_46 : memref<624x128xf32, #tpu.memory_space<hbm>>) dst(%dma_wait3A_44 : memref<624x128xf32, #tpu.memory_space<vmem_shared>>)
        tpu.yield
      }) : () -> ()
      %eq3A_22 = arith.constant 15 : i32
      %eq3A_23 = arith.cmpi eq, %arg1, %eq3A_22 : i32
      %convert_element_type3A_24 = arith.extui %eq3A_23 : i1 to i32
      %cond3A_25 = arith.constant 0 : i32
      %cond3A_26 = arith.cmpi ne, %convert_element_type3A_24, %cond3A_25 : i32
      scf.if %cond3A_26 {
        "tpu.region"() ({
          %run_scoped3A = tpu.sem_alloc : memref<!tpu.dma_semaphore, #tpu.memory_space<semaphore_mem>>
          %dma_start3A = arith.constant 9984 : i32
          %dma_start3A_41 = arith.constant 0 : i32
          %dma_start3A_42 = tpu.memref_slice %arg15[%dma_start3A, %dma_start3A_41] : memref<10016x128xf32, #tpu.memory_space<vmem_shared>> -> memref<16x128xf32, #tpu.memory_space<vmem_shared>>
          %dma_start3A_43 = arith.constant 9984 : i32
          %dma_start3A_44 = arith.constant 0 : i32
          %dma_start3A_45 = tpu.memref_slice %arg5[%dma_start3A_43, %dma_start3A_44] : memref<10000x128xf32, #tpu.memory_space<hbm>> -> memref<16x128xf32, #tpu.memory_space<hbm>>
          tpu.enqueue_dma source(%dma_start3A_45 : memref<16x128xf32, #tpu.memory_space<hbm>>) target(%dma_start3A_42 : memref<16x128xf32, #tpu.memory_space<vmem_shared>>) target_semaphore(%run_scoped3A : memref<!tpu.dma_semaphore, #tpu.memory_space<semaphore_mem>>)
          %dma_wait3A = arith.constant 9984 : i32
          %dma_wait3A_46 = arith.constant 0 : i32
          %dma_wait3A_47 = tpu.memref_slice %arg15[%dma_wait3A, %dma_wait3A_46] : memref<10016x128xf32, #tpu.memory_space<vmem_shared>> -> memref<16x128xf32, #tpu.memory_space<vmem_shared>>
          %dma_wait3A_48 = arith.constant 9984 : i32
          %dma_wait3A_49 = arith.constant 0 : i32
          %dma_wait3A_50 = tpu.memref_slice %arg5[%dma_wait3A_48, %dma_wait3A_49] : memref<10000x128xf32, #tpu.memory_space<hbm>> -> memref<16x128xf32, #tpu.memory_space<hbm>>
          tpu.wait_dma2 semaphore(%run_scoped3A : memref<!tpu.dma_semaphore, #tpu.memory_space<semaphore_mem>>) src(%dma_wait3A_50 : memref<16x128xf32, #tpu.memory_space<hbm>>) dst(%dma_wait3A_47 : memref<16x128xf32, #tpu.memory_space<vmem_shared>>)
          tpu.yield
        }) : () -> ()
      } else {
      }
      %barrier3A_27 = arith.constant 0 : index
      tpu.barrier barrier_id(%barrier3A_27)
      %scan3A_28 = arith.constant 0 : i32
      %scan3A_29 = arith.constant 0 : i32
      %scan3A_30 = arith.constant 79 : i32
      %scan3A_31 = arith.addi %scan3A_29, %scan3A_30 : i32
      %scan3A_32 = arith.constant 1 : i32
      scf.for %scan3A_41 = %scan3A_29 to %scan3A_31 step %scan3A_32  : i32 {
        %mul3A_42 = arith.constant 128 : i32
        %mul3A_43 = arith.muli %scan3A_41, %mul3A_42 : i32
        %add3A = arith.addi %mul3A_2, %mul3A_43 : i32
        %multiple_of3A_44 = tpu.assume_multiple %add3A, 8 : i32
        "tpu.region"() ({
          %run_scoped3A = tpu.sem_alloc : memref<!tpu.dma_semaphore, #tpu.memory_space<semaphore_mem>>
          %dma_start3A_49 = tpu.memref_slice %arg6[%multiple_of3A_44] : memref<161792xi32, #tpu.memory_space<hbm>> -> memref<128xi32, #tpu.memory_space<hbm>>
          %dma_start3A_50 = tpu.memref_slice %arg6[%multiple_of3A_44] : memref<161792xi32, #tpu.memory_space<hbm>> -> memref<128xi32, #tpu.memory_space<hbm>>
          tpu.enqueue_dma source(%dma_start3A_50 : memref<128xi32, #tpu.memory_space<hbm>>) target(%arg12 : memref<128xi32, #tpu.memory_space<vmem>>) target_semaphore(%run_scoped3A : memref<!tpu.dma_semaphore, #tpu.memory_space<semaphore_mem>>)
          %dma_wait3A_51 = tpu.memref_slice %arg6[%multiple_of3A_44] : memref<161792xi32, #tpu.memory_space<hbm>> -> memref<128xi32, #tpu.memory_space<hbm>>
          %dma_wait3A_52 = tpu.memref_slice %arg6[%multiple_of3A_44] : memref<161792xi32, #tpu.memory_space<hbm>> -> memref<128xi32, #tpu.memory_space<hbm>>
          tpu.wait_dma2 semaphore(%run_scoped3A : memref<!tpu.dma_semaphore, #tpu.memory_space<semaphore_mem>>) src(%dma_wait3A_52 : memref<128xi32, #tpu.memory_space<hbm>>) dst(%arg12 : memref<128xi32, #tpu.memory_space<vmem>>)
          tpu.yield
        }) : () -> ()
        "tpu.region"() ({
          %run_scoped3A = tpu.sem_alloc : memref<!tpu.dma_semaphore, #tpu.memory_space<semaphore_mem>>
          %dma_start3A_49 = tpu.memref_slice %arg7[%multiple_of3A_44] : memref<161792xi32, #tpu.memory_space<hbm>> -> memref<128xi32, #tpu.memory_space<hbm>>
          %dma_start3A_50 = tpu.memref_slice %arg7[%multiple_of3A_44] : memref<161792xi32, #tpu.memory_space<hbm>> -> memref<128xi32, #tpu.memory_space<hbm>>
          tpu.enqueue_dma source(%dma_start3A_50 : memref<128xi32, #tpu.memory_space<hbm>>) target(%arg13 : memref<128xi32, #tpu.memory_space<vmem>>) target_semaphore(%run_scoped3A : memref<!tpu.dma_semaphore, #tpu.memory_space<semaphore_mem>>)
          %dma_wait3A_51 = tpu.memref_slice %arg7[%multiple_of3A_44] : memref<161792xi32, #tpu.memory_space<hbm>> -> memref<128xi32, #tpu.memory_space<hbm>>
          %dma_wait3A_52 = tpu.memref_slice %arg7[%multiple_of3A_44] : memref<161792xi32, #tpu.memory_space<hbm>> -> memref<128xi32, #tpu.memory_space<hbm>>
          tpu.wait_dma2 semaphore(%run_scoped3A : memref<!tpu.dma_semaphore, #tpu.memory_space<semaphore_mem>>) src(%dma_wait3A_52 : memref<128xi32, #tpu.memory_space<hbm>>) dst(%arg13 : memref<128xi32, #tpu.memory_space<vmem>>)
          tpu.yield
        }) : () -> ()
        %dma_start3A = arith.constant 0 : i32
        %dma_start3A_45 = arith.constant 0 : i32
        %dma_start3A_46 = tpu.memref_slice %arg5[%dma_start3A, %dma_start3A_45] : memref<10000x128xf32, #tpu.memory_space<hbm>> -> memref<10000x128xf32, #tpu.memory_space<hbm>>
        tpu.enqueue_indirect_dma source(%dma_start3A_46 : memref<10000x128xf32, #tpu.memory_space<hbm>>) target(%arg14 : memref<128x128xf32, #tpu.memory_space<vmem>>) offsets(%arg12 : memref<128xi32, #tpu.memory_space<vmem>>) semaphore(%arg16 : memref<!tpu.dma_semaphore, #tpu.memory_space<semaphore_mem>>)
        %dma_wait3A = arith.constant 0 : i32
        %dma_wait3A_47 = arith.constant 0 : i32
        %dma_wait3A_48 = tpu.memref_slice %arg5[%dma_wait3A, %dma_wait3A_47] : memref<10000x128xf32, #tpu.memory_space<hbm>> -> memref<10000x128xf32, #tpu.memory_space<hbm>>
        tpu.wait_indirect_dma semaphore(%arg16 : memref<!tpu.dma_semaphore, #tpu.memory_space<semaphore_mem>>) src(%dma_wait3A_48 : memref<10000x128xf32, #tpu.memory_space<hbm>>) dst(%arg14 : memref<128x128xf32, #tpu.memory_space<vmem>>)
        "tpu.region"() ({
          %run_scoped3A = tpu.sem_alloc : memref<!tpu.dma_semaphore, #tpu.memory_space<semaphore_mem>>
          %dma_start3A_49 = arith.constant 0 : i32
          %dma_start3A_50 = arith.constant 0 : i32
          %dma_start3A_51 = tpu.memref_slice %arg15[%dma_start3A_49, %dma_start3A_50] : memref<10016x128xf32, #tpu.memory_space<vmem_shared>> -> memref<10016x128xf32, #tpu.memory_space<vmem_shared>>
          tpu.enqueue_indirect_dma source(%arg14 : memref<128x128xf32, #tpu.memory_space<vmem>>) target(%dma_start3A_51 : memref<10016x128xf32, #tpu.memory_space<vmem_shared>>) offsets(%arg13 : memref<128xi32, #tpu.memory_space<vmem>>) semaphore(%run_scoped3A : memref<!tpu.dma_semaphore, #tpu.memory_space<semaphore_mem>>) {add = true}
          %dma_wait3A_52 = arith.constant 0 : i32
          %dma_wait3A_53 = arith.constant 0 : i32
          %dma_wait3A_54 = tpu.memref_slice %arg15[%dma_wait3A_52, %dma_wait3A_53] : memref<10016x128xf32, #tpu.memory_space<vmem_shared>> -> memref<10016x128xf32, #tpu.memory_space<vmem_shared>>
          tpu.wait_indirect_dma semaphore(%run_scoped3A : memref<!tpu.dma_semaphore, #tpu.memory_space<semaphore_mem>>) src(%arg14 : memref<128x128xf32, #tpu.memory_space<vmem>>) dst(%dma_wait3A_54 : memref<10016x128xf32, #tpu.memory_space<vmem_shared>>)
          tpu.yield
        }) : () -> ()
      }
      %scan3A_33 = arith.constant 79 : i32
      %barrier3A_34 = arith.constant 0 : index
      tpu.barrier barrier_id(%barrier3A_34)
      "tpu.region"() ({
        %run_scoped3A = tpu.sem_alloc : memref<!tpu.dma_semaphore, #tpu.memory_space<semaphore_mem>>
        %dma_start3A = arith.constant 0 : i32
        %dma_start3A_41 = tpu.memref_slice %arg11[%multiple_of3A, %dma_start3A] : memref<10000x128xf32, #tpu.memory_space<hbm>> -> memref<624x128xf32, #tpu.memory_space<hbm>>
        %dma_start3A_42 = arith.constant 0 : i32
        %dma_start3A_43 = tpu.memref_slice %arg15[%multiple_of3A, %dma_start3A_42] : memref<10016x128xf32, #tpu.memory_space<vmem_shared>> -> memref<624x128xf32, #tpu.memory_space<vmem_shared>>
        tpu.enqueue_dma source(%dma_start3A_43 : memref<624x128xf32, #tpu.memory_space<vmem_shared>>) target(%dma_start3A_41 : memref<624x128xf32, #tpu.memory_space<hbm>>) target_semaphore(%run_scoped3A : memref<!tpu.dma_semaphore, #tpu.memory_space<semaphore_mem>>)
        %dma_wait3A = arith.constant 0 : i32
        %dma_wait3A_44 = tpu.memref_slice %arg11[%multiple_of3A, %dma_wait3A] : memref<10000x128xf32, #tpu.memory_space<hbm>> -> memref<624x128xf32, #tpu.memory_space<hbm>>
        %dma_wait3A_45 = arith.constant 0 : i32
        %dma_wait3A_46 = tpu.memref_slice %arg15[%multiple_of3A, %dma_wait3A_45] : memref<10016x128xf32, #tpu.memory_space<vmem_shared>> -> memref<624x128xf32, #tpu.memory_space<vmem_shared>>
        tpu.wait_dma2 semaphore(%run_scoped3A : memref<!tpu.dma_semaphore, #tpu.memory_space<semaphore_mem>>) src(%dma_wait3A_46 : memref<624x128xf32, #tpu.memory_space<vmem_shared>>) dst(%dma_wait3A_44 : memref<624x128xf32, #tpu.memory_space<hbm>>)
        tpu.yield
      }) : () -> ()
      %eq3A_35 = arith.constant 15 : i32
      %eq3A_36 = arith.cmpi eq, %arg1, %eq3A_35 : i32
      %convert_element_type3A_37 = arith.extui %eq3A_36 : i1 to i32
      %cond3A_38 = arith.constant 0 : i32
      %cond3A_39 = arith.cmpi ne, %convert_element_type3A_37, %cond3A_38 : i32
      scf.if %cond3A_39 {
        "tpu.region"() ({
          %run_scoped3A = tpu.sem_alloc : memref<!tpu.dma_semaphore, #tpu.memory_space<semaphore_mem>>
          %dma_start3A = arith.constant 9984 : i32
          %dma_start3A_41 = arith.constant 0 : i32
          %dma_start3A_42 = tpu.memref_slice %arg11[%dma_start3A, %dma_start3A_41] : memref<10000x128xf32, #tpu.memory_space<hbm>> -> memref<16x128xf32, #tpu.memory_space<hbm>>
          %dma_start3A_43 = arith.constant 9984 : i32
          %dma_start3A_44 = arith.constant 0 : i32
          %dma_start3A_45 = tpu.memref_slice %arg15[%dma_start3A_43, %dma_start3A_44] : memref<10016x128xf32, #tpu.memory_space<vmem_shared>> -> memref<16x128xf32, #tpu.memory_space<vmem_shared>>
          tpu.enqueue_dma source(%dma_start3A_45 : memref<16x128xf32, #tpu.memory_space<vmem_shared>>) target(%dma_start3A_42 : memref<16x128xf32, #tpu.memory_space<hbm>>) target_semaphore(%run_scoped3A : memref<!tpu.dma_semaphore, #tpu.memory_space<semaphore_mem>>)
          %dma_wait3A = arith.constant 9984 : i32
          %dma_wait3A_46 = arith.constant 0 : i32
          %dma_wait3A_47 = tpu.memref_slice %arg11[%dma_wait3A, %dma_wait3A_46] : memref<10000x128xf32, #tpu.memory_space<hbm>> -> memref<16x128xf32, #tpu.memory_space<hbm>>
          %dma_wait3A_48 = arith.constant 9984 : i32
          %dma_wait3A_49 = arith.constant 0 : i32
          %dma_wait3A_50 = tpu.memref_slice %arg15[%dma_wait3A_48, %dma_wait3A_49] : memref<10016x128xf32, #tpu.memory_space<vmem_shared>> -> memref<16x128xf32, #tpu.memory_space<vmem_shared>>
          tpu.wait_dma2 semaphore(%run_scoped3A : memref<!tpu.dma_semaphore, #tpu.memory_space<semaphore_mem>>) src(%dma_wait3A_50 : memref<16x128xf32, #tpu.memory_space<vmem_shared>>) dst(%dma_wait3A_47 : memref<16x128xf32, #tpu.memory_space<hbm>>)
          tpu.yield
        }) : () -> ()
      } else {
      }
      %barrier3A_40 = arith.constant 0 : index
      tpu.barrier barrier_id(%barrier3A_40)
    }
    return
  }
}

#map = affine_map<(d0, d1) -> (0, 0)>
#map1 = affine_map<(d0, d1) -> (0)>
module attributes {stable_mosaic.version = 14 : i64} {
  func.func @seg(%arg0: i32, %arg1: i32, %arg2: memref<10000x128xf32, #tpu.memory_space<hbm>>, %arg3: memref<10000x128xf32, #tpu.memory_space<hbm>>, %arg4: memref<10000x128xf32, #tpu.memory_space<hbm>>, %arg5: memref<10000x128xf32, #tpu.memory_space<hbm>>, %arg6: memref<161792xi32, #tpu.memory_space<hbm>>, %arg7: memref<161792xi32, #tpu.memory_space<hbm>>, %arg8: memref<10000x128xf32, #tpu.memory_space<hbm>>, %arg9: memref<10000x128xf32, #tpu.memory_space<hbm>>, %arg10: memref<10000x128xf32, #tpu.memory_space<hbm>>, %arg11: memref<10000x128xf32, #tpu.memory_space<hbm>>, %arg12: memref<128xi32, #tpu.memory_space<vmem>>, %arg13: memref<128xi32, #tpu.memory_space<vmem>>, %arg14: memref<128x128xf32, #tpu.memory_space<vmem>>, %arg15: memref<10016x128xf32, #tpu.memory_space<vmem_shared>>, %arg16: memref<!tpu.dma_semaphore, #tpu.memory_space<semaphore_mem>>) attributes {dimension_semantics = [#tpu.dimension_semantics<core_parallel>, #tpu.dimension_semantics<subcore_parallel>], iteration_bounds = array<i64: 2, 16>, scalar_prefetch = 0 : i64, scratch_operands = 5 : i64, tpu.core_type = #tpu.core_type<sc_vector_subcore>, window_params = [{transform_indices = #map}, {transform_indices = #map}, {transform_indices = #map}, {transform_indices = #map}, {transform_indices = #map1}, {transform_indices = #map1}, {transform_indices = #map}, {transform_indices = #map}, {transform_indices = #map}, {transform_indices = #map}]} {
    %mul3A = arith.constant 624 : i32
    %mul3A_0 = arith.muli %arg1, %mul3A : i32
    %multiple_of3A = tpu.assume_multiple %mul3A_0, 8 : i32
    %mul3A_1 = arith.constant 10112 : i32
    %mul3A_2 = arith.muli %arg1, %mul3A_1 : i32
    %eq3A = arith.constant 0 : i32
    %eq3A_3 = arith.cmpi eq, %arg0, %eq3A : i32
    %convert_element_type3A = arith.extui %eq3A_3 : i1 to i32
    %cond3A = arith.constant 0 : i32
    %cond3A_4 = arith.cmpi ne, %convert_element_type3A, %cond3A : i32
    scf.if %cond3A_4 {
      "tpu.region"() ({
        %run_scoped3A = tpu.sem_alloc : memref<!tpu.dma_semaphore, #tpu.memory_space<semaphore_mem>>
        %dma_start3A = arith.constant 0 : i32
        %dma_start3A_41 = tpu.memref_slice %arg15[%multiple_of3A, %dma_start3A] : memref<10016x128xf32, #tpu.memory_space<vmem_shared>> -> memref<624x128xf32, #tpu.memory_space<vmem_shared>>
        %dma_start3A_42 = arith.constant 0 : i32
        %dma_start3A_43 = tpu.memref_slice %arg2[%multiple_of3A, %dma_start3A_42] : memref<10000x128xf32, #tpu.memory_space<hbm>> -> memref<624x128xf32, #tpu.memory_space<hbm>>
        tpu.enqueue_dma source(%dma_start3A_43 : memref<624x128xf32, #tpu.memory_space<hbm>>) target(%dma_start3A_41 : memref<624x128xf32, #tpu.memory_space<vmem_shared>>) target_semaphore(%run_scoped3A : memref<!tpu.dma_semaphore, #tpu.memory_space<semaphore_mem>>)
        %dma_wait3A = arith.constant 0 : i32
        %dma_wait3A_44 = tpu.memref_slice %arg15[%multiple_of3A, %dma_wait3A] : memref<10016x128xf32, #tpu.memory_space<vmem_shared>> -> memref<624x128xf32, #tpu.memory_space<vmem_shared>>
        %dma_wait3A_45 = arith.constant 0 : i32
        %dma_wait3A_46 = tpu.memref_slice %arg2[%multiple_of3A, %dma_wait3A_45] : memref<10000x128xf32, #tpu.memory_space<hbm>> -> memref<624x128xf32, #tpu.memory_space<hbm>>
        tpu.wait_dma2 semaphore(%run_scoped3A : memref<!tpu.dma_semaphore, #tpu.memory_space<semaphore_mem>>) src(%dma_wait3A_46 : memref<624x128xf32, #tpu.memory_space<hbm>>) dst(%dma_wait3A_44 : memref<624x128xf32, #tpu.memory_space<vmem_shared>>)
        tpu.yield
      }) : () -> ()
      %eq3A_5 = arith.constant 15 : i32
      %eq3A_6 = arith.cmpi eq, %arg1, %eq3A_5 : i32
      %convert_element_type3A_7 = arith.extui %eq3A_6 : i1 to i32
      %cond3A_8 = arith.constant 0 : i32
      %cond3A_9 = arith.cmpi ne, %convert_element_type3A_7, %cond3A_8 : i32
      scf.if %cond3A_9 {
        "tpu.region"() ({
          %run_scoped3A = tpu.sem_alloc : memref<!tpu.dma_semaphore, #tpu.memory_space<semaphore_mem>>
          %dma_start3A = arith.constant 9984 : i32
          %dma_start3A_41 = arith.constant 0 : i32
          %dma_start3A_42 = tpu.memref_slice %arg15[%dma_start3A, %dma_start3A_41] : memref<10016x128xf32, #tpu.memory_space<vmem_shared>> -> memref<16x128xf32, #tpu.memory_space<vmem_shared>>
          %dma_start3A_43 = arith.constant 9984 : i32
          %dma_start3A_44 = arith.constant 0 : i32
          %dma_start3A_45 = tpu.memref_slice %arg2[%dma_start3A_43, %dma_start3A_44] : memref<10000x128xf32, #tpu.memory_space<hbm>> -> memref<16x128xf32, #tpu.memory_space<hbm>>
          tpu.enqueue_dma source(%dma_start3A_45 : memref<16x128xf32, #tpu.memory_space<hbm>>) target(%dma_start3A_42 : memref<16x128xf32, #tpu.memory_space<vmem_shared>>) target_semaphore(%run_scoped3A : memref<!tpu.dma_semaphore, #tpu.memory_space<semaphore_mem>>)
          %dma_wait3A = arith.constant 9984 : i32
          %dma_wait3A_46 = arith.constant 0 : i32
          %dma_wait3A_47 = tpu.memref_slice %arg15[%dma_wait3A, %dma_wait3A_46] : memref<10016x128xf32, #tpu.memory_space<vmem_shared>> -> memref<16x128xf32, #tpu.memory_space<vmem_shared>>
          %dma_wait3A_48 = arith.constant 9984 : i32
          %dma_wait3A_49 = arith.constant 0 : i32
          %dma_wait3A_50 = tpu.memref_slice %arg2[%dma_wait3A_48, %dma_wait3A_49] : memref<10000x128xf32, #tpu.memory_space<hbm>> -> memref<16x128xf32, #tpu.memory_space<hbm>>
          tpu.wait_dma2 semaphore(%run_scoped3A : memref<!tpu.dma_semaphore, #tpu.memory_space<semaphore_mem>>) src(%dma_wait3A_50 : memref<16x128xf32, #tpu.memory_space<hbm>>) dst(%dma_wait3A_47 : memref<16x128xf32, #tpu.memory_space<vmem_shared>>)
          tpu.yield
        }) : () -> ()
      } else {
      }
      %barrier3A = arith.constant 0 : index
      tpu.barrier barrier_id(%barrier3A)
      %scan3A = arith.constant 0 : i32
      %scan3A_10 = arith.constant 0 : i32
      %scan3A_11 = arith.constant 79 : i32
      %scan3A_12 = arith.addi %scan3A_10, %scan3A_11 : i32
      %scan3A_13 = arith.constant 1 : i32
      scf.for %scan3A_41 = %scan3A_10 to %scan3A_12 step %scan3A_13  : i32 {
        %mul3A_42 = arith.constant 128 : i32
        %mul3A_43 = arith.muli %scan3A_41, %mul3A_42 : i32
        %add3A = arith.addi %mul3A_2, %mul3A_43 : i32
        %multiple_of3A_44 = tpu.assume_multiple %add3A, 8 : i32
        "tpu.region"() ({
          %run_scoped3A = tpu.sem_alloc : memref<!tpu.dma_semaphore, #tpu.memory_space<semaphore_mem>>
          %dma_start3A_49 = tpu.memref_slice %arg6[%multiple_of3A_44] : memref<161792xi32, #tpu.memory_space<hbm>> -> memref<128xi32, #tpu.memory_space<hbm>>
          %dma_start3A_50 = tpu.memref_slice %arg6[%multiple_of3A_44] : memref<161792xi32, #tpu.memory_space<hbm>> -> memref<128xi32, #tpu.memory_space<hbm>>
          tpu.enqueue_dma source(%dma_start3A_50 : memref<128xi32, #tpu.memory_space<hbm>>) target(%arg12 : memref<128xi32, #tpu.memory_space<vmem>>) target_semaphore(%run_scoped3A : memref<!tpu.dma_semaphore, #tpu.memory_space<semaphore_mem>>)
          %dma_wait3A_51 = tpu.memref_slice %arg6[%multiple_of3A_44] : memref<161792xi32, #tpu.memory_space<hbm>> -> memref<128xi32, #tpu.memory_space<hbm>>
          %dma_wait3A_52 = tpu.memref_slice %arg6[%multiple_of3A_44] : memref<161792xi32, #tpu.memory_space<hbm>> -> memref<128xi32, #tpu.memory_space<hbm>>
          tpu.wait_dma2 semaphore(%run_scoped3A : memref<!tpu.dma_semaphore, #tpu.memory_space<semaphore_mem>>) src(%dma_wait3A_52 : memref<128xi32, #tpu.memory_space<hbm>>) dst(%arg12 : memref<128xi32, #tpu.memory_space<vmem>>)
          tpu.yield
        }) : () -> ()
        "tpu.region"() ({
          %run_scoped3A = tpu.sem_alloc : memref<!tpu.dma_semaphore, #tpu.memory_space<semaphore_mem>>
          %dma_start3A_49 = tpu.memref_slice %arg7[%multiple_of3A_44] : memref<161792xi32, #tpu.memory_space<hbm>> -> memref<128xi32, #tpu.memory_space<hbm>>
          %dma_start3A_50 = tpu.memref_slice %arg7[%multiple_of3A_44] : memref<161792xi32, #tpu.memory_space<hbm>> -> memref<128xi32, #tpu.memory_space<hbm>>
          tpu.enqueue_dma source(%dma_start3A_50 : memref<128xi32, #tpu.memory_space<hbm>>) target(%arg13 : memref<128xi32, #tpu.memory_space<vmem>>) target_semaphore(%run_scoped3A : memref<!tpu.dma_semaphore, #tpu.memory_space<semaphore_mem>>)
          %dma_wait3A_51 = tpu.memref_slice %arg7[%multiple_of3A_44] : memref<161792xi32, #tpu.memory_space<hbm>> -> memref<128xi32, #tpu.memory_space<hbm>>
          %dma_wait3A_52 = tpu.memref_slice %arg7[%multiple_of3A_44] : memref<161792xi32, #tpu.memory_space<hbm>> -> memref<128xi32, #tpu.memory_space<hbm>>
          tpu.wait_dma2 semaphore(%run_scoped3A : memref<!tpu.dma_semaphore, #tpu.memory_space<semaphore_mem>>) src(%dma_wait3A_52 : memref<128xi32, #tpu.memory_space<hbm>>) dst(%arg13 : memref<128xi32, #tpu.memory_space<vmem>>)
          tpu.yield
        }) : () -> ()
        %dma_start3A = arith.constant 0 : i32
        %dma_start3A_45 = arith.constant 0 : i32
        %dma_start3A_46 = tpu.memref_slice %arg2[%dma_start3A, %dma_start3A_45] : memref<10000x128xf32, #tpu.memory_space<hbm>> -> memref<10000x128xf32, #tpu.memory_space<hbm>>
        tpu.enqueue_indirect_dma source(%dma_start3A_46 : memref<10000x128xf32, #tpu.memory_space<hbm>>) target(%arg14 : memref<128x128xf32, #tpu.memory_space<vmem>>) offsets(%arg12 : memref<128xi32, #tpu.memory_space<vmem>>) semaphore(%arg16 : memref<!tpu.dma_semaphore, #tpu.memory_space<semaphore_mem>>)
        %dma_wait3A = arith.constant 0 : i32
        %dma_wait3A_47 = arith.constant 0 : i32
        %dma_wait3A_48 = tpu.memref_slice %arg2[%dma_wait3A, %dma_wait3A_47] : memref<10000x128xf32, #tpu.memory_space<hbm>> -> memref<10000x128xf32, #tpu.memory_space<hbm>>
        tpu.wait_indirect_dma semaphore(%arg16 : memref<!tpu.dma_semaphore, #tpu.memory_space<semaphore_mem>>) src(%dma_wait3A_48 : memref<10000x128xf32, #tpu.memory_space<hbm>>) dst(%arg14 : memref<128x128xf32, #tpu.memory_space<vmem>>)
        "tpu.region"() ({
          %run_scoped3A = tpu.sem_alloc : memref<!tpu.dma_semaphore, #tpu.memory_space<semaphore_mem>>
          %dma_start3A_49 = arith.constant 0 : i32
          %dma_start3A_50 = arith.constant 0 : i32
          %dma_start3A_51 = tpu.memref_slice %arg15[%dma_start3A_49, %dma_start3A_50] : memref<10016x128xf32, #tpu.memory_space<vmem_shared>> -> memref<10016x128xf32, #tpu.memory_space<vmem_shared>>
          tpu.enqueue_indirect_dma source(%arg14 : memref<128x128xf32, #tpu.memory_space<vmem>>) target(%dma_start3A_51 : memref<10016x128xf32, #tpu.memory_space<vmem_shared>>) offsets(%arg13 : memref<128xi32, #tpu.memory_space<vmem>>) semaphore(%run_scoped3A : memref<!tpu.dma_semaphore, #tpu.memory_space<semaphore_mem>>) {add = true}
          %dma_wait3A_52 = arith.constant 0 : i32
          %dma_wait3A_53 = arith.constant 0 : i32
          %dma_wait3A_54 = tpu.memref_slice %arg15[%dma_wait3A_52, %dma_wait3A_53] : memref<10016x128xf32, #tpu.memory_space<vmem_shared>> -> memref<10016x128xf32, #tpu.memory_space<vmem_shared>>
          tpu.wait_indirect_dma semaphore(%run_scoped3A : memref<!tpu.dma_semaphore, #tpu.memory_space<semaphore_mem>>) src(%arg14 : memref<128x128xf32, #tpu.memory_space<vmem>>) dst(%dma_wait3A_54 : memref<10016x128xf32, #tpu.memory_space<vmem_shared>>)
          tpu.yield
        }) : () -> ()
      }
      %scan3A_14 = arith.constant 79 : i32
      %barrier3A_15 = arith.constant 0 : index
      tpu.barrier barrier_id(%barrier3A_15)
      "tpu.region"() ({
        %run_scoped3A = tpu.sem_alloc : memref<!tpu.dma_semaphore, #tpu.memory_space<semaphore_mem>>
        %dma_start3A = arith.constant 0 : i32
        %dma_start3A_41 = tpu.memref_slice %arg8[%multiple_of3A, %dma_start3A] : memref<10000x128xf32, #tpu.memory_space<hbm>> -> memref<624x128xf32, #tpu.memory_space<hbm>>
        %dma_start3A_42 = arith.constant 0 : i32
        %dma_start3A_43 = tpu.memref_slice %arg15[%multiple_of3A, %dma_start3A_42] : memref<10016x128xf32, #tpu.memory_space<vmem_shared>> -> memref<624x128xf32, #tpu.memory_space<vmem_shared>>
        tpu.enqueue_dma source(%dma_start3A_43 : memref<624x128xf32, #tpu.memory_space<vmem_shared>>) target(%dma_start3A_41 : memref<624x128xf32, #tpu.memory_space<hbm>>) target_semaphore(%run_scoped3A : memref<!tpu.dma_semaphore, #tpu.memory_space<semaphore_mem>>)
        %dma_wait3A = arith.constant 0 : i32
        %dma_wait3A_44 = tpu.memref_slice %arg8[%multiple_of3A, %dma_wait3A] : memref<10000x128xf32, #tpu.memory_space<hbm>> -> memref<624x128xf32, #tpu.memory_space<hbm>>
        %dma_wait3A_45 = arith.constant 0 : i32
        %dma_wait3A_46 = tpu.memref_slice %arg15[%multiple_of3A, %dma_wait3A_45] : memref<10016x128xf32, #tpu.memory_space<vmem_shared>> -> memref<624x128xf32, #tpu.memory_space<vmem_shared>>
        tpu.wait_dma2 semaphore(%run_scoped3A : memref<!tpu.dma_semaphore, #tpu.memory_space<semaphore_mem>>) src(%dma_wait3A_46 : memref<624x128xf32, #tpu.memory_space<vmem_shared>>) dst(%dma_wait3A_44 : memref<624x128xf32, #tpu.memory_space<hbm>>)
        tpu.yield
      }) : () -> ()
      %eq3A_16 = arith.constant 15 : i32
      %eq3A_17 = arith.cmpi eq, %arg1, %eq3A_16 : i32
      %convert_element_type3A_18 = arith.extui %eq3A_17 : i1 to i32
      %cond3A_19 = arith.constant 0 : i32
      %cond3A_20 = arith.cmpi ne, %convert_element_type3A_18, %cond3A_19 : i32
      scf.if %cond3A_20 {
        "tpu.region"() ({
          %run_scoped3A = tpu.sem_alloc : memref<!tpu.dma_semaphore, #tpu.memory_space<semaphore_mem>>
          %dma_start3A = arith.constant 9984 : i32
          %dma_start3A_41 = arith.constant 0 : i32
          %dma_start3A_42 = tpu.memref_slice %arg8[%dma_start3A, %dma_start3A_41] : memref<10000x128xf32, #tpu.memory_space<hbm>> -> memref<16x128xf32, #tpu.memory_space<hbm>>
          %dma_start3A_43 = arith.constant 9984 : i32
          %dma_start3A_44 = arith.constant 0 : i32
          %dma_start3A_45 = tpu.memref_slice %arg15[%dma_start3A_43, %dma_start3A_44] : memref<10016x128xf32, #tpu.memory_space<vmem_shared>> -> memref<16x128xf32, #tpu.memory_space<vmem_shared>>
          tpu.enqueue_dma source(%dma_start3A_45 : memref<16x128xf32, #tpu.memory_space<vmem_shared>>) target(%dma_start3A_42 : memref<16x128xf32, #tpu.memory_space<hbm>>) target_semaphore(%run_scoped3A : memref<!tpu.dma_semaphore, #tpu.memory_space<semaphore_mem>>)
          %dma_wait3A = arith.constant 9984 : i32
          %dma_wait3A_46 = arith.constant 0 : i32
          %dma_wait3A_47 = tpu.memref_slice %arg8[%dma_wait3A, %dma_wait3A_46] : memref<10000x128xf32, #tpu.memory_space<hbm>> -> memref<16x128xf32, #tpu.memory_space<hbm>>
          %dma_wait3A_48 = arith.constant 9984 : i32
          %dma_wait3A_49 = arith.constant 0 : i32
          %dma_wait3A_50 = tpu.memref_slice %arg15[%dma_wait3A_48, %dma_wait3A_49] : memref<10016x128xf32, #tpu.memory_space<vmem_shared>> -> memref<16x128xf32, #tpu.memory_space<vmem_shared>>
          tpu.wait_dma2 semaphore(%run_scoped3A : memref<!tpu.dma_semaphore, #tpu.memory_space<semaphore_mem>>) src(%dma_wait3A_50 : memref<16x128xf32, #tpu.memory_space<vmem_shared>>) dst(%dma_wait3A_47 : memref<16x128xf32, #tpu.memory_space<hbm>>)
          tpu.yield
        }) : () -> ()
      } else {
      }
      %barrier3A_21 = arith.constant 0 : index
      tpu.barrier barrier_id(%barrier3A_21)
      "tpu.region"() ({
        %run_scoped3A = tpu.sem_alloc : memref<!tpu.dma_semaphore, #tpu.memory_space<semaphore_mem>>
        %dma_start3A = arith.constant 0 : i32
        %dma_start3A_41 = tpu.memref_slice %arg15[%multiple_of3A, %dma_start3A] : memref<10016x128xf32, #tpu.memory_space<vmem_shared>> -> memref<624x128xf32, #tpu.memory_space<vmem_shared>>
        %dma_start3A_42 = arith.constant 0 : i32
        %dma_start3A_43 = tpu.memref_slice %arg3[%multiple_of3A, %dma_start3A_42] : memref<10000x128xf32, #tpu.memory_space<hbm>> -> memref<624x128xf32, #tpu.memory_space<hbm>>
        tpu.enqueue_dma source(%dma_start3A_43 : memref<624x128xf32, #tpu.memory_space<hbm>>) target(%dma_start3A_41 : memref<624x128xf32, #tpu.memory_space<vmem_shared>>) target_semaphore(%run_scoped3A : memref<!tpu.dma_semaphore, #tpu.memory_space<semaphore_mem>>)
        %dma_wait3A = arith.constant 0 : i32
        %dma_wait3A_44 = tpu.memref_slice %arg15[%multiple_of3A, %dma_wait3A] : memref<10016x128xf32, #tpu.memory_space<vmem_shared>> -> memref<624x128xf32, #tpu.memory_space<vmem_shared>>
        %dma_wait3A_45 = arith.constant 0 : i32
        %dma_wait3A_46 = tpu.memref_slice %arg3[%multiple_of3A, %dma_wait3A_45] : memref<10000x128xf32, #tpu.memory_space<hbm>> -> memref<624x128xf32, #tpu.memory_space<hbm>>
        tpu.wait_dma2 semaphore(%run_scoped3A : memref<!tpu.dma_semaphore, #tpu.memory_space<semaphore_mem>>) src(%dma_wait3A_46 : memref<624x128xf32, #tpu.memory_space<hbm>>) dst(%dma_wait3A_44 : memref<624x128xf32, #tpu.memory_space<vmem_shared>>)
        tpu.yield
      }) : () -> ()
      %eq3A_22 = arith.constant 15 : i32
      %eq3A_23 = arith.cmpi eq, %arg1, %eq3A_22 : i32
      %convert_element_type3A_24 = arith.extui %eq3A_23 : i1 to i32
      %cond3A_25 = arith.constant 0 : i32
      %cond3A_26 = arith.cmpi ne, %convert_element_type3A_24, %cond3A_25 : i32
      scf.if %cond3A_26 {
        "tpu.region"() ({
          %run_scoped3A = tpu.sem_alloc : memref<!tpu.dma_semaphore, #tpu.memory_space<semaphore_mem>>
          %dma_start3A = arith.constant 9984 : i32
          %dma_start3A_41 = arith.constant 0 : i32
          %dma_start3A_42 = tpu.memref_slice %arg15[%dma_start3A, %dma_start3A_41] : memref<10016x128xf32, #tpu.memory_space<vmem_shared>> -> memref<16x128xf32, #tpu.memory_space<vmem_shared>>
          %dma_start3A_43 = arith.constant 9984 : i32
          %dma_start3A_44 = arith.constant 0 : i32
          %dma_start3A_45 = tpu.memref_slice %arg3[%dma_start3A_43, %dma_start3A_44] : memref<10000x128xf32, #tpu.memory_space<hbm>> -> memref<16x128xf32, #tpu.memory_space<hbm>>
          tpu.enqueue_dma source(%dma_start3A_45 : memref<16x128xf32, #tpu.memory_space<hbm>>) target(%dma_start3A_42 : memref<16x128xf32, #tpu.memory_space<vmem_shared>>) target_semaphore(%run_scoped3A : memref<!tpu.dma_semaphore, #tpu.memory_space<semaphore_mem>>)
          %dma_wait3A = arith.constant 9984 : i32
          %dma_wait3A_46 = arith.constant 0 : i32
          %dma_wait3A_47 = tpu.memref_slice %arg15[%dma_wait3A, %dma_wait3A_46] : memref<10016x128xf32, #tpu.memory_space<vmem_shared>> -> memref<16x128xf32, #tpu.memory_space<vmem_shared>>
          %dma_wait3A_48 = arith.constant 9984 : i32
          %dma_wait3A_49 = arith.constant 0 : i32
          %dma_wait3A_50 = tpu.memref_slice %arg3[%dma_wait3A_48, %dma_wait3A_49] : memref<10000x128xf32, #tpu.memory_space<hbm>> -> memref<16x128xf32, #tpu.memory_space<hbm>>
          tpu.wait_dma2 semaphore(%run_scoped3A : memref<!tpu.dma_semaphore, #tpu.memory_space<semaphore_mem>>) src(%dma_wait3A_50 : memref<16x128xf32, #tpu.memory_space<hbm>>) dst(%dma_wait3A_47 : memref<16x128xf32, #tpu.memory_space<vmem_shared>>)
          tpu.yield
        }) : () -> ()
      } else {
      }
      %barrier3A_27 = arith.constant 0 : index
      tpu.barrier barrier_id(%barrier3A_27)
      %scan3A_28 = arith.constant 0 : i32
      %scan3A_29 = arith.constant 0 : i32
      %scan3A_30 = arith.constant 79 : i32
      %scan3A_31 = arith.addi %scan3A_29, %scan3A_30 : i32
      %scan3A_32 = arith.constant 1 : i32
      scf.for %scan3A_41 = %scan3A_29 to %scan3A_31 step %scan3A_32  : i32 {
        %mul3A_42 = arith.constant 128 : i32
        %mul3A_43 = arith.muli %scan3A_41, %mul3A_42 : i32
        %add3A = arith.addi %mul3A_2, %mul3A_43 : i32
        %multiple_of3A_44 = tpu.assume_multiple %add3A, 8 : i32
        "tpu.region"() ({
          %run_scoped3A = tpu.sem_alloc : memref<!tpu.dma_semaphore, #tpu.memory_space<semaphore_mem>>
          %dma_start3A_49 = tpu.memref_slice %arg6[%multiple_of3A_44] : memref<161792xi32, #tpu.memory_space<hbm>> -> memref<128xi32, #tpu.memory_space<hbm>>
          %dma_start3A_50 = tpu.memref_slice %arg6[%multiple_of3A_44] : memref<161792xi32, #tpu.memory_space<hbm>> -> memref<128xi32, #tpu.memory_space<hbm>>
          tpu.enqueue_dma source(%dma_start3A_50 : memref<128xi32, #tpu.memory_space<hbm>>) target(%arg12 : memref<128xi32, #tpu.memory_space<vmem>>) target_semaphore(%run_scoped3A : memref<!tpu.dma_semaphore, #tpu.memory_space<semaphore_mem>>)
          %dma_wait3A_51 = tpu.memref_slice %arg6[%multiple_of3A_44] : memref<161792xi32, #tpu.memory_space<hbm>> -> memref<128xi32, #tpu.memory_space<hbm>>
          %dma_wait3A_52 = tpu.memref_slice %arg6[%multiple_of3A_44] : memref<161792xi32, #tpu.memory_space<hbm>> -> memref<128xi32, #tpu.memory_space<hbm>>
          tpu.wait_dma2 semaphore(%run_scoped3A : memref<!tpu.dma_semaphore, #tpu.memory_space<semaphore_mem>>) src(%dma_wait3A_52 : memref<128xi32, #tpu.memory_space<hbm>>) dst(%arg12 : memref<128xi32, #tpu.memory_space<vmem>>)
          tpu.yield
        }) : () -> ()
        "tpu.region"() ({
          %run_scoped3A = tpu.sem_alloc : memref<!tpu.dma_semaphore, #tpu.memory_space<semaphore_mem>>
          %dma_start3A_49 = tpu.memref_slice %arg7[%multiple_of3A_44] : memref<161792xi32, #tpu.memory_space<hbm>> -> memref<128xi32, #tpu.memory_space<hbm>>
          %dma_start3A_50 = tpu.memref_slice %arg7[%multiple_of3A_44] : memref<161792xi32, #tpu.memory_space<hbm>> -> memref<128xi32, #tpu.memory_space<hbm>>
          tpu.enqueue_dma source(%dma_start3A_50 : memref<128xi32, #tpu.memory_space<hbm>>) target(%arg13 : memref<128xi32, #tpu.memory_space<vmem>>) target_semaphore(%run_scoped3A : memref<!tpu.dma_semaphore, #tpu.memory_space<semaphore_mem>>)
          %dma_wait3A_51 = tpu.memref_slice %arg7[%multiple_of3A_44] : memref<161792xi32, #tpu.memory_space<hbm>> -> memref<128xi32, #tpu.memory_space<hbm>>
          %dma_wait3A_52 = tpu.memref_slice %arg7[%multiple_of3A_44] : memref<161792xi32, #tpu.memory_space<hbm>> -> memref<128xi32, #tpu.memory_space<hbm>>
          tpu.wait_dma2 semaphore(%run_scoped3A : memref<!tpu.dma_semaphore, #tpu.memory_space<semaphore_mem>>) src(%dma_wait3A_52 : memref<128xi32, #tpu.memory_space<hbm>>) dst(%arg13 : memref<128xi32, #tpu.memory_space<vmem>>)
          tpu.yield
        }) : () -> ()
        %dma_start3A = arith.constant 0 : i32
        %dma_start3A_45 = arith.constant 0 : i32
        %dma_start3A_46 = tpu.memref_slice %arg3[%dma_start3A, %dma_start3A_45] : memref<10000x128xf32, #tpu.memory_space<hbm>> -> memref<10000x128xf32, #tpu.memory_space<hbm>>
        tpu.enqueue_indirect_dma source(%dma_start3A_46 : memref<10000x128xf32, #tpu.memory_space<hbm>>) target(%arg14 : memref<128x128xf32, #tpu.memory_space<vmem>>) offsets(%arg12 : memref<128xi32, #tpu.memory_space<vmem>>) semaphore(%arg16 : memref<!tpu.dma_semaphore, #tpu.memory_space<semaphore_mem>>)
        %dma_wait3A = arith.constant 0 : i32
        %dma_wait3A_47 = arith.constant 0 : i32
        %dma_wait3A_48 = tpu.memref_slice %arg3[%dma_wait3A, %dma_wait3A_47] : memref<10000x128xf32, #tpu.memory_space<hbm>> -> memref<10000x128xf32, #tpu.memory_space<hbm>>
        tpu.wait_indirect_dma semaphore(%arg16 : memref<!tpu.dma_semaphore, #tpu.memory_space<semaphore_mem>>) src(%dma_wait3A_48 : memref<10000x128xf32, #tpu.memory_space<hbm>>) dst(%arg14 : memref<128x128xf32, #tpu.memory_space<vmem>>)
        "tpu.region"() ({
          %run_scoped3A = tpu.sem_alloc : memref<!tpu.dma_semaphore, #tpu.memory_space<semaphore_mem>>
          %dma_start3A_49 = arith.constant 0 : i32
          %dma_start3A_50 = arith.constant 0 : i32
          %dma_start3A_51 = tpu.memref_slice %arg15[%dma_start3A_49, %dma_start3A_50] : memref<10016x128xf32, #tpu.memory_space<vmem_shared>> -> memref<10016x128xf32, #tpu.memory_space<vmem_shared>>
          tpu.enqueue_indirect_dma source(%arg14 : memref<128x128xf32, #tpu.memory_space<vmem>>) target(%dma_start3A_51 : memref<10016x128xf32, #tpu.memory_space<vmem_shared>>) offsets(%arg13 : memref<128xi32, #tpu.memory_space<vmem>>) semaphore(%run_scoped3A : memref<!tpu.dma_semaphore, #tpu.memory_space<semaphore_mem>>) {add = true}
          %dma_wait3A_52 = arith.constant 0 : i32
          %dma_wait3A_53 = arith.constant 0 : i32
          %dma_wait3A_54 = tpu.memref_slice %arg15[%dma_wait3A_52, %dma_wait3A_53] : memref<10016x128xf32, #tpu.memory_space<vmem_shared>> -> memref<10016x128xf32, #tpu.memory_space<vmem_shared>>
          tpu.wait_indirect_dma semaphore(%run_scoped3A : memref<!tpu.dma_semaphore, #tpu.memory_space<semaphore_mem>>) src(%arg14 : memref<128x128xf32, #tpu.memory_space<vmem>>) dst(%dma_wait3A_54 : memref<10016x128xf32, #tpu.memory_space<vmem_shared>>)
          tpu.yield
        }) : () -> ()
      }
      %scan3A_33 = arith.constant 79 : i32
      %barrier3A_34 = arith.constant 0 : index
      tpu.barrier barrier_id(%barrier3A_34)
      "tpu.region"() ({
        %run_scoped3A = tpu.sem_alloc : memref<!tpu.dma_semaphore, #tpu.memory_space<semaphore_mem>>
        %dma_start3A = arith.constant 0 : i32
        %dma_start3A_41 = tpu.memref_slice %arg9[%multiple_of3A, %dma_start3A] : memref<10000x128xf32, #tpu.memory_space<hbm>> -> memref<624x128xf32, #tpu.memory_space<hbm>>
        %dma_start3A_42 = arith.constant 0 : i32
        %dma_start3A_43 = tpu.memref_slice %arg15[%multiple_of3A, %dma_start3A_42] : memref<10016x128xf32, #tpu.memory_space<vmem_shared>> -> memref<624x128xf32, #tpu.memory_space<vmem_shared>>
        tpu.enqueue_dma source(%dma_start3A_43 : memref<624x128xf32, #tpu.memory_space<vmem_shared>>) target(%dma_start3A_41 : memref<624x128xf32, #tpu.memory_space<hbm>>) target_semaphore(%run_scoped3A : memref<!tpu.dma_semaphore, #tpu.memory_space<semaphore_mem>>)
        %dma_wait3A = arith.constant 0 : i32
        %dma_wait3A_44 = tpu.memref_slice %arg9[%multiple_of3A, %dma_wait3A] : memref<10000x128xf32, #tpu.memory_space<hbm>> -> memref<624x128xf32, #tpu.memory_space<hbm>>
        %dma_wait3A_45 = arith.constant 0 : i32
        %dma_wait3A_46 = tpu.memref_slice %arg15[%multiple_of3A, %dma_wait3A_45] : memref<10016x128xf32, #tpu.memory_space<vmem_shared>> -> memref<624x128xf32, #tpu.memory_space<vmem_shared>>
        tpu.wait_dma2 semaphore(%run_scoped3A : memref<!tpu.dma_semaphore, #tpu.memory_space<semaphore_mem>>) src(%dma_wait3A_46 : memref<624x128xf32, #tpu.memory_space<vmem_shared>>) dst(%dma_wait3A_44 : memref<624x128xf32, #tpu.memory_space<hbm>>)
        tpu.yield
      }) : () -> ()
      %eq3A_35 = arith.constant 15 : i32
      %eq3A_36 = arith.cmpi eq, %arg1, %eq3A_35 : i32
      %convert_element_type3A_37 = arith.extui %eq3A_36 : i1 to i32
      %cond3A_38 = arith.constant 0 : i32
      %cond3A_39 = arith.cmpi ne, %convert_element_type3A_37, %cond3A_38 : i32
      scf.if %cond3A_39 {
        "tpu.region"() ({
          %run_scoped3A = tpu.sem_alloc : memref<!tpu.dma_semaphore, #tpu.memory_space<semaphore_mem>>
          %dma_start3A = arith.constant 9984 : i32
          %dma_start3A_41 = arith.constant 0 : i32
          %dma_start3A_42 = tpu.memref_slice %arg9[%dma_start3A, %dma_start3A_41] : memref<10000x128xf32, #tpu.memory_space<hbm>> -> memref<16x128xf32, #tpu.memory_space<hbm>>
          %dma_start3A_43 = arith.constant 9984 : i32
          %dma_start3A_44 = arith.constant 0 : i32
          %dma_start3A_45 = tpu.memref_slice %arg15[%dma_start3A_43, %dma_start3A_44] : memref<10016x128xf32, #tpu.memory_space<vmem_shared>> -> memref<16x128xf32, #tpu.memory_space<vmem_shared>>
          tpu.enqueue_dma source(%dma_start3A_45 : memref<16x128xf32, #tpu.memory_space<vmem_shared>>) target(%dma_start3A_42 : memref<16x128xf32, #tpu.memory_space<hbm>>) target_semaphore(%run_scoped3A : memref<!tpu.dma_semaphore, #tpu.memory_space<semaphore_mem>>)
          %dma_wait3A = arith.constant 9984 : i32
          %dma_wait3A_46 = arith.constant 0 : i32
          %dma_wait3A_47 = tpu.memref_slice %arg9[%dma_wait3A, %dma_wait3A_46] : memref<10000x128xf32, #tpu.memory_space<hbm>> -> memref<16x128xf32, #tpu.memory_space<hbm>>
          %dma_wait3A_48 = arith.constant 9984 : i32
          %dma_wait3A_49 = arith.constant 0 : i32
          %dma_wait3A_50 = tpu.memref_slice %arg15[%dma_wait3A_48, %dma_wait3A_49] : memref<10016x128xf32, #tpu.memory_space<vmem_shared>> -> memref<16x128xf32, #tpu.memory_space<vmem_shared>>
          tpu.wait_dma2 semaphore(%run_scoped3A : memref<!tpu.dma_semaphore, #tpu.memory_space<semaphore_mem>>) src(%dma_wait3A_50 : memref<16x128xf32, #tpu.memory_space<vmem_shared>>) dst(%dma_wait3A_47 : memref<16x128xf32, #tpu.memory_space<hbm>>)
          tpu.yield
        }) : () -> ()
      } else {
      }
      %barrier3A_40 = arith.constant 0 : index
      tpu.barrier barrier_id(%barrier3A_40)
    } else {
      "tpu.region"() ({
        %run_scoped3A = tpu.sem_alloc : memref<!tpu.dma_semaphore, #tpu.memory_space<semaphore_mem>>
        %dma_start3A = arith.constant 0 : i32
        %dma_start3A_41 = tpu.memref_slice %arg15[%multiple_of3A, %dma_start3A] : memref<10016x128xf32, #tpu.memory_space<vmem_shared>> -> memref<624x128xf32, #tpu.memory_space<vmem_shared>>
        %dma_start3A_42 = arith.constant 0 : i32
        %dma_start3A_43 = tpu.memref_slice %arg4[%multiple_of3A, %dma_start3A_42] : memref<10000x128xf32, #tpu.memory_space<hbm>> -> memref<624x128xf32, #tpu.memory_space<hbm>>
        tpu.enqueue_dma source(%dma_start3A_43 : memref<624x128xf32, #tpu.memory_space<hbm>>) target(%dma_start3A_41 : memref<624x128xf32, #tpu.memory_space<vmem_shared>>) target_semaphore(%run_scoped3A : memref<!tpu.dma_semaphore, #tpu.memory_space<semaphore_mem>>)
        %dma_wait3A = arith.constant 0 : i32
        %dma_wait3A_44 = tpu.memref_slice %arg15[%multiple_of3A, %dma_wait3A] : memref<10016x128xf32, #tpu.memory_space<vmem_shared>> -> memref<624x128xf32, #tpu.memory_space<vmem_shared>>
        %dma_wait3A_45 = arith.constant 0 : i32
        %dma_wait3A_46 = tpu.memref_slice %arg4[%multiple_of3A, %dma_wait3A_45] : memref<10000x128xf32, #tpu.memory_space<hbm>> -> memref<624x128xf32, #tpu.memory_space<hbm>>
        tpu.wait_dma2 semaphore(%run_scoped3A : memref<!tpu.dma_semaphore, #tpu.memory_space<semaphore_mem>>) src(%dma_wait3A_46 : memref<624x128xf32, #tpu.memory_space<hbm>>) dst(%dma_wait3A_44 : memref<624x128xf32, #tpu.memory_space<vmem_shared>>)
        tpu.yield
      }) : () -> ()
      %eq3A_5 = arith.constant 15 : i32
      %eq3A_6 = arith.cmpi eq, %arg1, %eq3A_5 : i32
      %convert_element_type3A_7 = arith.extui %eq3A_6 : i1 to i32
      %cond3A_8 = arith.constant 0 : i32
      %cond3A_9 = arith.cmpi ne, %convert_element_type3A_7, %cond3A_8 : i32
      scf.if %cond3A_9 {
        "tpu.region"() ({
          %run_scoped3A = tpu.sem_alloc : memref<!tpu.dma_semaphore, #tpu.memory_space<semaphore_mem>>
          %dma_start3A = arith.constant 9984 : i32
          %dma_start3A_41 = arith.constant 0 : i32
          %dma_start3A_42 = tpu.memref_slice %arg15[%dma_start3A, %dma_start3A_41] : memref<10016x128xf32, #tpu.memory_space<vmem_shared>> -> memref<16x128xf32, #tpu.memory_space<vmem_shared>>
          %dma_start3A_43 = arith.constant 9984 : i32
          %dma_start3A_44 = arith.constant 0 : i32
          %dma_start3A_45 = tpu.memref_slice %arg4[%dma_start3A_43, %dma_start3A_44] : memref<10000x128xf32, #tpu.memory_space<hbm>> -> memref<16x128xf32, #tpu.memory_space<hbm>>
          tpu.enqueue_dma source(%dma_start3A_45 : memref<16x128xf32, #tpu.memory_space<hbm>>) target(%dma_start3A_42 : memref<16x128xf32, #tpu.memory_space<vmem_shared>>) target_semaphore(%run_scoped3A : memref<!tpu.dma_semaphore, #tpu.memory_space<semaphore_mem>>)
          %dma_wait3A = arith.constant 9984 : i32
          %dma_wait3A_46 = arith.constant 0 : i32
          %dma_wait3A_47 = tpu.memref_slice %arg15[%dma_wait3A, %dma_wait3A_46] : memref<10016x128xf32, #tpu.memory_space<vmem_shared>> -> memref<16x128xf32, #tpu.memory_space<vmem_shared>>
          %dma_wait3A_48 = arith.constant 9984 : i32
          %dma_wait3A_49 = arith.constant 0 : i32
          %dma_wait3A_50 = tpu.memref_slice %arg4[%dma_wait3A_48, %dma_wait3A_49] : memref<10000x128xf32, #tpu.memory_space<hbm>> -> memref<16x128xf32, #tpu.memory_space<hbm>>
          tpu.wait_dma2 semaphore(%run_scoped3A : memref<!tpu.dma_semaphore, #tpu.memory_space<semaphore_mem>>) src(%dma_wait3A_50 : memref<16x128xf32, #tpu.memory_space<hbm>>) dst(%dma_wait3A_47 : memref<16x128xf32, #tpu.memory_space<vmem_shared>>)
          tpu.yield
        }) : () -> ()
      } else {
      }
      %barrier3A = arith.constant 0 : index
      tpu.barrier barrier_id(%barrier3A)
      %scan3A = arith.constant 0 : i32
      %scan3A_10 = arith.constant 0 : i32
      %scan3A_11 = arith.constant 79 : i32
      %scan3A_12 = arith.addi %scan3A_10, %scan3A_11 : i32
      %scan3A_13 = arith.constant 1 : i32
      scf.for %scan3A_41 = %scan3A_10 to %scan3A_12 step %scan3A_13  : i32 {
        %mul3A_42 = arith.constant 128 : i32
        %mul3A_43 = arith.muli %scan3A_41, %mul3A_42 : i32
        %add3A = arith.addi %mul3A_2, %mul3A_43 : i32
        %multiple_of3A_44 = tpu.assume_multiple %add3A, 8 : i32
        "tpu.region"() ({
          %run_scoped3A = tpu.sem_alloc : memref<!tpu.dma_semaphore, #tpu.memory_space<semaphore_mem>>
          %dma_start3A_49 = tpu.memref_slice %arg6[%multiple_of3A_44] : memref<161792xi32, #tpu.memory_space<hbm>> -> memref<128xi32, #tpu.memory_space<hbm>>
          %dma_start3A_50 = tpu.memref_slice %arg6[%multiple_of3A_44] : memref<161792xi32, #tpu.memory_space<hbm>> -> memref<128xi32, #tpu.memory_space<hbm>>
          tpu.enqueue_dma source(%dma_start3A_50 : memref<128xi32, #tpu.memory_space<hbm>>) target(%arg12 : memref<128xi32, #tpu.memory_space<vmem>>) target_semaphore(%run_scoped3A : memref<!tpu.dma_semaphore, #tpu.memory_space<semaphore_mem>>)
          %dma_wait3A_51 = tpu.memref_slice %arg6[%multiple_of3A_44] : memref<161792xi32, #tpu.memory_space<hbm>> -> memref<128xi32, #tpu.memory_space<hbm>>
          %dma_wait3A_52 = tpu.memref_slice %arg6[%multiple_of3A_44] : memref<161792xi32, #tpu.memory_space<hbm>> -> memref<128xi32, #tpu.memory_space<hbm>>
          tpu.wait_dma2 semaphore(%run_scoped3A : memref<!tpu.dma_semaphore, #tpu.memory_space<semaphore_mem>>) src(%dma_wait3A_52 : memref<128xi32, #tpu.memory_space<hbm>>) dst(%arg12 : memref<128xi32, #tpu.memory_space<vmem>>)
          tpu.yield
        }) : () -> ()
        "tpu.region"() ({
          %run_scoped3A = tpu.sem_alloc : memref<!tpu.dma_semaphore, #tpu.memory_space<semaphore_mem>>
          %dma_start3A_49 = tpu.memref_slice %arg7[%multiple_of3A_44] : memref<161792xi32, #tpu.memory_space<hbm>> -> memref<128xi32, #tpu.memory_space<hbm>>
          %dma_start3A_50 = tpu.memref_slice %arg7[%multiple_of3A_44] : memref<161792xi32, #tpu.memory_space<hbm>> -> memref<128xi32, #tpu.memory_space<hbm>>
          tpu.enqueue_dma source(%dma_start3A_50 : memref<128xi32, #tpu.memory_space<hbm>>) target(%arg13 : memref<128xi32, #tpu.memory_space<vmem>>) target_semaphore(%run_scoped3A : memref<!tpu.dma_semaphore, #tpu.memory_space<semaphore_mem>>)
          %dma_wait3A_51 = tpu.memref_slice %arg7[%multiple_of3A_44] : memref<161792xi32, #tpu.memory_space<hbm>> -> memref<128xi32, #tpu.memory_space<hbm>>
          %dma_wait3A_52 = tpu.memref_slice %arg7[%multiple_of3A_44] : memref<161792xi32, #tpu.memory_space<hbm>> -> memref<128xi32, #tpu.memory_space<hbm>>
          tpu.wait_dma2 semaphore(%run_scoped3A : memref<!tpu.dma_semaphore, #tpu.memory_space<semaphore_mem>>) src(%dma_wait3A_52 : memref<128xi32, #tpu.memory_space<hbm>>) dst(%arg13 : memref<128xi32, #tpu.memory_space<vmem>>)
          tpu.yield
        }) : () -> ()
        %dma_start3A = arith.constant 0 : i32
        %dma_start3A_45 = arith.constant 0 : i32
        %dma_start3A_46 = tpu.memref_slice %arg4[%dma_start3A, %dma_start3A_45] : memref<10000x128xf32, #tpu.memory_space<hbm>> -> memref<10000x128xf32, #tpu.memory_space<hbm>>
        tpu.enqueue_indirect_dma source(%dma_start3A_46 : memref<10000x128xf32, #tpu.memory_space<hbm>>) target(%arg14 : memref<128x128xf32, #tpu.memory_space<vmem>>) offsets(%arg12 : memref<128xi32, #tpu.memory_space<vmem>>) semaphore(%arg16 : memref<!tpu.dma_semaphore, #tpu.memory_space<semaphore_mem>>)
        %dma_wait3A = arith.constant 0 : i32
        %dma_wait3A_47 = arith.constant 0 : i32
        %dma_wait3A_48 = tpu.memref_slice %arg4[%dma_wait3A, %dma_wait3A_47] : memref<10000x128xf32, #tpu.memory_space<hbm>> -> memref<10000x128xf32, #tpu.memory_space<hbm>>
        tpu.wait_indirect_dma semaphore(%arg16 : memref<!tpu.dma_semaphore, #tpu.memory_space<semaphore_mem>>) src(%dma_wait3A_48 : memref<10000x128xf32, #tpu.memory_space<hbm>>) dst(%arg14 : memref<128x128xf32, #tpu.memory_space<vmem>>)
        "tpu.region"() ({
          %run_scoped3A = tpu.sem_alloc : memref<!tpu.dma_semaphore, #tpu.memory_space<semaphore_mem>>
          %dma_start3A_49 = arith.constant 0 : i32
          %dma_start3A_50 = arith.constant 0 : i32
          %dma_start3A_51 = tpu.memref_slice %arg15[%dma_start3A_49, %dma_start3A_50] : memref<10016x128xf32, #tpu.memory_space<vmem_shared>> -> memref<10016x128xf32, #tpu.memory_space<vmem_shared>>
          tpu.enqueue_indirect_dma source(%arg14 : memref<128x128xf32, #tpu.memory_space<vmem>>) target(%dma_start3A_51 : memref<10016x128xf32, #tpu.memory_space<vmem_shared>>) offsets(%arg13 : memref<128xi32, #tpu.memory_space<vmem>>) semaphore(%run_scoped3A : memref<!tpu.dma_semaphore, #tpu.memory_space<semaphore_mem>>) {add = true}
          %dma_wait3A_52 = arith.constant 0 : i32
          %dma_wait3A_53 = arith.constant 0 : i32
          %dma_wait3A_54 = tpu.memref_slice %arg15[%dma_wait3A_52, %dma_wait3A_53] : memref<10016x128xf32, #tpu.memory_space<vmem_shared>> -> memref<10016x128xf32, #tpu.memory_space<vmem_shared>>
          tpu.wait_indirect_dma semaphore(%run_scoped3A : memref<!tpu.dma_semaphore, #tpu.memory_space<semaphore_mem>>) src(%arg14 : memref<128x128xf32, #tpu.memory_space<vmem>>) dst(%dma_wait3A_54 : memref<10016x128xf32, #tpu.memory_space<vmem_shared>>)
          tpu.yield
        }) : () -> ()
      }
      %scan3A_14 = arith.constant 79 : i32
      %barrier3A_15 = arith.constant 0 : index
      tpu.barrier barrier_id(%barrier3A_15)
      "tpu.region"() ({
        %run_scoped3A = tpu.sem_alloc : memref<!tpu.dma_semaphore, #tpu.memory_space<semaphore_mem>>
        %dma_start3A = arith.constant 0 : i32
        %dma_start3A_41 = tpu.memref_slice %arg10[%multiple_of3A, %dma_start3A] : memref<10000x128xf32, #tpu.memory_space<hbm>> -> memref<624x128xf32, #tpu.memory_space<hbm>>
        %dma_start3A_42 = arith.constant 0 : i32
        %dma_start3A_43 = tpu.memref_slice %arg15[%multiple_of3A, %dma_start3A_42] : memref<10016x128xf32, #tpu.memory_space<vmem_shared>> -> memref<624x128xf32, #tpu.memory_space<vmem_shared>>
        tpu.enqueue_dma source(%dma_start3A_43 : memref<624x128xf32, #tpu.memory_space<vmem_shared>>) target(%dma_start3A_41 : memref<624x128xf32, #tpu.memory_space<hbm>>) target_semaphore(%run_scoped3A : memref<!tpu.dma_semaphore, #tpu.memory_space<semaphore_mem>>)
        %dma_wait3A = arith.constant 0 : i32
        %dma_wait3A_44 = tpu.memref_slice %arg10[%multiple_of3A, %dma_wait3A] : memref<10000x128xf32, #tpu.memory_space<hbm>> -> memref<624x128xf32, #tpu.memory_space<hbm>>
        %dma_wait3A_45 = arith.constant 0 : i32
        %dma_wait3A_46 = tpu.memref_slice %arg15[%multiple_of3A, %dma_wait3A_45] : memref<10016x128xf32, #tpu.memory_space<vmem_shared>> -> memref<624x128xf32, #tpu.memory_space<vmem_shared>>
        tpu.wait_dma2 semaphore(%run_scoped3A : memref<!tpu.dma_semaphore, #tpu.memory_space<semaphore_mem>>) src(%dma_wait3A_46 : memref<624x128xf32, #tpu.memory_space<vmem_shared>>) dst(%dma_wait3A_44 : memref<624x128xf32, #tpu.memory_space<hbm>>)
        tpu.yield
      }) : () -> ()
      %eq3A_16 = arith.constant 15 : i32
      %eq3A_17 = arith.cmpi eq, %arg1, %eq3A_16 : i32
      %convert_element_type3A_18 = arith.extui %eq3A_17 : i1 to i32
      %cond3A_19 = arith.constant 0 : i32
      %cond3A_20 = arith.cmpi ne, %convert_element_type3A_18, %cond3A_19 : i32
      scf.if %cond3A_20 {
        "tpu.region"() ({
          %run_scoped3A = tpu.sem_alloc : memref<!tpu.dma_semaphore, #tpu.memory_space<semaphore_mem>>
          %dma_start3A = arith.constant 9984 : i32
          %dma_start3A_41 = arith.constant 0 : i32
          %dma_start3A_42 = tpu.memref_slice %arg10[%dma_start3A, %dma_start3A_41] : memref<10000x128xf32, #tpu.memory_space<hbm>> -> memref<16x128xf32, #tpu.memory_space<hbm>>
          %dma_start3A_43 = arith.constant 9984 : i32
          %dma_start3A_44 = arith.constant 0 : i32
          %dma_start3A_45 = tpu.memref_slice %arg15[%dma_start3A_43, %dma_start3A_44] : memref<10016x128xf32, #tpu.memory_space<vmem_shared>> -> memref<16x128xf32, #tpu.memory_space<vmem_shared>>
          tpu.enqueue_dma source(%dma_start3A_45 : memref<16x128xf32, #tpu.memory_space<vmem_shared>>) target(%dma_start3A_42 : memref<16x128xf32, #tpu.memory_space<hbm>>) target_semaphore(%run_scoped3A : memref<!tpu.dma_semaphore, #tpu.memory_space<semaphore_mem>>)
          %dma_wait3A = arith.constant 9984 : i32
          %dma_wait3A_46 = arith.constant 0 : i32
          %dma_wait3A_47 = tpu.memref_slice %arg10[%dma_wait3A, %dma_wait3A_46] : memref<10000x128xf32, #tpu.memory_space<hbm>> -> memref<16x128xf32, #tpu.memory_space<hbm>>
          %dma_wait3A_48 = arith.constant 9984 : i32
          %dma_wait3A_49 = arith.constant 0 : i32
          %dma_wait3A_50 = tpu.memref_slice %arg15[%dma_wait3A_48, %dma_wait3A_49] : memref<10016x128xf32, #tpu.memory_space<vmem_shared>> -> memref<16x128xf32, #tpu.memory_space<vmem_shared>>
          tpu.wait_dma2 semaphore(%run_scoped3A : memref<!tpu.dma_semaphore, #tpu.memory_space<semaphore_mem>>) src(%dma_wait3A_50 : memref<16x128xf32, #tpu.memory_space<vmem_shared>>) dst(%dma_wait3A_47 : memref<16x128xf32, #tpu.memory_space<hbm>>)
          tpu.yield
        }) : () -> ()
      } else {
      }
      %barrier3A_21 = arith.constant 0 : index
      tpu.barrier barrier_id(%barrier3A_21)
      "tpu.region"() ({
        %run_scoped3A = tpu.sem_alloc : memref<!tpu.dma_semaphore, #tpu.memory_space<semaphore_mem>>
        %dma_start3A = arith.constant 0 : i32
        %dma_start3A_41 = tpu.memref_slice %arg15[%multiple_of3A, %dma_start3A] : memref<10016x128xf32, #tpu.memory_space<vmem_shared>> -> memref<624x128xf32, #tpu.memory_space<vmem_shared>>
        %dma_start3A_42 = arith.constant 0 : i32
        %dma_start3A_43 = tpu.memref_slice %arg5[%multiple_of3A, %dma_start3A_42] : memref<10000x128xf32, #tpu.memory_space<hbm>> -> memref<624x128xf32, #tpu.memory_space<hbm>>
        tpu.enqueue_dma source(%dma_start3A_43 : memref<624x128xf32, #tpu.memory_space<hbm>>) target(%dma_start3A_41 : memref<624x128xf32, #tpu.memory_space<vmem_shared>>) target_semaphore(%run_scoped3A : memref<!tpu.dma_semaphore, #tpu.memory_space<semaphore_mem>>)
        %dma_wait3A = arith.constant 0 : i32
        %dma_wait3A_44 = tpu.memref_slice %arg15[%multiple_of3A, %dma_wait3A] : memref<10016x128xf32, #tpu.memory_space<vmem_shared>> -> memref<624x128xf32, #tpu.memory_space<vmem_shared>>
        %dma_wait3A_45 = arith.constant 0 : i32
        %dma_wait3A_46 = tpu.memref_slice %arg5[%multiple_of3A, %dma_wait3A_45] : memref<10000x128xf32, #tpu.memory_space<hbm>> -> memref<624x128xf32, #tpu.memory_space<hbm>>
        tpu.wait_dma2 semaphore(%run_scoped3A : memref<!tpu.dma_semaphore, #tpu.memory_space<semaphore_mem>>) src(%dma_wait3A_46 : memref<624x128xf32, #tpu.memory_space<hbm>>) dst(%dma_wait3A_44 : memref<624x128xf32, #tpu.memory_space<vmem_shared>>)
        tpu.yield
      }) : () -> ()
      %eq3A_22 = arith.constant 15 : i32
      %eq3A_23 = arith.cmpi eq, %arg1, %eq3A_22 : i32
      %convert_element_type3A_24 = arith.extui %eq3A_23 : i1 to i32
      %cond3A_25 = arith.constant 0 : i32
      %cond3A_26 = arith.cmpi ne, %convert_element_type3A_24, %cond3A_25 : i32
      scf.if %cond3A_26 {
        "tpu.region"() ({
          %run_scoped3A = tpu.sem_alloc : memref<!tpu.dma_semaphore, #tpu.memory_space<semaphore_mem>>
          %dma_start3A = arith.constant 9984 : i32
          %dma_start3A_41 = arith.constant 0 : i32
          %dma_start3A_42 = tpu.memref_slice %arg15[%dma_start3A, %dma_start3A_41] : memref<10016x128xf32, #tpu.memory_space<vmem_shared>> -> memref<16x128xf32, #tpu.memory_space<vmem_shared>>
          %dma_start3A_43 = arith.constant 9984 : i32
          %dma_start3A_44 = arith.constant 0 : i32
          %dma_start3A_45 = tpu.memref_slice %arg5[%dma_start3A_43, %dma_start3A_44] : memref<10000x128xf32, #tpu.memory_space<hbm>> -> memref<16x128xf32, #tpu.memory_space<hbm>>
          tpu.enqueue_dma source(%dma_start3A_45 : memref<16x128xf32, #tpu.memory_space<hbm>>) target(%dma_start3A_42 : memref<16x128xf32, #tpu.memory_space<vmem_shared>>) target_semaphore(%run_scoped3A : memref<!tpu.dma_semaphore, #tpu.memory_space<semaphore_mem>>)
          %dma_wait3A = arith.constant 9984 : i32
          %dma_wait3A_46 = arith.constant 0 : i32
          %dma_wait3A_47 = tpu.memref_slice %arg15[%dma_wait3A, %dma_wait3A_46] : memref<10016x128xf32, #tpu.memory_space<vmem_shared>> -> memref<16x128xf32, #tpu.memory_space<vmem_shared>>
          %dma_wait3A_48 = arith.constant 9984 : i32
          %dma_wait3A_49 = arith.constant 0 : i32
          %dma_wait3A_50 = tpu.memref_slice %arg5[%dma_wait3A_48, %dma_wait3A_49] : memref<10000x128xf32, #tpu.memory_space<hbm>> -> memref<16x128xf32, #tpu.memory_space<hbm>>
          tpu.wait_dma2 semaphore(%run_scoped3A : memref<!tpu.dma_semaphore, #tpu.memory_space<semaphore_mem>>) src(%dma_wait3A_50 : memref<16x128xf32, #tpu.memory_space<hbm>>) dst(%dma_wait3A_47 : memref<16x128xf32, #tpu.memory_space<vmem_shared>>)
          tpu.yield
        }) : () -> ()
      } else {
      }
      %barrier3A_27 = arith.constant 0 : index
      tpu.barrier barrier_id(%barrier3A_27)
      %scan3A_28 = arith.constant 0 : i32
      %scan3A_29 = arith.constant 0 : i32
      %scan3A_30 = arith.constant 79 : i32
      %scan3A_31 = arith.addi %scan3A_29, %scan3A_30 : i32
      %scan3A_32 = arith.constant 1 : i32
      scf.for %scan3A_41 = %scan3A_29 to %scan3A_31 step %scan3A_32  : i32 {
        %mul3A_42 = arith.constant 128 : i32
        %mul3A_43 = arith.muli %scan3A_41, %mul3A_42 : i32
        %add3A = arith.addi %mul3A_2, %mul3A_43 : i32
        %multiple_of3A_44 = tpu.assume_multiple %add3A, 8 : i32
        "tpu.region"() ({
          %run_scoped3A = tpu.sem_alloc : memref<!tpu.dma_semaphore, #tpu.memory_space<semaphore_mem>>
          %dma_start3A_49 = tpu.memref_slice %arg6[%multiple_of3A_44] : memref<161792xi32, #tpu.memory_space<hbm>> -> memref<128xi32, #tpu.memory_space<hbm>>
          %dma_start3A_50 = tpu.memref_slice %arg6[%multiple_of3A_44] : memref<161792xi32, #tpu.memory_space<hbm>> -> memref<128xi32, #tpu.memory_space<hbm>>
          tpu.enqueue_dma source(%dma_start3A_50 : memref<128xi32, #tpu.memory_space<hbm>>) target(%arg12 : memref<128xi32, #tpu.memory_space<vmem>>) target_semaphore(%run_scoped3A : memref<!tpu.dma_semaphore, #tpu.memory_space<semaphore_mem>>)
          %dma_wait3A_51 = tpu.memref_slice %arg6[%multiple_of3A_44] : memref<161792xi32, #tpu.memory_space<hbm>> -> memref<128xi32, #tpu.memory_space<hbm>>
          %dma_wait3A_52 = tpu.memref_slice %arg6[%multiple_of3A_44] : memref<161792xi32, #tpu.memory_space<hbm>> -> memref<128xi32, #tpu.memory_space<hbm>>
          tpu.wait_dma2 semaphore(%run_scoped3A : memref<!tpu.dma_semaphore, #tpu.memory_space<semaphore_mem>>) src(%dma_wait3A_52 : memref<128xi32, #tpu.memory_space<hbm>>) dst(%arg12 : memref<128xi32, #tpu.memory_space<vmem>>)
          tpu.yield
        }) : () -> ()
        "tpu.region"() ({
          %run_scoped3A = tpu.sem_alloc : memref<!tpu.dma_semaphore, #tpu.memory_space<semaphore_mem>>
          %dma_start3A_49 = tpu.memref_slice %arg7[%multiple_of3A_44] : memref<161792xi32, #tpu.memory_space<hbm>> -> memref<128xi32, #tpu.memory_space<hbm>>
          %dma_start3A_50 = tpu.memref_slice %arg7[%multiple_of3A_44] : memref<161792xi32, #tpu.memory_space<hbm>> -> memref<128xi32, #tpu.memory_space<hbm>>
          tpu.enqueue_dma source(%dma_start3A_50 : memref<128xi32, #tpu.memory_space<hbm>>) target(%arg13 : memref<128xi32, #tpu.memory_space<vmem>>) target_semaphore(%run_scoped3A : memref<!tpu.dma_semaphore, #tpu.memory_space<semaphore_mem>>)
          %dma_wait3A_51 = tpu.memref_slice %arg7[%multiple_of3A_44] : memref<161792xi32, #tpu.memory_space<hbm>> -> memref<128xi32, #tpu.memory_space<hbm>>
          %dma_wait3A_52 = tpu.memref_slice %arg7[%multiple_of3A_44] : memref<161792xi32, #tpu.memory_space<hbm>> -> memref<128xi32, #tpu.memory_space<hbm>>
          tpu.wait_dma2 semaphore(%run_scoped3A : memref<!tpu.dma_semaphore, #tpu.memory_space<semaphore_mem>>) src(%dma_wait3A_52 : memref<128xi32, #tpu.memory_space<hbm>>) dst(%arg13 : memref<128xi32, #tpu.memory_space<vmem>>)
          tpu.yield
        }) : () -> ()
        %dma_start3A = arith.constant 0 : i32
        %dma_start3A_45 = arith.constant 0 : i32
        %dma_start3A_46 = tpu.memref_slice %arg5[%dma_start3A, %dma_start3A_45] : memref<10000x128xf32, #tpu.memory_space<hbm>> -> memref<10000x128xf32, #tpu.memory_space<hbm>>
        tpu.enqueue_indirect_dma source(%dma_start3A_46 : memref<10000x128xf32, #tpu.memory_space<hbm>>) target(%arg14 : memref<128x128xf32, #tpu.memory_space<vmem>>) offsets(%arg12 : memref<128xi32, #tpu.memory_space<vmem>>) semaphore(%arg16 : memref<!tpu.dma_semaphore, #tpu.memory_space<semaphore_mem>>)
        %dma_wait3A = arith.constant 0 : i32
        %dma_wait3A_47 = arith.constant 0 : i32
        %dma_wait3A_48 = tpu.memref_slice %arg5[%dma_wait3A, %dma_wait3A_47] : memref<10000x128xf32, #tpu.memory_space<hbm>> -> memref<10000x128xf32, #tpu.memory_space<hbm>>
        tpu.wait_indirect_dma semaphore(%arg16 : memref<!tpu.dma_semaphore, #tpu.memory_space<semaphore_mem>>) src(%dma_wait3A_48 : memref<10000x128xf32, #tpu.memory_space<hbm>>) dst(%arg14 : memref<128x128xf32, #tpu.memory_space<vmem>>)
        "tpu.region"() ({
          %run_scoped3A = tpu.sem_alloc : memref<!tpu.dma_semaphore, #tpu.memory_space<semaphore_mem>>
          %dma_start3A_49 = arith.constant 0 : i32
          %dma_start3A_50 = arith.constant 0 : i32
          %dma_start3A_51 = tpu.memref_slice %arg15[%dma_start3A_49, %dma_start3A_50] : memref<10016x128xf32, #tpu.memory_space<vmem_shared>> -> memref<10016x128xf32, #tpu.memory_space<vmem_shared>>
          tpu.enqueue_indirect_dma source(%arg14 : memref<128x128xf32, #tpu.memory_space<vmem>>) target(%dma_start3A_51 : memref<10016x128xf32, #tpu.memory_space<vmem_shared>>) offsets(%arg13 : memref<128xi32, #tpu.memory_space<vmem>>) semaphore(%run_scoped3A : memref<!tpu.dma_semaphore, #tpu.memory_space<semaphore_mem>>) {add = true}
          %dma_wait3A_52 = arith.constant 0 : i32
          %dma_wait3A_53 = arith.constant 0 : i32
          %dma_wait3A_54 = tpu.memref_slice %arg15[%dma_wait3A_52, %dma_wait3A_53] : memref<10016x128xf32, #tpu.memory_space<vmem_shared>> -> memref<10016x128xf32, #tpu.memory_space<vmem_shared>>
          tpu.wait_indirect_dma semaphore(%run_scoped3A : memref<!tpu.dma_semaphore, #tpu.memory_space<semaphore_mem>>) src(%arg14 : memref<128x128xf32, #tpu.memory_space<vmem>>) dst(%dma_wait3A_54 : memref<10016x128xf32, #tpu.memory_space<vmem_shared>>)
          tpu.yield
        }) : () -> ()
      }
      %scan3A_33 = arith.constant 79 : i32
      %barrier3A_34 = arith.constant 0 : index
      tpu.barrier barrier_id(%barrier3A_34)
      "tpu.region"() ({
        %run_scoped3A = tpu.sem_alloc : memref<!tpu.dma_semaphore, #tpu.memory_space<semaphore_mem>>
        %dma_start3A = arith.constant 0 : i32
        %dma_start3A_41 = tpu.memref_slice %arg11[%multiple_of3A, %dma_start3A] : memref<10000x128xf32, #tpu.memory_space<hbm>> -> memref<624x128xf32, #tpu.memory_space<hbm>>
        %dma_start3A_42 = arith.constant 0 : i32
        %dma_start3A_43 = tpu.memref_slice %arg15[%multiple_of3A, %dma_start3A_42] : memref<10016x128xf32, #tpu.memory_space<vmem_shared>> -> memref<624x128xf32, #tpu.memory_space<vmem_shared>>
        tpu.enqueue_dma source(%dma_start3A_43 : memref<624x128xf32, #tpu.memory_space<vmem_shared>>) target(%dma_start3A_41 : memref<624x128xf32, #tpu.memory_space<hbm>>) target_semaphore(%run_scoped3A : memref<!tpu.dma_semaphore, #tpu.memory_space<semaphore_mem>>)
        %dma_wait3A = arith.constant 0 : i32
        %dma_wait3A_44 = tpu.memref_slice %arg11[%multiple_of3A, %dma_wait3A] : memref<10000x128xf32, #tpu.memory_space<hbm>> -> memref<624x128xf32, #tpu.memory_space<hbm>>
        %dma_wait3A_45 = arith.constant 0 : i32
        %dma_wait3A_46 = tpu.memref_slice %arg15[%multiple_of3A, %dma_wait3A_45] : memref<10016x128xf32, #tpu.memory_space<vmem_shared>> -> memref<624x128xf32, #tpu.memory_space<vmem_shared>>
        tpu.wait_dma2 semaphore(%run_scoped3A : memref<!tpu.dma_semaphore, #tpu.memory_space<semaphore_mem>>) src(%dma_wait3A_46 : memref<624x128xf32, #tpu.memory_space<vmem_shared>>) dst(%dma_wait3A_44 : memref<624x128xf32, #tpu.memory_space<hbm>>)
        tpu.yield
      }) : () -> ()
      %eq3A_35 = arith.constant 15 : i32
      %eq3A_36 = arith.cmpi eq, %arg1, %eq3A_35 : i32
      %convert_element_type3A_37 = arith.extui %eq3A_36 : i1 to i32
      %cond3A_38 = arith.constant 0 : i32
      %cond3A_39 = arith.cmpi ne, %convert_element_type3A_37, %cond3A_38 : i32
      scf.if %cond3A_39 {
        "tpu.region"() ({
          %run_scoped3A = tpu.sem_alloc : memref<!tpu.dma_semaphore, #tpu.memory_space<semaphore_mem>>
          %dma_start3A = arith.constant 9984 : i32
          %dma_start3A_41 = arith.constant 0 : i32
          %dma_start3A_42 = tpu.memref_slice %arg11[%dma_start3A, %dma_start3A_41] : memref<10000x128xf32, #tpu.memory_space<hbm>> -> memref<16x128xf32, #tpu.memory_space<hbm>>
          %dma_start3A_43 = arith.constant 9984 : i32
          %dma_start3A_44 = arith.constant 0 : i32
          %dma_start3A_45 = tpu.memref_slice %arg15[%dma_start3A_43, %dma_start3A_44] : memref<10016x128xf32, #tpu.memory_space<vmem_shared>> -> memref<16x128xf32, #tpu.memory_space<vmem_shared>>
          tpu.enqueue_dma source(%dma_start3A_45 : memref<16x128xf32, #tpu.memory_space<vmem_shared>>) target(%dma_start3A_42 : memref<16x128xf32, #tpu.memory_space<hbm>>) target_semaphore(%run_scoped3A : memref<!tpu.dma_semaphore, #tpu.memory_space<semaphore_mem>>)
          %dma_wait3A = arith.constant 9984 : i32
          %dma_wait3A_46 = arith.constant 0 : i32
          %dma_wait3A_47 = tpu.memref_slice %arg11[%dma_wait3A, %dma_wait3A_46] : memref<10000x128xf32, #tpu.memory_space<hbm>> -> memref<16x128xf32, #tpu.memory_space<hbm>>
          %dma_wait3A_48 = arith.constant 9984 : i32
          %dma_wait3A_49 = arith.constant 0 : i32
          %dma_wait3A_50 = tpu.memref_slice %arg15[%dma_wait3A_48, %dma_wait3A_49] : memref<10016x128xf32, #tpu.memory_space<vmem_shared>> -> memref<16x128xf32, #tpu.memory_space<vmem_shared>>
          tpu.wait_dma2 semaphore(%run_scoped3A : memref<!tpu.dma_semaphore, #tpu.memory_space<semaphore_mem>>) src(%dma_wait3A_50 : memref<16x128xf32, #tpu.memory_space<vmem_shared>>) dst(%dma_wait3A_47 : memref<16x128xf32, #tpu.memory_space<hbm>>)
          tpu.yield
        }) : () -> ()
      } else {
      }
      %barrier3A_40 = arith.constant 0 : index
      tpu.barrier barrier_id(%barrier3A_40)
    }
    return
  }
}

#map = affine_map<(d0, d1) -> (0, 0)>
#map1 = affine_map<(d0, d1) -> (0)>
module attributes {stable_mosaic.version = 14 : i64} {
  func.func @seg(%arg0: i32, %arg1: i32, %arg2: memref<10000x128xf32, #tpu.memory_space<hbm>>, %arg3: memref<10000x128xf32, #tpu.memory_space<hbm>>, %arg4: memref<10000x128xf32, #tpu.memory_space<hbm>>, %arg5: memref<10000x128xf32, #tpu.memory_space<hbm>>, %arg6: memref<161792xi32, #tpu.memory_space<hbm>>, %arg7: memref<161792xi32, #tpu.memory_space<hbm>>, %arg8: memref<10000x128xf32, #tpu.memory_space<hbm>>, %arg9: memref<10000x128xf32, #tpu.memory_space<hbm>>, %arg10: memref<10000x128xf32, #tpu.memory_space<hbm>>, %arg11: memref<10000x128xf32, #tpu.memory_space<hbm>>, %arg12: memref<128xi32, #tpu.memory_space<vmem>>, %arg13: memref<128xi32, #tpu.memory_space<vmem>>, %arg14: memref<128x128xf32, #tpu.memory_space<vmem>>, %arg15: memref<10016x128xf32, #tpu.memory_space<vmem_shared>>, %arg16: memref<!tpu.dma_semaphore, #tpu.memory_space<semaphore_mem>>) attributes {dimension_semantics = [#tpu.dimension_semantics<core_parallel>, #tpu.dimension_semantics<subcore_parallel>], iteration_bounds = array<i64: 2, 16>, scalar_prefetch = 0 : i64, scratch_operands = 5 : i64, tpu.core_type = #tpu.core_type<sc_vector_subcore>, window_params = [{transform_indices = #map}, {transform_indices = #map}, {transform_indices = #map}, {transform_indices = #map}, {transform_indices = #map1}, {transform_indices = #map1}, {transform_indices = #map}, {transform_indices = #map}, {transform_indices = #map}, {transform_indices = #map}]} {
    %mul3A = arith.constant 624 : i32
    %mul3A_0 = arith.muli %arg1, %mul3A : i32
    %multiple_of3A = tpu.assume_multiple %mul3A_0, 8 : i32
    %mul3A_1 = arith.constant 10112 : i32
    %mul3A_2 = arith.muli %arg1, %mul3A_1 : i32
    %eq3A = arith.constant 0 : i32
    %eq3A_3 = arith.cmpi eq, %arg0, %eq3A : i32
    %convert_element_type3A = arith.extui %eq3A_3 : i1 to i32
    %cond3A = arith.constant 0 : i32
    %cond3A_4 = arith.cmpi ne, %convert_element_type3A, %cond3A : i32
    scf.if %cond3A_4 {
      "tpu.region"() ({
        %run_scoped3A = tpu.sem_alloc : memref<!tpu.dma_semaphore, #tpu.memory_space<semaphore_mem>>
        %dma_start3A = arith.constant 0 : i32
        %dma_start3A_41 = tpu.memref_slice %arg15[%multiple_of3A, %dma_start3A] : memref<10016x128xf32, #tpu.memory_space<vmem_shared>> -> memref<624x128xf32, #tpu.memory_space<vmem_shared>>
        %dma_start3A_42 = arith.constant 0 : i32
        %dma_start3A_43 = tpu.memref_slice %arg2[%multiple_of3A, %dma_start3A_42] : memref<10000x128xf32, #tpu.memory_space<hbm>> -> memref<624x128xf32, #tpu.memory_space<hbm>>
        tpu.enqueue_dma source(%dma_start3A_43 : memref<624x128xf32, #tpu.memory_space<hbm>>) target(%dma_start3A_41 : memref<624x128xf32, #tpu.memory_space<vmem_shared>>) target_semaphore(%run_scoped3A : memref<!tpu.dma_semaphore, #tpu.memory_space<semaphore_mem>>)
        %dma_wait3A = arith.constant 0 : i32
        %dma_wait3A_44 = tpu.memref_slice %arg15[%multiple_of3A, %dma_wait3A] : memref<10016x128xf32, #tpu.memory_space<vmem_shared>> -> memref<624x128xf32, #tpu.memory_space<vmem_shared>>
        %dma_wait3A_45 = arith.constant 0 : i32
        %dma_wait3A_46 = tpu.memref_slice %arg2[%multiple_of3A, %dma_wait3A_45] : memref<10000x128xf32, #tpu.memory_space<hbm>> -> memref<624x128xf32, #tpu.memory_space<hbm>>
        tpu.wait_dma2 semaphore(%run_scoped3A : memref<!tpu.dma_semaphore, #tpu.memory_space<semaphore_mem>>) src(%dma_wait3A_46 : memref<624x128xf32, #tpu.memory_space<hbm>>) dst(%dma_wait3A_44 : memref<624x128xf32, #tpu.memory_space<vmem_shared>>)
        tpu.yield
      }) : () -> ()
      %eq3A_5 = arith.constant 15 : i32
      %eq3A_6 = arith.cmpi eq, %arg1, %eq3A_5 : i32
      %convert_element_type3A_7 = arith.extui %eq3A_6 : i1 to i32
      %cond3A_8 = arith.constant 0 : i32
      %cond3A_9 = arith.cmpi ne, %convert_element_type3A_7, %cond3A_8 : i32
      scf.if %cond3A_9 {
        "tpu.region"() ({
          %run_scoped3A = tpu.sem_alloc : memref<!tpu.dma_semaphore, #tpu.memory_space<semaphore_mem>>
          %dma_start3A = arith.constant 9984 : i32
          %dma_start3A_41 = arith.constant 0 : i32
          %dma_start3A_42 = tpu.memref_slice %arg15[%dma_start3A, %dma_start3A_41] : memref<10016x128xf32, #tpu.memory_space<vmem_shared>> -> memref<16x128xf32, #tpu.memory_space<vmem_shared>>
          %dma_start3A_43 = arith.constant 9984 : i32
          %dma_start3A_44 = arith.constant 0 : i32
          %dma_start3A_45 = tpu.memref_slice %arg2[%dma_start3A_43, %dma_start3A_44] : memref<10000x128xf32, #tpu.memory_space<hbm>> -> memref<16x128xf32, #tpu.memory_space<hbm>>
          tpu.enqueue_dma source(%dma_start3A_45 : memref<16x128xf32, #tpu.memory_space<hbm>>) target(%dma_start3A_42 : memref<16x128xf32, #tpu.memory_space<vmem_shared>>) target_semaphore(%run_scoped3A : memref<!tpu.dma_semaphore, #tpu.memory_space<semaphore_mem>>)
          %dma_wait3A = arith.constant 9984 : i32
          %dma_wait3A_46 = arith.constant 0 : i32
          %dma_wait3A_47 = tpu.memref_slice %arg15[%dma_wait3A, %dma_wait3A_46] : memref<10016x128xf32, #tpu.memory_space<vmem_shared>> -> memref<16x128xf32, #tpu.memory_space<vmem_shared>>
          %dma_wait3A_48 = arith.constant 9984 : i32
          %dma_wait3A_49 = arith.constant 0 : i32
          %dma_wait3A_50 = tpu.memref_slice %arg2[%dma_wait3A_48, %dma_wait3A_49] : memref<10000x128xf32, #tpu.memory_space<hbm>> -> memref<16x128xf32, #tpu.memory_space<hbm>>
          tpu.wait_dma2 semaphore(%run_scoped3A : memref<!tpu.dma_semaphore, #tpu.memory_space<semaphore_mem>>) src(%dma_wait3A_50 : memref<16x128xf32, #tpu.memory_space<hbm>>) dst(%dma_wait3A_47 : memref<16x128xf32, #tpu.memory_space<vmem_shared>>)
          tpu.yield
        }) : () -> ()
      } else {
      }
      %barrier3A = arith.constant 0 : index
      tpu.barrier barrier_id(%barrier3A)
      %scan3A = arith.constant 0 : i32
      %scan3A_10 = arith.constant 0 : i32
      %scan3A_11 = arith.constant 79 : i32
      %scan3A_12 = arith.addi %scan3A_10, %scan3A_11 : i32
      %scan3A_13 = arith.constant 1 : i32
      scf.for %scan3A_41 = %scan3A_10 to %scan3A_12 step %scan3A_13  : i32 {
        %mul3A_42 = arith.constant 128 : i32
        %mul3A_43 = arith.muli %scan3A_41, %mul3A_42 : i32
        %add3A = arith.addi %mul3A_2, %mul3A_43 : i32
        %multiple_of3A_44 = tpu.assume_multiple %add3A, 8 : i32
        "tpu.region"() ({
          %run_scoped3A = tpu.sem_alloc : memref<!tpu.dma_semaphore, #tpu.memory_space<semaphore_mem>>
          %dma_start3A_49 = tpu.memref_slice %arg6[%multiple_of3A_44] : memref<161792xi32, #tpu.memory_space<hbm>> -> memref<128xi32, #tpu.memory_space<hbm>>
          %dma_start3A_50 = tpu.memref_slice %arg6[%multiple_of3A_44] : memref<161792xi32, #tpu.memory_space<hbm>> -> memref<128xi32, #tpu.memory_space<hbm>>
          tpu.enqueue_dma source(%dma_start3A_50 : memref<128xi32, #tpu.memory_space<hbm>>) target(%arg12 : memref<128xi32, #tpu.memory_space<vmem>>) target_semaphore(%run_scoped3A : memref<!tpu.dma_semaphore, #tpu.memory_space<semaphore_mem>>)
          %dma_wait3A_51 = tpu.memref_slice %arg6[%multiple_of3A_44] : memref<161792xi32, #tpu.memory_space<hbm>> -> memref<128xi32, #tpu.memory_space<hbm>>
          %dma_wait3A_52 = tpu.memref_slice %arg6[%multiple_of3A_44] : memref<161792xi32, #tpu.memory_space<hbm>> -> memref<128xi32, #tpu.memory_space<hbm>>
          tpu.wait_dma2 semaphore(%run_scoped3A : memref<!tpu.dma_semaphore, #tpu.memory_space<semaphore_mem>>) src(%dma_wait3A_52 : memref<128xi32, #tpu.memory_space<hbm>>) dst(%arg12 : memref<128xi32, #tpu.memory_space<vmem>>)
          tpu.yield
        }) : () -> ()
        "tpu.region"() ({
          %run_scoped3A = tpu.sem_alloc : memref<!tpu.dma_semaphore, #tpu.memory_space<semaphore_mem>>
          %dma_start3A_49 = tpu.memref_slice %arg7[%multiple_of3A_44] : memref<161792xi32, #tpu.memory_space<hbm>> -> memref<128xi32, #tpu.memory_space<hbm>>
          %dma_start3A_50 = tpu.memref_slice %arg7[%multiple_of3A_44] : memref<161792xi32, #tpu.memory_space<hbm>> -> memref<128xi32, #tpu.memory_space<hbm>>
          tpu.enqueue_dma source(%dma_start3A_50 : memref<128xi32, #tpu.memory_space<hbm>>) target(%arg13 : memref<128xi32, #tpu.memory_space<vmem>>) target_semaphore(%run_scoped3A : memref<!tpu.dma_semaphore, #tpu.memory_space<semaphore_mem>>)
          %dma_wait3A_51 = tpu.memref_slice %arg7[%multiple_of3A_44] : memref<161792xi32, #tpu.memory_space<hbm>> -> memref<128xi32, #tpu.memory_space<hbm>>
          %dma_wait3A_52 = tpu.memref_slice %arg7[%multiple_of3A_44] : memref<161792xi32, #tpu.memory_space<hbm>> -> memref<128xi32, #tpu.memory_space<hbm>>
          tpu.wait_dma2 semaphore(%run_scoped3A : memref<!tpu.dma_semaphore, #tpu.memory_space<semaphore_mem>>) src(%dma_wait3A_52 : memref<128xi32, #tpu.memory_space<hbm>>) dst(%arg13 : memref<128xi32, #tpu.memory_space<vmem>>)
          tpu.yield
        }) : () -> ()
        %dma_start3A = arith.constant 0 : i32
        %dma_start3A_45 = arith.constant 0 : i32
        %dma_start3A_46 = tpu.memref_slice %arg2[%dma_start3A, %dma_start3A_45] : memref<10000x128xf32, #tpu.memory_space<hbm>> -> memref<10000x128xf32, #tpu.memory_space<hbm>>
        tpu.enqueue_indirect_dma source(%dma_start3A_46 : memref<10000x128xf32, #tpu.memory_space<hbm>>) target(%arg14 : memref<128x128xf32, #tpu.memory_space<vmem>>) offsets(%arg12 : memref<128xi32, #tpu.memory_space<vmem>>) semaphore(%arg16 : memref<!tpu.dma_semaphore, #tpu.memory_space<semaphore_mem>>)
        %dma_wait3A = arith.constant 0 : i32
        %dma_wait3A_47 = arith.constant 0 : i32
        %dma_wait3A_48 = tpu.memref_slice %arg2[%dma_wait3A, %dma_wait3A_47] : memref<10000x128xf32, #tpu.memory_space<hbm>> -> memref<10000x128xf32, #tpu.memory_space<hbm>>
        tpu.wait_indirect_dma semaphore(%arg16 : memref<!tpu.dma_semaphore, #tpu.memory_space<semaphore_mem>>) src(%dma_wait3A_48 : memref<10000x128xf32, #tpu.memory_space<hbm>>) dst(%arg14 : memref<128x128xf32, #tpu.memory_space<vmem>>)
        "tpu.region"() ({
          %run_scoped3A = tpu.sem_alloc : memref<!tpu.dma_semaphore, #tpu.memory_space<semaphore_mem>>
          %dma_start3A_49 = arith.constant 0 : i32
          %dma_start3A_50 = arith.constant 0 : i32
          %dma_start3A_51 = tpu.memref_slice %arg15[%dma_start3A_49, %dma_start3A_50] : memref<10016x128xf32, #tpu.memory_space<vmem_shared>> -> memref<10016x128xf32, #tpu.memory_space<vmem_shared>>
          tpu.enqueue_indirect_dma source(%arg14 : memref<128x128xf32, #tpu.memory_space<vmem>>) target(%dma_start3A_51 : memref<10016x128xf32, #tpu.memory_space<vmem_shared>>) offsets(%arg13 : memref<128xi32, #tpu.memory_space<vmem>>) semaphore(%run_scoped3A : memref<!tpu.dma_semaphore, #tpu.memory_space<semaphore_mem>>) {add = true}
          %dma_wait3A_52 = arith.constant 0 : i32
          %dma_wait3A_53 = arith.constant 0 : i32
          %dma_wait3A_54 = tpu.memref_slice %arg15[%dma_wait3A_52, %dma_wait3A_53] : memref<10016x128xf32, #tpu.memory_space<vmem_shared>> -> memref<10016x128xf32, #tpu.memory_space<vmem_shared>>
          tpu.wait_indirect_dma semaphore(%run_scoped3A : memref<!tpu.dma_semaphore, #tpu.memory_space<semaphore_mem>>) src(%arg14 : memref<128x128xf32, #tpu.memory_space<vmem>>) dst(%dma_wait3A_54 : memref<10016x128xf32, #tpu.memory_space<vmem_shared>>)
          tpu.yield
        }) : () -> ()
      }
      %scan3A_14 = arith.constant 79 : i32
      %barrier3A_15 = arith.constant 0 : index
      tpu.barrier barrier_id(%barrier3A_15)
      "tpu.region"() ({
        %run_scoped3A = tpu.sem_alloc : memref<!tpu.dma_semaphore, #tpu.memory_space<semaphore_mem>>
        %dma_start3A = arith.constant 0 : i32
        %dma_start3A_41 = tpu.memref_slice %arg8[%multiple_of3A, %dma_start3A] : memref<10000x128xf32, #tpu.memory_space<hbm>> -> memref<624x128xf32, #tpu.memory_space<hbm>>
        %dma_start3A_42 = arith.constant 0 : i32
        %dma_start3A_43 = tpu.memref_slice %arg15[%multiple_of3A, %dma_start3A_42] : memref<10016x128xf32, #tpu.memory_space<vmem_shared>> -> memref<624x128xf32, #tpu.memory_space<vmem_shared>>
        tpu.enqueue_dma source(%dma_start3A_43 : memref<624x128xf32, #tpu.memory_space<vmem_shared>>) target(%dma_start3A_41 : memref<624x128xf32, #tpu.memory_space<hbm>>) target_semaphore(%run_scoped3A : memref<!tpu.dma_semaphore, #tpu.memory_space<semaphore_mem>>)
        %dma_wait3A = arith.constant 0 : i32
        %dma_wait3A_44 = tpu.memref_slice %arg8[%multiple_of3A, %dma_wait3A] : memref<10000x128xf32, #tpu.memory_space<hbm>> -> memref<624x128xf32, #tpu.memory_space<hbm>>
        %dma_wait3A_45 = arith.constant 0 : i32
        %dma_wait3A_46 = tpu.memref_slice %arg15[%multiple_of3A, %dma_wait3A_45] : memref<10016x128xf32, #tpu.memory_space<vmem_shared>> -> memref<624x128xf32, #tpu.memory_space<vmem_shared>>
        tpu.wait_dma2 semaphore(%run_scoped3A : memref<!tpu.dma_semaphore, #tpu.memory_space<semaphore_mem>>) src(%dma_wait3A_46 : memref<624x128xf32, #tpu.memory_space<vmem_shared>>) dst(%dma_wait3A_44 : memref<624x128xf32, #tpu.memory_space<hbm>>)
        tpu.yield
      }) : () -> ()
      %eq3A_16 = arith.constant 15 : i32
      %eq3A_17 = arith.cmpi eq, %arg1, %eq3A_16 : i32
      %convert_element_type3A_18 = arith.extui %eq3A_17 : i1 to i32
      %cond3A_19 = arith.constant 0 : i32
      %cond3A_20 = arith.cmpi ne, %convert_element_type3A_18, %cond3A_19 : i32
      scf.if %cond3A_20 {
        "tpu.region"() ({
          %run_scoped3A = tpu.sem_alloc : memref<!tpu.dma_semaphore, #tpu.memory_space<semaphore_mem>>
          %dma_start3A = arith.constant 9984 : i32
          %dma_start3A_41 = arith.constant 0 : i32
          %dma_start3A_42 = tpu.memref_slice %arg8[%dma_start3A, %dma_start3A_41] : memref<10000x128xf32, #tpu.memory_space<hbm>> -> memref<16x128xf32, #tpu.memory_space<hbm>>
          %dma_start3A_43 = arith.constant 9984 : i32
          %dma_start3A_44 = arith.constant 0 : i32
          %dma_start3A_45 = tpu.memref_slice %arg15[%dma_start3A_43, %dma_start3A_44] : memref<10016x128xf32, #tpu.memory_space<vmem_shared>> -> memref<16x128xf32, #tpu.memory_space<vmem_shared>>
          tpu.enqueue_dma source(%dma_start3A_45 : memref<16x128xf32, #tpu.memory_space<vmem_shared>>) target(%dma_start3A_42 : memref<16x128xf32, #tpu.memory_space<hbm>>) target_semaphore(%run_scoped3A : memref<!tpu.dma_semaphore, #tpu.memory_space<semaphore_mem>>)
          %dma_wait3A = arith.constant 9984 : i32
          %dma_wait3A_46 = arith.constant 0 : i32
          %dma_wait3A_47 = tpu.memref_slice %arg8[%dma_wait3A, %dma_wait3A_46] : memref<10000x128xf32, #tpu.memory_space<hbm>> -> memref<16x128xf32, #tpu.memory_space<hbm>>
          %dma_wait3A_48 = arith.constant 9984 : i32
          %dma_wait3A_49 = arith.constant 0 : i32
          %dma_wait3A_50 = tpu.memref_slice %arg15[%dma_wait3A_48, %dma_wait3A_49] : memref<10016x128xf32, #tpu.memory_space<vmem_shared>> -> memref<16x128xf32, #tpu.memory_space<vmem_shared>>
          tpu.wait_dma2 semaphore(%run_scoped3A : memref<!tpu.dma_semaphore, #tpu.memory_space<semaphore_mem>>) src(%dma_wait3A_50 : memref<16x128xf32, #tpu.memory_space<vmem_shared>>) dst(%dma_wait3A_47 : memref<16x128xf32, #tpu.memory_space<hbm>>)
          tpu.yield
        }) : () -> ()
      } else {
      }
      %barrier3A_21 = arith.constant 0 : index
      tpu.barrier barrier_id(%barrier3A_21)
      "tpu.region"() ({
        %run_scoped3A = tpu.sem_alloc : memref<!tpu.dma_semaphore, #tpu.memory_space<semaphore_mem>>
        %dma_start3A = arith.constant 0 : i32
        %dma_start3A_41 = tpu.memref_slice %arg15[%multiple_of3A, %dma_start3A] : memref<10016x128xf32, #tpu.memory_space<vmem_shared>> -> memref<624x128xf32, #tpu.memory_space<vmem_shared>>
        %dma_start3A_42 = arith.constant 0 : i32
        %dma_start3A_43 = tpu.memref_slice %arg3[%multiple_of3A, %dma_start3A_42] : memref<10000x128xf32, #tpu.memory_space<hbm>> -> memref<624x128xf32, #tpu.memory_space<hbm>>
        tpu.enqueue_dma source(%dma_start3A_43 : memref<624x128xf32, #tpu.memory_space<hbm>>) target(%dma_start3A_41 : memref<624x128xf32, #tpu.memory_space<vmem_shared>>) target_semaphore(%run_scoped3A : memref<!tpu.dma_semaphore, #tpu.memory_space<semaphore_mem>>)
        %dma_wait3A = arith.constant 0 : i32
        %dma_wait3A_44 = tpu.memref_slice %arg15[%multiple_of3A, %dma_wait3A] : memref<10016x128xf32, #tpu.memory_space<vmem_shared>> -> memref<624x128xf32, #tpu.memory_space<vmem_shared>>
        %dma_wait3A_45 = arith.constant 0 : i32
        %dma_wait3A_46 = tpu.memref_slice %arg3[%multiple_of3A, %dma_wait3A_45] : memref<10000x128xf32, #tpu.memory_space<hbm>> -> memref<624x128xf32, #tpu.memory_space<hbm>>
        tpu.wait_dma2 semaphore(%run_scoped3A : memref<!tpu.dma_semaphore, #tpu.memory_space<semaphore_mem>>) src(%dma_wait3A_46 : memref<624x128xf32, #tpu.memory_space<hbm>>) dst(%dma_wait3A_44 : memref<624x128xf32, #tpu.memory_space<vmem_shared>>)
        tpu.yield
      }) : () -> ()
      %eq3A_22 = arith.constant 15 : i32
      %eq3A_23 = arith.cmpi eq, %arg1, %eq3A_22 : i32
      %convert_element_type3A_24 = arith.extui %eq3A_23 : i1 to i32
      %cond3A_25 = arith.constant 0 : i32
      %cond3A_26 = arith.cmpi ne, %convert_element_type3A_24, %cond3A_25 : i32
      scf.if %cond3A_26 {
        "tpu.region"() ({
          %run_scoped3A = tpu.sem_alloc : memref<!tpu.dma_semaphore, #tpu.memory_space<semaphore_mem>>
          %dma_start3A = arith.constant 9984 : i32
          %dma_start3A_41 = arith.constant 0 : i32
          %dma_start3A_42 = tpu.memref_slice %arg15[%dma_start3A, %dma_start3A_41] : memref<10016x128xf32, #tpu.memory_space<vmem_shared>> -> memref<16x128xf32, #tpu.memory_space<vmem_shared>>
          %dma_start3A_43 = arith.constant 9984 : i32
          %dma_start3A_44 = arith.constant 0 : i32
          %dma_start3A_45 = tpu.memref_slice %arg3[%dma_start3A_43, %dma_start3A_44] : memref<10000x128xf32, #tpu.memory_space<hbm>> -> memref<16x128xf32, #tpu.memory_space<hbm>>
          tpu.enqueue_dma source(%dma_start3A_45 : memref<16x128xf32, #tpu.memory_space<hbm>>) target(%dma_start3A_42 : memref<16x128xf32, #tpu.memory_space<vmem_shared>>) target_semaphore(%run_scoped3A : memref<!tpu.dma_semaphore, #tpu.memory_space<semaphore_mem>>)
          %dma_wait3A = arith.constant 9984 : i32
          %dma_wait3A_46 = arith.constant 0 : i32
          %dma_wait3A_47 = tpu.memref_slice %arg15[%dma_wait3A, %dma_wait3A_46] : memref<10016x128xf32, #tpu.memory_space<vmem_shared>> -> memref<16x128xf32, #tpu.memory_space<vmem_shared>>
          %dma_wait3A_48 = arith.constant 9984 : i32
          %dma_wait3A_49 = arith.constant 0 : i32
          %dma_wait3A_50 = tpu.memref_slice %arg3[%dma_wait3A_48, %dma_wait3A_49] : memref<10000x128xf32, #tpu.memory_space<hbm>> -> memref<16x128xf32, #tpu.memory_space<hbm>>
          tpu.wait_dma2 semaphore(%run_scoped3A : memref<!tpu.dma_semaphore, #tpu.memory_space<semaphore_mem>>) src(%dma_wait3A_50 : memref<16x128xf32, #tpu.memory_space<hbm>>) dst(%dma_wait3A_47 : memref<16x128xf32, #tpu.memory_space<vmem_shared>>)
          tpu.yield
        }) : () -> ()
      } else {
      }
      %barrier3A_27 = arith.constant 0 : index
      tpu.barrier barrier_id(%barrier3A_27)
      %scan3A_28 = arith.constant 0 : i32
      %scan3A_29 = arith.constant 0 : i32
      %scan3A_30 = arith.constant 79 : i32
      %scan3A_31 = arith.addi %scan3A_29, %scan3A_30 : i32
      %scan3A_32 = arith.constant 1 : i32
      scf.for %scan3A_41 = %scan3A_29 to %scan3A_31 step %scan3A_32  : i32 {
        %mul3A_42 = arith.constant 128 : i32
        %mul3A_43 = arith.muli %scan3A_41, %mul3A_42 : i32
        %add3A = arith.addi %mul3A_2, %mul3A_43 : i32
        %multiple_of3A_44 = tpu.assume_multiple %add3A, 8 : i32
        "tpu.region"() ({
          %run_scoped3A = tpu.sem_alloc : memref<!tpu.dma_semaphore, #tpu.memory_space<semaphore_mem>>
          %dma_start3A_49 = tpu.memref_slice %arg6[%multiple_of3A_44] : memref<161792xi32, #tpu.memory_space<hbm>> -> memref<128xi32, #tpu.memory_space<hbm>>
          %dma_start3A_50 = tpu.memref_slice %arg6[%multiple_of3A_44] : memref<161792xi32, #tpu.memory_space<hbm>> -> memref<128xi32, #tpu.memory_space<hbm>>
          tpu.enqueue_dma source(%dma_start3A_50 : memref<128xi32, #tpu.memory_space<hbm>>) target(%arg12 : memref<128xi32, #tpu.memory_space<vmem>>) target_semaphore(%run_scoped3A : memref<!tpu.dma_semaphore, #tpu.memory_space<semaphore_mem>>)
          %dma_wait3A_51 = tpu.memref_slice %arg6[%multiple_of3A_44] : memref<161792xi32, #tpu.memory_space<hbm>> -> memref<128xi32, #tpu.memory_space<hbm>>
          %dma_wait3A_52 = tpu.memref_slice %arg6[%multiple_of3A_44] : memref<161792xi32, #tpu.memory_space<hbm>> -> memref<128xi32, #tpu.memory_space<hbm>>
          tpu.wait_dma2 semaphore(%run_scoped3A : memref<!tpu.dma_semaphore, #tpu.memory_space<semaphore_mem>>) src(%dma_wait3A_52 : memref<128xi32, #tpu.memory_space<hbm>>) dst(%arg12 : memref<128xi32, #tpu.memory_space<vmem>>)
          tpu.yield
        }) : () -> ()
        "tpu.region"() ({
          %run_scoped3A = tpu.sem_alloc : memref<!tpu.dma_semaphore, #tpu.memory_space<semaphore_mem>>
          %dma_start3A_49 = tpu.memref_slice %arg7[%multiple_of3A_44] : memref<161792xi32, #tpu.memory_space<hbm>> -> memref<128xi32, #tpu.memory_space<hbm>>
          %dma_start3A_50 = tpu.memref_slice %arg7[%multiple_of3A_44] : memref<161792xi32, #tpu.memory_space<hbm>> -> memref<128xi32, #tpu.memory_space<hbm>>
          tpu.enqueue_dma source(%dma_start3A_50 : memref<128xi32, #tpu.memory_space<hbm>>) target(%arg13 : memref<128xi32, #tpu.memory_space<vmem>>) target_semaphore(%run_scoped3A : memref<!tpu.dma_semaphore, #tpu.memory_space<semaphore_mem>>)
          %dma_wait3A_51 = tpu.memref_slice %arg7[%multiple_of3A_44] : memref<161792xi32, #tpu.memory_space<hbm>> -> memref<128xi32, #tpu.memory_space<hbm>>
          %dma_wait3A_52 = tpu.memref_slice %arg7[%multiple_of3A_44] : memref<161792xi32, #tpu.memory_space<hbm>> -> memref<128xi32, #tpu.memory_space<hbm>>
          tpu.wait_dma2 semaphore(%run_scoped3A : memref<!tpu.dma_semaphore, #tpu.memory_space<semaphore_mem>>) src(%dma_wait3A_52 : memref<128xi32, #tpu.memory_space<hbm>>) dst(%arg13 : memref<128xi32, #tpu.memory_space<vmem>>)
          tpu.yield
        }) : () -> ()
        %dma_start3A = arith.constant 0 : i32
        %dma_start3A_45 = arith.constant 0 : i32
        %dma_start3A_46 = tpu.memref_slice %arg3[%dma_start3A, %dma_start3A_45] : memref<10000x128xf32, #tpu.memory_space<hbm>> -> memref<10000x128xf32, #tpu.memory_space<hbm>>
        tpu.enqueue_indirect_dma source(%dma_start3A_46 : memref<10000x128xf32, #tpu.memory_space<hbm>>) target(%arg14 : memref<128x128xf32, #tpu.memory_space<vmem>>) offsets(%arg12 : memref<128xi32, #tpu.memory_space<vmem>>) semaphore(%arg16 : memref<!tpu.dma_semaphore, #tpu.memory_space<semaphore_mem>>)
        %dma_wait3A = arith.constant 0 : i32
        %dma_wait3A_47 = arith.constant 0 : i32
        %dma_wait3A_48 = tpu.memref_slice %arg3[%dma_wait3A, %dma_wait3A_47] : memref<10000x128xf32, #tpu.memory_space<hbm>> -> memref<10000x128xf32, #tpu.memory_space<hbm>>
        tpu.wait_indirect_dma semaphore(%arg16 : memref<!tpu.dma_semaphore, #tpu.memory_space<semaphore_mem>>) src(%dma_wait3A_48 : memref<10000x128xf32, #tpu.memory_space<hbm>>) dst(%arg14 : memref<128x128xf32, #tpu.memory_space<vmem>>)
        "tpu.region"() ({
          %run_scoped3A = tpu.sem_alloc : memref<!tpu.dma_semaphore, #tpu.memory_space<semaphore_mem>>
          %dma_start3A_49 = arith.constant 0 : i32
          %dma_start3A_50 = arith.constant 0 : i32
          %dma_start3A_51 = tpu.memref_slice %arg15[%dma_start3A_49, %dma_start3A_50] : memref<10016x128xf32, #tpu.memory_space<vmem_shared>> -> memref<10016x128xf32, #tpu.memory_space<vmem_shared>>
          tpu.enqueue_indirect_dma source(%arg14 : memref<128x128xf32, #tpu.memory_space<vmem>>) target(%dma_start3A_51 : memref<10016x128xf32, #tpu.memory_space<vmem_shared>>) offsets(%arg13 : memref<128xi32, #tpu.memory_space<vmem>>) semaphore(%run_scoped3A : memref<!tpu.dma_semaphore, #tpu.memory_space<semaphore_mem>>) {add = true}
          %dma_wait3A_52 = arith.constant 0 : i32
          %dma_wait3A_53 = arith.constant 0 : i32
          %dma_wait3A_54 = tpu.memref_slice %arg15[%dma_wait3A_52, %dma_wait3A_53] : memref<10016x128xf32, #tpu.memory_space<vmem_shared>> -> memref<10016x128xf32, #tpu.memory_space<vmem_shared>>
          tpu.wait_indirect_dma semaphore(%run_scoped3A : memref<!tpu.dma_semaphore, #tpu.memory_space<semaphore_mem>>) src(%arg14 : memref<128x128xf32, #tpu.memory_space<vmem>>) dst(%dma_wait3A_54 : memref<10016x128xf32, #tpu.memory_space<vmem_shared>>)
          tpu.yield
        }) : () -> ()
      }
      %scan3A_33 = arith.constant 79 : i32
      %barrier3A_34 = arith.constant 0 : index
      tpu.barrier barrier_id(%barrier3A_34)
      "tpu.region"() ({
        %run_scoped3A = tpu.sem_alloc : memref<!tpu.dma_semaphore, #tpu.memory_space<semaphore_mem>>
        %dma_start3A = arith.constant 0 : i32
        %dma_start3A_41 = tpu.memref_slice %arg9[%multiple_of3A, %dma_start3A] : memref<10000x128xf32, #tpu.memory_space<hbm>> -> memref<624x128xf32, #tpu.memory_space<hbm>>
        %dma_start3A_42 = arith.constant 0 : i32
        %dma_start3A_43 = tpu.memref_slice %arg15[%multiple_of3A, %dma_start3A_42] : memref<10016x128xf32, #tpu.memory_space<vmem_shared>> -> memref<624x128xf32, #tpu.memory_space<vmem_shared>>
        tpu.enqueue_dma source(%dma_start3A_43 : memref<624x128xf32, #tpu.memory_space<vmem_shared>>) target(%dma_start3A_41 : memref<624x128xf32, #tpu.memory_space<hbm>>) target_semaphore(%run_scoped3A : memref<!tpu.dma_semaphore, #tpu.memory_space<semaphore_mem>>)
        %dma_wait3A = arith.constant 0 : i32
        %dma_wait3A_44 = tpu.memref_slice %arg9[%multiple_of3A, %dma_wait3A] : memref<10000x128xf32, #tpu.memory_space<hbm>> -> memref<624x128xf32, #tpu.memory_space<hbm>>
        %dma_wait3A_45 = arith.constant 0 : i32
        %dma_wait3A_46 = tpu.memref_slice %arg15[%multiple_of3A, %dma_wait3A_45] : memref<10016x128xf32, #tpu.memory_space<vmem_shared>> -> memref<624x128xf32, #tpu.memory_space<vmem_shared>>
        tpu.wait_dma2 semaphore(%run_scoped3A : memref<!tpu.dma_semaphore, #tpu.memory_space<semaphore_mem>>) src(%dma_wait3A_46 : memref<624x128xf32, #tpu.memory_space<vmem_shared>>) dst(%dma_wait3A_44 : memref<624x128xf32, #tpu.memory_space<hbm>>)
        tpu.yield
      }) : () -> ()
      %eq3A_35 = arith.constant 15 : i32
      %eq3A_36 = arith.cmpi eq, %arg1, %eq3A_35 : i32
      %convert_element_type3A_37 = arith.extui %eq3A_36 : i1 to i32
      %cond3A_38 = arith.constant 0 : i32
      %cond3A_39 = arith.cmpi ne, %convert_element_type3A_37, %cond3A_38 : i32
      scf.if %cond3A_39 {
        "tpu.region"() ({
          %run_scoped3A = tpu.sem_alloc : memref<!tpu.dma_semaphore, #tpu.memory_space<semaphore_mem>>
          %dma_start3A = arith.constant 9984 : i32
          %dma_start3A_41 = arith.constant 0 : i32
          %dma_start3A_42 = tpu.memref_slice %arg9[%dma_start3A, %dma_start3A_41] : memref<10000x128xf32, #tpu.memory_space<hbm>> -> memref<16x128xf32, #tpu.memory_space<hbm>>
          %dma_start3A_43 = arith.constant 9984 : i32
          %dma_start3A_44 = arith.constant 0 : i32
          %dma_start3A_45 = tpu.memref_slice %arg15[%dma_start3A_43, %dma_start3A_44] : memref<10016x128xf32, #tpu.memory_space<vmem_shared>> -> memref<16x128xf32, #tpu.memory_space<vmem_shared>>
          tpu.enqueue_dma source(%dma_start3A_45 : memref<16x128xf32, #tpu.memory_space<vmem_shared>>) target(%dma_start3A_42 : memref<16x128xf32, #tpu.memory_space<hbm>>) target_semaphore(%run_scoped3A : memref<!tpu.dma_semaphore, #tpu.memory_space<semaphore_mem>>)
          %dma_wait3A = arith.constant 9984 : i32
          %dma_wait3A_46 = arith.constant 0 : i32
          %dma_wait3A_47 = tpu.memref_slice %arg9[%dma_wait3A, %dma_wait3A_46] : memref<10000x128xf32, #tpu.memory_space<hbm>> -> memref<16x128xf32, #tpu.memory_space<hbm>>
          %dma_wait3A_48 = arith.constant 9984 : i32
          %dma_wait3A_49 = arith.constant 0 : i32
          %dma_wait3A_50 = tpu.memref_slice %arg15[%dma_wait3A_48, %dma_wait3A_49] : memref<10016x128xf32, #tpu.memory_space<vmem_shared>> -> memref<16x128xf32, #tpu.memory_space<vmem_shared>>
          tpu.wait_dma2 semaphore(%run_scoped3A : memref<!tpu.dma_semaphore, #tpu.memory_space<semaphore_mem>>) src(%dma_wait3A_50 : memref<16x128xf32, #tpu.memory_space<vmem_shared>>) dst(%dma_wait3A_47 : memref<16x128xf32, #tpu.memory_space<hbm>>)
          tpu.yield
        }) : () -> ()
      } else {
      }
      %barrier3A_40 = arith.constant 0 : index
      tpu.barrier barrier_id(%barrier3A_40)
    } else {
      "tpu.region"() ({
        %run_scoped3A = tpu.sem_alloc : memref<!tpu.dma_semaphore, #tpu.memory_space<semaphore_mem>>
        %dma_start3A = arith.constant 0 : i32
        %dma_start3A_41 = tpu.memref_slice %arg15[%multiple_of3A, %dma_start3A] : memref<10016x128xf32, #tpu.memory_space<vmem_shared>> -> memref<624x128xf32, #tpu.memory_space<vmem_shared>>
        %dma_start3A_42 = arith.constant 0 : i32
        %dma_start3A_43 = tpu.memref_slice %arg4[%multiple_of3A, %dma_start3A_42] : memref<10000x128xf32, #tpu.memory_space<hbm>> -> memref<624x128xf32, #tpu.memory_space<hbm>>
        tpu.enqueue_dma source(%dma_start3A_43 : memref<624x128xf32, #tpu.memory_space<hbm>>) target(%dma_start3A_41 : memref<624x128xf32, #tpu.memory_space<vmem_shared>>) target_semaphore(%run_scoped3A : memref<!tpu.dma_semaphore, #tpu.memory_space<semaphore_mem>>)
        %dma_wait3A = arith.constant 0 : i32
        %dma_wait3A_44 = tpu.memref_slice %arg15[%multiple_of3A, %dma_wait3A] : memref<10016x128xf32, #tpu.memory_space<vmem_shared>> -> memref<624x128xf32, #tpu.memory_space<vmem_shared>>
        %dma_wait3A_45 = arith.constant 0 : i32
        %dma_wait3A_46 = tpu.memref_slice %arg4[%multiple_of3A, %dma_wait3A_45] : memref<10000x128xf32, #tpu.memory_space<hbm>> -> memref<624x128xf32, #tpu.memory_space<hbm>>
        tpu.wait_dma2 semaphore(%run_scoped3A : memref<!tpu.dma_semaphore, #tpu.memory_space<semaphore_mem>>) src(%dma_wait3A_46 : memref<624x128xf32, #tpu.memory_space<hbm>>) dst(%dma_wait3A_44 : memref<624x128xf32, #tpu.memory_space<vmem_shared>>)
        tpu.yield
      }) : () -> ()
      %eq3A_5 = arith.constant 15 : i32
      %eq3A_6 = arith.cmpi eq, %arg1, %eq3A_5 : i32
      %convert_element_type3A_7 = arith.extui %eq3A_6 : i1 to i32
      %cond3A_8 = arith.constant 0 : i32
      %cond3A_9 = arith.cmpi ne, %convert_element_type3A_7, %cond3A_8 : i32
      scf.if %cond3A_9 {
        "tpu.region"() ({
          %run_scoped3A = tpu.sem_alloc : memref<!tpu.dma_semaphore, #tpu.memory_space<semaphore_mem>>
          %dma_start3A = arith.constant 9984 : i32
          %dma_start3A_41 = arith.constant 0 : i32
          %dma_start3A_42 = tpu.memref_slice %arg15[%dma_start3A, %dma_start3A_41] : memref<10016x128xf32, #tpu.memory_space<vmem_shared>> -> memref<16x128xf32, #tpu.memory_space<vmem_shared>>
          %dma_start3A_43 = arith.constant 9984 : i32
          %dma_start3A_44 = arith.constant 0 : i32
          %dma_start3A_45 = tpu.memref_slice %arg4[%dma_start3A_43, %dma_start3A_44] : memref<10000x128xf32, #tpu.memory_space<hbm>> -> memref<16x128xf32, #tpu.memory_space<hbm>>
          tpu.enqueue_dma source(%dma_start3A_45 : memref<16x128xf32, #tpu.memory_space<hbm>>) target(%dma_start3A_42 : memref<16x128xf32, #tpu.memory_space<vmem_shared>>) target_semaphore(%run_scoped3A : memref<!tpu.dma_semaphore, #tpu.memory_space<semaphore_mem>>)
          %dma_wait3A = arith.constant 9984 : i32
          %dma_wait3A_46 = arith.constant 0 : i32
          %dma_wait3A_47 = tpu.memref_slice %arg15[%dma_wait3A, %dma_wait3A_46] : memref<10016x128xf32, #tpu.memory_space<vmem_shared>> -> memref<16x128xf32, #tpu.memory_space<vmem_shared>>
          %dma_wait3A_48 = arith.constant 9984 : i32
          %dma_wait3A_49 = arith.constant 0 : i32
          %dma_wait3A_50 = tpu.memref_slice %arg4[%dma_wait3A_48, %dma_wait3A_49] : memref<10000x128xf32, #tpu.memory_space<hbm>> -> memref<16x128xf32, #tpu.memory_space<hbm>>
          tpu.wait_dma2 semaphore(%run_scoped3A : memref<!tpu.dma_semaphore, #tpu.memory_space<semaphore_mem>>) src(%dma_wait3A_50 : memref<16x128xf32, #tpu.memory_space<hbm>>) dst(%dma_wait3A_47 : memref<16x128xf32, #tpu.memory_space<vmem_shared>>)
          tpu.yield
        }) : () -> ()
      } else {
      }
      %barrier3A = arith.constant 0 : index
      tpu.barrier barrier_id(%barrier3A)
      %scan3A = arith.constant 0 : i32
      %scan3A_10 = arith.constant 0 : i32
      %scan3A_11 = arith.constant 79 : i32
      %scan3A_12 = arith.addi %scan3A_10, %scan3A_11 : i32
      %scan3A_13 = arith.constant 1 : i32
      scf.for %scan3A_41 = %scan3A_10 to %scan3A_12 step %scan3A_13  : i32 {
        %mul3A_42 = arith.constant 128 : i32
        %mul3A_43 = arith.muli %scan3A_41, %mul3A_42 : i32
        %add3A = arith.addi %mul3A_2, %mul3A_43 : i32
        %multiple_of3A_44 = tpu.assume_multiple %add3A, 8 : i32
        "tpu.region"() ({
          %run_scoped3A = tpu.sem_alloc : memref<!tpu.dma_semaphore, #tpu.memory_space<semaphore_mem>>
          %dma_start3A_49 = tpu.memref_slice %arg6[%multiple_of3A_44] : memref<161792xi32, #tpu.memory_space<hbm>> -> memref<128xi32, #tpu.memory_space<hbm>>
          %dma_start3A_50 = tpu.memref_slice %arg6[%multiple_of3A_44] : memref<161792xi32, #tpu.memory_space<hbm>> -> memref<128xi32, #tpu.memory_space<hbm>>
          tpu.enqueue_dma source(%dma_start3A_50 : memref<128xi32, #tpu.memory_space<hbm>>) target(%arg12 : memref<128xi32, #tpu.memory_space<vmem>>) target_semaphore(%run_scoped3A : memref<!tpu.dma_semaphore, #tpu.memory_space<semaphore_mem>>)
          %dma_wait3A_51 = tpu.memref_slice %arg6[%multiple_of3A_44] : memref<161792xi32, #tpu.memory_space<hbm>> -> memref<128xi32, #tpu.memory_space<hbm>>
          %dma_wait3A_52 = tpu.memref_slice %arg6[%multiple_of3A_44] : memref<161792xi32, #tpu.memory_space<hbm>> -> memref<128xi32, #tpu.memory_space<hbm>>
          tpu.wait_dma2 semaphore(%run_scoped3A : memref<!tpu.dma_semaphore, #tpu.memory_space<semaphore_mem>>) src(%dma_wait3A_52 : memref<128xi32, #tpu.memory_space<hbm>>) dst(%arg12 : memref<128xi32, #tpu.memory_space<vmem>>)
          tpu.yield
        }) : () -> ()
        "tpu.region"() ({
          %run_scoped3A = tpu.sem_alloc : memref<!tpu.dma_semaphore, #tpu.memory_space<semaphore_mem>>
          %dma_start3A_49 = tpu.memref_slice %arg7[%multiple_of3A_44] : memref<161792xi32, #tpu.memory_space<hbm>> -> memref<128xi32, #tpu.memory_space<hbm>>
          %dma_start3A_50 = tpu.memref_slice %arg7[%multiple_of3A_44] : memref<161792xi32, #tpu.memory_space<hbm>> -> memref<128xi32, #tpu.memory_space<hbm>>
          tpu.enqueue_dma source(%dma_start3A_50 : memref<128xi32, #tpu.memory_space<hbm>>) target(%arg13 : memref<128xi32, #tpu.memory_space<vmem>>) target_semaphore(%run_scoped3A : memref<!tpu.dma_semaphore, #tpu.memory_space<semaphore_mem>>)
          %dma_wait3A_51 = tpu.memref_slice %arg7[%multiple_of3A_44] : memref<161792xi32, #tpu.memory_space<hbm>> -> memref<128xi32, #tpu.memory_space<hbm>>
          %dma_wait3A_52 = tpu.memref_slice %arg7[%multiple_of3A_44] : memref<161792xi32, #tpu.memory_space<hbm>> -> memref<128xi32, #tpu.memory_space<hbm>>
          tpu.wait_dma2 semaphore(%run_scoped3A : memref<!tpu.dma_semaphore, #tpu.memory_space<semaphore_mem>>) src(%dma_wait3A_52 : memref<128xi32, #tpu.memory_space<hbm>>) dst(%arg13 : memref<128xi32, #tpu.memory_space<vmem>>)
          tpu.yield
        }) : () -> ()
        %dma_start3A = arith.constant 0 : i32
        %dma_start3A_45 = arith.constant 0 : i32
        %dma_start3A_46 = tpu.memref_slice %arg4[%dma_start3A, %dma_start3A_45] : memref<10000x128xf32, #tpu.memory_space<hbm>> -> memref<10000x128xf32, #tpu.memory_space<hbm>>
        tpu.enqueue_indirect_dma source(%dma_start3A_46 : memref<10000x128xf32, #tpu.memory_space<hbm>>) target(%arg14 : memref<128x128xf32, #tpu.memory_space<vmem>>) offsets(%arg12 : memref<128xi32, #tpu.memory_space<vmem>>) semaphore(%arg16 : memref<!tpu.dma_semaphore, #tpu.memory_space<semaphore_mem>>)
        %dma_wait3A = arith.constant 0 : i32
        %dma_wait3A_47 = arith.constant 0 : i32
        %dma_wait3A_48 = tpu.memref_slice %arg4[%dma_wait3A, %dma_wait3A_47] : memref<10000x128xf32, #tpu.memory_space<hbm>> -> memref<10000x128xf32, #tpu.memory_space<hbm>>
        tpu.wait_indirect_dma semaphore(%arg16 : memref<!tpu.dma_semaphore, #tpu.memory_space<semaphore_mem>>) src(%dma_wait3A_48 : memref<10000x128xf32, #tpu.memory_space<hbm>>) dst(%arg14 : memref<128x128xf32, #tpu.memory_space<vmem>>)
        "tpu.region"() ({
          %run_scoped3A = tpu.sem_alloc : memref<!tpu.dma_semaphore, #tpu.memory_space<semaphore_mem>>
          %dma_start3A_49 = arith.constant 0 : i32
          %dma_start3A_50 = arith.constant 0 : i32
          %dma_start3A_51 = tpu.memref_slice %arg15[%dma_start3A_49, %dma_start3A_50] : memref<10016x128xf32, #tpu.memory_space<vmem_shared>> -> memref<10016x128xf32, #tpu.memory_space<vmem_shared>>
          tpu.enqueue_indirect_dma source(%arg14 : memref<128x128xf32, #tpu.memory_space<vmem>>) target(%dma_start3A_51 : memref<10016x128xf32, #tpu.memory_space<vmem_shared>>) offsets(%arg13 : memref<128xi32, #tpu.memory_space<vmem>>) semaphore(%run_scoped3A : memref<!tpu.dma_semaphore, #tpu.memory_space<semaphore_mem>>) {add = true}
          %dma_wait3A_52 = arith.constant 0 : i32
          %dma_wait3A_53 = arith.constant 0 : i32
          %dma_wait3A_54 = tpu.memref_slice %arg15[%dma_wait3A_52, %dma_wait3A_53] : memref<10016x128xf32, #tpu.memory_space<vmem_shared>> -> memref<10016x128xf32, #tpu.memory_space<vmem_shared>>
          tpu.wait_indirect_dma semaphore(%run_scoped3A : memref<!tpu.dma_semaphore, #tpu.memory_space<semaphore_mem>>) src(%arg14 : memref<128x128xf32, #tpu.memory_space<vmem>>) dst(%dma_wait3A_54 : memref<10016x128xf32, #tpu.memory_space<vmem_shared>>)
          tpu.yield
        }) : () -> ()
      }
      %scan3A_14 = arith.constant 79 : i32
      %barrier3A_15 = arith.constant 0 : index
      tpu.barrier barrier_id(%barrier3A_15)
      "tpu.region"() ({
        %run_scoped3A = tpu.sem_alloc : memref<!tpu.dma_semaphore, #tpu.memory_space<semaphore_mem>>
        %dma_start3A = arith.constant 0 : i32
        %dma_start3A_41 = tpu.memref_slice %arg10[%multiple_of3A, %dma_start3A] : memref<10000x128xf32, #tpu.memory_space<hbm>> -> memref<624x128xf32, #tpu.memory_space<hbm>>
        %dma_start3A_42 = arith.constant 0 : i32
        %dma_start3A_43 = tpu.memref_slice %arg15[%multiple_of3A, %dma_start3A_42] : memref<10016x128xf32, #tpu.memory_space<vmem_shared>> -> memref<624x128xf32, #tpu.memory_space<vmem_shared>>
        tpu.enqueue_dma source(%dma_start3A_43 : memref<624x128xf32, #tpu.memory_space<vmem_shared>>) target(%dma_start3A_41 : memref<624x128xf32, #tpu.memory_space<hbm>>) target_semaphore(%run_scoped3A : memref<!tpu.dma_semaphore, #tpu.memory_space<semaphore_mem>>)
        %dma_wait3A = arith.constant 0 : i32
        %dma_wait3A_44 = tpu.memref_slice %arg10[%multiple_of3A, %dma_wait3A] : memref<10000x128xf32, #tpu.memory_space<hbm>> -> memref<624x128xf32, #tpu.memory_space<hbm>>
        %dma_wait3A_45 = arith.constant 0 : i32
        %dma_wait3A_46 = tpu.memref_slice %arg15[%multiple_of3A, %dma_wait3A_45] : memref<10016x128xf32, #tpu.memory_space<vmem_shared>> -> memref<624x128xf32, #tpu.memory_space<vmem_shared>>
        tpu.wait_dma2 semaphore(%run_scoped3A : memref<!tpu.dma_semaphore, #tpu.memory_space<semaphore_mem>>) src(%dma_wait3A_46 : memref<624x128xf32, #tpu.memory_space<vmem_shared>>) dst(%dma_wait3A_44 : memref<624x128xf32, #tpu.memory_space<hbm>>)
        tpu.yield
      }) : () -> ()
      %eq3A_16 = arith.constant 15 : i32
      %eq3A_17 = arith.cmpi eq, %arg1, %eq3A_16 : i32
      %convert_element_type3A_18 = arith.extui %eq3A_17 : i1 to i32
      %cond3A_19 = arith.constant 0 : i32
      %cond3A_20 = arith.cmpi ne, %convert_element_type3A_18, %cond3A_19 : i32
      scf.if %cond3A_20 {
        "tpu.region"() ({
          %run_scoped3A = tpu.sem_alloc : memref<!tpu.dma_semaphore, #tpu.memory_space<semaphore_mem>>
          %dma_start3A = arith.constant 9984 : i32
          %dma_start3A_41 = arith.constant 0 : i32
          %dma_start3A_42 = tpu.memref_slice %arg10[%dma_start3A, %dma_start3A_41] : memref<10000x128xf32, #tpu.memory_space<hbm>> -> memref<16x128xf32, #tpu.memory_space<hbm>>
          %dma_start3A_43 = arith.constant 9984 : i32
          %dma_start3A_44 = arith.constant 0 : i32
          %dma_start3A_45 = tpu.memref_slice %arg15[%dma_start3A_43, %dma_start3A_44] : memref<10016x128xf32, #tpu.memory_space<vmem_shared>> -> memref<16x128xf32, #tpu.memory_space<vmem_shared>>
          tpu.enqueue_dma source(%dma_start3A_45 : memref<16x128xf32, #tpu.memory_space<vmem_shared>>) target(%dma_start3A_42 : memref<16x128xf32, #tpu.memory_space<hbm>>) target_semaphore(%run_scoped3A : memref<!tpu.dma_semaphore, #tpu.memory_space<semaphore_mem>>)
          %dma_wait3A = arith.constant 9984 : i32
          %dma_wait3A_46 = arith.constant 0 : i32
          %dma_wait3A_47 = tpu.memref_slice %arg10[%dma_wait3A, %dma_wait3A_46] : memref<10000x128xf32, #tpu.memory_space<hbm>> -> memref<16x128xf32, #tpu.memory_space<hbm>>
          %dma_wait3A_48 = arith.constant 9984 : i32
          %dma_wait3A_49 = arith.constant 0 : i32
          %dma_wait3A_50 = tpu.memref_slice %arg15[%dma_wait3A_48, %dma_wait3A_49] : memref<10016x128xf32, #tpu.memory_space<vmem_shared>> -> memref<16x128xf32, #tpu.memory_space<vmem_shared>>
          tpu.wait_dma2 semaphore(%run_scoped3A : memref<!tpu.dma_semaphore, #tpu.memory_space<semaphore_mem>>) src(%dma_wait3A_50 : memref<16x128xf32, #tpu.memory_space<vmem_shared>>) dst(%dma_wait3A_47 : memref<16x128xf32, #tpu.memory_space<hbm>>)
          tpu.yield
        }) : () -> ()
      } else {
      }
      %barrier3A_21 = arith.constant 0 : index
      tpu.barrier barrier_id(%barrier3A_21)
      "tpu.region"() ({
        %run_scoped3A = tpu.sem_alloc : memref<!tpu.dma_semaphore, #tpu.memory_space<semaphore_mem>>
        %dma_start3A = arith.constant 0 : i32
        %dma_start3A_41 = tpu.memref_slice %arg15[%multiple_of3A, %dma_start3A] : memref<10016x128xf32, #tpu.memory_space<vmem_shared>> -> memref<624x128xf32, #tpu.memory_space<vmem_shared>>
        %dma_start3A_42 = arith.constant 0 : i32
        %dma_start3A_43 = tpu.memref_slice %arg5[%multiple_of3A, %dma_start3A_42] : memref<10000x128xf32, #tpu.memory_space<hbm>> -> memref<624x128xf32, #tpu.memory_space<hbm>>
        tpu.enqueue_dma source(%dma_start3A_43 : memref<624x128xf32, #tpu.memory_space<hbm>>) target(%dma_start3A_41 : memref<624x128xf32, #tpu.memory_space<vmem_shared>>) target_semaphore(%run_scoped3A : memref<!tpu.dma_semaphore, #tpu.memory_space<semaphore_mem>>)
        %dma_wait3A = arith.constant 0 : i32
        %dma_wait3A_44 = tpu.memref_slice %arg15[%multiple_of3A, %dma_wait3A] : memref<10016x128xf32, #tpu.memory_space<vmem_shared>> -> memref<624x128xf32, #tpu.memory_space<vmem_shared>>
        %dma_wait3A_45 = arith.constant 0 : i32
        %dma_wait3A_46 = tpu.memref_slice %arg5[%multiple_of3A, %dma_wait3A_45] : memref<10000x128xf32, #tpu.memory_space<hbm>> -> memref<624x128xf32, #tpu.memory_space<hbm>>
        tpu.wait_dma2 semaphore(%run_scoped3A : memref<!tpu.dma_semaphore, #tpu.memory_space<semaphore_mem>>) src(%dma_wait3A_46 : memref<624x128xf32, #tpu.memory_space<hbm>>) dst(%dma_wait3A_44 : memref<624x128xf32, #tpu.memory_space<vmem_shared>>)
        tpu.yield
      }) : () -> ()
      %eq3A_22 = arith.constant 15 : i32
      %eq3A_23 = arith.cmpi eq, %arg1, %eq3A_22 : i32
      %convert_element_type3A_24 = arith.extui %eq3A_23 : i1 to i32
      %cond3A_25 = arith.constant 0 : i32
      %cond3A_26 = arith.cmpi ne, %convert_element_type3A_24, %cond3A_25 : i32
      scf.if %cond3A_26 {
        "tpu.region"() ({
          %run_scoped3A = tpu.sem_alloc : memref<!tpu.dma_semaphore, #tpu.memory_space<semaphore_mem>>
          %dma_start3A = arith.constant 9984 : i32
          %dma_start3A_41 = arith.constant 0 : i32
          %dma_start3A_42 = tpu.memref_slice %arg15[%dma_start3A, %dma_start3A_41] : memref<10016x128xf32, #tpu.memory_space<vmem_shared>> -> memref<16x128xf32, #tpu.memory_space<vmem_shared>>
          %dma_start3A_43 = arith.constant 9984 : i32
          %dma_start3A_44 = arith.constant 0 : i32
          %dma_start3A_45 = tpu.memref_slice %arg5[%dma_start3A_43, %dma_start3A_44] : memref<10000x128xf32, #tpu.memory_space<hbm>> -> memref<16x128xf32, #tpu.memory_space<hbm>>
          tpu.enqueue_dma source(%dma_start3A_45 : memref<16x128xf32, #tpu.memory_space<hbm>>) target(%dma_start3A_42 : memref<16x128xf32, #tpu.memory_space<vmem_shared>>) target_semaphore(%run_scoped3A : memref<!tpu.dma_semaphore, #tpu.memory_space<semaphore_mem>>)
          %dma_wait3A = arith.constant 9984 : i32
          %dma_wait3A_46 = arith.constant 0 : i32
          %dma_wait3A_47 = tpu.memref_slice %arg15[%dma_wait3A, %dma_wait3A_46] : memref<10016x128xf32, #tpu.memory_space<vmem_shared>> -> memref<16x128xf32, #tpu.memory_space<vmem_shared>>
          %dma_wait3A_48 = arith.constant 9984 : i32
          %dma_wait3A_49 = arith.constant 0 : i32
          %dma_wait3A_50 = tpu.memref_slice %arg5[%dma_wait3A_48, %dma_wait3A_49] : memref<10000x128xf32, #tpu.memory_space<hbm>> -> memref<16x128xf32, #tpu.memory_space<hbm>>
          tpu.wait_dma2 semaphore(%run_scoped3A : memref<!tpu.dma_semaphore, #tpu.memory_space<semaphore_mem>>) src(%dma_wait3A_50 : memref<16x128xf32, #tpu.memory_space<hbm>>) dst(%dma_wait3A_47 : memref<16x128xf32, #tpu.memory_space<vmem_shared>>)
          tpu.yield
        }) : () -> ()
      } else {
      }
      %barrier3A_27 = arith.constant 0 : index
      tpu.barrier barrier_id(%barrier3A_27)
      %scan3A_28 = arith.constant 0 : i32
      %scan3A_29 = arith.constant 0 : i32
      %scan3A_30 = arith.constant 79 : i32
      %scan3A_31 = arith.addi %scan3A_29, %scan3A_30 : i32
      %scan3A_32 = arith.constant 1 : i32
      scf.for %scan3A_41 = %scan3A_29 to %scan3A_31 step %scan3A_32  : i32 {
        %mul3A_42 = arith.constant 128 : i32
        %mul3A_43 = arith.muli %scan3A_41, %mul3A_42 : i32
        %add3A = arith.addi %mul3A_2, %mul3A_43 : i32
        %multiple_of3A_44 = tpu.assume_multiple %add3A, 8 : i32
        "tpu.region"() ({
          %run_scoped3A = tpu.sem_alloc : memref<!tpu.dma_semaphore, #tpu.memory_space<semaphore_mem>>
          %dma_start3A_49 = tpu.memref_slice %arg6[%multiple_of3A_44] : memref<161792xi32, #tpu.memory_space<hbm>> -> memref<128xi32, #tpu.memory_space<hbm>>
          %dma_start3A_50 = tpu.memref_slice %arg6[%multiple_of3A_44] : memref<161792xi32, #tpu.memory_space<hbm>> -> memref<128xi32, #tpu.memory_space<hbm>>
          tpu.enqueue_dma source(%dma_start3A_50 : memref<128xi32, #tpu.memory_space<hbm>>) target(%arg12 : memref<128xi32, #tpu.memory_space<vmem>>) target_semaphore(%run_scoped3A : memref<!tpu.dma_semaphore, #tpu.memory_space<semaphore_mem>>)
          %dma_wait3A_51 = tpu.memref_slice %arg6[%multiple_of3A_44] : memref<161792xi32, #tpu.memory_space<hbm>> -> memref<128xi32, #tpu.memory_space<hbm>>
          %dma_wait3A_52 = tpu.memref_slice %arg6[%multiple_of3A_44] : memref<161792xi32, #tpu.memory_space<hbm>> -> memref<128xi32, #tpu.memory_space<hbm>>
          tpu.wait_dma2 semaphore(%run_scoped3A : memref<!tpu.dma_semaphore, #tpu.memory_space<semaphore_mem>>) src(%dma_wait3A_52 : memref<128xi32, #tpu.memory_space<hbm>>) dst(%arg12 : memref<128xi32, #tpu.memory_space<vmem>>)
          tpu.yield
        }) : () -> ()
        "tpu.region"() ({
          %run_scoped3A = tpu.sem_alloc : memref<!tpu.dma_semaphore, #tpu.memory_space<semaphore_mem>>
          %dma_start3A_49 = tpu.memref_slice %arg7[%multiple_of3A_44] : memref<161792xi32, #tpu.memory_space<hbm>> -> memref<128xi32, #tpu.memory_space<hbm>>
          %dma_start3A_50 = tpu.memref_slice %arg7[%multiple_of3A_44] : memref<161792xi32, #tpu.memory_space<hbm>> -> memref<128xi32, #tpu.memory_space<hbm>>
          tpu.enqueue_dma source(%dma_start3A_50 : memref<128xi32, #tpu.memory_space<hbm>>) target(%arg13 : memref<128xi32, #tpu.memory_space<vmem>>) target_semaphore(%run_scoped3A : memref<!tpu.dma_semaphore, #tpu.memory_space<semaphore_mem>>)
          %dma_wait3A_51 = tpu.memref_slice %arg7[%multiple_of3A_44] : memref<161792xi32, #tpu.memory_space<hbm>> -> memref<128xi32, #tpu.memory_space<hbm>>
          %dma_wait3A_52 = tpu.memref_slice %arg7[%multiple_of3A_44] : memref<161792xi32, #tpu.memory_space<hbm>> -> memref<128xi32, #tpu.memory_space<hbm>>
          tpu.wait_dma2 semaphore(%run_scoped3A : memref<!tpu.dma_semaphore, #tpu.memory_space<semaphore_mem>>) src(%dma_wait3A_52 : memref<128xi32, #tpu.memory_space<hbm>>) dst(%arg13 : memref<128xi32, #tpu.memory_space<vmem>>)
          tpu.yield
        }) : () -> ()
        %dma_start3A = arith.constant 0 : i32
        %dma_start3A_45 = arith.constant 0 : i32
        %dma_start3A_46 = tpu.memref_slice %arg5[%dma_start3A, %dma_start3A_45] : memref<10000x128xf32, #tpu.memory_space<hbm>> -> memref<10000x128xf32, #tpu.memory_space<hbm>>
        tpu.enqueue_indirect_dma source(%dma_start3A_46 : memref<10000x128xf32, #tpu.memory_space<hbm>>) target(%arg14 : memref<128x128xf32, #tpu.memory_space<vmem>>) offsets(%arg12 : memref<128xi32, #tpu.memory_space<vmem>>) semaphore(%arg16 : memref<!tpu.dma_semaphore, #tpu.memory_space<semaphore_mem>>)
        %dma_wait3A = arith.constant 0 : i32
        %dma_wait3A_47 = arith.constant 0 : i32
        %dma_wait3A_48 = tpu.memref_slice %arg5[%dma_wait3A, %dma_wait3A_47] : memref<10000x128xf32, #tpu.memory_space<hbm>> -> memref<10000x128xf32, #tpu.memory_space<hbm>>
        tpu.wait_indirect_dma semaphore(%arg16 : memref<!tpu.dma_semaphore, #tpu.memory_space<semaphore_mem>>) src(%dma_wait3A_48 : memref<10000x128xf32, #tpu.memory_space<hbm>>) dst(%arg14 : memref<128x128xf32, #tpu.memory_space<vmem>>)
        "tpu.region"() ({
          %run_scoped3A = tpu.sem_alloc : memref<!tpu.dma_semaphore, #tpu.memory_space<semaphore_mem>>
          %dma_start3A_49 = arith.constant 0 : i32
          %dma_start3A_50 = arith.constant 0 : i32
          %dma_start3A_51 = tpu.memref_slice %arg15[%dma_start3A_49, %dma_start3A_50] : memref<10016x128xf32, #tpu.memory_space<vmem_shared>> -> memref<10016x128xf32, #tpu.memory_space<vmem_shared>>
          tpu.enqueue_indirect_dma source(%arg14 : memref<128x128xf32, #tpu.memory_space<vmem>>) target(%dma_start3A_51 : memref<10016x128xf32, #tpu.memory_space<vmem_shared>>) offsets(%arg13 : memref<128xi32, #tpu.memory_space<vmem>>) semaphore(%run_scoped3A : memref<!tpu.dma_semaphore, #tpu.memory_space<semaphore_mem>>) {add = true}
          %dma_wait3A_52 = arith.constant 0 : i32
          %dma_wait3A_53 = arith.constant 0 : i32
          %dma_wait3A_54 = tpu.memref_slice %arg15[%dma_wait3A_52, %dma_wait3A_53] : memref<10016x128xf32, #tpu.memory_space<vmem_shared>> -> memref<10016x128xf32, #tpu.memory_space<vmem_shared>>
          tpu.wait_indirect_dma semaphore(%run_scoped3A : memref<!tpu.dma_semaphore, #tpu.memory_space<semaphore_mem>>) src(%arg14 : memref<128x128xf32, #tpu.memory_space<vmem>>) dst(%dma_wait3A_54 : memref<10016x128xf32, #tpu.memory_space<vmem_shared>>)
          tpu.yield
        }) : () -> ()
      }
      %scan3A_33 = arith.constant 79 : i32
      %barrier3A_34 = arith.constant 0 : index
      tpu.barrier barrier_id(%barrier3A_34)
      "tpu.region"() ({
        %run_scoped3A = tpu.sem_alloc : memref<!tpu.dma_semaphore, #tpu.memory_space<semaphore_mem>>
        %dma_start3A = arith.constant 0 : i32
        %dma_start3A_41 = tpu.memref_slice %arg11[%multiple_of3A, %dma_start3A] : memref<10000x128xf32, #tpu.memory_space<hbm>> -> memref<624x128xf32, #tpu.memory_space<hbm>>
        %dma_start3A_42 = arith.constant 0 : i32
        %dma_start3A_43 = tpu.memref_slice %arg15[%multiple_of3A, %dma_start3A_42] : memref<10016x128xf32, #tpu.memory_space<vmem_shared>> -> memref<624x128xf32, #tpu.memory_space<vmem_shared>>
        tpu.enqueue_dma source(%dma_start3A_43 : memref<624x128xf32, #tpu.memory_space<vmem_shared>>) target(%dma_start3A_41 : memref<624x128xf32, #tpu.memory_space<hbm>>) target_semaphore(%run_scoped3A : memref<!tpu.dma_semaphore, #tpu.memory_space<semaphore_mem>>)
        %dma_wait3A = arith.constant 0 : i32
        %dma_wait3A_44 = tpu.memref_slice %arg11[%multiple_of3A, %dma_wait3A] : memref<10000x128xf32, #tpu.memory_space<hbm>> -> memref<624x128xf32, #tpu.memory_space<hbm>>
        %dma_wait3A_45 = arith.constant 0 : i32
        %dma_wait3A_46 = tpu.memref_slice %arg15[%multiple_of3A, %dma_wait3A_45] : memref<10016x128xf32, #tpu.memory_space<vmem_shared>> -> memref<624x128xf32, #tpu.memory_space<vmem_shared>>
        tpu.wait_dma2 semaphore(%run_scoped3A : memref<!tpu.dma_semaphore, #tpu.memory_space<semaphore_mem>>) src(%dma_wait3A_46 : memref<624x128xf32, #tpu.memory_space<vmem_shared>>) dst(%dma_wait3A_44 : memref<624x128xf32, #tpu.memory_space<hbm>>)
        tpu.yield
      }) : () -> ()
      %eq3A_35 = arith.constant 15 : i32
      %eq3A_36 = arith.cmpi eq, %arg1, %eq3A_35 : i32
      %convert_element_type3A_37 = arith.extui %eq3A_36 : i1 to i32
      %cond3A_38 = arith.constant 0 : i32
      %cond3A_39 = arith.cmpi ne, %convert_element_type3A_37, %cond3A_38 : i32
      scf.if %cond3A_39 {
        "tpu.region"() ({
          %run_scoped3A = tpu.sem_alloc : memref<!tpu.dma_semaphore, #tpu.memory_space<semaphore_mem>>
          %dma_start3A = arith.constant 9984 : i32
          %dma_start3A_41 = arith.constant 0 : i32
          %dma_start3A_42 = tpu.memref_slice %arg11[%dma_start3A, %dma_start3A_41] : memref<10000x128xf32, #tpu.memory_space<hbm>> -> memref<16x128xf32, #tpu.memory_space<hbm>>
          %dma_start3A_43 = arith.constant 9984 : i32
          %dma_start3A_44 = arith.constant 0 : i32
          %dma_start3A_45 = tpu.memref_slice %arg15[%dma_start3A_43, %dma_start3A_44] : memref<10016x128xf32, #tpu.memory_space<vmem_shared>> -> memref<16x128xf32, #tpu.memory_space<vmem_shared>>
          tpu.enqueue_dma source(%dma_start3A_45 : memref<16x128xf32, #tpu.memory_space<vmem_shared>>) target(%dma_start3A_42 : memref<16x128xf32, #tpu.memory_space<hbm>>) target_semaphore(%run_scoped3A : memref<!tpu.dma_semaphore, #tpu.memory_space<semaphore_mem>>)
          %dma_wait3A = arith.constant 9984 : i32
          %dma_wait3A_46 = arith.constant 0 : i32
          %dma_wait3A_47 = tpu.memref_slice %arg11[%dma_wait3A, %dma_wait3A_46] : memref<10000x128xf32, #tpu.memory_space<hbm>> -> memref<16x128xf32, #tpu.memory_space<hbm>>
          %dma_wait3A_48 = arith.constant 9984 : i32
          %dma_wait3A_49 = arith.constant 0 : i32
          %dma_wait3A_50 = tpu.memref_slice %arg15[%dma_wait3A_48, %dma_wait3A_49] : memref<10016x128xf32, #tpu.memory_space<vmem_shared>> -> memref<16x128xf32, #tpu.memory_space<vmem_shared>>
          tpu.wait_dma2 semaphore(%run_scoped3A : memref<!tpu.dma_semaphore, #tpu.memory_space<semaphore_mem>>) src(%dma_wait3A_50 : memref<16x128xf32, #tpu.memory_space<vmem_shared>>) dst(%dma_wait3A_47 : memref<16x128xf32, #tpu.memory_space<hbm>>)
          tpu.yield
        }) : () -> ()
      } else {
      }
      %barrier3A_40 = arith.constant 0 : index
      tpu.barrier barrier_id(%barrier3A_40)
    }
    return
  }
}

module attributes {stable_mosaic.version = 14 : i64} {
  func.func @_enc_body(%arg0: i32, %arg1: memref<1000x256xf32, #tpu.memory_space<vmem>>, %arg2: memref<256x512xf32, #tpu.memory_space<vmem>>, %arg3: memref<1x512xf32, #tpu.memory_space<vmem>>, %arg4: memref<1000x128xf32, #tpu.memory_space<vmem>>, %arg5: memref<1000x128xf32, #tpu.memory_space<vmem>>, %arg6: memref<1000x128xf32, #tpu.memory_space<vmem>>, %arg7: memref<1000x128xf32, #tpu.memory_space<vmem>>) attributes {dimension_semantics = [#tpu.dimension_semantics<arbitrary>], iteration_bounds = array<i64: 10>, scalar_prefetch = 0 : i64, scratch_operands = 0 : i64, tpu.core_type = #tpu.core_type<tc>, window_params = [{transform_indices = @transform_0, window_bounds = array<i64: 1000, 256>}, {pipeline_mode = #tpu.pipeline_mode<synchronous>, transform_indices = @transform_1, window_bounds = array<i64: 256, 512>}, {pipeline_mode = #tpu.pipeline_mode<synchronous>, transform_indices = @transform_2, window_bounds = array<i64: 1, 512>}, {transform_indices = @transform_3, window_bounds = array<i64: 1000, 128>}, {transform_indices = @transform_4, window_bounds = array<i64: 1000, 128>}, {transform_indices = @transform_5, window_bounds = array<i64: 1000, 128>}, {transform_indices = @transform_6, window_bounds = array<i64: 1000, 128>}]} {
    %get3A = arith.constant 0 : index
    %get3A_0 = arith.constant 0 : index
    %get3A_1 = vector.load %arg1[%get3A, %get3A_0] : memref<1000x256xf32, #tpu.memory_space<vmem>>, vector<1000x256xf32>
    %get3A_2 = arith.constant 0 : index
    %get3A_3 = arith.constant 0 : index
    %get3A_4 = vector.load %arg2[%get3A_2, %get3A_3] : memref<256x512xf32, #tpu.memory_space<vmem>>, vector<256x512xf32>
    %dot_general3A = arith.constant dense<0.000000e+00> : vector<1000x512xf32>
    %dot_general3A_5 = tpu.matmul %get3A_1, %get3A_4, %dot_general3A {dimension_numbers = #tpu.dot_dimension_numbers<[1], [0], [0], [1], [0, 0, 1, 1], [], []>, transpose_lhs_hint = false} : vector<1000x256xf32>, vector<256x512xf32>, vector<1000x512xf32> -> vector<1000x512xf32>
    %get3A_6 = arith.constant 0 : index
    %get3A_7 = arith.constant 0 : index
    %get3A_8 = vector.load %arg3[%get3A_6, %get3A_7] : memref<1x512xf32, #tpu.memory_space<vmem>>, vector<1x512xf32>
    %add3A = vector.broadcast %get3A_8 : vector<1x512xf32> to vector<1000x512xf32>
    %add3A_9 = arith.addf %dot_general3A_5, %add3A : vector<1000x512xf32>
    %slice3A = vector.extract_strided_slice %add3A_9 {offsets = [0, 0], sizes = [1000, 128], strides = [1, 1]} : vector<1000x512xf32> to vector<1000x128xf32>
    %swap3A = arith.constant 0 : index
    %swap3A_10 = arith.constant 0 : index
    %swap3A_11 = vector.load %arg4[%swap3A, %swap3A_10] : memref<1000x128xf32, #tpu.memory_space<vmem>>, vector<1000x128xf32>
    tpu.vector_store %arg4[%swap3A, %swap3A_10], %slice3A {strides = array<i32>} : memref<1000x128xf32, #tpu.memory_space<vmem>>, vector<1000x128xf32>,
    %slice3A_12 = vector.extract_strided_slice %add3A_9 {offsets = [0, 128], sizes = [1000, 128], strides = [1, 1]} : vector<1000x512xf32> to vector<1000x128xf32>
    %swap3A_13 = arith.constant 0 : index
    %swap3A_14 = arith.constant 0 : index
    %swap3A_15 = vector.load %arg5[%swap3A_13, %swap3A_14] : memref<1000x128xf32, #tpu.memory_space<vmem>>, vector<1000x128xf32>
    tpu.vector_store %arg5[%swap3A_13, %swap3A_14], %slice3A_12 {strides = array<i32>} : memref<1000x128xf32, #tpu.memory_space<vmem>>, vector<1000x128xf32>,
    %slice3A_16 = vector.extract_strided_slice %add3A_9 {offsets = [0, 256], sizes = [1000, 128], strides = [1, 1]} : vector<1000x512xf32> to vector<1000x128xf32>
    %swap3A_17 = arith.constant 0 : index
    %swap3A_18 = arith.constant 0 : index
    %swap3A_19 = vector.load %arg6[%swap3A_17, %swap3A_18] : memref<1000x128xf32, #tpu.memory_space<vmem>>, vector<1000x128xf32>
    tpu.vector_store %arg6[%swap3A_17, %swap3A_18], %slice3A_16 {strides = array<i32>} : memref<1000x128xf32, #tpu.memory_space<vmem>>, vector<1000x128xf32>,
    %slice3A_20 = vector.extract_strided_slice %add3A_9 {offsets = [0, 384], sizes = [1000, 128], strides = [1, 1]} : vector<1000x512xf32> to vector<1000x128xf32>
    %swap3A_21 = arith.constant 0 : index
    %swap3A_22 = arith.constant 0 : index
    %swap3A_23 = vector.load %arg7[%swap3A_21, %swap3A_22] : memref<1000x128xf32, #tpu.memory_space<vmem>>, vector<1000x128xf32>
    tpu.vector_store %arg7[%swap3A_21, %swap3A_22], %slice3A_20 {strides = array<i32>} : memref<1000x128xf32, #tpu.memory_space<vmem>>, vector<1000x128xf32>,
    return
  }
  func.func @transform_0(%arg0: i32) -> (i32, i32) {
    %c0_i32 = arith.constant 0 : i32
    %c0_i32_0 = arith.constant 0 : i32
    return %arg0, %c0_i32 : i32, i32
  }
  func.func @transform_1(%arg0: i32) -> (i32, i32) {
    %c0_i32 = arith.constant 0 : i32
    %c0_i32_0 = arith.constant 0 : i32
    %c0_i32_1 = arith.constant 0 : i32
    return %c0_i32, %c0_i32_0 : i32, i32
  }
  func.func @transform_2(%arg0: i32) -> (i32, i32) {
    %c0_i32 = arith.constant 0 : i32
    %c0_i32_0 = arith.constant 0 : i32
    %c0_i32_1 = arith.constant 0 : i32
    return %c0_i32, %c0_i32_0 : i32, i32
  }
  func.func @transform_3(%arg0: i32) -> (i32, i32) {
    %c0_i32 = arith.constant 0 : i32
    %c0_i32_0 = arith.constant 0 : i32
    return %arg0, %c0_i32 : i32, i32
  }
  func.func @transform_4(%arg0: i32) -> (i32, i32) {
    %c0_i32 = arith.constant 0 : i32
    %c0_i32_0 = arith.constant 0 : i32
    return %arg0, %c0_i32 : i32, i32
  }
  func.func @transform_5(%arg0: i32) -> (i32, i32) {
    %c0_i32 = arith.constant 0 : i32
    %c0_i32_0 = arith.constant 0 : i32
    return %arg0, %c0_i32 : i32, i32
  }
  func.func @transform_6(%arg0: i32) -> (i32, i32) {
    %c0_i32 = arith.constant 0 : i32
    %c0_i32_0 = arith.constant 0 : i32
    return %arg0, %c0_i32 : i32, i32
  }
}

module attributes {stable_mosaic.version = 14 : i64} {
  func.func @_mlp_body(%arg0: i32, %arg1: memref<1000x128xf32, #tpu.memory_space<vmem>>, %arg2: memref<1000x128xf32, #tpu.memory_space<vmem>>, %arg3: memref<1000x128xf32, #tpu.memory_space<vmem>>, %arg4: memref<1000x128xf32, #tpu.memory_space<vmem>>, %arg5: memref<512x512xf32, #tpu.memory_space<vmem>>, %arg6: memref<1x512xf32, #tpu.memory_space<vmem>>, %arg7: memref<512x512xf32, #tpu.memory_space<vmem>>, %arg8: memref<1x512xf32, #tpu.memory_space<vmem>>, %arg9: memref<1000x128xf32, #tpu.memory_space<vmem>>, %arg10: memref<1000x128xf32, #tpu.memory_space<vmem>>, %arg11: memref<1000x128xf32, #tpu.memory_space<vmem>>, %arg12: memref<1000x128xf32, #tpu.memory_space<vmem>>) attributes {dimension_semantics = [#tpu.dimension_semantics<arbitrary>], iteration_bounds = array<i64: 10>, scalar_prefetch = 0 : i64, scratch_operands = 0 : i64, tpu.core_type = #tpu.core_type<tc>, window_params = [{transform_indices = @transform_0, window_bounds = array<i64: 1000, 128>}, {transform_indices = @transform_1, window_bounds = array<i64: 1000, 128>}, {transform_indices = @transform_2, window_bounds = array<i64: 1000, 128>}, {transform_indices = @transform_3, window_bounds = array<i64: 1000, 128>}, {pipeline_mode = #tpu.pipeline_mode<synchronous>, transform_indices = @transform_4, window_bounds = array<i64: 512, 512>}, {pipeline_mode = #tpu.pipeline_mode<synchronous>, transform_indices = @transform_5, window_bounds = array<i64: 1, 512>}, {pipeline_mode = #tpu.pipeline_mode<synchronous>, transform_indices = @transform_6, window_bounds = array<i64: 512, 512>}, {pipeline_mode = #tpu.pipeline_mode<synchronous>, transform_indices = @transform_7, window_bounds = array<i64: 1, 512>}, {transform_indices = @transform_8, window_bounds = array<i64: 1000, 128>}, {transform_indices = @transform_9, window_bounds = array<i64: 1000, 128>}, {transform_indices = @transform_10, window_bounds = array<i64: 1000, 128>}, {transform_indices = @transform_11, window_bounds = array<i64: 1000, 128>}]} {
    %get3A = arith.constant 0 : index
    %get3A_0 = arith.constant 0 : index
    %get3A_1 = vector.load %arg1[%get3A, %get3A_0] : memref<1000x128xf32, #tpu.memory_space<vmem>>, vector<1000x128xf32>
    %get3A_2 = arith.constant 0 : index
    %get3A_3 = arith.constant 0 : index
    %get3A_4 = vector.load %arg2[%get3A_2, %get3A_3] : memref<1000x128xf32, #tpu.memory_space<vmem>>, vector<1000x128xf32>
    %get3A_5 = arith.constant 0 : index
    %get3A_6 = arith.constant 0 : index
    %get3A_7 = vector.load %arg3[%get3A_5, %get3A_6] : memref<1000x128xf32, #tpu.memory_space<vmem>>, vector<1000x128xf32>
    %get3A_8 = arith.constant 0 : index
    %get3A_9 = arith.constant 0 : index
    %get3A_10 = vector.load %arg4[%get3A_8, %get3A_9] : memref<1000x128xf32, #tpu.memory_space<vmem>>, vector<1000x128xf32>
    %concatenate3A = tpu.concatenate %get3A_1, %get3A_4, %get3A_7, %get3A_10 in 1 : vector<1000x128xf32>, vector<1000x128xf32>, vector<1000x128xf32>, vector<1000x128xf32> -> vector<1000x512xf32>
    %get3A_11 = arith.constant 0 : index
    %get3A_12 = arith.constant 0 : index
    %get3A_13 = vector.load %arg5[%get3A_11, %get3A_12] : memref<512x512xf32, #tpu.memory_space<vmem>>, vector<512x512xf32>
    %dot_general3A = arith.constant dense<0.000000e+00> : vector<1000x512xf32>
    %dot_general3A_14 = tpu.matmul %concatenate3A, %get3A_13, %dot_general3A {dimension_numbers = #tpu.dot_dimension_numbers<[1], [0], [0], [1], [0, 0, 1, 1], [], []>, transpose_lhs_hint = false} : vector<1000x512xf32>, vector<512x512xf32>, vector<1000x512xf32> -> vector<1000x512xf32>
    %get3A_15 = arith.constant 0 : index
    %get3A_16 = arith.constant 0 : index
    %get3A_17 = vector.load %arg6[%get3A_15, %get3A_16] : memref<1x512xf32, #tpu.memory_space<vmem>>, vector<1x512xf32>
    %add3A = vector.broadcast %get3A_17 : vector<1x512xf32> to vector<1000x512xf32>
    %add3A_18 = arith.addf %dot_general3A_14, %add3A : vector<1000x512xf32>
    %max3A = arith.constant 0.000000e+00 : f32
    %max3A_19 = vector.broadcast %max3A : f32 to vector<1000x512xf32>
    %max3A_20 = arith.maximumf %add3A_18, %max3A_19 : vector<1000x512xf32>
    %get3A_21 = arith.constant 0 : index
    %get3A_22 = arith.constant 0 : index
    %get3A_23 = vector.load %arg7[%get3A_21, %get3A_22] : memref<512x512xf32, #tpu.memory_space<vmem>>, vector<512x512xf32>
    %dot_general3A_24 = arith.constant dense<0.000000e+00> : vector<1000x512xf32>
    %dot_general3A_25 = tpu.matmul %max3A_20, %get3A_23, %dot_general3A_24 {dimension_numbers = #tpu.dot_dimension_numbers<[1], [0], [0], [1], [0, 0, 1, 1], [], []>, transpose_lhs_hint = false} : vector<1000x512xf32>, vector<512x512xf32>, vector<1000x512xf32> -> vector<1000x512xf32>
    %get3A_26 = arith.constant 0 : index
    %get3A_27 = arith.constant 0 : index
    %get3A_28 = vector.load %arg8[%get3A_26, %get3A_27] : memref<1x512xf32, #tpu.memory_space<vmem>>, vector<1x512xf32>
    %add3A_29 = vector.broadcast %get3A_28 : vector<1x512xf32> to vector<1000x512xf32>
    %add3A_30 = arith.addf %dot_general3A_25, %add3A_29 : vector<1000x512xf32>
    %max3A_31 = arith.constant 0.000000e+00 : f32
    %max3A_32 = vector.broadcast %max3A_31 : f32 to vector<1000x512xf32>
    %max3A_33 = arith.maximumf %add3A_30, %max3A_32 : vector<1000x512xf32>
    %slice3A = vector.extract_strided_slice %max3A_33 {offsets = [0, 0], sizes = [1000, 128], strides = [1, 1]} : vector<1000x512xf32> to vector<1000x128xf32>
    %swap3A = arith.constant 0 : index
    %swap3A_34 = arith.constant 0 : index
    %swap3A_35 = vector.load %arg9[%swap3A, %swap3A_34] : memref<1000x128xf32, #tpu.memory_space<vmem>>, vector<1000x128xf32>
    tpu.vector_store %arg9[%swap3A, %swap3A_34], %slice3A {strides = array<i32>} : memref<1000x128xf32, #tpu.memory_space<vmem>>, vector<1000x128xf32>,
    %slice3A_36 = vector.extract_strided_slice %max3A_33 {offsets = [0, 128], sizes = [1000, 128], strides = [1, 1]} : vector<1000x512xf32> to vector<1000x128xf32>
    %swap3A_37 = arith.constant 0 : index
    %swap3A_38 = arith.constant 0 : index
    %swap3A_39 = vector.load %arg10[%swap3A_37, %swap3A_38] : memref<1000x128xf32, #tpu.memory_space<vmem>>, vector<1000x128xf32>
    tpu.vector_store %arg10[%swap3A_37, %swap3A_38], %slice3A_36 {strides = array<i32>} : memref<1000x128xf32, #tpu.memory_space<vmem>>, vector<1000x128xf32>,
    %slice3A_40 = vector.extract_strided_slice %max3A_33 {offsets = [0, 256], sizes = [1000, 128], strides = [1, 1]} : vector<1000x512xf32> to vector<1000x128xf32>
    %swap3A_41 = arith.constant 0 : index
    %swap3A_42 = arith.constant 0 : index
    %swap3A_43 = vector.load %arg11[%swap3A_41, %swap3A_42] : memref<1000x128xf32, #tpu.memory_space<vmem>>, vector<1000x128xf32>
    tpu.vector_store %arg11[%swap3A_41, %swap3A_42], %slice3A_40 {strides = array<i32>} : memref<1000x128xf32, #tpu.memory_space<vmem>>, vector<1000x128xf32>,
    %slice3A_44 = vector.extract_strided_slice %max3A_33 {offsets = [0, 384], sizes = [1000, 128], strides = [1, 1]} : vector<1000x512xf32> to vector<1000x128xf32>
    %swap3A_45 = arith.constant 0 : index
    %swap3A_46 = arith.constant 0 : index
    %swap3A_47 = vector.load %arg12[%swap3A_45, %swap3A_46] : memref<1000x128xf32, #tpu.memory_space<vmem>>, vector<1000x128xf32>
    tpu.vector_store %arg12[%swap3A_45, %swap3A_46], %slice3A_44 {strides = array<i32>} : memref<1000x128xf32, #tpu.memory_space<vmem>>, vector<1000x128xf32>,
    return
  }
  func.func @transform_0(%arg0: i32) -> (i32, i32) {
    %c0_i32 = arith.constant 0 : i32
    %c0_i32_0 = arith.constant 0 : i32
    return %arg0, %c0_i32 : i32, i32
  }
  func.func @transform_1(%arg0: i32) -> (i32, i32) {
    %c0_i32 = arith.constant 0 : i32
    %c0_i32_0 = arith.constant 0 : i32
    return %arg0, %c0_i32 : i32, i32
  }
  func.func @transform_2(%arg0: i32) -> (i32, i32) {
    %c0_i32 = arith.constant 0 : i32
    %c0_i32_0 = arith.constant 0 : i32
    return %arg0, %c0_i32 : i32, i32
  }
  func.func @transform_3(%arg0: i32) -> (i32, i32) {
    %c0_i32 = arith.constant 0 : i32
    %c0_i32_0 = arith.constant 0 : i32
    return %arg0, %c0_i32 : i32, i32
  }
  func.func @transform_4(%arg0: i32) -> (i32, i32) {
    %c0_i32 = arith.constant 0 : i32
    %c0_i32_0 = arith.constant 0 : i32
    %c0_i32_1 = arith.constant 0 : i32
    return %c0_i32, %c0_i32_0 : i32, i32
  }
  func.func @transform_5(%arg0: i32) -> (i32, i32) {
    %c0_i32 = arith.constant 0 : i32
    %c0_i32_0 = arith.constant 0 : i32
    %c0_i32_1 = arith.constant 0 : i32
    return %c0_i32, %c0_i32_0 : i32, i32
  }
  func.func @transform_6(%arg0: i32) -> (i32, i32) {
    %c0_i32 = arith.constant 0 : i32
    %c0_i32_0 = arith.constant 0 : i32
    %c0_i32_1 = arith.constant 0 : i32
    return %c0_i32, %c0_i32_0 : i32, i32
  }
  func.func @transform_7(%arg0: i32) -> (i32, i32) {
    %c0_i32 = arith.constant 0 : i32
    %c0_i32_0 = arith.constant 0 : i32
    %c0_i32_1 = arith.constant 0 : i32
    return %c0_i32, %c0_i32_0 : i32, i32
  }
  func.func @transform_8(%arg0: i32) -> (i32, i32) {
    %c0_i32 = arith.constant 0 : i32
    %c0_i32_0 = arith.constant 0 : i32
    return %arg0, %c0_i32 : i32, i32
  }
  func.func @transform_9(%arg0: i32) -> (i32, i32) {
    %c0_i32 = arith.constant 0 : i32
    %c0_i32_0 = arith.constant 0 : i32
    return %arg0, %c0_i32 : i32, i32
  }
  func.func @transform_10(%arg0: i32) -> (i32, i32) {
    %c0_i32 = arith.constant 0 : i32
    %c0_i32_0 = arith.constant 0 : i32
    return %arg0, %c0_i32 : i32, i32
  }
  func.func @transform_11(%arg0: i32) -> (i32, i32) {
    %c0_i32 = arith.constant 0 : i32
    %c0_i32_0 = arith.constant 0 : i32
    return %arg0, %c0_i32 : i32, i32
  }
}

module attributes {stable_mosaic.version = 14 : i64} {
  func.func @_final_body(%arg0: i32, %arg1: memref<1000x128xf32, #tpu.memory_space<vmem>>, %arg2: memref<1000x128xf32, #tpu.memory_space<vmem>>, %arg3: memref<1000x128xf32, #tpu.memory_space<vmem>>, %arg4: memref<1000x128xf32, #tpu.memory_space<vmem>>, %arg5: memref<1000x128xf32, #tpu.memory_space<vmem>>, %arg6: memref<1000x128xf32, #tpu.memory_space<vmem>>, %arg7: memref<1000x128xf32, #tpu.memory_space<vmem>>, %arg8: memref<1000x128xf32, #tpu.memory_space<vmem>>, %arg9: memref<1000x128xf32, #tpu.memory_space<vmem>>, %arg10: memref<1000x128xf32, #tpu.memory_space<vmem>>, %arg11: memref<1000x128xf32, #tpu.memory_space<vmem>>, %arg12: memref<1000x128xf32, #tpu.memory_space<vmem>>, %arg13: memref<1000x128xf32, #tpu.memory_space<vmem>>, %arg14: memref<1000x128xf32, #tpu.memory_space<vmem>>, %arg15: memref<1000x128xf32, #tpu.memory_space<vmem>>, %arg16: memref<1000x128xf32, #tpu.memory_space<vmem>>, %arg17: memref<2048x512xf32, #tpu.memory_space<vmem>>, %arg18: memref<1x512xf32, #tpu.memory_space<vmem>>, %arg19: memref<1x1x1000xi32, #tpu.memory_space<vmem>>, %arg20: memref<128x4xf32, #tpu.memory_space<vmem>>, %arg21: memref<4x512xf32, #tpu.memory_space<vmem>>, %arg22: memref<1x512xf32, #tpu.memory_space<vmem>>, %arg23: memref<512x512xf32, #tpu.memory_space<vmem>>, %arg24: memref<512x512xf32, #tpu.memory_space<vmem>>, %arg25: memref<1x512xf32, #tpu.memory_space<vmem>>, %arg26: memref<512x128xf32, #tpu.memory_space<vmem>>, %arg27: memref<1x128xf32, #tpu.memory_space<vmem>>, %arg28: memref<128x128xf32, #tpu.memory_space<vmem>>, %arg29: memref<128x512xf32, #tpu.memory_space<vmem>>, %arg30: memref<128x128xf32, #tpu.memory_space<vmem>>) attributes {dimension_semantics = [#tpu.dimension_semantics<arbitrary>], iteration_bounds = array<i64: 10>, scalar_prefetch = 0 : i64, scratch_operands = 2 : i64, tpu.core_type = #tpu.core_type<tc>, window_params = [{transform_indices = @transform_0, window_bounds = array<i64: 1000, 128>}, {transform_indices = @transform_1, window_bounds = array<i64: 1000, 128>}, {transform_indices = @transform_2, window_bounds = array<i64: 1000, 128>}, {transform_indices = @transform_3, window_bounds = array<i64: 1000, 128>}, {transform_indices = @transform_4, window_bounds = array<i64: 1000, 128>}, {transform_indices = @transform_5, window_bounds = array<i64: 1000, 128>}, {transform_indices = @transform_6, window_bounds = array<i64: 1000, 128>}, {transform_indices = @transform_7, window_bounds = array<i64: 1000, 128>}, {transform_indices = @transform_8, window_bounds = array<i64: 1000, 128>}, {transform_indices = @transform_9, window_bounds = array<i64: 1000, 128>}, {transform_indices = @transform_10, window_bounds = array<i64: 1000, 128>}, {transform_indices = @transform_11, window_bounds = array<i64: 1000, 128>}, {transform_indices = @transform_12, window_bounds = array<i64: 1000, 128>}, {transform_indices = @transform_13, window_bounds = array<i64: 1000, 128>}, {transform_indices = @transform_14, window_bounds = array<i64: 1000, 128>}, {transform_indices = @transform_15, window_bounds = array<i64: 1000, 128>}, {pipeline_mode = #tpu.pipeline_mode<synchronous>, transform_indices = @transform_16, window_bounds = array<i64: 2048, 512>}, {pipeline_mode = #tpu.pipeline_mode<synchronous>, transform_indices = @transform_17, window_bounds = array<i64: 1, 512>}, {transform_indices = @transform_18, window_bounds = array<i64: 1, 1, 1000>}, {pipeline_mode = #tpu.pipeline_mode<synchronous>, transform_indices = @transform_19, window_bounds = array<i64: 128, 4>}, {pipeline_mode = #tpu.pipeline_mode<synchronous>, transform_indices = @transform_20, window_bounds = array<i64: 4, 512>}, {pipeline_mode = #tpu.pipeline_mode<synchronous>, transform_indices = @transform_21, window_bounds = array<i64: 1, 512>}, {pipeline_mode = #tpu.pipeline_mode<synchronous>, transform_indices = @transform_22, window_bounds = array<i64: 512, 512>}, {pipeline_mode = #tpu.pipeline_mode<synchronous>, transform_indices = @transform_23, window_bounds = array<i64: 512, 512>}, {pipeline_mode = #tpu.pipeline_mode<synchronous>, transform_indices = @transform_24, window_bounds = array<i64: 1, 512>}, {pipeline_mode = #tpu.pipeline_mode<synchronous>, transform_indices = @transform_25, window_bounds = array<i64: 512, 128>}, {pipeline_mode = #tpu.pipeline_mode<synchronous>, transform_indices = @transform_26, window_bounds = array<i64: 1, 128>}, {pipeline_mode = #tpu.pipeline_mode<synchronous>, transform_indices = @transform_27, window_bounds = array<i64: 128, 128>}]} {
    %eq3A = arith.constant 0 : i32
    %eq3A_0 = arith.cmpi eq, %arg0, %eq3A : i32
    %convert_element_type3A = arith.extui %eq3A_0 : i1 to i32
    %cond3A = arith.constant 0 : i32
    %cond3A_1 = arith.cmpi ne, %convert_element_type3A, %cond3A : i32
    scf.if %cond3A_1 {
      %broadcast_in_dim3A_151 = arith.constant 0.000000e+00 : f32
      %broadcast_in_dim3A_152 = vector.broadcast %broadcast_in_dim3A_151 : f32 to vector<128x512xf32>
      %swap3A_153 = arith.constant 0 : index
      %swap3A_154 = arith.constant 0 : index
      %swap3A_155 = vector.load %arg29[%swap3A_153, %swap3A_154] : memref<128x512xf32, #tpu.memory_space<vmem>>, vector<128x512xf32>
      tpu.vector_store %arg29[%swap3A_153, %swap3A_154], %broadcast_in_dim3A_152 {strides = array<i32>} : memref<128x512xf32, #tpu.memory_space<vmem>>, vector<128x512xf32>,
      %broadcast_in_dim3A_156 = arith.constant 0.000000e+00 : f32
      %broadcast_in_dim3A_157 = vector.broadcast %broadcast_in_dim3A_156 : f32 to vector<128x128xf32>
      %swap3A_158 = arith.constant 0 : index
      %swap3A_159 = arith.constant 0 : index
      %swap3A_160 = vector.load %arg30[%swap3A_158, %swap3A_159] : memref<128x128xf32, #tpu.memory_space<vmem>>, vector<128x128xf32>
      tpu.vector_store %arg30[%swap3A_158, %swap3A_159], %broadcast_in_dim3A_157 {strides = array<i32>} : memref<128x128xf32, #tpu.memory_space<vmem>>, vector<128x128xf32>,
    } else {
    }
    %get3A = arith.constant 0 : index
    %get3A_2 = arith.constant 0 : index
    %get3A_3 = vector.load %arg17[%get3A, %get3A_2] : memref<2048x512xf32, #tpu.memory_space<vmem>>, vector<2048x512xf32>
    %get3A_4 = arith.constant 0 : index
    %get3A_5 = arith.constant 0 : index
    %get3A_6 = vector.load %arg18[%get3A_4, %get3A_5] : memref<1x512xf32, #tpu.memory_space<vmem>>, vector<1x512xf32>
    %get3A_7 = arith.constant 0 : index
    %get3A_8 = arith.constant 0 : index
    %get3A_9 = vector.load %arg1[%get3A_7, %get3A_8] : memref<1000x128xf32, #tpu.memory_space<vmem>>, vector<1000x128xf32>
    %slice3A = vector.extract_strided_slice %get3A_3 {offsets = [0, 0], sizes = [128, 512], strides = [1, 1]} : vector<2048x512xf32> to vector<128x512xf32>
    %dot_general3A = arith.constant dense<0.000000e+00> : vector<1000x512xf32>
    %dot_general3A_10 = tpu.matmul %get3A_9, %slice3A, %dot_general3A {dimension_numbers = #tpu.dot_dimension_numbers<[1], [0], [0], [1], [0, 0, 1, 1], [], []>, transpose_lhs_hint = false} : vector<1000x128xf32>, vector<128x512xf32>, vector<1000x512xf32> -> vector<1000x512xf32>
    %add3A = vector.broadcast %get3A_6 : vector<1x512xf32> to vector<1000x512xf32>
    %add3A_11 = arith.addf %add3A, %dot_general3A_10 : vector<1000x512xf32>
    %get3A_12 = arith.constant 0 : index
    %get3A_13 = arith.constant 0 : index
    %get3A_14 = vector.load %arg2[%get3A_12, %get3A_13] : memref<1000x128xf32, #tpu.memory_space<vmem>>, vector<1000x128xf32>
    %slice3A_15 = vector.extract_strided_slice %get3A_3 {offsets = [128, 0], sizes = [128, 512], strides = [1, 1]} : vector<2048x512xf32> to vector<128x512xf32>
    %dot_general3A_16 = arith.constant dense<0.000000e+00> : vector<1000x512xf32>
    %dot_general3A_17 = tpu.matmul %get3A_14, %slice3A_15, %dot_general3A_16 {dimension_numbers = #tpu.dot_dimension_numbers<[1], [0], [0], [1], [0, 0, 1, 1], [], []>, transpose_lhs_hint = false} : vector<1000x128xf32>, vector<128x512xf32>, vector<1000x512xf32> -> vector<1000x512xf32>
    %add3A_18 = arith.addf %add3A_11, %dot_general3A_17 : vector<1000x512xf32>
    %get3A_19 = arith.constant 0 : index
    %get3A_20 = arith.constant 0 : index
    %get3A_21 = vector.load %arg3[%get3A_19, %get3A_20] : memref<1000x128xf32, #tpu.memory_space<vmem>>, vector<1000x128xf32>
    %slice3A_22 = vector.extract_strided_slice %get3A_3 {offsets = [256, 0], sizes = [128, 512], strides = [1, 1]} : vector<2048x512xf32> to vector<128x512xf32>
    %dot_general3A_23 = arith.constant dense<0.000000e+00> : vector<1000x512xf32>
    %dot_general3A_24 = tpu.matmul %get3A_21, %slice3A_22, %dot_general3A_23 {dimension_numbers = #tpu.dot_dimension_numbers<[1], [0], [0], [1], [0, 0, 1, 1], [], []>, transpose_lhs_hint = false} : vector<1000x128xf32>, vector<128x512xf32>, vector<1000x512xf32> -> vector<1000x512xf32>
    %add3A_25 = arith.addf %add3A_18, %dot_general3A_24 : vector<1000x512xf32>
    %get3A_26 = arith.constant 0 : index
    %get3A_27 = arith.constant 0 : index
    %get3A_28 = vector.load %arg4[%get3A_26, %get3A_27] : memref<1000x128xf32, #tpu.memory_space<vmem>>, vector<1000x128xf32>
    %slice3A_29 = vector.extract_strided_slice %get3A_3 {offsets = [384, 0], sizes = [128, 512], strides = [1, 1]} : vector<2048x512xf32> to vector<128x512xf32>
    %dot_general3A_30 = arith.constant dense<0.000000e+00> : vector<1000x512xf32>
    %dot_general3A_31 = tpu.matmul %get3A_28, %slice3A_29, %dot_general3A_30 {dimension_numbers = #tpu.dot_dimension_numbers<[1], [0], [0], [1], [0, 0, 1, 1], [], []>, transpose_lhs_hint = false} : vector<1000x128xf32>, vector<128x512xf32>, vector<1000x512xf32> -> vector<1000x512xf32>
    %add3A_32 = arith.addf %add3A_25, %dot_general3A_31 : vector<1000x512xf32>
    %get3A_33 = arith.constant 0 : index
    %get3A_34 = arith.constant 0 : index
    %get3A_35 = vector.load %arg5[%get3A_33, %get3A_34] : memref<1000x128xf32, #tpu.memory_space<vmem>>, vector<1000x128xf32>
    %slice3A_36 = vector.extract_strided_slice %get3A_3 {offsets = [512, 0], sizes = [128, 512], strides = [1, 1]} : vector<2048x512xf32> to vector<128x512xf32>
    %dot_general3A_37 = arith.constant dense<0.000000e+00> : vector<1000x512xf32>
    %dot_general3A_38 = tpu.matmul %get3A_35, %slice3A_36, %dot_general3A_37 {dimension_numbers = #tpu.dot_dimension_numbers<[1], [0], [0], [1], [0, 0, 1, 1], [], []>, transpose_lhs_hint = false} : vector<1000x128xf32>, vector<128x512xf32>, vector<1000x512xf32> -> vector<1000x512xf32>
    %add3A_39 = arith.addf %add3A_32, %dot_general3A_38 : vector<1000x512xf32>
    %get3A_40 = arith.constant 0 : index
    %get3A_41 = arith.constant 0 : index
    %get3A_42 = vector.load %arg6[%get3A_40, %get3A_41] : memref<1000x128xf32, #tpu.memory_space<vmem>>, vector<1000x128xf32>
    %slice3A_43 = vector.extract_strided_slice %get3A_3 {offsets = [640, 0], sizes = [128, 512], strides = [1, 1]} : vector<2048x512xf32> to vector<128x512xf32>
    %dot_general3A_44 = arith.constant dense<0.000000e+00> : vector<1000x512xf32>
    %dot_general3A_45 = tpu.matmul %get3A_42, %slice3A_43, %dot_general3A_44 {dimension_numbers = #tpu.dot_dimension_numbers<[1], [0], [0], [1], [0, 0, 1, 1], [], []>, transpose_lhs_hint = false} : vector<1000x128xf32>, vector<128x512xf32>, vector<1000x512xf32> -> vector<1000x512xf32>
    %add3A_46 = arith.addf %add3A_39, %dot_general3A_45 : vector<1000x512xf32>
    %get3A_47 = arith.constant 0 : index
    %get3A_48 = arith.constant 0 : index
    %get3A_49 = vector.load %arg7[%get3A_47, %get3A_48] : memref<1000x128xf32, #tpu.memory_space<vmem>>, vector<1000x128xf32>
    %slice3A_50 = vector.extract_strided_slice %get3A_3 {offsets = [768, 0], sizes = [128, 512], strides = [1, 1]} : vector<2048x512xf32> to vector<128x512xf32>
    %dot_general3A_51 = arith.constant dense<0.000000e+00> : vector<1000x512xf32>
    %dot_general3A_52 = tpu.matmul %get3A_49, %slice3A_50, %dot_general3A_51 {dimension_numbers = #tpu.dot_dimension_numbers<[1], [0], [0], [1], [0, 0, 1, 1], [], []>, transpose_lhs_hint = false} : vector<1000x128xf32>, vector<128x512xf32>, vector<1000x512xf32> -> vector<1000x512xf32>
    %add3A_53 = arith.addf %add3A_46, %dot_general3A_52 : vector<1000x512xf32>
    %get3A_54 = arith.constant 0 : index
    %get3A_55 = arith.constant 0 : index
    %get3A_56 = vector.load %arg8[%get3A_54, %get3A_55] : memref<1000x128xf32, #tpu.memory_space<vmem>>, vector<1000x128xf32>
    %slice3A_57 = vector.extract_strided_slice %get3A_3 {offsets = [896, 0], sizes = [128, 512], strides = [1, 1]} : vector<2048x512xf32> to vector<128x512xf32>
    %dot_general3A_58 = arith.constant dense<0.000000e+00> : vector<1000x512xf32>
    %dot_general3A_59 = tpu.matmul %get3A_56, %slice3A_57, %dot_general3A_58 {dimension_numbers = #tpu.dot_dimension_numbers<[1], [0], [0], [1], [0, 0, 1, 1], [], []>, transpose_lhs_hint = false} : vector<1000x128xf32>, vector<128x512xf32>, vector<1000x512xf32> -> vector<1000x512xf32>
    %add3A_60 = arith.addf %add3A_53, %dot_general3A_59 : vector<1000x512xf32>
    %get3A_61 = arith.constant 0 : index
    %get3A_62 = arith.constant 0 : index
    %get3A_63 = vector.load %arg9[%get3A_61, %get3A_62] : memref<1000x128xf32, #tpu.memory_space<vmem>>, vector<1000x128xf32>
    %slice3A_64 = vector.extract_strided_slice %get3A_3 {offsets = [1024, 0], sizes = [128, 512], strides = [1, 1]} : vector<2048x512xf32> to vector<128x512xf32>
    %dot_general3A_65 = arith.constant dense<0.000000e+00> : vector<1000x512xf32>
    %dot_general3A_66 = tpu.matmul %get3A_63, %slice3A_64, %dot_general3A_65 {dimension_numbers = #tpu.dot_dimension_numbers<[1], [0], [0], [1], [0, 0, 1, 1], [], []>, transpose_lhs_hint = false} : vector<1000x128xf32>, vector<128x512xf32>, vector<1000x512xf32> -> vector<1000x512xf32>
    %add3A_67 = arith.addf %add3A_60, %dot_general3A_66 : vector<1000x512xf32>
    %get3A_68 = arith.constant 0 : index
    %get3A_69 = arith.constant 0 : index
    %get3A_70 = vector.load %arg10[%get3A_68, %get3A_69] : memref<1000x128xf32, #tpu.memory_space<vmem>>, vector<1000x128xf32>
    %slice3A_71 = vector.extract_strided_slice %get3A_3 {offsets = [1152, 0], sizes = [128, 512], strides = [1, 1]} : vector<2048x512xf32> to vector<128x512xf32>
    %dot_general3A_72 = arith.constant dense<0.000000e+00> : vector<1000x512xf32>
    %dot_general3A_73 = tpu.matmul %get3A_70, %slice3A_71, %dot_general3A_72 {dimension_numbers = #tpu.dot_dimension_numbers<[1], [0], [0], [1], [0, 0, 1, 1], [], []>, transpose_lhs_hint = false} : vector<1000x128xf32>, vector<128x512xf32>, vector<1000x512xf32> -> vector<1000x512xf32>
    %add3A_74 = arith.addf %add3A_67, %dot_general3A_73 : vector<1000x512xf32>
    %get3A_75 = arith.constant 0 : index
    %get3A_76 = arith.constant 0 : index
    %get3A_77 = vector.load %arg11[%get3A_75, %get3A_76] : memref<1000x128xf32, #tpu.memory_space<vmem>>, vector<1000x128xf32>
    %slice3A_78 = vector.extract_strided_slice %get3A_3 {offsets = [1280, 0], sizes = [128, 512], strides = [1, 1]} : vector<2048x512xf32> to vector<128x512xf32>
    %dot_general3A_79 = arith.constant dense<0.000000e+00> : vector<1000x512xf32>
    %dot_general3A_80 = tpu.matmul %get3A_77, %slice3A_78, %dot_general3A_79 {dimension_numbers = #tpu.dot_dimension_numbers<[1], [0], [0], [1], [0, 0, 1, 1], [], []>, transpose_lhs_hint = false} : vector<1000x128xf32>, vector<128x512xf32>, vector<1000x512xf32> -> vector<1000x512xf32>
    %add3A_81 = arith.addf %add3A_74, %dot_general3A_80 : vector<1000x512xf32>
    %get3A_82 = arith.constant 0 : index
    %get3A_83 = arith.constant 0 : index
    %get3A_84 = vector.load %arg12[%get3A_82, %get3A_83] : memref<1000x128xf32, #tpu.memory_space<vmem>>, vector<1000x128xf32>
    %slice3A_85 = vector.extract_strided_slice %get3A_3 {offsets = [1408, 0], sizes = [128, 512], strides = [1, 1]} : vector<2048x512xf32> to vector<128x512xf32>
    %dot_general3A_86 = arith.constant dense<0.000000e+00> : vector<1000x512xf32>
    %dot_general3A_87 = tpu.matmul %get3A_84, %slice3A_85, %dot_general3A_86 {dimension_numbers = #tpu.dot_dimension_numbers<[1], [0], [0], [1], [0, 0, 1, 1], [], []>, transpose_lhs_hint = false} : vector<1000x128xf32>, vector<128x512xf32>, vector<1000x512xf32> -> vector<1000x512xf32>
    %add3A_88 = arith.addf %add3A_81, %dot_general3A_87 : vector<1000x512xf32>
    %get3A_89 = arith.constant 0 : index
    %get3A_90 = arith.constant 0 : index
    %get3A_91 = vector.load %arg13[%get3A_89, %get3A_90] : memref<1000x128xf32, #tpu.memory_space<vmem>>, vector<1000x128xf32>
    %slice3A_92 = vector.extract_strided_slice %get3A_3 {offsets = [1536, 0], sizes = [128, 512], strides = [1, 1]} : vector<2048x512xf32> to vector<128x512xf32>
    %dot_general3A_93 = arith.constant dense<0.000000e+00> : vector<1000x512xf32>
    %dot_general3A_94 = tpu.matmul %get3A_91, %slice3A_92, %dot_general3A_93 {dimension_numbers = #tpu.dot_dimension_numbers<[1], [0], [0], [1], [0, 0, 1, 1], [], []>, transpose_lhs_hint = false} : vector<1000x128xf32>, vector<128x512xf32>, vector<1000x512xf32> -> vector<1000x512xf32>
    %add3A_95 = arith.addf %add3A_88, %dot_general3A_94 : vector<1000x512xf32>
    %get3A_96 = arith.constant 0 : index
    %get3A_97 = arith.constant 0 : index
    %get3A_98 = vector.load %arg14[%get3A_96, %get3A_97] : memref<1000x128xf32, #tpu.memory_space<vmem>>, vector<1000x128xf32>
    %slice3A_99 = vector.extract_strided_slice %get3A_3 {offsets = [1664, 0], sizes = [128, 512], strides = [1, 1]} : vector<2048x512xf32> to vector<128x512xf32>
    %dot_general3A_100 = arith.constant dense<0.000000e+00> : vector<1000x512xf32>
    %dot_general3A_101 = tpu.matmul %get3A_98, %slice3A_99, %dot_general3A_100 {dimension_numbers = #tpu.dot_dimension_numbers<[1], [0], [0], [1], [0, 0, 1, 1], [], []>, transpose_lhs_hint = false} : vector<1000x128xf32>, vector<128x512xf32>, vector<1000x512xf32> -> vector<1000x512xf32>
    %add3A_102 = arith.addf %add3A_95, %dot_general3A_101 : vector<1000x512xf32>
    %get3A_103 = arith.constant 0 : index
    %get3A_104 = arith.constant 0 : index
    %get3A_105 = vector.load %arg15[%get3A_103, %get3A_104] : memref<1000x128xf32, #tpu.memory_space<vmem>>, vector<1000x128xf32>
    %slice3A_106 = vector.extract_strided_slice %get3A_3 {offsets = [1792, 0], sizes = [128, 512], strides = [1, 1]} : vector<2048x512xf32> to vector<128x512xf32>
    %dot_general3A_107 = arith.constant dense<0.000000e+00> : vector<1000x512xf32>
    %dot_general3A_108 = tpu.matmul %get3A_105, %slice3A_106, %dot_general3A_107 {dimension_numbers = #tpu.dot_dimension_numbers<[1], [0], [0], [1], [0, 0, 1, 1], [], []>, transpose_lhs_hint = false} : vector<1000x128xf32>, vector<128x512xf32>, vector<1000x512xf32> -> vector<1000x512xf32>
    %add3A_109 = arith.addf %add3A_102, %dot_general3A_108 : vector<1000x512xf32>
    %get3A_110 = arith.constant 0 : index
    %get3A_111 = arith.constant 0 : index
    %get3A_112 = vector.load %arg16[%get3A_110, %get3A_111] : memref<1000x128xf32, #tpu.memory_space<vmem>>, vector<1000x128xf32>
    %slice3A_113 = vector.extract_strided_slice %get3A_3 {offsets = [1920, 0], sizes = [128, 512], strides = [1, 1]} : vector<2048x512xf32> to vector<128x512xf32>
    %dot_general3A_114 = arith.constant dense<0.000000e+00> : vector<1000x512xf32>
    %dot_general3A_115 = tpu.matmul %get3A_112, %slice3A_113, %dot_general3A_114 {dimension_numbers = #tpu.dot_dimension_numbers<[1], [0], [0], [1], [0, 0, 1, 1], [], []>, transpose_lhs_hint = false} : vector<1000x128xf32>, vector<128x512xf32>, vector<1000x512xf32> -> vector<1000x512xf32>
    %add3A_116 = arith.addf %add3A_109, %dot_general3A_115 : vector<1000x512xf32>
    %get3A_117 = arith.constant 0 : index
    %get3A_118 = arith.constant 0 : index
    %get3A_119 = arith.constant 0 : index
    %get3A_120 = vector.load %arg19[%get3A_117, %get3A_118, %get3A_119] : memref<1x1x1000xi32, #tpu.memory_space<vmem>>, vector<1x1x1000xi32>
    %get3A_121 = vector.shape_cast %get3A_120 : vector<1x1x1000xi32> to vector<1000xi32>
    %broadcast_in_dim3A = vector.shape_cast %get3A_121 : vector<1000xi32> to vector<1000x1xi32>
    %iota3A = tpu.iota {dimensions = array<i32: 1>} : vector<1x128xi32>
    %eq3A_122 = vector.broadcast %broadcast_in_dim3A : vector<1000x1xi32> to vector<1000x128xi32>
    %eq3A_123 = vector.broadcast %iota3A : vector<1x128xi32> to vector<1000x128xi32>
    %eq3A_124 = arith.cmpi eq, %eq3A_122, %eq3A_123 : vector<1000x128xi32>
    %convert_element_type3A_125 = arith.extui %eq3A_124 : vector<1000x128xi1> to vector<1000x128xi32>
    %convert_element_type3A_126 = arith.sitofp %convert_element_type3A_125 : vector<1000x128xi32> to vector<1000x128xf32>
    %get3A_127 = arith.constant 0 : index
    %get3A_128 = arith.constant 0 : index
    %get3A_129 = vector.load %arg29[%get3A_127, %get3A_128] : memref<128x512xf32, #tpu.memory_space<vmem>>, vector<128x512xf32>
    %dot_general3A_130 = arith.constant dense<0.000000e+00> : vector<128x512xf32>
    %dot_general3A_131 = tpu.matmul %convert_element_type3A_126, %add3A_116, %dot_general3A_130 {dimension_numbers = #tpu.dot_dimension_numbers<[0], [0], [1], [1], [0, 1, 1, 1], [], []>, transpose_lhs_hint = false} : vector<1000x128xf32>, vector<1000x512xf32>, vector<128x512xf32> -> vector<128x512xf32>
    %add3A_132 = arith.addf %get3A_129, %dot_general3A_131 : vector<128x512xf32>
    %swap3A = arith.constant 0 : index
    %swap3A_133 = arith.constant 0 : index
    %swap3A_134 = vector.load %arg29[%swap3A, %swap3A_133] : memref<128x512xf32, #tpu.memory_space<vmem>>, vector<128x512xf32>
    tpu.vector_store %arg29[%swap3A, %swap3A_133], %add3A_132 {strides = array<i32>} : memref<128x512xf32, #tpu.memory_space<vmem>>, vector<128x512xf32>,
    %get3A_135 = arith.constant 0 : index
    %get3A_136 = arith.constant 0 : index
    %get3A_137 = vector.load %arg30[%get3A_135, %get3A_136] : memref<128x128xf32, #tpu.memory_space<vmem>>, vector<128x128xf32>
    %broadcast_in_dim3A_138 = arith.constant 1.000000e+00 : f32
    %broadcast_in_dim3A_139 = vector.broadcast %broadcast_in_dim3A_138 : f32 to vector<1000x128xf32>
    %dot_general3A_140 = arith.constant dense<0.000000e+00> : vector<128x128xf32>
    %dot_general3A_141 = tpu.matmul %convert_element_type3A_126, %broadcast_in_dim3A_139, %dot_general3A_140 {dimension_numbers = #tpu.dot_dimension_numbers<[0], [0], [1], [1], [0, 1, 1, 1], [], []>, transpose_lhs_hint = false} : vector<1000x128xf32>, vector<1000x128xf32>, vector<128x128xf32> -> vector<128x128xf32>
    %add3A_142 = arith.addf %get3A_137, %dot_general3A_141 : vector<128x128xf32>
    %swap3A_143 = arith.constant 0 : index
    %swap3A_144 = arith.constant 0 : index
    %swap3A_145 = vector.load %arg30[%swap3A_143, %swap3A_144] : memref<128x128xf32, #tpu.memory_space<vmem>>, vector<128x128xf32>
    tpu.vector_store %arg30[%swap3A_143, %swap3A_144], %add3A_142 {strides = array<i32>} : memref<128x128xf32, #tpu.memory_space<vmem>>, vector<128x128xf32>,
    %eq3A_146 = arith.constant 9 : i32
    %eq3A_147 = arith.cmpi eq, %arg0, %eq3A_146 : i32
    %convert_element_type3A_148 = arith.extui %eq3A_147 : i1 to i32
    %cond3A_149 = arith.constant 0 : i32
    %cond3A_150 = arith.cmpi ne, %convert_element_type3A_148, %cond3A_149 : i32
    scf.if %cond3A_150 {
      %get3A_151 = arith.constant 0 : index
      %get3A_152 = arith.constant 0 : index
      %get3A_153 = vector.load %arg30[%get3A_151, %get3A_152] : memref<128x128xf32, #tpu.memory_space<vmem>>, vector<128x128xf32>
      %slice3A_154 = vector.extract_strided_slice %get3A_153 {offsets = [0, 0], sizes = [128, 1], strides = [1, 1]} : vector<128x128xf32> to vector<128x1xf32>
      %max3A = arith.constant 1.000000e+00 : f32
      %max3A_155 = vector.broadcast %max3A : f32 to vector<128x1xf32>
      %max3A_156 = arith.maximumf %slice3A_154, %max3A_155 : vector<128x1xf32>
      %get3A_157 = arith.constant 0 : index
      %get3A_158 = arith.constant 0 : index
      %get3A_159 = vector.load %arg29[%get3A_157, %get3A_158] : memref<128x512xf32, #tpu.memory_space<vmem>>, vector<128x512xf32>
      %div3A = vector.broadcast %max3A_156 : vector<128x1xf32> to vector<128x512xf32>
      %div3A_160 = arith.divf %get3A_159, %div3A : vector<128x512xf32>
      %get3A_161 = arith.constant 0 : index
      %get3A_162 = arith.constant 0 : index
      %get3A_163 = vector.load %arg20[%get3A_161, %get3A_162] : memref<128x4xf32, #tpu.memory_space<vmem>>, vector<128x4xf32>
      %get3A_164 = arith.constant 0 : index
      %get3A_165 = arith.constant 0 : index
      %get3A_166 = vector.load %arg21[%get3A_164, %get3A_165] : memref<4x512xf32, #tpu.memory_space<vmem>>, vector<4x512xf32>
      %dot_general3A_167 = arith.constant dense<0.000000e+00> : vector<128x512xf32>
      %dot_general3A_168 = tpu.matmul %get3A_163, %get3A_166, %dot_general3A_167 {dimension_numbers = #tpu.dot_dimension_numbers<[1], [0], [0], [1], [0, 0, 1, 1], [], []>, transpose_lhs_hint = false} : vector<128x4xf32>, vector<4x512xf32>, vector<128x512xf32> -> vector<128x512xf32>
      %get3A_169 = arith.constant 0 : index
      %get3A_170 = arith.constant 0 : index
      %get3A_171 = vector.load %arg22[%get3A_169, %get3A_170] : memref<1x512xf32, #tpu.memory_space<vmem>>, vector<1x512xf32>
      %add3A_172 = vector.broadcast %get3A_171 : vector<1x512xf32> to vector<128x512xf32>
      %add3A_173 = arith.addf %dot_general3A_168, %add3A_172 : vector<128x512xf32>
      %max3A_174 = arith.constant 0.000000e+00 : f32
      %max3A_175 = vector.broadcast %max3A_174 : f32 to vector<128x512xf32>
      %max3A_176 = arith.maximumf %add3A_173, %max3A_175 : vector<128x512xf32>
      %get3A_177 = arith.constant 0 : index
      %get3A_178 = arith.constant 0 : index
      %get3A_179 = vector.load %arg23[%get3A_177, %get3A_178] : memref<512x512xf32, #tpu.memory_space<vmem>>, vector<512x512xf32>
      %dot_general3A_180 = arith.constant dense<0.000000e+00> : vector<128x512xf32>
      %dot_general3A_181 = tpu.matmul %div3A_160, %get3A_179, %dot_general3A_180 {dimension_numbers = #tpu.dot_dimension_numbers<[1], [0], [0], [1], [0, 0, 1, 1], [], []>, transpose_lhs_hint = false} : vector<128x512xf32>, vector<512x512xf32>, vector<128x512xf32> -> vector<128x512xf32>
      %get3A_182 = arith.constant 0 : index
      %get3A_183 = arith.constant 0 : index
      %get3A_184 = vector.load %arg24[%get3A_182, %get3A_183] : memref<512x512xf32, #tpu.memory_space<vmem>>, vector<512x512xf32>
      %dot_general3A_185 = arith.constant dense<0.000000e+00> : vector<128x512xf32>
      %dot_general3A_186 = tpu.matmul %max3A_176, %get3A_184, %dot_general3A_185 {dimension_numbers = #tpu.dot_dimension_numbers<[1], [0], [0], [1], [0, 0, 1, 1], [], []>, transpose_lhs_hint = false} : vector<128x512xf32>, vector<512x512xf32>, vector<128x512xf32> -> vector<128x512xf32>
      %add3A_187 = arith.addf %dot_general3A_181, %dot_general3A_186 : vector<128x512xf32>
      %get3A_188 = arith.constant 0 : index
      %get3A_189 = arith.constant 0 : index
      %get3A_190 = vector.load %arg25[%get3A_188, %get3A_189] : memref<1x512xf32, #tpu.memory_space<vmem>>, vector<1x512xf32>
      %add3A_191 = vector.broadcast %get3A_190 : vector<1x512xf32> to vector<128x512xf32>
      %add3A_192 = arith.addf %add3A_187, %add3A_191 : vector<128x512xf32>
      %max3A_193 = arith.constant 0.000000e+00 : f32
      %max3A_194 = vector.broadcast %max3A_193 : f32 to vector<128x512xf32>
      %max3A_195 = arith.maximumf %add3A_192, %max3A_194 : vector<128x512xf32>
      %get3A_196 = arith.constant 0 : index
      %get3A_197 = arith.constant 0 : index
      %get3A_198 = vector.load %arg26[%get3A_196, %get3A_197] : memref<512x128xf32, #tpu.memory_space<vmem>>, vector<512x128xf32>
      %dot_general3A_199 = arith.constant dense<0.000000e+00> : vector<128x128xf32>
      %dot_general3A_200 = tpu.matmul %max3A_195, %get3A_198, %dot_general3A_199 {dimension_numbers = #tpu.dot_dimension_numbers<[1], [0], [0], [1], [0, 0, 1, 1], [], []>, transpose_lhs_hint = false} : vector<128x512xf32>, vector<512x128xf32>, vector<128x128xf32> -> vector<128x128xf32>
      %get3A_201 = arith.constant 0 : index
      %get3A_202 = arith.constant 0 : index
      %get3A_203 = vector.load %arg27[%get3A_201, %get3A_202] : memref<1x128xf32, #tpu.memory_space<vmem>>, vector<1x128xf32>
      %add3A_204 = vector.broadcast %get3A_203 : vector<1x128xf32> to vector<128x128xf32>
      %add3A_205 = arith.addf %dot_general3A_200, %add3A_204 : vector<128x128xf32>
      %reduce_max3A = arith.constant dense<0xFF800000> : vector<128xf32>
      %reduce_max3A_206 = vector.multi_reduction <maximumf>, %add3A_205, %reduce_max3A [1] : vector<128x128xf32> to vector<128xf32>
      %broadcast_in_dim3A_207 = vector.shape_cast %reduce_max3A_206 : vector<128xf32> to vector<128x1xf32>
      %sub3A = vector.broadcast %broadcast_in_dim3A_207 : vector<128x1xf32> to vector<128x128xf32>
      %sub3A_208 = arith.subf %add3A_205, %sub3A : vector<128x128xf32>
      %exp3A = math.exp %sub3A_208 : vector<128x128xf32>
      %reduce_sum3A = arith.constant dense<0.000000e+00> : vector<128xf32>
      %reduce_sum3A_209 = vector.multi_reduction <add>, %exp3A, %reduce_sum3A [1] : vector<128x128xf32> to vector<128xf32>
      %broadcast_in_dim3A_210 = vector.shape_cast %reduce_sum3A_209 : vector<128xf32> to vector<128x1xf32>
      %div3A_211 = vector.broadcast %broadcast_in_dim3A_210 : vector<128x1xf32> to vector<128x128xf32>
      %div3A_212 = arith.divf %exp3A, %div3A_211 : vector<128x128xf32>
      %swap3A_213 = arith.constant 0 : index
      %swap3A_214 = arith.constant 0 : index
      %swap3A_215 = vector.load %arg28[%swap3A_213, %swap3A_214] : memref<128x128xf32, #tpu.memory_space<vmem>>, vector<128x128xf32>
      tpu.vector_store %arg28[%swap3A_213, %swap3A_214], %div3A_212 {strides = array<i32>} : memref<128x128xf32, #tpu.memory_space<vmem>>, vector<128x128xf32>,
    } else {
    }
    return
  }
  func.func @transform_0(%arg0: i32) -> (i32, i32) {
    %c0_i32 = arith.constant 0 : i32
    %c0_i32_0 = arith.constant 0 : i32
    return %arg0, %c0_i32 : i32, i32
  }
  func.func @transform_1(%arg0: i32) -> (i32, i32) {
    %c0_i32 = arith.constant 0 : i32
    %c0_i32_0 = arith.constant 0 : i32
    return %arg0, %c0_i32 : i32, i32
  }
  func.func @transform_2(%arg0: i32) -> (i32, i32) {
    %c0_i32 = arith.constant 0 : i32
    %c0_i32_0 = arith.constant 0 : i32
    return %arg0, %c0_i32 : i32, i32
  }
  func.func @transform_3(%arg0: i32) -> (i32, i32) {
    %c0_i32 = arith.constant 0 : i32
    %c0_i32_0 = arith.constant 0 : i32
    return %arg0, %c0_i32 : i32, i32
  }
  func.func @transform_4(%arg0: i32) -> (i32, i32) {
    %c0_i32 = arith.constant 0 : i32
    %c0_i32_0 = arith.constant 0 : i32
    return %arg0, %c0_i32 : i32, i32
  }
  func.func @transform_5(%arg0: i32) -> (i32, i32) {
    %c0_i32 = arith.constant 0 : i32
    %c0_i32_0 = arith.constant 0 : i32
    return %arg0, %c0_i32 : i32, i32
  }
  func.func @transform_6(%arg0: i32) -> (i32, i32) {
    %c0_i32 = arith.constant 0 : i32
    %c0_i32_0 = arith.constant 0 : i32
    return %arg0, %c0_i32 : i32, i32
  }
  func.func @transform_7(%arg0: i32) -> (i32, i32) {
    %c0_i32 = arith.constant 0 : i32
    %c0_i32_0 = arith.constant 0 : i32
    return %arg0, %c0_i32 : i32, i32
  }
  func.func @transform_8(%arg0: i32) -> (i32, i32) {
    %c0_i32 = arith.constant 0 : i32
    %c0_i32_0 = arith.constant 0 : i32
    return %arg0, %c0_i32 : i32, i32
  }
  func.func @transform_9(%arg0: i32) -> (i32, i32) {
    %c0_i32 = arith.constant 0 : i32
    %c0_i32_0 = arith.constant 0 : i32
    return %arg0, %c0_i32 : i32, i32
  }
  func.func @transform_10(%arg0: i32) -> (i32, i32) {
    %c0_i32 = arith.constant 0 : i32
    %c0_i32_0 = arith.constant 0 : i32
    return %arg0, %c0_i32 : i32, i32
  }
  func.func @transform_11(%arg0: i32) -> (i32, i32) {
    %c0_i32 = arith.constant 0 : i32
    %c0_i32_0 = arith.constant 0 : i32
    return %arg0, %c0_i32 : i32, i32
  }
  func.func @transform_12(%arg0: i32) -> (i32, i32) {
    %c0_i32 = arith.constant 0 : i32
    %c0_i32_0 = arith.constant 0 : i32
    return %arg0, %c0_i32 : i32, i32
  }
  func.func @transform_13(%arg0: i32) -> (i32, i32) {
    %c0_i32 = arith.constant 0 : i32
    %c0_i32_0 = arith.constant 0 : i32
    return %arg0, %c0_i32 : i32, i32
  }
  func.func @transform_14(%arg0: i32) -> (i32, i32) {
    %c0_i32 = arith.constant 0 : i32
    %c0_i32_0 = arith.constant 0 : i32
    return %arg0, %c0_i32 : i32, i32
  }
  func.func @transform_15(%arg0: i32) -> (i32, i32) {
    %c0_i32 = arith.constant 0 : i32
    %c0_i32_0 = arith.constant 0 : i32
    return %arg0, %c0_i32 : i32, i32
  }
  func.func @transform_16(%arg0: i32) -> (i32, i32) {
    %c0_i32 = arith.constant 0 : i32
    %c0_i32_0 = arith.constant 0 : i32
    %c0_i32_1 = arith.constant 0 : i32
    return %c0_i32, %c0_i32_0 : i32, i32
  }
  func.func @transform_17(%arg0: i32) -> (i32, i32) {
    %c0_i32 = arith.constant 0 : i32
    %c0_i32_0 = arith.constant 0 : i32
    %c0_i32_1 = arith.constant 0 : i32
    return %c0_i32, %c0_i32_0 : i32, i32
  }
  func.func @transform_18(%arg0: i32) -> (i32, i32, i32) {
    %c0_i32 = arith.constant 0 : i32
    %c0_i32_0 = arith.constant 0 : i32
    %c0_i32_1 = arith.constant 0 : i32
    return %arg0, %c0_i32, %c0_i32_0 : i32, i32, i32
  }
  func.func @transform_19(%arg0: i32) -> (i32, i32) {
    %c0_i32 = arith.constant 0 : i32
    %c0_i32_0 = arith.constant 0 : i32
    %c0_i32_1 = arith.constant 0 : i32
    return %c0_i32, %c0_i32_0 : i32, i32
  }
  func.func @transform_20(%arg0: i32) -> (i32, i32) {
    %c0_i32 = arith.constant 0 : i32
    %c0_i32_0 = arith.constant 0 : i32
    %c0_i32_1 = arith.constant 0 : i32
    return %c0_i32, %c0_i32_0 : i32, i32
  }
  func.func @transform_21(%arg0: i32) -> (i32, i32) {
    %c0_i32 = arith.constant 0 : i32
    %c0_i32_0 = arith.constant 0 : i32
    %c0_i32_1 = arith.constant 0 : i32
    return %c0_i32, %c0_i32_0 : i32, i32
  }
  func.func @transform_22(%arg0: i32) -> (i32, i32) {
    %c0_i32 = arith.constant 0 : i32
    %c0_i32_0 = arith.constant 0 : i32
    %c0_i32_1 = arith.constant 0 : i32
    return %c0_i32, %c0_i32_0 : i32, i32
  }
  func.func @transform_23(%arg0: i32) -> (i32, i32) {
    %c0_i32 = arith.constant 0 : i32
    %c0_i32_0 = arith.constant 0 : i32
    %c0_i32_1 = arith.constant 0 : i32
    return %c0_i32, %c0_i32_0 : i32, i32
  }
  func.func @transform_24(%arg0: i32) -> (i32, i32) {
    %c0_i32 = arith.constant 0 : i32
    %c0_i32_0 = arith.constant 0 : i32
    %c0_i32_1 = arith.constant 0 : i32
    return %c0_i32, %c0_i32_0 : i32, i32
  }
  func.func @transform_25(%arg0: i32) -> (i32, i32) {
    %c0_i32 = arith.constant 0 : i32
    %c0_i32_0 = arith.constant 0 : i32
    %c0_i32_1 = arith.constant 0 : i32
    return %c0_i32, %c0_i32_0 : i32, i32
  }
  func.func @transform_26(%arg0: i32) -> (i32, i32) {
    %c0_i32 = arith.constant 0 : i32
    %c0_i32_0 = arith.constant 0 : i32
    %c0_i32_1 = arith.constant 0 : i32
    return %c0_i32, %c0_i32_0 : i32, i32
  }
  func.func @transform_27(%arg0: i32) -> (i32, i32) {
    %c0_i32 = arith.constant 0 : i32
    %c0_i32_0 = arith.constant 0 : i32
    %c0_i32_1 = arith.constant 0 : i32
    return %c0_i32, %c0_i32_0 : i32, i32
  }
}

</mosaic_0001>

<sc_bundles>
// kernel: kernel.12.cloned.1.call-start
scs
__scs_entry_jumppad:
0x0: {  	(pc) =	sbr.rel $0x88, $3  }
0x1: {  	(tag) =	ssettag $0x0;
	lr =	simm.s32 $0x1  }
0x2: {  	[smem:$0x3F71] =	sst lr;
	_ =	strace $0xD0000000  }
0x3: {  	_ = 	snop  }
0x4: {  	_ = 	snop  }
0x5: {  	_ = 	snop  }
0x6: {  	_ = 	snop  }
0x7: {  	_ = 	snop  }
__scs_overlays_trampoline_lowered:
0x8: {  	[smem:$0x3F80] =	sst s0  }
0x9: {  	[smem:$0x3F81] =	sst s1  }
0xa: {  	[smem:$0x3F82] =	sst s2  }
0xb: {  	[smem:$0x3F83] =	sst s3  }
0xc: {  	[smem:$0x3F84] =	sst s4  }
0xd: {  	[smem:$0x3F85] =	sst s5  }
0xe: {  	[smem:$0x3F86] =	sst s6  }
0xf: {  	[smem:$0x3F87] =	sst s7  }
0x10: {  	[smem:$0x3F88] =	sst s8  }
0x11: {  	[smem:$0x3F89] =	sst s9;
	s0 =	simm.s32 @!p0 $0x0  }
0x12: {  	s1 =	sld [smem:$0x3F6F];
	s0 =	simm.s32 @p0 $0x1  }
0x13: {  	[smem:$0x3F8A] =	sst s0;
	s0 =	simm.s32 @!p1 $0x0  }
0x14: {  	s2 =	sld [smem:$0x3F6E];
	s0 =	simm.s32 @p1 $0x1  }
0x15: {  	[smem:$0x3F8B] =	sst s0;
	s0 =	simm.s32 @!p2 $0x0  }
0x16: {  	s3 =	sld [smem:$0x3FDB];
	s0 =	simm.s32 @p2 $0x1  }
0x17: {  	s4 =	simm.s32 $0x1BF5;
	[smem:$0x3F8D] =	sst s0  }
0x18: {  	s0 =	sld [smem:$0x3F70];
	_ =	swait.ge [sflag:s4], $0x0  }
0x19: {  	s7 =	sld [smem:$0x3F71]  }
0x1a: {  	s8 =	sadd.s32 $0xFFFFE003, lr  }
0x1b: {  	s9 =	sadd.s32 $0xFFFFFEF7, lr;
	s5 =	simm.s32 $0xFFFFFFFF;
	p2 =	slt.u32 s8, $0xFFFFF086  }
0x1c: {  	p1 =	slt.u32 s9, $0xF7A;
	s5 =	simm.s32 @!p2 $0x0  }
0x1d: {  	s5 =	simm.s32 @p1 $0x1;
	p0 =	seq.s32 s7, s2  }
0x1e: {  	s7 =	smul.u32 @!p0 $0xF7A, s2;
	p2 =	seq.s32 @!p0 s5, $0x0  }
0x1f: {  	s9 =	smul.u32 $0xF7A, s1;
	s8 =	simm.s32 @!p0 $0x1BF5;
	p2 =	por !p2, p0  }
0x20: {  	[sflag:s8] =	ssyncset.s32 @!p0 $0xFFFFF086;
	s6 =	sadd.s32 @!p0 s3, s7;
	s7 =	simm.s32 @!p0 $0x108  }
0x21: {  	s3 =	sadd.s32 s3, s9;
	s6 =	sadd.s32 @!p0 $0x88, s6;
	s7 =	simm.s32 @p2 $0x1082  }
0x22: {  	[simem:s7], [sflag:s8] =	dma.local @!p0 [hbm:s6], $0xF7A  }
0x23: {  	s9 =	sor.u32 $0xD0000000, s2;
	s6 =	simm.s32 $0x108;
	_ =	swait.ge @!p0 [sflag:s8], $0x0  }
0x24: {  	s3 =	sadd.s32 $0x88, s3;
	s6 =	simm.s32 @!p1 $0x1082;
	[sflag:s4] =	ssyncset.s32 $0xFFFFF086  }
0x25: {  	[simem:s6], [sflag:s4] =	dma.local [hbm:s3], $0xF7A  }
0x26: {  	[smem:$0x3F71] =	sst s1;
	(tag) =	ssettag s2;
	_ =	strace s9  }
0x27: {  	s1 =	sld [smem:$0x3F81]  }
0x28: {  	s2 =	sld [smem:$0x3F82]  }
0x29: {  	s4 =	sld [smem:$0x3F84]  }
0x2a: {  	p0 =	seq.s32 s5, $0x0;
	s5 =	sld [smem:$0x3F85]  }
0x2b: {  	s6 =	sld [smem:$0x3F86]  }
0x2c: {  	s7 =	sld [smem:$0x3F87]  }
0x2d: {  	s3 =	simm.s32 $0x108;
	s8 =	sld [smem:$0x3F88]  }
0x2e: {  	s3 =	simm.s32 @!p0 $0x1082;
	s9 =	sld [smem:$0x3F89]  }
0x2f: {  	lr =	sadd.s32 s0, s3;
	s0 =	sld [smem:$0x3F80]  }
0x30: {  	s3 =	sld [smem:$0x3F83]  }
0x31: {  	[smem:$0x3F8C] =	sst s10  }
0x32: {  	s10 =	sld [smem:$0x3F8A];
	_ =	sdelay $0x3  }
0x33: {  	p0 =	seq.s32 s10, $0x1;
	s10 =	sld [smem:$0x3F8C];
	_ =	sdelay $0x3  }
0x34: {  	[smem:$0x3F8C] =	sst s10  }
0x35: {  	s10 =	sld [smem:$0x3F8B];
	_ =	sdelay $0x3  }
0x36: {  	p1 =	seq.s32 s10, $0x1;
	s10 =	sld [smem:$0x3F8C];
	_ =	sdelay $0x3  }
0x37: {  	[smem:$0x3F8C] =	sst s10  }
0x38: {  	s10 =	sld [smem:$0x3F8D]  }
0x39: {  	_ = 	snop;
	(pc) =	sbr.ind lr, $3  }
0x3a: {  	_ = 	snop  }
0x3b: {  	_ = 	snop  }
0x3c: {  	p2 =	seq.s32 s10, $0x1;
	s10 =	sld [smem:$0x3F8C]  }
0x3d: {  	_ =	shalt  }
0x3e: {  	_ =	shalt  }
0x3f: {  	_ =	shalt  }
0x40: {  	_ =	shalt  }
0x41: {  	_ =	shalt  }
0x42: {  	_ =	shalt  }
0x43: {  	_ =	shalt  }
0x44: {  	_ =	shalt  }
0x45: {  	_ =	shalt  }
0x46: {  	_ =	shalt  }
0x47: {  	_ =	shalt  }
0x48: {  	_ =	shalt  }
0x49: {  	_ =	shalt  }
0x4a: {  	_ =	shalt  }
0x4b: {  	_ =	shalt  }
0x4c: {  	_ =	shalt  }
0x4d: {  	_ =	shalt  }
0x4e: {  	_ =	shalt  }
0x4f: {  	_ =	shalt  }
0x50: {  	_ =	shalt  }
0x51: {  	_ =	shalt  }
0x52: {  	_ =	shalt  }
0x53: {  	_ =	shalt  }
0x54: {  	_ =	shalt  }
0x55: {  	_ =	shalt  }
0x56: {  	_ =	shalt  }
0x57: {  	_ =	shalt  }
0x58: {  	_ =	shalt  }
0x59: {  	_ =	shalt  }
0x5a: {  	_ =	shalt  }
0x5b: {  	_ =	shalt  }
0x5c: {  	_ =	shalt  }
0x5d: {  	_ =	shalt  }
0x5e: {  	_ =	shalt  }
0x5f: {  	_ =	shalt  }
0x60: {  	_ =	shalt  }
0x61: {  	_ =	shalt  }
0x62: {  	_ =	shalt  }
0x63: {  	_ =	shalt  }
0x64: {  	_ =	shalt  }
0x65: {  	_ =	shalt  }
0x66: {  	_ =	shalt  }
0x67: {  	_ =	shalt  }
0x68: {  	_ =	shalt  }
0x69: {  	_ =	shalt  }
0x6a: {  	_ =	shalt  }
0x6b: {  	_ =	shalt  }
0x6c: {  	_ =	shalt  }
0x6d: {  	_ =	shalt  }
0x6e: {  	_ =	shalt  }
0x6f: {  	_ =	shalt  }
0x70: {  	_ =	shalt  }
0x71: {  	_ =	shalt  }
0x72: {  	_ =	shalt  }
0x73: {  	_ =	shalt  }
0x74: {  	_ =	shalt  }
0x75: {  	_ =	shalt  }
0x76: {  	_ =	shalt  }
0x77: {  	_ =	shalt  }
0x78: {  	_ =	shalt  }
0x79: {  	_ =	shalt  }
0x7a: {  	_ =	shalt  }
0x7b: {  	_ =	shalt  }
0x7c: {  	_ =	shalt  }
0x7d: {  	_ =	shalt  }
0x7e: {  	_ =	shalt  }
0x7f: {  	_ =	shalt  }
0x80: {  	_ =	shalt  }
0x81: {  	_ =	shalt  }
0x82: {  	_ =	shalt  }
0x83: {  	_ =	shalt  }
0x84: {  	_ =	shalt  }
0x85: {  	_ =	shalt  }
0x86: {  	_ =	shalt  }
0x87: {  	_ =	shalt  }
.Lfunc_end0:
.L_simem_size_0:
called_computation_lowered:
.L_overlay_start_0:
0x88: {  	s2 =	sld [smem:$0x3FD9]  }
0x89: {  	s3 =	sld [smem:$0x3FFE];
	_ =	sdelay $0x1  }
0x8a: {  	s1 =	srdreg.scid  }
0x8b: {  	s0 =	sand.u32 $0x1, s1  }
0x8c: {  	s16 =	sshll.u32 s0, $0xA;
	s2 =	sadd.s32 s3, s2  }
0x8d: {  	s2 =	sadd.s32 s2, s16  }
0x8e: {  	[smem:$0x3F98] =	sst s2  }
0x8f: {  	_ = 	snop  }
0x90: {  	(tm) =	ssettm $0x1  }
0x91: {  	s17 =	sld [smem:$0x3FFB];
	_ =	sdelay $0x3  }
0x92: {  	_ =	strace s17  }
0x93: {  	s2 =	sld [smem:$0x3FFC];
	_ =	sdelay $0x3  }
0x94: {  	_ =	strace s2  }
0x95: {  	s2 =	sld [smem:$0x3FFD];
	_ =	sdelay $0x3  }
0x96: {  	_ =	strace s2  }
0x97: {  	_ =	strace $0x8FFFFFFF  }
0x98: {  	s18 =	sld [smem:$0x3FDB];
	_ =	sdelay $0x1  }
0x99: {  	s19 =	simm.s32 $_scs_section_size  }
0x9a: {  	s4 =	simm.s32 $_size__tile_overlayer_lowered;
	s5 =	simm.s32 $_tile_overlayer_lowered  }
0x9b: {  	s22 =	simm.s32 $0x1BFF;
	s21 =	sshll.u32 s5, $0x1;
	s2 =	sadd.s32 s19, s18  }
0x9c: {  	s6 =	simm.s32 $0x0;
	s20 =	sshll.u32 s4, $0x1;
	s4 =	sadd.s32 s21, s2  }
0x9d: {  	[timem:s6], [sflag:s22] =	dma.local [hbm:s4], s20  }
0x9e: {  	_ =	swait.ge [sflag:s22], s20  }
0x9f: {  	s3 =	ssub.s32 $0x0, s20;
	[sflag:s22] =	ssyncset.done $0x0  }
0xa0: {  	[sflag:s22] =	ssyncadd.s32 s3;
	_ =	sdelay $0x1  }
0xa1: {  	s23 =	simm.s32 $0x1B8B  }
0xa2: {  	_ =	swait.ge [sflag:s23], $0x1  }
0xa3: {  	[sflag:s23] =	ssyncset.done $0x0  }
0xa4: {  	s25 =	simm.s32 $0x1B8E;
	s24 =	sld [smem:$0x3FFE];
	[sflag:s23] =	ssyncadd.s32 $0xFFFFFFFF  }
0xa5: {  	s26 =	simm.s32 $execute0_lowered;
	[smem:$0x3FD2] =	sst s25  }
0xa6: {  	s4 =	sshll.u32 s26, $0x1;
	_ =	strace $0x80000046;
	[dreg:$0x1] =	wrdreg $0xFFFFFFFF  }
0xa7: {  	s28 =	simm.s32 $_size_execute0_lowered;
	s2 =	sadd.s32 s2, s4;
	[dreg:$0x0] =	wrdreg $0x0  }
0xa8: {  	s4 =	sshll.u32 s28, $0x1;
	[dreg:$0x2] =	wrdreg s2  }
0xa9: {  	[dreg:$0x3] =	wrdreg s4  }
0xaa: {  	[dreg:$0x4] =	wrdreg $0xC0  }
0xab: {  	_ =	task [dreg:s6], $0x5FFFF  }
0xac: {  	[dreg:$0x1] =	wrdreg $0xFFFFFFFF  }
0xad: {  	[dreg:$0x0] =	wrdreg $0x60  }
0xae: {  	[dreg:$0x2] =	wrdreg s24  }
0xaf: {  	[dreg:$0x3] =	wrdreg $0x41000  }
0xb0: {  	[dreg:$0x4] =	wrdreg $0x9  }
0xb1: {  	_ =	task.clear_ibuf [dreg:s6], $0x5FFFF;
	_ =	strace $0x90000046  }
0xb2: {  	s29 =	simm.s32 $0x9;
	_ =	strace $0x80000048  }
0xb3: {  	_ =	swait.ge [sflag:s29], $0x1  }
0xb4: {  	[sflag:s29] =	ssyncadd.s32 $0xFFFFFFFF  }
0xb5: {  	_ =	strace $0x90000048  }
0xb6: {  	_ =	sfence  }
0xb7: {  	s30 =	sld [smem:$0x0];
	_ =	sdelay $0x2  }
0xb8: {  	s31 =	sshll.u32 s1, $0xD;
	s1 =	sshrl.u32 s1, $0x2  }
0xb9: {  	s3 =	sand.u32 $0x4000, s31;
	s1 =	sadd.s32 s1, s30  }
0xba: {  	s0 =	sor.u32 s3, s0;
	s1 =	sshll.u32 s1, $0x11  }
0xbb: {  	s0 =	sor.u32 s1, s0  }
0xbc: {  	s0 =	sadd.s32 $0x8F2B, s0  }
0xbd: {  	[sflag:s0] =	ssyncadd.remote.s32 $0x1  }
0xbe: {  	_ =	sfence.sel $0xFFFF  }
0xbf: {  	[dreg:$0x0] =	wrdreg $0xFFFFFFFF;
	(pc) =	sbr.abs _section_cstart, $3  }
0xc0: {  	[dreg:$0x1] =	wrdreg $0xFFFFFFFF  }
0xc1: {  	_ =	task.clear_ibuf [dreg:s6], $0x2FFFF;
	_ =	strace $0x9FFFFFFF  }
0xc2: {  	(tm) =	ssettm $0x7FFFFFFF  }
0xc3: {  	_ =	shalt  }
tec
execute0_lowered:
.L_overlay_start_1:
0x0: {  	(tag) =	ssettag $0x1  }
0x1: {  	s0 =	rddreg [dreg:$0x0]  }
0x2: {  	s1 =	rddreg [dreg:$0x1];
	s2 =	simm.s32 $0x0  }
0x3: {  	s3 =	stileid.u32;
	s9 =	srdreg.scid;
	s30 =	simm.s32 $0x2  }
0x4: {  	s31 =	simm.s32 $0x80;
	[smem:$0x7FF] =	sst s2;
	s4 =	sadd.s32 $0x17800, s0  }
0x5: {  	s5 =	sadd.s32 $0x3EA00, s0;
	s6 =	sadd.s32 $0x65C00, s0;
	s8 =	smul.u32 $0x4F0, s3  }
0x6: {  	s7 =	sadd.s32 $0x8CE00, s0;
	s11 =	smul.u32 $0x2700, s3;
	s12 =	sand.u32 $0x1, s9  }
0x7: {  	s14 =	smul.u32 $0x4E000, s3;
	s9 =	sadd.s32 $0x129600, s0;
	s19 =	sadd.s32 $0x8CC00, s0  }
0x8: {  	s21 =	sadd.s32 $0xB3E00, s0;
	s24 =	sadd.s32 $0x3E800, s0;
	s25 =	sadd.s32 $0xDB000, s0  }
0x9: {  	p1 =	sne.s32 s3, $0xF;
	_ =	strace $0x80000047;
	[dreg:$0x4] =	wrdreg s19  }
0xa: {  	p2 =	seq.s32 s3, $0xF;
	s29 =	sadd.s32 $0x138000, s1;
	[dreg:$0x7] =	wrdreg s21  }
0xb: {  	s10 =	ssub.s32 $0x2, s12;
	[dreg:$0xa] =	wrdreg s24;
	p0 =	sne.s32 s12, $0x0  }
0xc: {  	[dreg:$0xc] =	wrdreg s25;
	s12 =	simm.s32 $0x0;
	s13 =	sadd.s32 s8, s0  }
0xd: {  	s15 =	sadd.s32 s11, s0;
	s8 =	sadd.s32 $0xDB200, s0;
	s18 =	sadd.s32 s6, s11  }
0xe: {  	s16 =	sshrl.u32 s10, $0x1;
	s22 =	sadd.s32 s9, s11;
	[dreg:$0x3] =	wrdreg s18  }
0xf: {  	s17 =	sshrl.u32 s14, $0x2;
	s23 =	sadd.s32 s4, s11;
	[dreg:$0x8] =	wrdreg s22  }
0x10: {  	s16 =	ssub.s32 s10, s16;
	s20 =	sadd.s32 $0x102400, s15;
	[dreg:$0x9] =	wrdreg s23  }
0x11: {  	s10 =	sadd.s32 s17, s1;
	s17 =	sadd.s32 $0x129400, s0;
	[dreg:$0x5] =	wrdreg s20  }
.Ltmp0:
0x12: {  	s15 =	sadd.s32 $0xB4000, s15;
	[dreg:$0x6] =	wrdreg s17;
	(pc) =	sbr.rel .LBB2_1-.Ltmp0, $4  }
0x13: {  	s14 =	sadd.s32 s7, s11;
	s0 =	sadd.s32 $0x65A00, s0;
	[dreg:$0xb] =	wrdreg s15  }
0x14: {  	s23 =	sadd.s32 s5, s11;
	s26 =	sadd.s32 s8, s11;
	[dreg:$0xd] =	wrdreg s0  }
0x15: {  	s28 =	sadd.s32 $0xD800, s13;
	s11 =	simm.s32 $0x1;
	[dreg:$0xe] =	wrdreg s26  }
0x16: {  	s25 =	smax.u32 s16, $0x1;
	s26 =	sadd.s32 $0x12800, s13;
	s0 =	simm.s32 $0x100  }
.LBB2_12:
0x17: {  	s15 =	sadd.s32 $0x27000, s15;
	s16 =	sshrl.u32 s29, $0x3  }
0x18: {  	[hbm:s15], [sflag:s13] =	dma.local [spmem:s16], $0x100  }
0x19: {  	_ =	swait.ge [sflag:s30], $0x100  }
0x1a: {  	[sflag:s30] =	ssyncset.done $0x0  }
0x1b: {  	[sflag:s30] =	ssyncadd.s32 $0xFFFFFF00  }
.LBB2_13:
0x1c: {  	s12 =	sadd.s32 $0x1, s12  }
0x1d: {  	p3 =	sne.s32 s12, s25  }
.Ltmp1:
0x1e: {  	_ = 	snop;
	(pc) =	sbr.rel @!p3 .LBB2_14-.Ltmp1, $2  }
0x1f: {  	_ =	sdelay $0x1  }
0x20: {  	[bflag:$0x0] =	sbarrier.arrive $0xFFFF;
	_ =	sdelay $0x1  }
.LBB2_1:
.Ltmp2:
0x21: {  	(pc) =	sbr.rel @p0 .LBB2_7-.Ltmp2, $3  }
0x22: {  	_ =	sdelay $0x1  }
0x23: {  	s19 =	sshll.u32 s3, $0x6;
	s15 =	sshrl.u32 s10, $0x3;
	s16 =	sshrl.u32 @!p1 s29, $0x3  }
0x24: {  	s18 =	sshrl.u32 @p1 s10, $0x3;
	s17 =	sshrl.u32 @!p1 s10, $0x3;
	s13 =	sor.u32 $0x1C02, s19  }
0x25: {  	s13 =	sor.u32 $0x1C02, s19;
	s21 =	rddreg [dreg:$0x9]  }
0x26: {  	[spmem:s15], [sflag:s13] =	dma.local [hbm:s21], $0x2700  }
0x27: {  	_ =	swait.ge [sflag:s30], $0x2700  }
0x28: {  	[sflag:s30] =	ssyncset.done $0x0  }
0x29: {  	s19 =	rddreg [dreg:$0xa];
	[sflag:s30] =	ssyncadd.s32 $0xFFFFD900  }
0x2a: {  	[spmem:s16], [sflag:s13] =	dma.local @!p1 [hbm:s19], $0x100  }
0x2b: {  	s19 =	simm.s32 @!p1 $0x2  }
0x2c: {  	_ =	swait.ge @!p1 [sflag:s19], $0x100  }
0x2d: {  	[sflag:s19] =	ssyncset.done @!p1 $0x0  }
0x2e: {  	[sflag:s19] =	ssyncadd.s32 @!p1 $0xFFFFFF00  }
0x2f: {  	s22 =	sadd.s32 $0x0, s28;
	[bflag:$0x0] =	sbarrier.arrive $0xFFFF  }
0x30: {  	[tilespmem:s2], [sflag:$0x2] =	stream.linear.gather [hbm4b:s22+s2], $0x80, $0x38;
	[tilespmem:$0x17A00] =	vst v63  }
0x31: {  	_ =	swait.ge [sflag:s30], $0x80  }
0x32: {  	[sflag:s30] =	ssyncset.done $0x0  }
0x33: {  	s24 =	sadd.s32 $0x0, s26;
	[sflag:s30] =	ssyncadd.s32 $0xFFFFFF80  }
0x34: {  	[tilespmem:s31], [sflag:$0x2] =	stream.linear.gather [hbm4b:s24+s2], $0x80, $0x38;
	[tilespmem:$0x17A00] =	vst v63  }
0x35: {  	_ =	swait.ge [sflag:s30], $0x80  }
0x36: {  	[sflag:s30] =	ssyncset.done $0x0  }
0x37: {  	[sflag:s30] =	ssyncadd.s32 $0xFFFFFF80  }
0x38: {  	[tilespmem:s0], [sflag:$0x1] =	stream.indirect.gather [hbm4b:s4+s31], $0x80, s2, s31, $0xb8;
	[tilespmem:$0x17A00] =	vst v63  }
0x39: {  	_ =	swait.ge [sflag:s11], $0x4000  }
0x3a: {  	[sflag:s11] =	ssyncset.done $0x0  }
0x3b: {  	[sflag:s11] =	ssyncadd.s32 $0xFFFFC000  }
0x3c: {  	[spmem:s1] =	stream.indirect.scatter.add.f32 [tilespmem:s0], [sflag:$0x2], $0x80, s31, s31, $0xb8;
	[tilespmem:$0x17A00] =	vst v63  }
0x3d: {  	_ =	swait.ge [sflag:s30], $0x4000  }
0x3e: {  	s20 =	simm.s32 $0x20;
	s19 =	simm.s32 $0x10;
	[sflag:s30] =	ssyncset.done $0x0  }
.LBB2_3:
0x3f: {  	s21 =	sadd.s32 s19, s28  }
0x40: {  	[sflag:s30] =	ssyncadd.s32 $0xFFFFC000;
	s22 =	smov.u32 s20;
	s24 =	sadd.s32 $0x10, s20  }
0x41: {  	[tilespmem:s2], [sflag:$0x2] =	stream.linear.gather [hbm4b:s21+s2], $0x80, $0x38;
	[tilespmem:$0x17A00] =	vst v63  }
0x42: {  	p3 =	sne.s32 s20, $0x4E0;
	_ =	swait.ge [sflag:s30], $0x80  }
0x43: {  	[sflag:s30] =	ssyncset.done $0x0  }
0x44: {  	s20 =	sadd.s32 s19, s26;
	s19 =	smov.u32 s22;
	[sflag:s30] =	ssyncadd.s32 $0xFFFFFF80  }
0x45: {  	[tilespmem:s31], [sflag:$0x2] =	stream.linear.gather [hbm4b:s20+s2], $0x80, $0x38;
	[tilespmem:$0x17A00] =	vst v63  }
0x46: {  	_ =	swait.ge [sflag:s30], $0x80  }
0x47: {  	[sflag:s30] =	ssyncset.done $0x0  }
0x48: {  	[sflag:s30] =	ssyncadd.s32 $0xFFFFFF80  }
0x49: {  	[tilespmem:s0], [sflag:$0x1] =	stream.indirect.gather [hbm4b:s4+s31], $0x80, s2, s31, $0xb8;
	[tilespmem:$0x17A00] =	vst v63  }
0x4a: {  	_ =	swait.ge [sflag:s11], $0x4000  }
.Ltmp3:
0x4b: {  	[sflag:s11] =	ssyncset.done $0x0;
	(pc) =	sbr.rel @p3 .LBB2_3-.Ltmp3, $4  }
0x4c: {  	[sflag:s11] =	ssyncadd.s32 $0xFFFFC000  }
0x4d: {  	[spmem:s1] =	stream.indirect.scatter.add.f32 [tilespmem:s0], [sflag:$0x2], $0x80, s31, s31, $0xb8;
	[tilespmem:$0x17A00] =	vst v63  }
0x4e: {  	_ =	swait.ge [sflag:s30], $0x4000  }
0x4f: {  	s20 =	smov.u32 s24;
	[sflag:s30] =	ssyncset.done $0x0  }
0x50: {  	s20 =	sadd.s32 s19, s28;
	[sflag:s30] =	ssyncadd.s32 $0xFFFFC000  }
0x51: {  	[tilespmem:s2], [sflag:$0x2] =	stream.linear.gather [hbm4b:s20+s2], $0x80, $0x38;
	[tilespmem:$0x17A00] =	vst v63  }
0x52: {  	_ =	swait.ge [sflag:s30], $0x80  }
0x53: {  	[sflag:s30] =	ssyncset.done $0x0  }
0x54: {  	s20 =	sadd.s32 s19, s26;
	[sflag:s30] =	ssyncadd.s32 $0xFFFFFF80  }
0x55: {  	[tilespmem:s31], [sflag:$0x2] =	stream.linear.gather [hbm4b:s20+s2], $0x80, $0x38;
	[tilespmem:$0x17A00] =	vst v63  }
0x56: {  	_ =	swait.ge [sflag:s30], $0x80  }
0x57: {  	[sflag:s30] =	ssyncset.done $0x0  }
0x58: {  	[sflag:s30] =	ssyncadd.s32 $0xFFFFFF80  }
0x59: {  	[tilespmem:s0], [sflag:$0x1] =	stream.indirect.gather [hbm4b:s4+s31], $0x80, s2, s31, $0xb8;
	[tilespmem:$0x17A00] =	vst v63  }
0x5a: {  	_ =	swait.ge [sflag:s11], $0x4000  }
0x5b: {  	[sflag:s11] =	ssyncset.done $0x0  }
0x5c: {  	[sflag:s11] =	ssyncadd.s32 $0xFFFFC000  }
0x5d: {  	[spmem:s1] =	stream.indirect.scatter.add.f32 [tilespmem:s0], [sflag:$0x2], $0x80, s31, s31, $0xb8;
	[tilespmem:$0x17A00] =	vst v63  }
0x5e: {  	_ =	swait.ge [sflag:s30], $0x4000  }
0x5f: {  	[sflag:s30] =	ssyncset.done $0x0  }
0x60: {  	[sflag:s30] =	ssyncadd.s32 $0xFFFFC000  }
0x61: {  	[bflag:$0x0] =	sbarrier.arrive $0xFFFF  }
0x62: {  	s21 =	rddreg [dreg:$0xb]  }
0x63: {  	[hbm:s21], [sflag:s13] =	dma.local [spmem:s15], $0x2700  }
0x64: {  	_ =	swait.ge [sflag:s30], $0x2700  }
0x65: {  	[sflag:s30] =	ssyncset.done $0x0  }
0x66: {  	[sflag:s30] =	ssyncadd.s32 $0xFFFFD900  }
0x67: {  	[bflag:$0x0] =	sbarrier.arrive @p1 $0xFFFF  }
0x68: {  	[spmem:s18], [sflag:s13] =	dma.local @p1 [hbm:s23], $0x2700  }
0x69: {  	s18 =	simm.s32 @p1 $0x2  }
0x6a: {  	_ =	swait.ge @p1 [sflag:s18], $0x2700  }
0x6b: {  	[sflag:s18] =	ssyncset.done @p1 $0x0  }
0x6c: {  	[sflag:s18] =	ssyncadd.s32 @p1 $0xFFFFD900;
	s18 =	rddreg [dreg:$0xc]  }
0x6d: {  	[hbm:s18], [sflag:s13] =	dma.local @!p1 [spmem:s16], $0x100  }
0x6e: {  	s18 =	simm.s32 @!p1 $0x2  }
0x6f: {  	_ =	swait.ge @!p1 [sflag:s18], $0x100  }
0x70: {  	[sflag:s18] =	ssyncset.done @!p1 $0x0  }
0x71: {  	[sflag:s18] =	ssyncadd.s32 @!p1 $0xFFFFFF00  }
0x72: {  	[bflag:$0x0] =	sbarrier.arrive @!p1 $0xFFFF  }
0x73: {  	[spmem:s17], [sflag:s13] =	dma.local @!p1 [hbm:s23], $0x2700  }
0x74: {  	_ =	swait.ge @!p1 [sflag:s18], $0x2700  }
0x75: {  	[sflag:s18] =	ssyncset.done @!p1 $0x0  }
0x76: {  	s17 =	rddreg [dreg:$0xd];
	[sflag:s18] =	ssyncadd.s32 @!p1 $0xFFFFD900  }
0x77: {  	[spmem:s16], [sflag:s13] =	dma.local @!p1 [hbm:s17], $0x100  }
0x78: {  	_ =	swait.ge @!p1 [sflag:s18], $0x100  }
0x79: {  	[sflag:s18] =	ssyncset.done @!p1 $0x0  }
0x7a: {  	[sflag:s18] =	ssyncadd.s32 @!p1 $0xFFFFFF00  }
0x7b: {  	s22 =	sadd.s32 $0x0, s28;
	[bflag:$0x0] =	sbarrier.arrive $0xFFFF  }
0x7c: {  	[tilespmem:s2], [sflag:$0x2] =	stream.linear.gather [hbm4b:s22+s2], $0x80, $0x38;
	[tilespmem:$0x17A00] =	vst v63  }
0x7d: {  	_ =	swait.ge [sflag:s30], $0x80  }
0x7e: {  	[sflag:s30] =	ssyncset.done $0x0  }
0x7f: {  	s24 =	sadd.s32 $0x0, s26;
	[sflag:s30] =	ssyncadd.s32 $0xFFFFFF80  }
0x80: {  	[tilespmem:s31], [sflag:$0x2] =	stream.linear.gather [hbm4b:s24+s2], $0x80, $0x38;
	[tilespmem:$0x17A00] =	vst v63  }
0x81: {  	_ =	swait.ge [sflag:s30], $0x80  }
0x82: {  	[sflag:s30] =	ssyncset.done $0x0  }
0x83: {  	[sflag:s30] =	ssyncadd.s32 $0xFFFFFF80  }
0x84: {  	[tilespmem:s0], [sflag:$0x1] =	stream.indirect.gather [hbm4b:s5+s31], $0x80, s2, s31, $0xb8;
	[tilespmem:$0x17A00] =	vst v63  }
0x85: {  	_ =	swait.ge [sflag:s11], $0x4000  }
0x86: {  	[sflag:s11] =	ssyncset.done $0x0  }
0x87: {  	[sflag:s11] =	ssyncadd.s32 $0xFFFFC000  }
0x88: {  	[spmem:s1] =	stream.indirect.scatter.add.f32 [tilespmem:s0], [sflag:$0x2], $0x80, s31, s31, $0xb8;
	[tilespmem:$0x17A00] =	vst v63  }
0x89: {  	_ =	swait.ge [sflag:s30], $0x4000  }
0x8a: {  	s16 =	simm.s32 $0x10;
	s17 =	simm.s32 $0x20;
	[sflag:s30] =	ssyncset.done $0x0  }
.LBB2_5:
0x8b: {  	s18 =	sadd.s32 s16, s28  }
0x8c: {  	[sflag:s30] =	ssyncadd.s32 $0xFFFFC000;
	s19 =	smov.u32 s17;
	s20 =	sadd.s32 $0x10, s17  }
0x8d: {  	[tilespmem:s2], [sflag:$0x2] =	stream.linear.gather [hbm4b:s18+s2], $0x80, $0x38;
	[tilespmem:$0x17A00] =	vst v63  }
0x8e: {  	p3 =	sne.s32 s17, $0x4E0;
	_ =	swait.ge [sflag:s30], $0x80  }
0x8f: {  	[sflag:s30] =	ssyncset.done $0x0  }
0x90: {  	s17 =	sadd.s32 s16, s26;
	s16 =	smov.u32 s19;
	[sflag:s30] =	ssyncadd.s32 $0xFFFFFF80  }
0x91: {  	[tilespmem:s31], [sflag:$0x2] =	stream.linear.gather [hbm4b:s17+s2], $0x80, $0x38;
	[tilespmem:$0x17A00] =	vst v63  }
0x92: {  	_ =	swait.ge [sflag:s30], $0x80  }
0x93: {  	[sflag:s30] =	ssyncset.done $0x0  }
0x94: {  	[sflag:s30] =	ssyncadd.s32 $0xFFFFFF80  }
0x95: {  	[tilespmem:s0], [sflag:$0x1] =	stream.indirect.gather [hbm4b:s5+s31], $0x80, s2, s31, $0xb8;
	[tilespmem:$0x17A00] =	vst v63  }
0x96: {  	_ =	swait.ge [sflag:s11], $0x4000  }
.Ltmp4:
0x97: {  	[sflag:s11] =	ssyncset.done $0x0;
	(pc) =	sbr.rel @p3 .LBB2_5-.Ltmp4, $4  }
0x98: {  	[sflag:s11] =	ssyncadd.s32 $0xFFFFC000  }
0x99: {  	[spmem:s1] =	stream.indirect.scatter.add.f32 [tilespmem:s0], [sflag:$0x2], $0x80, s31, s31, $0xb8;
	[tilespmem:$0x17A00] =	vst v63  }
0x9a: {  	_ =	swait.ge [sflag:s30], $0x4000  }
0x9b: {  	s17 =	smov.u32 s20;
	[sflag:s30] =	ssyncset.done $0x0  }
0x9c: {  	s17 =	sadd.s32 s16, s28;
	[sflag:s30] =	ssyncadd.s32 $0xFFFFC000  }
0x9d: {  	[tilespmem:s2], [sflag:$0x2] =	stream.linear.gather [hbm4b:s17+s2], $0x80, $0x38;
	[tilespmem:$0x17A00] =	vst v63  }
0x9e: {  	_ =	swait.ge [sflag:s30], $0x80  }
0x9f: {  	[sflag:s30] =	ssyncset.done $0x0  }
0xa0: {  	s22 =	sadd.s32 s16, s26;
	[sflag:s30] =	ssyncadd.s32 $0xFFFFFF80  }
0xa1: {  	[tilespmem:s31], [sflag:$0x2] =	stream.linear.gather [hbm4b:s22+s2], $0x80, $0x38;
	[tilespmem:$0x17A00] =	vst v63  }
0xa2: {  	_ =	swait.ge [sflag:s30], $0x80  }
0xa3: {  	[sflag:s30] =	ssyncset.done $0x0  }
0xa4: {  	[sflag:s30] =	ssyncadd.s32 $0xFFFFFF80  }
0xa5: {  	[tilespmem:s0], [sflag:$0x1] =	stream.indirect.gather [hbm4b:s5+s31], $0x80, s2, s31, $0xb8;
	[tilespmem:$0x17A00] =	vst v63  }
0xa6: {  	_ =	swait.ge [sflag:s11], $0x4000  }
0xa7: {  	[sflag:s11] =	ssyncset.done $0x0  }
0xa8: {  	[sflag:s11] =	ssyncadd.s32 $0xFFFFC000  }
0xa9: {  	[spmem:s1] =	stream.indirect.scatter.add.f32 [tilespmem:s0], [sflag:$0x2], $0x80, s31, s31, $0xb8;
	[tilespmem:$0x17A00] =	vst v63  }
0xaa: {  	_ =	swait.ge [sflag:s30], $0x4000  }
0xab: {  	[sflag:s30] =	ssyncset.done $0x0  }
0xac: {  	[sflag:s30] =	ssyncadd.s32 $0xFFFFC000  }
0xad: {  	[bflag:$0x0] =	sbarrier.arrive $0xFFFF  }
0xae: {  	s24 =	rddreg [dreg:$0xe]  }
0xaf: {  	[hbm:s24], [sflag:s13] =	dma.local [spmem:s15], $0x2700  }
.Ltmp5:
0xb0: {  	_ = 	snop;
	(pc) =	sbr.rel @p2 .LBB2_12-.Ltmp5, $4  }
.Ltmp6:
0xb1: {  	_ = 	snop;
	(pc) =	sbr.rel @!p2 .LBB2_13-.Ltmp6, $4  }
0xb2: {  	_ =	swait.ge [sflag:s30], $0x2700  }
0xb3: {  	[sflag:s30] =	ssyncset.done $0x0  }
0xb4: {  	s15 =	smov.u32 s8;
	[sflag:s30] =	ssyncadd.s32 $0xFFFFD900  }
0xb5: {  	_ = 	snop  }
.LBB2_7:
0xb6: {  	s19 =	rddreg [dreg:$0x3]  }
0xb7: {  	[spmem:s15], [sflag:s13] =	dma.local [hbm:s19], $0x2700  }
0xb8: {  	_ =	swait.ge [sflag:s30], $0x2700  }
0xb9: {  	[sflag:s30] =	ssyncset.done $0x0  }
0xba: {  	s19 =	rddreg [dreg:$0x4];
	[sflag:s30] =	ssyncadd.s32 $0xFFFFD900  }
0xbb: {  	[spmem:s16], [sflag:s13] =	dma.local @!p1 [hbm:s19], $0x100  }
0xbc: {  	s19 =	simm.s32 @!p1 $0x2  }
0xbd: {  	_ =	swait.ge @!p1 [sflag:s19], $0x100  }
0xbe: {  	[sflag:s19] =	ssyncset.done @!p1 $0x0  }
0xbf: {  	[sflag:s19] =	ssyncadd.s32 @!p1 $0xFFFFFF00  }
0xc0: {  	s22 =	sadd.s32 $0x0, s28;
	[bflag:$0x0] =	sbarrier.arrive $0xFFFF  }
0xc1: {  	[tilespmem:s2], [sflag:$0x2] =	stream.linear.gather [hbm4b:s22+s2], $0x80, $0x38;
	[tilespmem:$0x17A00] =	vst v63  }
0xc2: {  	_ =	swait.ge [sflag:s30], $0x80  }
0xc3: {  	[sflag:s30] =	ssyncset.done $0x0  }
0xc4: {  	s24 =	sadd.s32 $0x0, s26;
	[sflag:s30] =	ssyncadd.s32 $0xFFFFFF80  }
0xc5: {  	[tilespmem:s31], [sflag:$0x2] =	stream.linear.gather [hbm4b:s24+s2], $0x80, $0x38;
	[tilespmem:$0x17A00] =	vst v63  }
0xc6: {  	_ =	swait.ge [sflag:s30], $0x80  }
0xc7: {  	[sflag:s30] =	ssyncset.done $0x0  }
0xc8: {  	[sflag:s30] =	ssyncadd.s32 $0xFFFFFF80  }
0xc9: {  	[tilespmem:s0], [sflag:$0x1] =	stream.indirect.gather [hbm4b:s6+s31], $0x80, s2, s31, $0xb8;
	[tilespmem:$0x17A00] =	vst v63  }
0xca: {  	_ =	swait.ge [sflag:s11], $0x4000  }
0xcb: {  	[sflag:s11] =	ssyncset.done $0x0  }
0xcc: {  	[sflag:s11] =	ssyncadd.s32 $0xFFFFC000  }
0xcd: {  	[spmem:s1] =	stream.indirect.scatter.add.f32 [tilespmem:s0], [sflag:$0x2], $0x80, s31, s31, $0xb8;
	[tilespmem:$0x17A00] =	vst v63  }
0xce: {  	_ =	swait.ge [sflag:s30], $0x4000  }
0xcf: {  	s20 =	simm.s32 $0x20;
	s19 =	simm.s32 $0x10;
	[sflag:s30] =	ssyncset.done $0x0  }
.LBB2_8:
0xd0: {  	s21 =	sadd.s32 s19, s28  }
0xd1: {  	[sflag:s30] =	ssyncadd.s32 $0xFFFFC000;
	s22 =	smov.u32 s20;
	s24 =	sadd.s32 $0x10, s20  }
0xd2: {  	[tilespmem:s2], [sflag:$0x2] =	stream.linear.gather [hbm4b:s21+s2], $0x80, $0x38;
	[tilespmem:$0x17A00] =	vst v63  }
0xd3: {  	p3 =	sne.s32 s20, $0x4E0;
	_ =	swait.ge [sflag:s30], $0x80  }
0xd4: {  	[sflag:s30] =	ssyncset.done $0x0  }
0xd5: {  	s20 =	sadd.s32 s19, s26;
	s19 =	smov.u32 s22;
	[sflag:s30] =	ssyncadd.s32 $0xFFFFFF80  }
0xd6: {  	[tilespmem:s31], [sflag:$0x2] =	stream.linear.gather [hbm4b:s20+s2], $0x80, $0x38;
	[tilespmem:$0x17A00] =	vst v63  }
0xd7: {  	_ =	swait.ge [sflag:s30], $0x80  }
0xd8: {  	[sflag:s30] =	ssyncset.done $0x0  }
0xd9: {  	[sflag:s30] =	ssyncadd.s32 $0xFFFFFF80  }
0xda: {  	[tilespmem:s0], [sflag:$0x1] =	stream.indirect.gather [hbm4b:s6+s31], $0x80, s2, s31, $0xb8;
	[tilespmem:$0x17A00] =	vst v63  }
0xdb: {  	_ =	swait.ge [sflag:s11], $0x4000  }
.Ltmp7:
0xdc: {  	[sflag:s11] =	ssyncset.done $0x0;
	(pc) =	sbr.rel @p3 .LBB2_8-.Ltmp7, $4  }
0xdd: {  	[sflag:s11] =	ssyncadd.s32 $0xFFFFC000  }
0xde: {  	[spmem:s1] =	stream.indirect.scatter.add.f32 [tilespmem:s0], [sflag:$0x2], $0x80, s31, s31, $0xb8;
	[tilespmem:$0x17A00] =	vst v63  }
0xdf: {  	_ =	swait.ge [sflag:s30], $0x4000  }
0xe0: {  	s20 =	smov.u32 s24;
	[sflag:s30] =	ssyncset.done $0x0  }
0xe1: {  	s20 =	sadd.s32 s19, s28;
	[sflag:s30] =	ssyncadd.s32 $0xFFFFC000  }
0xe2: {  	[tilespmem:s2], [sflag:$0x2] =	stream.linear.gather [hbm4b:s20+s2], $0x80, $0x38;
	[tilespmem:$0x17A00] =	vst v63  }
0xe3: {  	_ =	swait.ge [sflag:s30], $0x80  }
0xe4: {  	[sflag:s30] =	ssyncset.done $0x0  }
0xe5: {  	s20 =	sadd.s32 s19, s26;
	[sflag:s30] =	ssyncadd.s32 $0xFFFFFF80  }
0xe6: {  	[tilespmem:s31], [sflag:$0x2] =	stream.linear.gather [hbm4b:s20+s2], $0x80, $0x38;
	[tilespmem:$0x17A00] =	vst v63  }
0xe7: {  	_ =	swait.ge [sflag:s30], $0x80  }
0xe8: {  	[sflag:s30] =	ssyncset.done $0x0  }
0xe9: {  	[sflag:s30] =	ssyncadd.s32 $0xFFFFFF80  }
0xea: {  	[tilespmem:s0], [sflag:$0x1] =	stream.indirect.gather [hbm4b:s6+s31], $0x80, s2, s31, $0xb8;
	[tilespmem:$0x17A00] =	vst v63  }
0xeb: {  	_ =	swait.ge [sflag:s11], $0x4000  }
0xec: {  	[sflag:s11] =	ssyncset.done $0x0  }
0xed: {  	[sflag:s11] =	ssyncadd.s32 $0xFFFFC000  }
0xee: {  	[spmem:s1] =	stream.indirect.scatter.add.f32 [tilespmem:s0], [sflag:$0x2], $0x80, s31, s31, $0xb8;
	[tilespmem:$0x17A00] =	vst v63  }
0xef: {  	_ =	swait.ge [sflag:s30], $0x4000  }
0xf0: {  	[sflag:s30] =	ssyncset.done $0x0  }
0xf1: {  	[sflag:s30] =	ssyncadd.s32 $0xFFFFC000  }
0xf2: {  	[bflag:$0x0] =	sbarrier.arrive $0xFFFF  }
0xf3: {  	s21 =	rddreg [dreg:$0x5]  }
0xf4: {  	[hbm:s21], [sflag:s13] =	dma.local [spmem:s15], $0x2700  }
0xf5: {  	_ =	swait.ge [sflag:s30], $0x2700  }
0xf6: {  	[sflag:s30] =	ssyncset.done $0x0  }
0xf7: {  	[sflag:s30] =	ssyncadd.s32 $0xFFFFD900  }
0xf8: {  	[bflag:$0x0] =	sbarrier.arrive @p1 $0xFFFF  }
0xf9: {  	[spmem:s18], [sflag:s13] =	dma.local @p1 [hbm:s14], $0x2700  }
0xfa: {  	s18 =	simm.s32 @p1 $0x2  }
0xfb: {  	_ =	swait.ge @p1 [sflag:s18], $0x2700  }
0xfc: {  	[sflag:s18] =	ssyncset.done @p1 $0x0  }
0xfd: {  	[sflag:s18] =	ssyncadd.s32 @p1 $0xFFFFD900;
	s18 =	rddreg [dreg:$0x6]  }
0xfe: {  	[hbm:s18], [sflag:s13] =	dma.local @!p1 [spmem:s16], $0x100  }
0xff: {  	s18 =	simm.s32 @!p1 $0x2  }
0x100: {  	_ =	swait.ge @!p1 [sflag:s18], $0x100  }
0x101: {  	[sflag:s18] =	ssyncset.done @!p1 $0x0  }
0x102: {  	[sflag:s18] =	ssyncadd.s32 @!p1 $0xFFFFFF00  }
0x103: {  	[bflag:$0x0] =	sbarrier.arrive @!p1 $0xFFFF  }
0x104: {  	[spmem:s17], [sflag:s13] =	dma.local @!p1 [hbm:s14], $0x2700  }
0x105: {  	_ =	swait.ge @!p1 [sflag:s18], $0x2700  }
0x106: {  	[sflag:s18] =	ssyncset.done @!p1 $0x0  }
0x107: {  	s17 =	rddreg [dreg:$0x7];
	[sflag:s18] =	ssyncadd.s32 @!p1 $0xFFFFD900  }
0x108: {  	[spmem:s16], [sflag:s13] =	dma.local @!p1 [hbm:s17], $0x100  }
0x109: {  	_ =	swait.ge @!p1 [sflag:s18], $0x100  }
0x10a: {  	[sflag:s18] =	ssyncset.done @!p1 $0x0  }
0x10b: {  	[sflag:s18] =	ssyncadd.s32 @!p1 $0xFFFFFF00  }
0x10c: {  	s22 =	sadd.s32 $0x0, s28;
	[bflag:$0x0] =	sbarrier.arrive $0xFFFF  }
0x10d: {  	[tilespmem:s2], [sflag:$0x2] =	stream.linear.gather [hbm4b:s22+s2], $0x80, $0x38;
	[tilespmem:$0x17A00] =	vst v63  }
0x10e: {  	_ =	swait.ge [sflag:s30], $0x80  }
0x10f: {  	[sflag:s30] =	ssyncset.done $0x0  }
0x110: {  	s24 =	sadd.s32 $0x0, s26;
	[sflag:s30] =	ssyncadd.s32 $0xFFFFFF80  }
0x111: {  	[tilespmem:s31], [sflag:$0x2] =	stream.linear.gather [hbm4b:s24+s2], $0x80, $0x38;
	[tilespmem:$0x17A00] =	vst v63  }
0x112: {  	_ =	swait.ge [sflag:s30], $0x80  }
0x113: {  	[sflag:s30] =	ssyncset.done $0x0  }
0x114: {  	[sflag:s30] =	ssyncadd.s32 $0xFFFFFF80  }
0x115: {  	[tilespmem:s0], [sflag:$0x1] =	stream.indirect.gather [hbm4b:s7+s31], $0x80, s2, s31, $0xb8;
	[tilespmem:$0x17A00] =	vst v63  }
0x116: {  	_ =	swait.ge [sflag:s11], $0x4000  }
0x117: {  	[sflag:s11] =	ssyncset.done $0x0  }
0x118: {  	[sflag:s11] =	ssyncadd.s32 $0xFFFFC000  }
0x119: {  	[spmem:s1] =	stream.indirect.scatter.add.f32 [tilespmem:s0], [sflag:$0x2], $0x80, s31, s31, $0xb8;
	[tilespmem:$0x17A00] =	vst v63  }
0x11a: {  	_ =	swait.ge [sflag:s30], $0x4000  }
0x11b: {  	s16 =	simm.s32 $0x10;
	s17 =	simm.s32 $0x20;
	[sflag:s30] =	ssyncset.done $0x0  }
.LBB2_10:
0x11c: {  	s18 =	sadd.s32 s16, s28  }
0x11d: {  	[sflag:s30] =	ssyncadd.s32 $0xFFFFC000;
	s19 =	smov.u32 s17;
	s20 =	sadd.s32 $0x10, s17  }
0x11e: {  	[tilespmem:s2], [sflag:$0x2] =	stream.linear.gather [hbm4b:s18+s2], $0x80, $0x38;
	[tilespmem:$0x17A00] =	vst v63  }
0x11f: {  	p3 =	sne.s32 s17, $0x4E0;
	_ =	swait.ge [sflag:s30], $0x80  }
0x120: {  	[sflag:s30] =	ssyncset.done $0x0  }
0x121: {  	s17 =	sadd.s32 s16, s26;
	s16 =	smov.u32 s19;
	[sflag:s30] =	ssyncadd.s32 $0xFFFFFF80  }
0x122: {  	[tilespmem:s31], [sflag:$0x2] =	stream.linear.gather [hbm4b:s17+s2], $0x80, $0x38;
	[tilespmem:$0x17A00] =	vst v63  }
0x123: {  	_ =	swait.ge [sflag:s30], $0x80  }
0x124: {  	[sflag:s30] =	ssyncset.done $0x0  }
0x125: {  	[sflag:s30] =	ssyncadd.s32 $0xFFFFFF80  }
0x126: {  	[tilespmem:s0], [sflag:$0x1] =	stream.indirect.gather [hbm4b:s7+s31], $0x80, s2, s31, $0xb8;
	[tilespmem:$0x17A00] =	vst v63  }
0x127: {  	_ =	swait.ge [sflag:s11], $0x4000  }
.Ltmp8:
0x128: {  	[sflag:s11] =	ssyncset.done $0x0;
	(pc) =	sbr.rel @p3 .LBB2_10-.Ltmp8, $4  }
0x129: {  	[sflag:s11] =	ssyncadd.s32 $0xFFFFC000  }
0x12a: {  	[spmem:s1] =	stream.indirect.scatter.add.f32 [tilespmem:s0], [sflag:$0x2], $0x80, s31, s31, $0xb8;
	[tilespmem:$0x17A00] =	vst v63  }
0x12b: {  	_ =	swait.ge [sflag:s30], $0x4000  }
0x12c: {  	s17 =	smov.u32 s20;
	[sflag:s30] =	ssyncset.done $0x0  }
0x12d: {  	s17 =	sadd.s32 s16, s28;
	[sflag:s30] =	ssyncadd.s32 $0xFFFFC000  }
0x12e: {  	[tilespmem:s2], [sflag:$0x2] =	stream.linear.gather [hbm4b:s17+s2], $0x80, $0x38;
	[tilespmem:$0x17A00] =	vst v63  }
0x12f: {  	_ =	swait.ge [sflag:s30], $0x80  }
0x130: {  	[sflag:s30] =	ssyncset.done $0x0  }
0x131: {  	s22 =	sadd.s32 s16, s26;
	[sflag:s30] =	ssyncadd.s32 $0xFFFFFF80  }
0x132: {  	[tilespmem:s31], [sflag:$0x2] =	stream.linear.gather [hbm4b:s22+s2], $0x80, $0x38;
	[tilespmem:$0x17A00] =	vst v63  }
0x133: {  	_ =	swait.ge [sflag:s30], $0x80  }
0x134: {  	[sflag:s30] =	ssyncset.done $0x0  }
0x135: {  	[sflag:s30] =	ssyncadd.s32 $0xFFFFFF80  }
0x136: {  	[tilespmem:s0], [sflag:$0x1] =	stream.indirect.gather [hbm4b:s7+s31], $0x80, s2, s31, $0xb8;
	[tilespmem:$0x17A00] =	vst v63  }
0x137: {  	_ =	swait.ge [sflag:s11], $0x4000  }
0x138: {  	[sflag:s11] =	ssyncset.done $0x0  }
0x139: {  	[sflag:s11] =	ssyncadd.s32 $0xFFFFC000  }
0x13a: {  	[spmem:s1] =	stream.indirect.scatter.add.f32 [tilespmem:s0], [sflag:$0x2], $0x80, s31, s31, $0xb8;
	[tilespmem:$0x17A00] =	vst v63  }
0x13b: {  	_ =	swait.ge [sflag:s30], $0x4000  }
0x13c: {  	[sflag:s30] =	ssyncset.done $0x0  }
0x13d: {  	[sflag:s30] =	ssyncadd.s32 $0xFFFFC000  }
0x13e: {  	[bflag:$0x0] =	sbarrier.arrive $0xFFFF  }
0x13f: {  	s24 =	rddreg [dreg:$0x8]  }
0x140: {  	[hbm:s24], [sflag:s13] =	dma.local [spmem:s15], $0x2700  }
.Ltmp9:
0x141: {  	_ = 	snop;
	(pc) =	sbr.rel @p1 .LBB2_13-.Ltmp9, $4  }
.Ltmp10:
0x142: {  	_ = 	snop;
	(pc) =	sbr.rel @!p1 .LBB2_12-.Ltmp10, $4  }
0x143: {  	_ =	swait.ge [sflag:s30], $0x2700  }
0x144: {  	[sflag:s30] =	ssyncset.done $0x0  }
0x145: {  	s15 =	smov.u32 s9;
	[sflag:s30] =	ssyncadd.s32 $0xFFFFD900  }
0x146: {  	_ = 	snop  }
.LBB2_14:
0x147: {  	_ =	sfence.sel $0x180000  }
0x148: {  	[bflag:$0x0] =	sbarrier.arrive $0xFFFF  }
0x149: {  	_ =	strace $0x90000047  }
0x14a: {  	[bflag:$0x2] =	sbarrier.arrive $0xFFFF  }
0x14b: {  	p0 =	sne.s32 s3, $0x0;
	s0 =	rddreg [dreg:$0x2]  }
0x14c: {  	s0 =	sadd.s32 @!p0 $0x100000, s0  }
0x14d: {  	[sflag:s0] =	ssyncadd.tile.s32 @!p0 $0x1;
	_ =	shalt  }
.Lfunc_end2:
_tile_overlayer_lowered:
.L_overlay_start_2:
0x14e: {  	(tag) =	ssettag $0x2  }
0x14f: {  	s0 =	rddreg [dreg:$0x0];
	s2 =	stileid.u32  }
0x150: {  	s1 =	rddreg [dreg:$0x1];
	p0 =	sne.s32 s2, $0x0  }
0x151: {  	s3 =	rddreg [dreg:$0x2];
	[bflag:$0x3] =	sbarrier.arrive $0xFFFF;
	s2 =	simm.s32 @!p0 $0x1C02  }
0x152: {  	[timem:s3], [sflag:s2] =	dma.local @!p0 [hbm:s0], s1  }
0x153: {  	s0 =	simm.s32 @!p0 $0x2  }
0x154: {  	_ =	swait.ge @!p0 [sflag:s0], s1  }
0x155: {  	s1 =	ssub.s32 @!p0 $0x0, s1;
	[sflag:s0] =	ssyncset.done @!p0 $0x0  }
0x156: {  	[sflag:s0] =	ssyncadd.s32 @!p0 s1  }
0x157: {  	[bflag:$0x3] =	sbarrier.arrive $0xFFFF  }
0x158: {  	_ =	shalt  }

// kernel: kernel.15.cloned.1.call-start
scs
__scs_entry_jumppad:
0x0: {  	(pc) =	sbr.rel $0x88, $3  }
0x1: {  	(tag) =	ssettag $0x0;
	lr =	simm.s32 $0x1  }
0x2: {  	[smem:$0x3F71] =	sst lr;
	_ =	strace $0xD0000000  }
0x3: {  	_ = 	snop  }
0x4: {  	_ = 	snop  }
0x5: {  	_ = 	snop  }
0x6: {  	_ = 	snop  }
0x7: {  	_ = 	snop  }
__scs_overlays_trampoline_lowered:
0x8: {  	[smem:$0x3F80] =	sst s0  }
0x9: {  	[smem:$0x3F81] =	sst s1  }
0xa: {  	[smem:$0x3F82] =	sst s2  }
0xb: {  	[smem:$0x3F83] =	sst s3  }
0xc: {  	[smem:$0x3F84] =	sst s4  }
0xd: {  	[smem:$0x3F85] =	sst s5  }
0xe: {  	[smem:$0x3F86] =	sst s6  }
0xf: {  	[smem:$0x3F87] =	sst s7  }
0x10: {  	[smem:$0x3F88] =	sst s8  }
0x11: {  	[smem:$0x3F89] =	sst s9;
	s0 =	simm.s32 @!p0 $0x0  }
0x12: {  	s1 =	sld [smem:$0x3F6F];
	s0 =	simm.s32 @p0 $0x1  }
0x13: {  	[smem:$0x3F8A] =	sst s0;
	s0 =	simm.s32 @!p1 $0x0  }
0x14: {  	s2 =	sld [smem:$0x3F6E];
	s0 =	simm.s32 @p1 $0x1  }
0x15: {  	[smem:$0x3F8B] =	sst s0;
	s0 =	simm.s32 @!p2 $0x0  }
0x16: {  	s3 =	sld [smem:$0x3FDB];
	s0 =	simm.s32 @p2 $0x1  }
0x17: {  	s4 =	simm.s32 $0x1BF5;
	[smem:$0x3F8D] =	sst s0  }
0x18: {  	s0 =	sld [smem:$0x3F70];
	_ =	swait.ge [sflag:s4], $0x0  }
0x19: {  	s7 =	sld [smem:$0x3F71]  }
0x1a: {  	s8 =	sadd.s32 $0xFFFFE003, lr  }
0x1b: {  	s9 =	sadd.s32 $0xFFFFFEF7, lr;
	s5 =	simm.s32 $0xFFFFFFFF;
	p2 =	slt.u32 s8, $0xFFFFF086  }
0x1c: {  	p1 =	slt.u32 s9, $0xF7A;
	s5 =	simm.s32 @!p2 $0x0  }
0x1d: {  	s5 =	simm.s32 @p1 $0x1;
	p0 =	seq.s32 s7, s2  }
0x1e: {  	s7 =	smul.u32 @!p0 $0xF7A, s2;
	p2 =	seq.s32 @!p0 s5, $0x0  }
0x1f: {  	s9 =	smul.u32 $0xF7A, s1;
	s8 =	simm.s32 @!p0 $0x1BF5;
	p2 =	por !p2, p0  }
0x20: {  	[sflag:s8] =	ssyncset.s32 @!p0 $0xFFFFF086;
	s6 =	sadd.s32 @!p0 s3, s7;
	s7 =	simm.s32 @!p0 $0x108  }
0x21: {  	s3 =	sadd.s32 s3, s9;
	s6 =	sadd.s32 @!p0 $0x88, s6;
	s7 =	simm.s32 @p2 $0x1082  }
0x22: {  	[simem:s7], [sflag:s8] =	dma.local @!p0 [hbm:s6], $0xF7A  }
0x23: {  	s9 =	sor.u32 $0xD0000000, s2;
	s6 =	simm.s32 $0x108;
	_ =	swait.ge @!p0 [sflag:s8], $0x0  }
0x24: {  	s3 =	sadd.s32 $0x88, s3;
	s6 =	simm.s32 @!p1 $0x1082;
	[sflag:s4] =	ssyncset.s32 $0xFFFFF086  }
0x25: {  	[simem:s6], [sflag:s4] =	dma.local [hbm:s3], $0xF7A  }
0x26: {  	[smem:$0x3F71] =	sst s1;
	(tag) =	ssettag s2;
	_ =	strace s9  }
0x27: {  	s1 =	sld [smem:$0x3F81]  }
0x28: {  	s2 =	sld [smem:$0x3F82]  }
0x29: {  	s4 =	sld [smem:$0x3F84]  }
0x2a: {  	p0 =	seq.s32 s5, $0x0;
	s5 =	sld [smem:$0x3F85]  }
0x2b: {  	s6 =	sld [smem:$0x3F86]  }
0x2c: {  	s7 =	sld [smem:$0x3F87]  }
0x2d: {  	s3 =	simm.s32 $0x108;
	s8 =	sld [smem:$0x3F88]  }
0x2e: {  	s3 =	simm.s32 @!p0 $0x1082;
	s9 =	sld [smem:$0x3F89]  }
0x2f: {  	lr =	sadd.s32 s0, s3;
	s0 =	sld [smem:$0x3F80]  }
0x30: {  	s3 =	sld [smem:$0x3F83]  }
0x31: {  	[smem:$0x3F8C] =	sst s10  }
0x32: {  	s10 =	sld [smem:$0x3F8A];
	_ =	sdelay $0x3  }
0x33: {  	p0 =	seq.s32 s10, $0x1;
	s10 =	sld [smem:$0x3F8C];
	_ =	sdelay $0x3  }
0x34: {  	[smem:$0x3F8C] =	sst s10  }
0x35: {  	s10 =	sld [smem:$0x3F8B];
	_ =	sdelay $0x3  }
0x36: {  	p1 =	seq.s32 s10, $0x1;
	s10 =	sld [smem:$0x3F8C];
	_ =	sdelay $0x3  }
0x37: {  	[smem:$0x3F8C] =	sst s10  }
0x38: {  	s10 =	sld [smem:$0x3F8D]  }
0x39: {  	_ = 	snop;
	(pc) =	sbr.ind lr, $3  }
0x3a: {  	_ = 	snop  }
0x3b: {  	_ = 	snop  }
0x3c: {  	p2 =	seq.s32 s10, $0x1;
	s10 =	sld [smem:$0x3F8C]  }
0x3d: {  	_ =	shalt  }
0x3e: {  	_ =	shalt  }
0x3f: {  	_ =	shalt  }
0x40: {  	_ =	shalt  }
0x41: {  	_ =	shalt  }
0x42: {  	_ =	shalt  }
0x43: {  	_ =	shalt  }
0x44: {  	_ =	shalt  }
0x45: {  	_ =	shalt  }
0x46: {  	_ =	shalt  }
0x47: {  	_ =	shalt  }
0x48: {  	_ =	shalt  }
0x49: {  	_ =	shalt  }
0x4a: {  	_ =	shalt  }
0x4b: {  	_ =	shalt  }
0x4c: {  	_ =	shalt  }
0x4d: {  	_ =	shalt  }
0x4e: {  	_ =	shalt  }
0x4f: {  	_ =	shalt  }
0x50: {  	_ =	shalt  }
0x51: {  	_ =	shalt  }
0x52: {  	_ =	shalt  }
0x53: {  	_ =	shalt  }
0x54: {  	_ =	shalt  }
0x55: {  	_ =	shalt  }
0x56: {  	_ =	shalt  }
0x57: {  	_ =	shalt  }
0x58: {  	_ =	shalt  }
0x59: {  	_ =	shalt  }
0x5a: {  	_ =	shalt  }
0x5b: {  	_ =	shalt  }
0x5c: {  	_ =	shalt  }
0x5d: {  	_ =	shalt  }
0x5e: {  	_ =	shalt  }
0x5f: {  	_ =	shalt  }
0x60: {  	_ =	shalt  }
0x61: {  	_ =	shalt  }
0x62: {  	_ =	shalt  }
0x63: {  	_ =	shalt  }
0x64: {  	_ =	shalt  }
0x65: {  	_ =	shalt  }
0x66: {  	_ =	shalt  }
0x67: {  	_ =	shalt  }
0x68: {  	_ =	shalt  }
0x69: {  	_ =	shalt  }
0x6a: {  	_ =	shalt  }
0x6b: {  	_ =	shalt  }
0x6c: {  	_ =	shalt  }
0x6d: {  	_ =	shalt  }
0x6e: {  	_ =	shalt  }
0x6f: {  	_ =	shalt  }
0x70: {  	_ =	shalt  }
0x71: {  	_ =	shalt  }
0x72: {  	_ =	shalt  }
0x73: {  	_ =	shalt  }
0x74: {  	_ =	shalt  }
0x75: {  	_ =	shalt  }
0x76: {  	_ =	shalt  }
0x77: {  	_ =	shalt  }
0x78: {  	_ =	shalt  }
0x79: {  	_ =	shalt  }
0x7a: {  	_ =	shalt  }
0x7b: {  	_ =	shalt  }
0x7c: {  	_ =	shalt  }
0x7d: {  	_ =	shalt  }
0x7e: {  	_ =	shalt  }
0x7f: {  	_ =	shalt  }
0x80: {  	_ =	shalt  }
0x81: {  	_ =	shalt  }
0x82: {  	_ =	shalt  }
0x83: {  	_ =	shalt  }
0x84: {  	_ =	shalt  }
0x85: {  	_ =	shalt  }
0x86: {  	_ =	shalt  }
0x87: {  	_ =	shalt  }
.Lfunc_end0:
.L_simem_size_0:
called_computation.1_lowered:
.L_overlay_start_0:
0x88: {  	s2 =	sld [smem:$0x3FD9]  }
0x89: {  	s3 =	sld [smem:$0x3FFE];
	_ =	sdelay $0x1  }
0x8a: {  	s1 =	srdreg.scid  }
0x8b: {  	s0 =	sand.u32 $0x1, s1  }
0x8c: {  	s16 =	sshll.u32 s0, $0xA;
	s2 =	sadd.s32 s3, s2  }
0x8d: {  	s2 =	sadd.s32 s2, s16  }
0x8e: {  	[smem:$0x3F98] =	sst s2  }
0x8f: {  	_ = 	snop  }
0x90: {  	(tm) =	ssettm $0x1  }
0x91: {  	s17 =	sld [smem:$0x3FFB];
	_ =	sdelay $0x3  }
0x92: {  	_ =	strace s17  }
0x93: {  	s2 =	sld [smem:$0x3FFC];
	_ =	sdelay $0x3  }
0x94: {  	_ =	strace s2  }
0x95: {  	s2 =	sld [smem:$0x3FFD];
	_ =	sdelay $0x3  }
0x96: {  	_ =	strace s2  }
0x97: {  	_ =	strace $0x8FFFFFFF  }
0x98: {  	s18 =	sld [smem:$0x3FDB];
	_ =	sdelay $0x1  }
0x99: {  	s19 =	simm.s32 $_scs_section_size  }
0x9a: {  	s4 =	simm.s32 $_size__tile_overlayer_lowered;
	s5 =	simm.s32 $_tile_overlayer_lowered  }
0x9b: {  	s22 =	simm.s32 $0x1BFF;
	s21 =	sshll.u32 s5, $0x1;
	s2 =	sadd.s32 s19, s18  }
0x9c: {  	s6 =	simm.s32 $0x0;
	s20 =	sshll.u32 s4, $0x1;
	s4 =	sadd.s32 s21, s2  }
0x9d: {  	[timem:s6], [sflag:s22] =	dma.local [hbm:s4], s20  }
0x9e: {  	_ =	swait.ge [sflag:s22], s20  }
0x9f: {  	s3 =	ssub.s32 $0x0, s20;
	[sflag:s22] =	ssyncset.done $0x0  }
0xa0: {  	[sflag:s22] =	ssyncadd.s32 s3;
	_ =	sdelay $0x1  }
0xa1: {  	s23 =	simm.s32 $0x1B8B  }
0xa2: {  	_ =	swait.ge [sflag:s23], $0x1  }
0xa3: {  	[sflag:s23] =	ssyncset.done $0x0  }
0xa4: {  	s25 =	simm.s32 $0x1B8E;
	s24 =	sld [smem:$0x3FFE];
	[sflag:s23] =	ssyncadd.s32 $0xFFFFFFFF  }
0xa5: {  	s26 =	simm.s32 $execute0_lowered;
	[smem:$0x3FD2] =	sst s25  }
0xa6: {  	s4 =	sshll.u32 s26, $0x1;
	_ =	strace $0x80000049;
	[dreg:$0x1] =	wrdreg $0xFFFFFFFF  }
0xa7: {  	s28 =	simm.s32 $_size_execute0_lowered;
	s2 =	sadd.s32 s2, s4;
	[dreg:$0x0] =	wrdreg $0x0  }
0xa8: {  	s4 =	sshll.u32 s28, $0x1;
	[dreg:$0x2] =	wrdreg s2  }
0xa9: {  	[dreg:$0x3] =	wrdreg s4  }
0xaa: {  	[dreg:$0x4] =	wrdreg $0xC0  }
0xab: {  	_ =	task [dreg:s6], $0x5FFFF  }
0xac: {  	[dreg:$0x1] =	wrdreg $0xFFFFFFFF  }
0xad: {  	[dreg:$0x0] =	wrdreg $0x60  }
0xae: {  	[dreg:$0x2] =	wrdreg s24  }
0xaf: {  	[dreg:$0x3] =	wrdreg $0x41000  }
0xb0: {  	[dreg:$0x4] =	wrdreg $0x9  }
0xb1: {  	_ =	task.clear_ibuf [dreg:s6], $0x5FFFF;
	_ =	strace $0x90000049  }
0xb2: {  	s29 =	simm.s32 $0x9;
	_ =	strace $0x8000004B  }
0xb3: {  	_ =	swait.ge [sflag:s29], $0x1  }
0xb4: {  	[sflag:s29] =	ssyncadd.s32 $0xFFFFFFFF  }
0xb5: {  	_ =	strace $0x9000004B  }
0xb6: {  	_ =	sfence  }
0xb7: {  	s30 =	sld [smem:$0x0];
	_ =	sdelay $0x2  }
0xb8: {  	s31 =	sshll.u32 s1, $0xD;
	s1 =	sshrl.u32 s1, $0x2  }
0xb9: {  	s3 =	sand.u32 $0x4000, s31;
	s1 =	sadd.s32 s1, s30  }
0xba: {  	s0 =	sor.u32 s3, s0;
	s1 =	sshll.u32 s1, $0x11  }
0xbb: {  	s0 =	sor.u32 s1, s0  }
0xbc: {  	s0 =	sadd.s32 $0x8F2B, s0  }
0xbd: {  	[sflag:s0] =	ssyncadd.remote.s32 $0x1  }
0xbe: {  	_ =	sfence.sel $0xFFFF  }
0xbf: {  	[dreg:$0x0] =	wrdreg $0xFFFFFFFF;
	(pc) =	sbr.abs _section_cstart, $3  }
0xc0: {  	[dreg:$0x1] =	wrdreg $0xFFFFFFFF  }
0xc1: {  	_ =	task.clear_ibuf [dreg:s6], $0x2FFFF;
	_ =	strace $0x9FFFFFFF  }
0xc2: {  	(tm) =	ssettm $0x7FFFFFFF  }
0xc3: {  	_ =	shalt  }
tec
execute0_lowered:
.L_overlay_start_1:
0x0: {  	(tag) =	ssettag $0x1  }
0x1: {  	s0 =	rddreg [dreg:$0x0]  }
0x2: {  	s1 =	rddreg [dreg:$0x1];
	s2 =	simm.s32 $0x0  }
0x3: {  	s3 =	stileid.u32;
	s9 =	srdreg.scid;
	s30 =	simm.s32 $0x2  }
0x4: {  	s31 =	simm.s32 $0x80;
	[smem:$0x7FF] =	sst s2;
	s4 =	sadd.s32 $0x17800, s0  }
0x5: {  	s5 =	sadd.s32 $0x3EA00, s0;
	s6 =	sadd.s32 $0x65C00, s0;
	s8 =	smul.u32 $0x4F0, s3  }
0x6: {  	s7 =	sadd.s32 $0x8CE00, s0;
	s11 =	smul.u32 $0x2700, s3;
	s12 =	sand.u32 $0x1, s9  }
0x7: {  	s14 =	smul.u32 $0x4E000, s3;
	s9 =	sadd.s32 $0x129600, s0;
	s19 =	sadd.s32 $0x8CC00, s0  }
0x8: {  	s21 =	sadd.s32 $0xB3E00, s0;
	s24 =	sadd.s32 $0x3E800, s0;
	s25 =	sadd.s32 $0xDB000, s0  }
0x9: {  	p1 =	sne.s32 s3, $0xF;
	_ =	strace $0x8000004A;
	[dreg:$0x4] =	wrdreg s19  }
0xa: {  	p2 =	seq.s32 s3, $0xF;
	s29 =	sadd.s32 $0x138000, s1;
	[dreg:$0x7] =	wrdreg s21  }
0xb: {  	s10 =	ssub.s32 $0x2, s12;
	[dreg:$0xa] =	wrdreg s24;
	p0 =	sne.s32 s12, $0x0  }
0xc: {  	[dreg:$0xc] =	wrdreg s25;
	s12 =	simm.s32 $0x0;
	s13 =	sadd.s32 s8, s0  }
0xd: {  	s15 =	sadd.s32 s11, s0;
	s8 =	sadd.s32 $0xDB200, s0;
	s18 =	sadd.s32 s6, s11  }
0xe: {  	s16 =	sshrl.u32 s10, $0x1;
	s22 =	sadd.s32 s9, s11;
	[dreg:$0x3] =	wrdreg s18  }
0xf: {  	s17 =	sshrl.u32 s14, $0x2;
	s23 =	sadd.s32 s4, s11;
	[dreg:$0x8] =	wrdreg s22  }
0x10: {  	s16 =	ssub.s32 s10, s16;
	s20 =	sadd.s32 $0x102400, s15;
	[dreg:$0x9] =	wrdreg s23  }
0x11: {  	s10 =	sadd.s32 s17, s1;
	s17 =	sadd.s32 $0x129400, s0;
	[dreg:$0x5] =	wrdreg s20  }
.Ltmp0:
0x12: {  	s15 =	sadd.s32 $0xB4000, s15;
	[dreg:$0x6] =	wrdreg s17;
	(pc) =	sbr.rel .LBB2_1-.Ltmp0, $4  }
0x13: {  	s14 =	sadd.s32 s7, s11;
	s0 =	sadd.s32 $0x65A00, s0;
	[dreg:$0xb] =	wrdreg s15  }
0x14: {  	s23 =	sadd.s32 s5, s11;
	s26 =	sadd.s32 s8, s11;
	[dreg:$0xd] =	wrdreg s0  }
0x15: {  	s28 =	sadd.s32 $0xD800, s13;
	s11 =	simm.s32 $0x1;
	[dreg:$0xe] =	wrdreg s26  }
0x16: {  	s25 =	smax.u32 s16, $0x1;
	s26 =	sadd.s32 $0x12800, s13;
	s0 =	simm.s32 $0x100  }
.LBB2_12:
0x17: {  	s15 =	sadd.s32 $0x27000, s15;
	s16 =	sshrl.u32 s29, $0x3  }
0x18: {  	[hbm:s15], [sflag:s13] =	dma.local [spmem:s16], $0x100  }
0x19: {  	_ =	swait.ge [sflag:s30], $0x100  }
0x1a: {  	[sflag:s30] =	ssyncset.done $0x0  }
0x1b: {  	[sflag:s30] =	ssyncadd.s32 $0xFFFFFF00  }
.LBB2_13:
0x1c: {  	s12 =	sadd.s32 $0x1, s12  }
0x1d: {  	p3 =	sne.s32 s12, s25  }
.Ltmp1:
0x1e: {  	_ = 	snop;
	(pc) =	sbr.rel @!p3 .LBB2_14-.Ltmp1, $2  }
0x1f: {  	_ =	sdelay $0x1  }
0x20: {  	[bflag:$0x0] =	sbarrier.arrive $0xFFFF;
	_ =	sdelay $0x1  }
.LBB2_1:
.Ltmp2:
0x21: {  	(pc) =	sbr.rel @p0 .LBB2_7-.Ltmp2, $3  }
0x22: {  	_ =	sdelay $0x1  }
0x23: {  	s19 =	sshll.u32 s3, $0x6;
	s15 =	sshrl.u32 s10, $0x3;
	s16 =	sshrl.u32 @!p1 s29, $0x3  }
0x24: {  	s18 =	sshrl.u32 @p1 s10, $0x3;
	s17 =	sshrl.u32 @!p1 s10, $0x3;
	s13 =	sor.u32 $0x1C02, s19  }
0x25: {  	s13 =	sor.u32 $0x1C02, s19;
	s21 =	rddreg [dreg:$0x9]  }
0x26: {  	[spmem:s15], [sflag:s13] =	dma.local [hbm:s21], $0x2700  }
0x27: {  	_ =	swait.ge [sflag:s30], $0x2700  }
0x28: {  	[sflag:s30] =	ssyncset.done $0x0  }
0x29: {  	s19 =	rddreg [dreg:$0xa];
	[sflag:s30] =	ssyncadd.s32 $0xFFFFD900  }
0x2a: {  	[spmem:s16], [sflag:s13] =	dma.local @!p1 [hbm:s19], $0x100  }
0x2b: {  	s19 =	simm.s32 @!p1 $0x2  }
0x2c: {  	_ =	swait.ge @!p1 [sflag:s19], $0x100  }
0x2d: {  	[sflag:s19] =	ssyncset.done @!p1 $0x0  }
0x2e: {  	[sflag:s19] =	ssyncadd.s32 @!p1 $0xFFFFFF00  }
0x2f: {  	s22 =	sadd.s32 $0x0, s28;
	[bflag:$0x0] =	sbarrier.arrive $0xFFFF  }
0x30: {  	[tilespmem:s2], [sflag:$0x2] =	stream.linear.gather [hbm4b:s22+s2], $0x80, $0x38;
	[tilespmem:$0x17A00] =	vst v63  }
0x31: {  	_ =	swait.ge [sflag:s30], $0x80  }
0x32: {  	[sflag:s30] =	ssyncset.done $0x0  }
0x33: {  	s24 =	sadd.s32 $0x0, s26;
	[sflag:s30] =	ssyncadd.s32 $0xFFFFFF80  }
0x34: {  	[tilespmem:s31], [sflag:$0x2] =	stream.linear.gather [hbm4b:s24+s2], $0x80, $0x38;
	[tilespmem:$0x17A00] =	vst v63  }
0x35: {  	_ =	swait.ge [sflag:s30], $0x80  }
0x36: {  	[sflag:s30] =	ssyncset.done $0x0  }
0x37: {  	[sflag:s30] =	ssyncadd.s32 $0xFFFFFF80  }
0x38: {  	[tilespmem:s0], [sflag:$0x1] =	stream.indirect.gather [hbm4b:s4+s31], $0x80, s2, s31, $0xb8;
	[tilespmem:$0x17A00] =	vst v63  }
0x39: {  	_ =	swait.ge [sflag:s11], $0x4000  }
0x3a: {  	[sflag:s11] =	ssyncset.done $0x0  }
0x3b: {  	[sflag:s11] =	ssyncadd.s32 $0xFFFFC000  }
0x3c: {  	[spmem:s1] =	stream.indirect.scatter.add.f32 [tilespmem:s0], [sflag:$0x2], $0x80, s31, s31, $0xb8;
	[tilespmem:$0x17A00] =	vst v63  }
0x3d: {  	_ =	swait.ge [sflag:s30], $0x4000  }
0x3e: {  	s20 =	simm.s32 $0x20;
	s19 =	simm.s32 $0x10;
	[sflag:s30] =	ssyncset.done $0x0  }
.LBB2_3:
0x3f: {  	s21 =	sadd.s32 s19, s28  }
0x40: {  	[sflag:s30] =	ssyncadd.s32 $0xFFFFC000;
	s22 =	smov.u32 s20;
	s24 =	sadd.s32 $0x10, s20  }
0x41: {  	[tilespmem:s2], [sflag:$0x2] =	stream.linear.gather [hbm4b:s21+s2], $0x80, $0x38;
	[tilespmem:$0x17A00] =	vst v63  }
0x42: {  	p3 =	sne.s32 s20, $0x4E0;
	_ =	swait.ge [sflag:s30], $0x80  }
0x43: {  	[sflag:s30] =	ssyncset.done $0x0  }
0x44: {  	s20 =	sadd.s32 s19, s26;
	s19 =	smov.u32 s22;
	[sflag:s30] =	ssyncadd.s32 $0xFFFFFF80  }
0x45: {  	[tilespmem:s31], [sflag:$0x2] =	stream.linear.gather [hbm4b:s20+s2], $0x80, $0x38;
	[tilespmem:$0x17A00] =	vst v63  }
0x46: {  	_ =	swait.ge [sflag:s30], $0x80  }
0x47: {  	[sflag:s30] =	ssyncset.done $0x0  }
0x48: {  	[sflag:s30] =	ssyncadd.s32 $0xFFFFFF80  }
0x49: {  	[tilespmem:s0], [sflag:$0x1] =	stream.indirect.gather [hbm4b:s4+s31], $0x80, s2, s31, $0xb8;
	[tilespmem:$0x17A00] =	vst v63  }
0x4a: {  	_ =	swait.ge [sflag:s11], $0x4000  }
.Ltmp3:
0x4b: {  	[sflag:s11] =	ssyncset.done $0x0;
	(pc) =	sbr.rel @p3 .LBB2_3-.Ltmp3, $4  }
0x4c: {  	[sflag:s11] =	ssyncadd.s32 $0xFFFFC000  }
0x4d: {  	[spmem:s1] =	stream.indirect.scatter.add.f32 [tilespmem:s0], [sflag:$0x2], $0x80, s31, s31, $0xb8;
	[tilespmem:$0x17A00] =	vst v63  }
0x4e: {  	_ =	swait.ge [sflag:s30], $0x4000  }
0x4f: {  	s20 =	smov.u32 s24;
	[sflag:s30] =	ssyncset.done $0x0  }
0x50: {  	s20 =	sadd.s32 s19, s28;
	[sflag:s30] =	ssyncadd.s32 $0xFFFFC000  }
0x51: {  	[tilespmem:s2], [sflag:$0x2] =	stream.linear.gather [hbm4b:s20+s2], $0x80, $0x38;
	[tilespmem:$0x17A00] =	vst v63  }
0x52: {  	_ =	swait.ge [sflag:s30], $0x80  }
0x53: {  	[sflag:s30] =	ssyncset.done $0x0  }
0x54: {  	s20 =	sadd.s32 s19, s26;
	[sflag:s30] =	ssyncadd.s32 $0xFFFFFF80  }
0x55: {  	[tilespmem:s31], [sflag:$0x2] =	stream.linear.gather [hbm4b:s20+s2], $0x80, $0x38;
	[tilespmem:$0x17A00] =	vst v63  }
0x56: {  	_ =	swait.ge [sflag:s30], $0x80  }
0x57: {  	[sflag:s30] =	ssyncset.done $0x0  }
0x58: {  	[sflag:s30] =	ssyncadd.s32 $0xFFFFFF80  }
0x59: {  	[tilespmem:s0], [sflag:$0x1] =	stream.indirect.gather [hbm4b:s4+s31], $0x80, s2, s31, $0xb8;
	[tilespmem:$0x17A00] =	vst v63  }
0x5a: {  	_ =	swait.ge [sflag:s11], $0x4000  }
0x5b: {  	[sflag:s11] =	ssyncset.done $0x0  }
0x5c: {  	[sflag:s11] =	ssyncadd.s32 $0xFFFFC000  }
0x5d: {  	[spmem:s1] =	stream.indirect.scatter.add.f32 [tilespmem:s0], [sflag:$0x2], $0x80, s31, s31, $0xb8;
	[tilespmem:$0x17A00] =	vst v63  }
0x5e: {  	_ =	swait.ge [sflag:s30], $0x4000  }
0x5f: {  	[sflag:s30] =	ssyncset.done $0x0  }
0x60: {  	[sflag:s30] =	ssyncadd.s32 $0xFFFFC000  }
0x61: {  	[bflag:$0x0] =	sbarrier.arrive $0xFFFF  }
0x62: {  	s21 =	rddreg [dreg:$0xb]  }
0x63: {  	[hbm:s21], [sflag:s13] =	dma.local [spmem:s15], $0x2700  }
0x64: {  	_ =	swait.ge [sflag:s30], $0x2700  }
0x65: {  	[sflag:s30] =	ssyncset.done $0x0  }
0x66: {  	[sflag:s30] =	ssyncadd.s32 $0xFFFFD900  }
0x67: {  	[bflag:$0x0] =	sbarrier.arrive @p1 $0xFFFF  }
0x68: {  	[spmem:s18], [sflag:s13] =	dma.local @p1 [hbm:s23], $0x2700  }
0x69: {  	s18 =	simm.s32 @p1 $0x2  }
0x6a: {  	_ =	swait.ge @p1 [sflag:s18], $0x2700  }
0x6b: {  	[sflag:s18] =	ssyncset.done @p1 $0x0  }
0x6c: {  	[sflag:s18] =	ssyncadd.s32 @p1 $0xFFFFD900;
	s18 =	rddreg [dreg:$0xc]  }
0x6d: {  	[hbm:s18], [sflag:s13] =	dma.local @!p1 [spmem:s16], $0x100  }
0x6e: {  	s18 =	simm.s32 @!p1 $0x2  }
0x6f: {  	_ =	swait.ge @!p1 [sflag:s18], $0x100  }
0x70: {  	[sflag:s18] =	ssyncset.done @!p1 $0x0  }
0x71: {  	[sflag:s18] =	ssyncadd.s32 @!p1 $0xFFFFFF00  }
0x72: {  	[bflag:$0x0] =	sbarrier.arrive @!p1 $0xFFFF  }
0x73: {  	[spmem:s17], [sflag:s13] =	dma.local @!p1 [hbm:s23], $0x2700  }
0x74: {  	_ =	swait.ge @!p1 [sflag:s18], $0x2700  }
0x75: {  	[sflag:s18] =	ssyncset.done @!p1 $0x0  }
0x76: {  	s17 =	rddreg [dreg:$0xd];
	[sflag:s18] =	ssyncadd.s32 @!p1 $0xFFFFD900  }
0x77: {  	[spmem:s16], [sflag:s13] =	dma.local @!p1 [hbm:s17], $0x100  }
0x78: {  	_ =	swait.ge @!p1 [sflag:s18], $0x100  }
0x79: {  	[sflag:s18] =	ssyncset.done @!p1 $0x0  }
0x7a: {  	[sflag:s18] =	ssyncadd.s32 @!p1 $0xFFFFFF00  }
0x7b: {  	s22 =	sadd.s32 $0x0, s28;
	[bflag:$0x0] =	sbarrier.arrive $0xFFFF  }
0x7c: {  	[tilespmem:s2], [sflag:$0x2] =	stream.linear.gather [hbm4b:s22+s2], $0x80, $0x38;
	[tilespmem:$0x17A00] =	vst v63  }
0x7d: {  	_ =	swait.ge [sflag:s30], $0x80  }
0x7e: {  	[sflag:s30] =	ssyncset.done $0x0  }
0x7f: {  	s24 =	sadd.s32 $0x0, s26;
	[sflag:s30] =	ssyncadd.s32 $0xFFFFFF80  }
0x80: {  	[tilespmem:s31], [sflag:$0x2] =	stream.linear.gather [hbm4b:s24+s2], $0x80, $0x38;
	[tilespmem:$0x17A00] =	vst v63  }
0x81: {  	_ =	swait.ge [sflag:s30], $0x80  }
0x82: {  	[sflag:s30] =	ssyncset.done $0x0  }
0x83: {  	[sflag:s30] =	ssyncadd.s32 $0xFFFFFF80  }
0x84: {  	[tilespmem:s0], [sflag:$0x1] =	stream.indirect.gather [hbm4b:s5+s31], $0x80, s2, s31, $0xb8;
	[tilespmem:$0x17A00] =	vst v63  }
0x85: {  	_ =	swait.ge [sflag:s11], $0x4000  }
0x86: {  	[sflag:s11] =	ssyncset.done $0x0  }
0x87: {  	[sflag:s11] =	ssyncadd.s32 $0xFFFFC000  }
0x88: {  	[spmem:s1] =	stream.indirect.scatter.add.f32 [tilespmem:s0], [sflag:$0x2], $0x80, s31, s31, $0xb8;
	[tilespmem:$0x17A00] =	vst v63  }
0x89: {  	_ =	swait.ge [sflag:s30], $0x4000  }
0x8a: {  	s16 =	simm.s32 $0x10;
	s17 =	simm.s32 $0x20;
	[sflag:s30] =	ssyncset.done $0x0  }
.LBB2_5:
0x8b: {  	s18 =	sadd.s32 s16, s28  }
0x8c: {  	[sflag:s30] =	ssyncadd.s32 $0xFFFFC000;
	s19 =	smov.u32 s17;
	s20 =	sadd.s32 $0x10, s17  }
0x8d: {  	[tilespmem:s2], [sflag:$0x2] =	stream.linear.gather [hbm4b:s18+s2], $0x80, $0x38;
	[tilespmem:$0x17A00] =	vst v63  }
0x8e: {  	p3 =	sne.s32 s17, $0x4E0;
	_ =	swait.ge [sflag:s30], $0x80  }
0x8f: {  	[sflag:s30] =	ssyncset.done $0x0  }
0x90: {  	s17 =	sadd.s32 s16, s26;
	s16 =	smov.u32 s19;
	[sflag:s30] =	ssyncadd.s32 $0xFFFFFF80  }
0x91: {  	[tilespmem:s31], [sflag:$0x2] =	stream.linear.gather [hbm4b:s17+s2], $0x80, $0x38;
	[tilespmem:$0x17A00] =	vst v63  }
0x92: {  	_ =	swait.ge [sflag:s30], $0x80  }
0x93: {  	[sflag:s30] =	ssyncset.done $0x0  }
0x94: {  	[sflag:s30] =	ssyncadd.s32 $0xFFFFFF80  }
0x95: {  	[tilespmem:s0], [sflag:$0x1] =	stream.indirect.gather [hbm4b:s5+s31], $0x80, s2, s31, $0xb8;
	[tilespmem:$0x17A00] =	vst v63  }
0x96: {  	_ =	swait.ge [sflag:s11], $0x4000  }
.Ltmp4:
0x97: {  	[sflag:s11] =	ssyncset.done $0x0;
	(pc) =	sbr.rel @p3 .LBB2_5-.Ltmp4, $4  }
0x98: {  	[sflag:s11] =	ssyncadd.s32 $0xFFFFC000  }
0x99: {  	[spmem:s1] =	stream.indirect.scatter.add.f32 [tilespmem:s0], [sflag:$0x2], $0x80, s31, s31, $0xb8;
	[tilespmem:$0x17A00] =	vst v63  }
0x9a: {  	_ =	swait.ge [sflag:s30], $0x4000  }
0x9b: {  	s17 =	smov.u32 s20;
	[sflag:s30] =	ssyncset.done $0x0  }
0x9c: {  	s17 =	sadd.s32 s16, s28;
	[sflag:s30] =	ssyncadd.s32 $0xFFFFC000  }
0x9d: {  	[tilespmem:s2], [sflag:$0x2] =	stream.linear.gather [hbm4b:s17+s2], $0x80, $0x38;
	[tilespmem:$0x17A00] =	vst v63  }
0x9e: {  	_ =	swait.ge [sflag:s30], $0x80  }
0x9f: {  	[sflag:s30] =	ssyncset.done $0x0  }
0xa0: {  	s22 =	sadd.s32 s16, s26;
	[sflag:s30] =	ssyncadd.s32 $0xFFFFFF80  }
0xa1: {  	[tilespmem:s31], [sflag:$0x2] =	stream.linear.gather [hbm4b:s22+s2], $0x80, $0x38;
	[tilespmem:$0x17A00] =	vst v63  }
0xa2: {  	_ =	swait.ge [sflag:s30], $0x80  }
0xa3: {  	[sflag:s30] =	ssyncset.done $0x0  }
0xa4: {  	[sflag:s30] =	ssyncadd.s32 $0xFFFFFF80  }
0xa5: {  	[tilespmem:s0], [sflag:$0x1] =	stream.indirect.gather [hbm4b:s5+s31], $0x80, s2, s31, $0xb8;
	[tilespmem:$0x17A00] =	vst v63  }
0xa6: {  	_ =	swait.ge [sflag:s11], $0x4000  }
0xa7: {  	[sflag:s11] =	ssyncset.done $0x0  }
0xa8: {  	[sflag:s11] =	ssyncadd.s32 $0xFFFFC000  }
0xa9: {  	[spmem:s1] =	stream.indirect.scatter.add.f32 [tilespmem:s0], [sflag:$0x2], $0x80, s31, s31, $0xb8;
	[tilespmem:$0x17A00] =	vst v63  }
0xaa: {  	_ =	swait.ge [sflag:s30], $0x4000  }
0xab: {  	[sflag:s30] =	ssyncset.done $0x0  }
0xac: {  	[sflag:s30] =	ssyncadd.s32 $0xFFFFC000  }
0xad: {  	[bflag:$0x0] =	sbarrier.arrive $0xFFFF  }
0xae: {  	s24 =	rddreg [dreg:$0xe]  }
0xaf: {  	[hbm:s24], [sflag:s13] =	dma.local [spmem:s15], $0x2700  }
.Ltmp5:
0xb0: {  	_ = 	snop;
	(pc) =	sbr.rel @p2 .LBB2_12-.Ltmp5, $4  }
.Ltmp6:
0xb1: {  	_ = 	snop;
	(pc) =	sbr.rel @!p2 .LBB2_13-.Ltmp6, $4  }
0xb2: {  	_ =	swait.ge [sflag:s30], $0x2700  }
0xb3: {  	[sflag:s30] =	ssyncset.done $0x0  }
0xb4: {  	s15 =	smov.u32 s8;
	[sflag:s30] =	ssyncadd.s32 $0xFFFFD900  }
0xb5: {  	_ = 	snop  }
.LBB2_7:
0xb6: {  	s19 =	rddreg [dreg:$0x3]  }
0xb7: {  	[spmem:s15], [sflag:s13] =	dma.local [hbm:s19], $0x2700  }
0xb8: {  	_ =	swait.ge [sflag:s30], $0x2700  }
0xb9: {  	[sflag:s30] =	ssyncset.done $0x0  }
0xba: {  	s19 =	rddreg [dreg:$0x4];
	[sflag:s30] =	ssyncadd.s32 $0xFFFFD900  }
0xbb: {  	[spmem:s16], [sflag:s13] =	dma.local @!p1 [hbm:s19], $0x100  }
0xbc: {  	s19 =	simm.s32 @!p1 $0x2  }
0xbd: {  	_ =	swait.ge @!p1 [sflag:s19], $0x100  }
0xbe: {  	[sflag:s19] =	ssyncset.done @!p1 $0x0  }
0xbf: {  	[sflag:s19] =	ssyncadd.s32 @!p1 $0xFFFFFF00  }
0xc0: {  	s22 =	sadd.s32 $0x0, s28;
	[bflag:$0x0] =	sbarrier.arrive $0xFFFF  }
0xc1: {  	[tilespmem:s2], [sflag:$0x2] =	stream.linear.gather [hbm4b:s22+s2], $0x80, $0x38;
	[tilespmem:$0x17A00] =	vst v63  }
0xc2: {  	_ =	swait.ge [sflag:s30], $0x80  }
0xc3: {  	[sflag:s30] =	ssyncset.done $0x0  }
0xc4: {  	s24 =	sadd.s32 $0x0, s26;
	[sflag:s30] =	ssyncadd.s32 $0xFFFFFF80  }
0xc5: {  	[tilespmem:s31], [sflag:$0x2] =	stream.linear.gather [hbm4b:s24+s2], $0x80, $0x38;
	[tilespmem:$0x17A00] =	vst v63  }
0xc6: {  	_ =	swait.ge [sflag:s30], $0x80  }
0xc7: {  	[sflag:s30] =	ssyncset.done $0x0  }
0xc8: {  	[sflag:s30] =	ssyncadd.s32 $0xFFFFFF80  }
0xc9: {  	[tilespmem:s0], [sflag:$0x1] =	stream.indirect.gather [hbm4b:s6+s31], $0x80, s2, s31, $0xb8;
	[tilespmem:$0x17A00] =	vst v63  }
0xca: {  	_ =	swait.ge [sflag:s11], $0x4000  }
0xcb: {  	[sflag:s11] =	ssyncset.done $0x0  }
0xcc: {  	[sflag:s11] =	ssyncadd.s32 $0xFFFFC000  }
0xcd: {  	[spmem:s1] =	stream.indirect.scatter.add.f32 [tilespmem:s0], [sflag:$0x2], $0x80, s31, s31, $0xb8;
	[tilespmem:$0x17A00] =	vst v63  }
0xce: {  	_ =	swait.ge [sflag:s30], $0x4000  }
0xcf: {  	s20 =	simm.s32 $0x20;
	s19 =	simm.s32 $0x10;
	[sflag:s30] =	ssyncset.done $0x0  }
.LBB2_8:
0xd0: {  	s21 =	sadd.s32 s19, s28  }
0xd1: {  	[sflag:s30] =	ssyncadd.s32 $0xFFFFC000;
	s22 =	smov.u32 s20;
	s24 =	sadd.s32 $0x10, s20  }
0xd2: {  	[tilespmem:s2], [sflag:$0x2] =	stream.linear.gather [hbm4b:s21+s2], $0x80, $0x38;
	[tilespmem:$0x17A00] =	vst v63  }
0xd3: {  	p3 =	sne.s32 s20, $0x4E0;
	_ =	swait.ge [sflag:s30], $0x80  }
0xd4: {  	[sflag:s30] =	ssyncset.done $0x0  }
0xd5: {  	s20 =	sadd.s32 s19, s26;
	s19 =	smov.u32 s22;
	[sflag:s30] =	ssyncadd.s32 $0xFFFFFF80  }
0xd6: {  	[tilespmem:s31], [sflag:$0x2] =	stream.linear.gather [hbm4b:s20+s2], $0x80, $0x38;
	[tilespmem:$0x17A00] =	vst v63  }
0xd7: {  	_ =	swait.ge [sflag:s30], $0x80  }
0xd8: {  	[sflag:s30] =	ssyncset.done $0x0  }
0xd9: {  	[sflag:s30] =	ssyncadd.s32 $0xFFFFFF80  }
0xda: {  	[tilespmem:s0], [sflag:$0x1] =	stream.indirect.gather [hbm4b:s6+s31], $0x80, s2, s31, $0xb8;
	[tilespmem:$0x17A00] =	vst v63  }
0xdb: {  	_ =	swait.ge [sflag:s11], $0x4000  }
.Ltmp7:
0xdc: {  	[sflag:s11] =	ssyncset.done $0x0;
	(pc) =	sbr.rel @p3 .LBB2_8-.Ltmp7, $4  }
0xdd: {  	[sflag:s11] =	ssyncadd.s32 $0xFFFFC000  }
0xde: {  	[spmem:s1] =	stream.indirect.scatter.add.f32 [tilespmem:s0], [sflag:$0x2], $0x80, s31, s31, $0xb8;
	[tilespmem:$0x17A00] =	vst v63  }
0xdf: {  	_ =	swait.ge [sflag:s30], $0x4000  }
0xe0: {  	s20 =	smov.u32 s24;
	[sflag:s30] =	ssyncset.done $0x0  }
0xe1: {  	s20 =	sadd.s32 s19, s28;
	[sflag:s30] =	ssyncadd.s32 $0xFFFFC000  }
0xe2: {  	[tilespmem:s2], [sflag:$0x2] =	stream.linear.gather [hbm4b:s20+s2], $0x80, $0x38;
	[tilespmem:$0x17A00] =	vst v63  }
0xe3: {  	_ =	swait.ge [sflag:s30], $0x80  }
0xe4: {  	[sflag:s30] =	ssyncset.done $0x0  }
0xe5: {  	s20 =	sadd.s32 s19, s26;
	[sflag:s30] =	ssyncadd.s32 $0xFFFFFF80  }
0xe6: {  	[tilespmem:s31], [sflag:$0x2] =	stream.linear.gather [hbm4b:s20+s2], $0x80, $0x38;
	[tilespmem:$0x17A00] =	vst v63  }
0xe7: {  	_ =	swait.ge [sflag:s30], $0x80  }
0xe8: {  	[sflag:s30] =	ssyncset.done $0x0  }
0xe9: {  	[sflag:s30] =	ssyncadd.s32 $0xFFFFFF80  }
0xea: {  	[tilespmem:s0], [sflag:$0x1] =	stream.indirect.gather [hbm4b:s6+s31], $0x80, s2, s31, $0xb8;
	[tilespmem:$0x17A00] =	vst v63  }
0xeb: {  	_ =	swait.ge [sflag:s11], $0x4000  }
0xec: {  	[sflag:s11] =	ssyncset.done $0x0  }
0xed: {  	[sflag:s11] =	ssyncadd.s32 $0xFFFFC000  }
0xee: {  	[spmem:s1] =	stream.indirect.scatter.add.f32 [tilespmem:s0], [sflag:$0x2], $0x80, s31, s31, $0xb8;
	[tilespmem:$0x17A00] =	vst v63  }
0xef: {  	_ =	swait.ge [sflag:s30], $0x4000  }
0xf0: {  	[sflag:s30] =	ssyncset.done $0x0  }
0xf1: {  	[sflag:s30] =	ssyncadd.s32 $0xFFFFC000  }
0xf2: {  	[bflag:$0x0] =	sbarrier.arrive $0xFFFF  }
0xf3: {  	s21 =	rddreg [dreg:$0x5]  }
0xf4: {  	[hbm:s21], [sflag:s13] =	dma.local [spmem:s15], $0x2700  }
0xf5: {  	_ =	swait.ge [sflag:s30], $0x2700  }
0xf6: {  	[sflag:s30] =	ssyncset.done $0x0  }
0xf7: {  	[sflag:s30] =	ssyncadd.s32 $0xFFFFD900  }
0xf8: {  	[bflag:$0x0] =	sbarrier.arrive @p1 $0xFFFF  }
0xf9: {  	[spmem:s18], [sflag:s13] =	dma.local @p1 [hbm:s14], $0x2700  }
0xfa: {  	s18 =	simm.s32 @p1 $0x2  }
0xfb: {  	_ =	swait.ge @p1 [sflag:s18], $0x2700  }
0xfc: {  	[sflag:s18] =	ssyncset.done @p1 $0x0  }
0xfd: {  	[sflag:s18] =	ssyncadd.s32 @p1 $0xFFFFD900;
	s18 =	rddreg [dreg:$0x6]  }
0xfe: {  	[hbm:s18], [sflag:s13] =	dma.local @!p1 [spmem:s16], $0x100  }
0xff: {  	s18 =	simm.s32 @!p1 $0x2  }
0x100: {  	_ =	swait.ge @!p1 [sflag:s18], $0x100  }
0x101: {  	[sflag:s18] =	ssyncset.done @!p1 $0x0  }
0x102: {  	[sflag:s18] =	ssyncadd.s32 @!p1 $0xFFFFFF00  }
0x103: {  	[bflag:$0x0] =	sbarrier.arrive @!p1 $0xFFFF  }
0x104: {  	[spmem:s17], [sflag:s13] =	dma.local @!p1 [hbm:s14], $0x2700  }
0x105: {  	_ =	swait.ge @!p1 [sflag:s18], $0x2700  }
0x106: {  	[sflag:s18] =	ssyncset.done @!p1 $0x0  }
0x107: {  	s17 =	rddreg [dreg:$0x7];
	[sflag:s18] =	ssyncadd.s32 @!p1 $0xFFFFD900  }
0x108: {  	[spmem:s16], [sflag:s13] =	dma.local @!p1 [hbm:s17], $0x100  }
0x109: {  	_ =	swait.ge @!p1 [sflag:s18], $0x100  }
0x10a: {  	[sflag:s18] =	ssyncset.done @!p1 $0x0  }
0x10b: {  	[sflag:s18] =	ssyncadd.s32 @!p1 $0xFFFFFF00  }
0x10c: {  	s22 =	sadd.s32 $0x0, s28;
	[bflag:$0x0] =	sbarrier.arrive $0xFFFF  }
0x10d: {  	[tilespmem:s2], [sflag:$0x2] =	stream.linear.gather [hbm4b:s22+s2], $0x80, $0x38;
	[tilespmem:$0x17A00] =	vst v63  }
0x10e: {  	_ =	swait.ge [sflag:s30], $0x80  }
0x10f: {  	[sflag:s30] =	ssyncset.done $0x0  }
0x110: {  	s24 =	sadd.s32 $0x0, s26;
	[sflag:s30] =	ssyncadd.s32 $0xFFFFFF80  }
0x111: {  	[tilespmem:s31], [sflag:$0x2] =	stream.linear.gather [hbm4b:s24+s2], $0x80, $0x38;
	[tilespmem:$0x17A00] =	vst v63  }
0x112: {  	_ =	swait.ge [sflag:s30], $0x80  }
0x113: {  	[sflag:s30] =	ssyncset.done $0x0  }
0x114: {  	[sflag:s30] =	ssyncadd.s32 $0xFFFFFF80  }
0x115: {  	[tilespmem:s0], [sflag:$0x1] =	stream.indirect.gather [hbm4b:s7+s31], $0x80, s2, s31, $0xb8;
	[tilespmem:$0x17A00] =	vst v63  }
0x116: {  	_ =	swait.ge [sflag:s11], $0x4000  }
0x117: {  	[sflag:s11] =	ssyncset.done $0x0  }
0x118: {  	[sflag:s11] =	ssyncadd.s32 $0xFFFFC000  }
0x119: {  	[spmem:s1] =	stream.indirect.scatter.add.f32 [tilespmem:s0], [sflag:$0x2], $0x80, s31, s31, $0xb8;
	[tilespmem:$0x17A00] =	vst v63  }
0x11a: {  	_ =	swait.ge [sflag:s30], $0x4000  }
0x11b: {  	s16 =	simm.s32 $0x10;
	s17 =	simm.s32 $0x20;
	[sflag:s30] =	ssyncset.done $0x0  }
.LBB2_10:
0x11c: {  	s18 =	sadd.s32 s16, s28  }
0x11d: {  	[sflag:s30] =	ssyncadd.s32 $0xFFFFC000;
	s19 =	smov.u32 s17;
	s20 =	sadd.s32 $0x10, s17  }
0x11e: {  	[tilespmem:s2], [sflag:$0x2] =	stream.linear.gather [hbm4b:s18+s2], $0x80, $0x38;
	[tilespmem:$0x17A00] =	vst v63  }
0x11f: {  	p3 =	sne.s32 s17, $0x4E0;
	_ =	swait.ge [sflag:s30], $0x80  }
0x120: {  	[sflag:s30] =	ssyncset.done $0x0  }
0x121: {  	s17 =	sadd.s32 s16, s26;
	s16 =	smov.u32 s19;
	[sflag:s30] =	ssyncadd.s32 $0xFFFFFF80  }
0x122: {  	[tilespmem:s31], [sflag:$0x2] =	stream.linear.gather [hbm4b:s17+s2], $0x80, $0x38;
	[tilespmem:$0x17A00] =	vst v63  }
0x123: {  	_ =	swait.ge [sflag:s30], $0x80  }
0x124: {  	[sflag:s30] =	ssyncset.done $0x0  }
0x125: {  	[sflag:s30] =	ssyncadd.s32 $0xFFFFFF80  }
0x126: {  	[tilespmem:s0], [sflag:$0x1] =	stream.indirect.gather [hbm4b:s7+s31], $0x80, s2, s31, $0xb8;
	[tilespmem:$0x17A00] =	vst v63  }
0x127: {  	_ =	swait.ge [sflag:s11], $0x4000  }
.Ltmp8:
0x128: {  	[sflag:s11] =	ssyncset.done $0x0;
	(pc) =	sbr.rel @p3 .LBB2_10-.Ltmp8, $4  }
0x129: {  	[sflag:s11] =	ssyncadd.s32 $0xFFFFC000  }
0x12a: {  	[spmem:s1] =	stream.indirect.scatter.add.f32 [tilespmem:s0], [sflag:$0x2], $0x80, s31, s31, $0xb8;
	[tilespmem:$0x17A00] =	vst v63  }
0x12b: {  	_ =	swait.ge [sflag:s30], $0x4000  }
0x12c: {  	s17 =	smov.u32 s20;
	[sflag:s30] =	ssyncset.done $0x0  }
0x12d: {  	s17 =	sadd.s32 s16, s28;
	[sflag:s30] =	ssyncadd.s32 $0xFFFFC000  }
0x12e: {  	[tilespmem:s2], [sflag:$0x2] =	stream.linear.gather [hbm4b:s17+s2], $0x80, $0x38;
	[tilespmem:$0x17A00] =	vst v63  }
0x12f: {  	_ =	swait.ge [sflag:s30], $0x80  }
0x130: {  	[sflag:s30] =	ssyncset.done $0x0  }
0x131: {  	s22 =	sadd.s32 s16, s26;
	[sflag:s30] =	ssyncadd.s32 $0xFFFFFF80  }
0x132: {  	[tilespmem:s31], [sflag:$0x2] =	stream.linear.gather [hbm4b:s22+s2], $0x80, $0x38;
	[tilespmem:$0x17A00] =	vst v63  }
0x133: {  	_ =	swait.ge [sflag:s30], $0x80  }
0x134: {  	[sflag:s30] =	ssyncset.done $0x0  }
0x135: {  	[sflag:s30] =	ssyncadd.s32 $0xFFFFFF80  }
0x136: {  	[tilespmem:s0], [sflag:$0x1] =	stream.indirect.gather [hbm4b:s7+s31], $0x80, s2, s31, $0xb8;
	[tilespmem:$0x17A00] =	vst v63  }
0x137: {  	_ =	swait.ge [sflag:s11], $0x4000  }
0x138: {  	[sflag:s11] =	ssyncset.done $0x0  }
0x139: {  	[sflag:s11] =	ssyncadd.s32 $0xFFFFC000  }
0x13a: {  	[spmem:s1] =	stream.indirect.scatter.add.f32 [tilespmem:s0], [sflag:$0x2], $0x80, s31, s31, $0xb8;
	[tilespmem:$0x17A00] =	vst v63  }
0x13b: {  	_ =	swait.ge [sflag:s30], $0x4000  }
0x13c: {  	[sflag:s30] =	ssyncset.done $0x0  }
0x13d: {  	[sflag:s30] =	ssyncadd.s32 $0xFFFFC000  }
0x13e: {  	[bflag:$0x0] =	sbarrier.arrive $0xFFFF  }
0x13f: {  	s24 =	rddreg [dreg:$0x8]  }
0x140: {  	[hbm:s24], [sflag:s13] =	dma.local [spmem:s15], $0x2700  }
.Ltmp9:
0x141: {  	_ = 	snop;
	(pc) =	sbr.rel @p1 .LBB2_13-.Ltmp9, $4  }
.Ltmp10:
0x142: {  	_ = 	snop;
	(pc) =	sbr.rel @!p1 .LBB2_12-.Ltmp10, $4  }
0x143: {  	_ =	swait.ge [sflag:s30], $0x2700  }
0x144: {  	[sflag:s30] =	ssyncset.done $0x0  }
0x145: {  	s15 =	smov.u32 s9;
	[sflag:s30] =	ssyncadd.s32 $0xFFFFD900  }
0x146: {  	_ = 	snop  }
.LBB2_14:
0x147: {  	_ =	sfence.sel $0x180000  }
0x148: {  	[bflag:$0x0] =	sbarrier.arrive $0xFFFF  }
0x149: {  	_ =	strace $0x9000004A  }
0x14a: {  	[bflag:$0x2] =	sbarrier.arrive $0xFFFF  }
0x14b: {  	p0 =	sne.s32 s3, $0x0;
	s0 =	rddreg [dreg:$0x2]  }
0x14c: {  	s0 =	sadd.s32 @!p0 $0x100000, s0  }
0x14d: {  	[sflag:s0] =	ssyncadd.tile.s32 @!p0 $0x1;
	_ =	shalt  }
.Lfunc_end2:
_tile_overlayer_lowered:
.L_overlay_start_2:
0x14e: {  	(tag) =	ssettag $0x2  }
0x14f: {  	s0 =	rddreg [dreg:$0x0];
	s2 =	stileid.u32  }
0x150: {  	s1 =	rddreg [dreg:$0x1];
	p0 =	sne.s32 s2, $0x0  }
0x151: {  	s3 =	rddreg [dreg:$0x2];
	[bflag:$0x3] =	sbarrier.arrive $0xFFFF;
	s2 =	simm.s32 @!p0 $0x1C02  }
0x152: {  	[timem:s3], [sflag:s2] =	dma.local @!p0 [hbm:s0], s1  }
0x153: {  	s0 =	simm.s32 @!p0 $0x2  }
0x154: {  	_ =	swait.ge @!p0 [sflag:s0], s1  }
0x155: {  	s1 =	ssub.s32 @!p0 $0x0, s1;
	[sflag:s0] =	ssyncset.done @!p0 $0x0  }
0x156: {  	[sflag:s0] =	ssyncadd.s32 @!p0 s1  }
0x157: {  	[bflag:$0x3] =	sbarrier.arrive $0xFFFF  }
0x158: {  	_ =	shalt  }

// kernel: kernel.18.cloned.1.call-start
scs
__scs_entry_jumppad:
0x0: {  	(pc) =	sbr.rel $0x88, $3  }
0x1: {  	(tag) =	ssettag $0x0;
	lr =	simm.s32 $0x1  }
0x2: {  	[smem:$0x3F71] =	sst lr;
	_ =	strace $0xD0000000  }
0x3: {  	_ = 	snop  }
0x4: {  	_ = 	snop  }
0x5: {  	_ = 	snop  }
0x6: {  	_ = 	snop  }
0x7: {  	_ = 	snop  }
__scs_overlays_trampoline_lowered:
0x8: {  	[smem:$0x3F80] =	sst s0  }
0x9: {  	[smem:$0x3F81] =	sst s1  }
0xa: {  	[smem:$0x3F82] =	sst s2  }
0xb: {  	[smem:$0x3F83] =	sst s3  }
0xc: {  	[smem:$0x3F84] =	sst s4  }
0xd: {  	[smem:$0x3F85] =	sst s5  }
0xe: {  	[smem:$0x3F86] =	sst s6  }
0xf: {  	[smem:$0x3F87] =	sst s7  }
0x10: {  	[smem:$0x3F88] =	sst s8  }
0x11: {  	[smem:$0x3F89] =	sst s9;
	s0 =	simm.s32 @!p0 $0x0  }
0x12: {  	s1 =	sld [smem:$0x3F6F];
	s0 =	simm.s32 @p0 $0x1  }
0x13: {  	[smem:$0x3F8A] =	sst s0;
	s0 =	simm.s32 @!p1 $0x0  }
0x14: {  	s2 =	sld [smem:$0x3F6E];
	s0 =	simm.s32 @p1 $0x1  }
0x15: {  	[smem:$0x3F8B] =	sst s0;
	s0 =	simm.s32 @!p2 $0x0  }
0x16: {  	s3 =	sld [smem:$0x3FDB];
	s0 =	simm.s32 @p2 $0x1  }
0x17: {  	s4 =	simm.s32 $0x1BF5;
	[smem:$0x3F8D] =	sst s0  }
0x18: {  	s0 =	sld [smem:$0x3F70];
	_ =	swait.ge [sflag:s4], $0x0  }
0x19: {  	s7 =	sld [smem:$0x3F71]  }
0x1a: {  	s8 =	sadd.s32 $0xFFFFE003, lr  }
0x1b: {  	s9 =	sadd.s32 $0xFFFFFEF7, lr;
	s5 =	simm.s32 $0xFFFFFFFF;
	p2 =	slt.u32 s8, $0xFFFFF086  }
0x1c: {  	p1 =	slt.u32 s9, $0xF7A;
	s5 =	simm.s32 @!p2 $0x0  }
0x1d: {  	s5 =	simm.s32 @p1 $0x1;
	p0 =	seq.s32 s7, s2  }
0x1e: {  	s7 =	smul.u32 @!p0 $0xF7A, s2;
	p2 =	seq.s32 @!p0 s5, $0x0  }
0x1f: {  	s9 =	smul.u32 $0xF7A, s1;
	s8 =	simm.s32 @!p0 $0x1BF5;
	p2 =	por !p2, p0  }
0x20: {  	[sflag:s8] =	ssyncset.s32 @!p0 $0xFFFFF086;
	s6 =	sadd.s32 @!p0 s3, s7;
	s7 =	simm.s32 @!p0 $0x108  }
0x21: {  	s3 =	sadd.s32 s3, s9;
	s6 =	sadd.s32 @!p0 $0x88, s6;
	s7 =	simm.s32 @p2 $0x1082  }
0x22: {  	[simem:s7], [sflag:s8] =	dma.local @!p0 [hbm:s6], $0xF7A  }
0x23: {  	s9 =	sor.u32 $0xD0000000, s2;
	s6 =	simm.s32 $0x108;
	_ =	swait.ge @!p0 [sflag:s8], $0x0  }
0x24: {  	s3 =	sadd.s32 $0x88, s3;
	s6 =	simm.s32 @!p1 $0x1082;
	[sflag:s4] =	ssyncset.s32 $0xFFFFF086  }
0x25: {  	[simem:s6], [sflag:s4] =	dma.local [hbm:s3], $0xF7A  }
0x26: {  	[smem:$0x3F71] =	sst s1;
	(tag) =	ssettag s2;
	_ =	strace s9  }
0x27: {  	s1 =	sld [smem:$0x3F81]  }
0x28: {  	s2 =	sld [smem:$0x3F82]  }
0x29: {  	s4 =	sld [smem:$0x3F84]  }
0x2a: {  	p0 =	seq.s32 s5, $0x0;
	s5 =	sld [smem:$0x3F85]  }
0x2b: {  	s6 =	sld [smem:$0x3F86]  }
0x2c: {  	s7 =	sld [smem:$0x3F87]  }
0x2d: {  	s3 =	simm.s32 $0x108;
	s8 =	sld [smem:$0x3F88]  }
0x2e: {  	s3 =	simm.s32 @!p0 $0x1082;
	s9 =	sld [smem:$0x3F89]  }
0x2f: {  	lr =	sadd.s32 s0, s3;
	s0 =	sld [smem:$0x3F80]  }
0x30: {  	s3 =	sld [smem:$0x3F83]  }
0x31: {  	[smem:$0x3F8C] =	sst s10  }
0x32: {  	s10 =	sld [smem:$0x3F8A];
	_ =	sdelay $0x3  }
0x33: {  	p0 =	seq.s32 s10, $0x1;
	s10 =	sld [smem:$0x3F8C];
	_ =	sdelay $0x3  }
0x34: {  	[smem:$0x3F8C] =	sst s10  }
0x35: {  	s10 =	sld [smem:$0x3F8B];
	_ =	sdelay $0x3  }
0x36: {  	p1 =	seq.s32 s10, $0x1;
	s10 =	sld [smem:$0x3F8C];
	_ =	sdelay $0x3  }
0x37: {  	[smem:$0x3F8C] =	sst s10  }
0x38: {  	s10 =	sld [smem:$0x3F8D]  }
0x39: {  	_ = 	snop;
	(pc) =	sbr.ind lr, $3  }
0x3a: {  	_ = 	snop  }
0x3b: {  	_ = 	snop  }
0x3c: {  	p2 =	seq.s32 s10, $0x1;
	s10 =	sld [smem:$0x3F8C]  }
0x3d: {  	_ =	shalt  }
0x3e: {  	_ =	shalt  }
0x3f: {  	_ =	shalt  }
0x40: {  	_ =	shalt  }
0x41: {  	_ =	shalt  }
0x42: {  	_ =	shalt  }
0x43: {  	_ =	shalt  }
0x44: {  	_ =	shalt  }
0x45: {  	_ =	shalt  }
0x46: {  	_ =	shalt  }
0x47: {  	_ =	shalt  }
0x48: {  	_ =	shalt  }
0x49: {  	_ =	shalt  }
0x4a: {  	_ =	shalt  }
0x4b: {  	_ =	shalt  }
0x4c: {  	_ =	shalt  }
0x4d: {  	_ =	shalt  }
0x4e: {  	_ =	shalt  }
0x4f: {  	_ =	shalt  }
0x50: {  	_ =	shalt  }
0x51: {  	_ =	shalt  }
0x52: {  	_ =	shalt  }
0x53: {  	_ =	shalt  }
0x54: {  	_ =	shalt  }
0x55: {  	_ =	shalt  }
0x56: {  	_ =	shalt  }
0x57: {  	_ =	shalt  }
0x58: {  	_ =	shalt  }
0x59: {  	_ =	shalt  }
0x5a: {  	_ =	shalt  }
0x5b: {  	_ =	shalt  }
0x5c: {  	_ =	shalt  }
0x5d: {  	_ =	shalt  }
0x5e: {  	_ =	shalt  }
0x5f: {  	_ =	shalt  }
0x60: {  	_ =	shalt  }
0x61: {  	_ =	shalt  }
0x62: {  	_ =	shalt  }
0x63: {  	_ =	shalt  }
0x64: {  	_ =	shalt  }
0x65: {  	_ =	shalt  }
0x66: {  	_ =	shalt  }
0x67: {  	_ =	shalt  }
0x68: {  	_ =	shalt  }
0x69: {  	_ =	shalt  }
0x6a: {  	_ =	shalt  }
0x6b: {  	_ =	shalt  }
0x6c: {  	_ =	shalt  }
0x6d: {  	_ =	shalt  }
0x6e: {  	_ =	shalt  }
0x6f: {  	_ =	shalt  }
0x70: {  	_ =	shalt  }
0x71: {  	_ =	shalt  }
0x72: {  	_ =	shalt  }
0x73: {  	_ =	shalt  }
0x74: {  	_ =	shalt  }
0x75: {  	_ =	shalt  }
0x76: {  	_ =	shalt  }
0x77: {  	_ =	shalt  }
0x78: {  	_ =	shalt  }
0x79: {  	_ =	shalt  }
0x7a: {  	_ =	shalt  }
0x7b: {  	_ =	shalt  }
0x7c: {  	_ =	shalt  }
0x7d: {  	_ =	shalt  }
0x7e: {  	_ =	shalt  }
0x7f: {  	_ =	shalt  }
0x80: {  	_ =	shalt  }
0x81: {  	_ =	shalt  }
0x82: {  	_ =	shalt  }
0x83: {  	_ =	shalt  }
0x84: {  	_ =	shalt  }
0x85: {  	_ =	shalt  }
0x86: {  	_ =	shalt  }
0x87: {  	_ =	shalt  }
.Lfunc_end0:
.L_simem_size_0:
called_computation.2_lowered:
.L_overlay_start_0:
0x88: {  	s2 =	sld [smem:$0x3FD9]  }
0x89: {  	s3 =	sld [smem:$0x3FFE];
	_ =	sdelay $0x1  }
0x8a: {  	s1 =	srdreg.scid  }
0x8b: {  	s0 =	sand.u32 $0x1, s1  }
0x8c: {  	s16 =	sshll.u32 s0, $0xA;
	s2 =	sadd.s32 s3, s2  }
0x8d: {  	s2 =	sadd.s32 s2, s16  }
0x8e: {  	[smem:$0x3F98] =	sst s2  }
0x8f: {  	_ = 	snop  }
0x90: {  	(tm) =	ssettm $0x1  }
0x91: {  	s17 =	sld [smem:$0x3FFB];
	_ =	sdelay $0x3  }
0x92: {  	_ =	strace s17  }
0x93: {  	s2 =	sld [smem:$0x3FFC];
	_ =	sdelay $0x3  }
0x94: {  	_ =	strace s2  }
0x95: {  	s2 =	sld [smem:$0x3FFD];
	_ =	sdelay $0x3  }
0x96: {  	_ =	strace s2  }
0x97: {  	_ =	strace $0x8FFFFFFF  }
0x98: {  	s18 =	sld [smem:$0x3FDB];
	_ =	sdelay $0x1  }
0x99: {  	s19 =	simm.s32 $_scs_section_size  }
0x9a: {  	s4 =	simm.s32 $_size__tile_overlayer_lowered;
	s5 =	simm.s32 $_tile_overlayer_lowered  }
0x9b: {  	s22 =	simm.s32 $0x1BFF;
	s21 =	sshll.u32 s5, $0x1;
	s2 =	sadd.s32 s19, s18  }
0x9c: {  	s6 =	simm.s32 $0x0;
	s20 =	sshll.u32 s4, $0x1;
	s4 =	sadd.s32 s21, s2  }
0x9d: {  	[timem:s6], [sflag:s22] =	dma.local [hbm:s4], s20  }
0x9e: {  	_ =	swait.ge [sflag:s22], s20  }
0x9f: {  	s3 =	ssub.s32 $0x0, s20;
	[sflag:s22] =	ssyncset.done $0x0  }
0xa0: {  	[sflag:s22] =	ssyncadd.s32 s3;
	_ =	sdelay $0x1  }
0xa1: {  	s23 =	simm.s32 $0x1B8B  }
0xa2: {  	_ =	swait.ge [sflag:s23], $0x1  }
0xa3: {  	[sflag:s23] =	ssyncset.done $0x0  }
0xa4: {  	s25 =	simm.s32 $0x1B8E;
	s24 =	sld [smem:$0x3FFE];
	[sflag:s23] =	ssyncadd.s32 $0xFFFFFFFF  }
0xa5: {  	s26 =	simm.s32 $execute0_lowered;
	[smem:$0x3FD2] =	sst s25  }
0xa6: {  	s4 =	sshll.u32 s26, $0x1;
	_ =	strace $0x8000004C;
	[dreg:$0x1] =	wrdreg $0xFFFFFFFF  }
0xa7: {  	s28 =	simm.s32 $_size_execute0_lowered;
	s2 =	sadd.s32 s2, s4;
	[dreg:$0x0] =	wrdreg $0x0  }
0xa8: {  	s4 =	sshll.u32 s28, $0x1;
	[dreg:$0x2] =	wrdreg s2  }
0xa9: {  	[dreg:$0x3] =	wrdreg s4  }
0xaa: {  	[dreg:$0x4] =	wrdreg $0xC0  }
0xab: {  	_ =	task [dreg:s6], $0x5FFFF  }
0xac: {  	[dreg:$0x1] =	wrdreg $0xFFFFFFFF  }
0xad: {  	[dreg:$0x0] =	wrdreg $0x60  }
0xae: {  	[dreg:$0x2] =	wrdreg s24  }
0xaf: {  	[dreg:$0x3] =	wrdreg $0x41000  }
0xb0: {  	[dreg:$0x4] =	wrdreg $0x9  }
0xb1: {  	_ =	task.clear_ibuf [dreg:s6], $0x5FFFF;
	_ =	strace $0x9000004C  }
0xb2: {  	s29 =	simm.s32 $0x9;
	_ =	strace $0x8000004E  }
0xb3: {  	_ =	swait.ge [sflag:s29], $0x1  }
0xb4: {  	[sflag:s29] =	ssyncadd.s32 $0xFFFFFFFF  }
0xb5: {  	_ =	strace $0x9000004E  }
0xb6: {  	_ =	sfence  }
0xb7: {  	s30 =	sld [smem:$0x0];
	_ =	sdelay $0x2  }
0xb8: {  	s31 =	sshll.u32 s1, $0xD;
	s1 =	sshrl.u32 s1, $0x2  }
0xb9: {  	s3 =	sand.u32 $0x4000, s31;
	s1 =	sadd.s32 s1, s30  }
0xba: {  	s0 =	sor.u32 s3, s0;
	s1 =	sshll.u32 s1, $0x11  }
0xbb: {  	s0 =	sor.u32 s1, s0  }
0xbc: {  	s0 =	sadd.s32 $0x8F2B, s0  }
0xbd: {  	[sflag:s0] =	ssyncadd.remote.s32 $0x1  }
0xbe: {  	_ =	sfence.sel $0xFFFF  }
0xbf: {  	[dreg:$0x0] =	wrdreg $0xFFFFFFFF;
	(pc) =	sbr.abs _section_cstart, $3  }
0xc0: {  	[dreg:$0x1] =	wrdreg $0xFFFFFFFF  }
0xc1: {  	_ =	task.clear_ibuf [dreg:s6], $0x2FFFF;
	_ =	strace $0x9FFFFFFF  }
0xc2: {  	(tm) =	ssettm $0x7FFFFFFF  }
0xc3: {  	_ =	shalt  }
tec
execute0_lowered:
.L_overlay_start_1:
0x0: {  	(tag) =	ssettag $0x1  }
0x1: {  	s0 =	rddreg [dreg:$0x0]  }
0x2: {  	s1 =	rddreg [dreg:$0x1];
	s2 =	simm.s32 $0x0  }
0x3: {  	s3 =	stileid.u32;
	s9 =	srdreg.scid;
	s30 =	simm.s32 $0x2  }
0x4: {  	[smem:$0x7FF] =	sst s2;
	s4 =	sadd.s32 $0xB4000, s0;
	s6 =	sadd.s32 $0x102400, s0  }
0x5: {  	s5 =	sadd.s32 $0xDB200, s0;
	s8 =	smul.u32 $0x4F0, s3;
	s7 =	sadd.s32 $0x129600, s0  }
0x6: {  	s11 =	smul.u32 $0x2700, s3;
	s12 =	sand.u32 $0x1, s9;
	s9 =	sadd.s32 $0x1C5E00, s0  }
0x7: {  	s31 =	simm.s32 $0x80;
	s19 =	sadd.s32 $0x129400, s0;
	s21 =	sadd.s32 $0x150600, s0  }
0x8: {  	s14 =	smul.u32 $0x4E000, s3;
	s24 =	sadd.s32 $0xDB000, s0;
	s25 =	sadd.s32 $0x177800, s0  }
0x9: {  	p1 =	sne.s32 s3, $0xF;
	_ =	strace $0x8000004D;
	[dreg:$0x4] =	wrdreg s19  }
0xa: {  	p2 =	seq.s32 s3, $0xF;
	s29 =	sadd.s32 $0x138000, s1;
	[dreg:$0x7] =	wrdreg s21  }
0xb: {  	s10 =	ssub.s32 $0x2, s12;
	[dreg:$0xa] =	wrdreg s24;
	p0 =	sne.s32 s12, $0x0  }
0xc: {  	[dreg:$0xc] =	wrdreg s25;
	s12 =	simm.s32 $0x0;
	s13 =	sadd.s32 s8, s0  }
0xd: {  	s15 =	sadd.s32 s11, s0;
	s8 =	sadd.s32 $0x177A00, s0;
	s18 =	sadd.s32 s6, s11  }
0xe: {  	s16 =	sshrl.u32 s10, $0x1;
	s22 =	sadd.s32 s9, s11;
	[dreg:$0x3] =	wrdreg s18  }
0xf: {  	s17 =	sshrl.u32 s14, $0x2;
	s23 =	sadd.s32 s4, s11;
	[dreg:$0x8] =	wrdreg s22  }
0x10: {  	s16 =	ssub.s32 s10, s16;
	s20 =	sadd.s32 $0x19EC00, s15;
	[dreg:$0x9] =	wrdreg s23  }
0x11: {  	s10 =	sadd.s32 s17, s1;
	s17 =	sadd.s32 $0x1C5C00, s0;
	[dreg:$0x5] =	wrdreg s20  }
.Ltmp0:
0x12: {  	s15 =	sadd.s32 $0x150800, s15;
	[dreg:$0x6] =	wrdreg s17;
	(pc) =	sbr.rel .LBB2_1-.Ltmp0, $4  }
0x13: {  	s14 =	sadd.s32 s7, s11;
	s0 =	sadd.s32 $0x102200, s0;
	[dreg:$0xb] =	wrdreg s15  }
0x14: {  	s23 =	sadd.s32 s5, s11;
	s26 =	sadd.s32 s8, s11;
	[dreg:$0xd] =	wrdreg s0  }
0x15: {  	s28 =	sadd.s32 $0xD800, s13;
	s11 =	simm.s32 $0x1;
	[dreg:$0xe] =	wrdreg s26  }
0x16: {  	s25 =	smax.u32 s16, $0x1;
	s26 =	sadd.s32 $0x12800, s13;
	s0 =	simm.s32 $0x100  }
.LBB2_12:
0x17: {  	s15 =	sadd.s32 $0x27000, s15;
	s16 =	sshrl.u32 s29, $0x3  }
0x18: {  	[hbm:s15], [sflag:s13] =	dma.local [spmem:s16], $0x100  }
0x19: {  	_ =	swait.ge [sflag:s30], $0x100  }
0x1a: {  	[sflag:s30] =	ssyncset.done $0x0  }
0x1b: {  	[sflag:s30] =	ssyncadd.s32 $0xFFFFFF00  }
.LBB2_13:
0x1c: {  	s12 =	sadd.s32 $0x1, s12  }
0x1d: {  	p3 =	sne.s32 s12, s25  }
.Ltmp1:
0x1e: {  	_ = 	snop;
	(pc) =	sbr.rel @!p3 .LBB2_14-.Ltmp1, $2  }
0x1f: {  	_ =	sdelay $0x1  }
0x20: {  	[bflag:$0x0] =	sbarrier.arrive $0xFFFF;
	_ =	sdelay $0x1  }
.LBB2_1:
.Ltmp2:
0x21: {  	(pc) =	sbr.rel @p0 .LBB2_7-.Ltmp2, $3  }
0x22: {  	_ =	sdelay $0x1  }
0x23: {  	s19 =	sshll.u32 s3, $0x6;
	s15 =	sshrl.u32 s10, $0x3;
	s16 =	sshrl.u32 @!p1 s29, $0x3  }
0x24: {  	s18 =	sshrl.u32 @p1 s10, $0x3;
	s17 =	sshrl.u32 @!p1 s10, $0x3;
	s13 =	sor.u32 $0x1C02, s19  }
0x25: {  	s13 =	sor.u32 $0x1C02, s19;
	s21 =	rddreg [dreg:$0x9]  }
0x26: {  	[spmem:s15], [sflag:s13] =	dma.local [hbm:s21], $0x2700  }
0x27: {  	_ =	swait.ge [sflag:s30], $0x2700  }
0x28: {  	[sflag:s30] =	ssyncset.done $0x0  }
0x29: {  	s19 =	rddreg [dreg:$0xa];
	[sflag:s30] =	ssyncadd.s32 $0xFFFFD900  }
0x2a: {  	[spmem:s16], [sflag:s13] =	dma.local @!p1 [hbm:s19], $0x100  }
0x2b: {  	s19 =	simm.s32 @!p1 $0x2  }
0x2c: {  	_ =	swait.ge @!p1 [sflag:s19], $0x100  }
0x2d: {  	[sflag:s19] =	ssyncset.done @!p1 $0x0  }
0x2e: {  	[sflag:s19] =	ssyncadd.s32 @!p1 $0xFFFFFF00  }
0x2f: {  	s22 =	sadd.s32 $0x0, s28;
	[bflag:$0x0] =	sbarrier.arrive $0xFFFF  }
0x30: {  	[tilespmem:s2], [sflag:$0x2] =	stream.linear.gather [hbm4b:s22+s2], $0x80, $0x38;
	[tilespmem:$0x17A00] =	vst v63  }
0x31: {  	_ =	swait.ge [sflag:s30], $0x80  }
0x32: {  	[sflag:s30] =	ssyncset.done $0x0  }
0x33: {  	s24 =	sadd.s32 $0x0, s26;
	[sflag:s30] =	ssyncadd.s32 $0xFFFFFF80  }
0x34: {  	[tilespmem:s31], [sflag:$0x2] =	stream.linear.gather [hbm4b:s24+s2], $0x80, $0x38;
	[tilespmem:$0x17A00] =	vst v63  }
0x35: {  	_ =	swait.ge [sflag:s30], $0x80  }
0x36: {  	[sflag:s30] =	ssyncset.done $0x0  }
0x37: {  	[sflag:s30] =	ssyncadd.s32 $0xFFFFFF80  }
0x38: {  	[tilespmem:s0], [sflag:$0x1] =	stream.indirect.gather [hbm4b:s4+s31], $0x80, s2, s31, $0xb8;
	[tilespmem:$0x17A00] =	vst v63  }
0x39: {  	_ =	swait.ge [sflag:s11], $0x4000  }
0x3a: {  	[sflag:s11] =	ssyncset.done $0x0  }
0x3b: {  	[sflag:s11] =	ssyncadd.s32 $0xFFFFC000  }
0x3c: {  	[spmem:s1] =	stream.indirect.scatter.add.f32 [tilespmem:s0], [sflag:$0x2], $0x80, s31, s31, $0xb8;
	[tilespmem:$0x17A00] =	vst v63  }
0x3d: {  	_ =	swait.ge [sflag:s30], $0x4000  }
0x3e: {  	s20 =	simm.s32 $0x20;
	s19 =	simm.s32 $0x10;
	[sflag:s30] =	ssyncset.done $0x0  }
.LBB2_3:
0x3f: {  	s21 =	sadd.s32 s19, s28  }
0x40: {  	[sflag:s30] =	ssyncadd.s32 $0xFFFFC000;
	s22 =	smov.u32 s20;
	s24 =	sadd.s32 $0x10, s20  }
0x41: {  	[tilespmem:s2], [sflag:$0x2] =	stream.linear.gather [hbm4b:s21+s2], $0x80, $0x38;
	[tilespmem:$0x17A00] =	vst v63  }
0x42: {  	p3 =	sne.s32 s20, $0x4E0;
	_ =	swait.ge [sflag:s30], $0x80  }
0x43: {  	[sflag:s30] =	ssyncset.done $0x0  }
0x44: {  	s20 =	sadd.s32 s19, s26;
	s19 =	smov.u32 s22;
	[sflag:s30] =	ssyncadd.s32 $0xFFFFFF80  }
0x45: {  	[tilespmem:s31], [sflag:$0x2] =	stream.linear.gather [hbm4b:s20+s2], $0x80, $0x38;
	[tilespmem:$0x17A00] =	vst v63  }
0x46: {  	_ =	swait.ge [sflag:s30], $0x80  }
0x47: {  	[sflag:s30] =	ssyncset.done $0x0  }
0x48: {  	[sflag:s30] =	ssyncadd.s32 $0xFFFFFF80  }
0x49: {  	[tilespmem:s0], [sflag:$0x1] =	stream.indirect.gather [hbm4b:s4+s31], $0x80, s2, s31, $0xb8;
	[tilespmem:$0x17A00] =	vst v63  }
0x4a: {  	_ =	swait.ge [sflag:s11], $0x4000  }
.Ltmp3:
0x4b: {  	[sflag:s11] =	ssyncset.done $0x0;
	(pc) =	sbr.rel @p3 .LBB2_3-.Ltmp3, $4  }
0x4c: {  	[sflag:s11] =	ssyncadd.s32 $0xFFFFC000  }
0x4d: {  	[spmem:s1] =	stream.indirect.scatter.add.f32 [tilespmem:s0], [sflag:$0x2], $0x80, s31, s31, $0xb8;
	[tilespmem:$0x17A00] =	vst v63  }
0x4e: {  	_ =	swait.ge [sflag:s30], $0x4000  }
0x4f: {  	s20 =	smov.u32 s24;
	[sflag:s30] =	ssyncset.done $0x0  }
0x50: {  	s20 =	sadd.s32 s19, s28;
	[sflag:s30] =	ssyncadd.s32 $0xFFFFC000  }
0x51: {  	[tilespmem:s2], [sflag:$0x2] =	stream.linear.gather [hbm4b:s20+s2], $0x80, $0x38;
	[tilespmem:$0x17A00] =	vst v63  }
0x52: {  	_ =	swait.ge [sflag:s30], $0x80  }
0x53: {  	[sflag:s30] =	ssyncset.done $0x0  }
0x54: {  	s20 =	sadd.s32 s19, s26;
	[sflag:s30] =	ssyncadd.s32 $0xFFFFFF80  }
0x55: {  	[tilespmem:s31], [sflag:$0x2] =	stream.linear.gather [hbm4b:s20+s2], $0x80, $0x38;
	[tilespmem:$0x17A00] =	vst v63  }
0x56: {  	_ =	swait.ge [sflag:s30], $0x80  }
0x57: {  	[sflag:s30] =	ssyncset.done $0x0  }
0x58: {  	[sflag:s30] =	ssyncadd.s32 $0xFFFFFF80  }
0x59: {  	[tilespmem:s0], [sflag:$0x1] =	stream.indirect.gather [hbm4b:s4+s31], $0x80, s2, s31, $0xb8;
	[tilespmem:$0x17A00] =	vst v63  }
0x5a: {  	_ =	swait.ge [sflag:s11], $0x4000  }
0x5b: {  	[sflag:s11] =	ssyncset.done $0x0  }
0x5c: {  	[sflag:s11] =	ssyncadd.s32 $0xFFFFC000  }
0x5d: {  	[spmem:s1] =	stream.indirect.scatter.add.f32 [tilespmem:s0], [sflag:$0x2], $0x80, s31, s31, $0xb8;
	[tilespmem:$0x17A00] =	vst v63  }
0x5e: {  	_ =	swait.ge [sflag:s30], $0x4000  }
0x5f: {  	[sflag:s30] =	ssyncset.done $0x0  }
0x60: {  	[sflag:s30] =	ssyncadd.s32 $0xFFFFC000  }
0x61: {  	[bflag:$0x0] =	sbarrier.arrive $0xFFFF  }
0x62: {  	s21 =	rddreg [dreg:$0xb]  }
0x63: {  	[hbm:s21], [sflag:s13] =	dma.local [spmem:s15], $0x2700  }
0x64: {  	_ =	swait.ge [sflag:s30], $0x2700  }
0x65: {  	[sflag:s30] =	ssyncset.done $0x0  }
0x66: {  	[sflag:s30] =	ssyncadd.s32 $0xFFFFD900  }
0x67: {  	[bflag:$0x0] =	sbarrier.arrive @p1 $0xFFFF  }
0x68: {  	[spmem:s18], [sflag:s13] =	dma.local @p1 [hbm:s23], $0x2700  }
0x69: {  	s18 =	simm.s32 @p1 $0x2  }
0x6a: {  	_ =	swait.ge @p1 [sflag:s18], $0x2700  }
0x6b: {  	[sflag:s18] =	ssyncset.done @p1 $0x0  }
0x6c: {  	[sflag:s18] =	ssyncadd.s32 @p1 $0xFFFFD900;
	s18 =	rddreg [dreg:$0xc]  }
0x6d: {  	[hbm:s18], [sflag:s13] =	dma.local @!p1 [spmem:s16], $0x100  }
0x6e: {  	s18 =	simm.s32 @!p1 $0x2  }
0x6f: {  	_ =	swait.ge @!p1 [sflag:s18], $0x100  }
0x70: {  	[sflag:s18] =	ssyncset.done @!p1 $0x0  }
0x71: {  	[sflag:s18] =	ssyncadd.s32 @!p1 $0xFFFFFF00  }
0x72: {  	[bflag:$0x0] =	sbarrier.arrive @!p1 $0xFFFF  }
0x73: {  	[spmem:s17], [sflag:s13] =	dma.local @!p1 [hbm:s23], $0x2700  }
0x74: {  	_ =	swait.ge @!p1 [sflag:s18], $0x2700  }
0x75: {  	[sflag:s18] =	ssyncset.done @!p1 $0x0  }
0x76: {  	s17 =	rddreg [dreg:$0xd];
	[sflag:s18] =	ssyncadd.s32 @!p1 $0xFFFFD900  }
0x77: {  	[spmem:s16], [sflag:s13] =	dma.local @!p1 [hbm:s17], $0x100  }
0x78: {  	_ =	swait.ge @!p1 [sflag:s18], $0x100  }
0x79: {  	[sflag:s18] =	ssyncset.done @!p1 $0x0  }
0x7a: {  	[sflag:s18] =	ssyncadd.s32 @!p1 $0xFFFFFF00  }
0x7b: {  	s22 =	sadd.s32 $0x0, s28;
	[bflag:$0x0] =	sbarrier.arrive $0xFFFF  }
0x7c: {  	[tilespmem:s2], [sflag:$0x2] =	stream.linear.gather [hbm4b:s22+s2], $0x80, $0x38;
	[tilespmem:$0x17A00] =	vst v63  }
0x7d: {  	_ =	swait.ge [sflag:s30], $0x80  }
0x7e: {  	[sflag:s30] =	ssyncset.done $0x0  }
0x7f: {  	s24 =	sadd.s32 $0x0, s26;
	[sflag:s30] =	ssyncadd.s32 $0xFFFFFF80  }
0x80: {  	[tilespmem:s31], [sflag:$0x2] =	stream.linear.gather [hbm4b:s24+s2], $0x80, $0x38;
	[tilespmem:$0x17A00] =	vst v63  }
0x81: {  	_ =	swait.ge [sflag:s30], $0x80  }
0x82: {  	[sflag:s30] =	ssyncset.done $0x0  }
0x83: {  	[sflag:s30] =	ssyncadd.s32 $0xFFFFFF80  }
0x84: {  	[tilespmem:s0], [sflag:$0x1] =	stream.indirect.gather [hbm4b:s5+s31], $0x80, s2, s31, $0xb8;
	[tilespmem:$0x17A00] =	vst v63  }
0x85: {  	_ =	swait.ge [sflag:s11], $0x4000  }
0x86: {  	[sflag:s11] =	ssyncset.done $0x0  }
0x87: {  	[sflag:s11] =	ssyncadd.s32 $0xFFFFC000  }
0x88: {  	[spmem:s1] =	stream.indirect.scatter.add.f32 [tilespmem:s0], [sflag:$0x2], $0x80, s31, s31, $0xb8;
	[tilespmem:$0x17A00] =	vst v63  }
0x89: {  	_ =	swait.ge [sflag:s30], $0x4000  }
0x8a: {  	s16 =	simm.s32 $0x10;
	s17 =	simm.s32 $0x20;
	[sflag:s30] =	ssyncset.done $0x0  }
.LBB2_5:
0x8b: {  	s18 =	sadd.s32 s16, s28  }
0x8c: {  	[sflag:s30] =	ssyncadd.s32 $0xFFFFC000;
	s19 =	smov.u32 s17;
	s20 =	sadd.s32 $0x10, s17  }
0x8d: {  	[tilespmem:s2], [sflag:$0x2] =	stream.linear.gather [hbm4b:s18+s2], $0x80, $0x38;
	[tilespmem:$0x17A00] =	vst v63  }
0x8e: {  	p3 =	sne.s32 s17, $0x4E0;
	_ =	swait.ge [sflag:s30], $0x80  }
0x8f: {  	[sflag:s30] =	ssyncset.done $0x0  }
0x90: {  	s17 =	sadd.s32 s16, s26;
	s16 =	smov.u32 s19;
	[sflag:s30] =	ssyncadd.s32 $0xFFFFFF80  }
0x91: {  	[tilespmem:s31], [sflag:$0x2] =	stream.linear.gather [hbm4b:s17+s2], $0x80, $0x38;
	[tilespmem:$0x17A00] =	vst v63  }
0x92: {  	_ =	swait.ge [sflag:s30], $0x80  }
0x93: {  	[sflag:s30] =	ssyncset.done $0x0  }
0x94: {  	[sflag:s30] =	ssyncadd.s32 $0xFFFFFF80  }
0x95: {  	[tilespmem:s0], [sflag:$0x1] =	stream.indirect.gather [hbm4b:s5+s31], $0x80, s2, s31, $0xb8;
	[tilespmem:$0x17A00] =	vst v63  }
0x96: {  	_ =	swait.ge [sflag:s11], $0x4000  }
.Ltmp4:
0x97: {  	[sflag:s11] =	ssyncset.done $0x0;
	(pc) =	sbr.rel @p3 .LBB2_5-.Ltmp4, $4  }
0x98: {  	[sflag:s11] =	ssyncadd.s32 $0xFFFFC000  }
0x99: {  	[spmem:s1] =	stream.indirect.scatter.add.f32 [tilespmem:s0], [sflag:$0x2], $0x80, s31, s31, $0xb8;
	[tilespmem:$0x17A00] =	vst v63  }
0x9a: {  	_ =	swait.ge [sflag:s30], $0x4000  }
0x9b: {  	s17 =	smov.u32 s20;
	[sflag:s30] =	ssyncset.done $0x0  }
0x9c: {  	s17 =	sadd.s32 s16, s28;
	[sflag:s30] =	ssyncadd.s32 $0xFFFFC000  }
0x9d: {  	[tilespmem:s2], [sflag:$0x2] =	stream.linear.gather [hbm4b:s17+s2], $0x80, $0x38;
	[tilespmem:$0x17A00] =	vst v63  }
0x9e: {  	_ =	swait.ge [sflag:s30], $0x80  }
0x9f: {  	[sflag:s30] =	ssyncset.done $0x0  }
0xa0: {  	s22 =	sadd.s32 s16, s26;
	[sflag:s30] =	ssyncadd.s32 $0xFFFFFF80  }
0xa1: {  	[tilespmem:s31], [sflag:$0x2] =	stream.linear.gather [hbm4b:s22+s2], $0x80, $0x38;
	[tilespmem:$0x17A00] =	vst v63  }
0xa2: {  	_ =	swait.ge [sflag:s30], $0x80  }
0xa3: {  	[sflag:s30] =	ssyncset.done $0x0  }
0xa4: {  	[sflag:s30] =	ssyncadd.s32 $0xFFFFFF80  }
0xa5: {  	[tilespmem:s0], [sflag:$0x1] =	stream.indirect.gather [hbm4b:s5+s31], $0x80, s2, s31, $0xb8;
	[tilespmem:$0x17A00] =	vst v63  }
0xa6: {  	_ =	swait.ge [sflag:s11], $0x4000  }
0xa7: {  	[sflag:s11] =	ssyncset.done $0x0  }
0xa8: {  	[sflag:s11] =	ssyncadd.s32 $0xFFFFC000  }
0xa9: {  	[spmem:s1] =	stream.indirect.scatter.add.f32 [tilespmem:s0], [sflag:$0x2], $0x80, s31, s31, $0xb8;
	[tilespmem:$0x17A00] =	vst v63  }
0xaa: {  	_ =	swait.ge [sflag:s30], $0x4000  }
0xab: {  	[sflag:s30] =	ssyncset.done $0x0  }
0xac: {  	[sflag:s30] =	ssyncadd.s32 $0xFFFFC000  }
0xad: {  	[bflag:$0x0] =	sbarrier.arrive $0xFFFF  }
0xae: {  	s24 =	rddreg [dreg:$0xe]  }
0xaf: {  	[hbm:s24], [sflag:s13] =	dma.local [spmem:s15], $0x2700  }
.Ltmp5:
0xb0: {  	_ = 	snop;
	(pc) =	sbr.rel @p2 .LBB2_12-.Ltmp5, $4  }
.Ltmp6:
0xb1: {  	_ = 	snop;
	(pc) =	sbr.rel @!p2 .LBB2_13-.Ltmp6, $4  }
0xb2: {  	_ =	swait.ge [sflag:s30], $0x2700  }
0xb3: {  	[sflag:s30] =	ssyncset.done $0x0  }
0xb4: {  	s15 =	smov.u32 s8;
	[sflag:s30] =	ssyncadd.s32 $0xFFFFD900  }
0xb5: {  	_ = 	snop  }
.LBB2_7:
0xb6: {  	s19 =	rddreg [dreg:$0x3]  }
0xb7: {  	[spmem:s15], [sflag:s13] =	dma.local [hbm:s19], $0x2700  }
0xb8: {  	_ =	swait.ge [sflag:s30], $0x2700  }
0xb9: {  	[sflag:s30] =	ssyncset.done $0x0  }
0xba: {  	s19 =	rddreg [dreg:$0x4];
	[sflag:s30] =	ssyncadd.s32 $0xFFFFD900  }
0xbb: {  	[spmem:s16], [sflag:s13] =	dma.local @!p1 [hbm:s19], $0x100  }
0xbc: {  	s19 =	simm.s32 @!p1 $0x2  }
0xbd: {  	_ =	swait.ge @!p1 [sflag:s19], $0x100  }
0xbe: {  	[sflag:s19] =	ssyncset.done @!p1 $0x0  }
0xbf: {  	[sflag:s19] =	ssyncadd.s32 @!p1 $0xFFFFFF00  }
0xc0: {  	s22 =	sadd.s32 $0x0, s28;
	[bflag:$0x0] =	sbarrier.arrive $0xFFFF  }
0xc1: {  	[tilespmem:s2], [sflag:$0x2] =	stream.linear.gather [hbm4b:s22+s2], $0x80, $0x38;
	[tilespmem:$0x17A00] =	vst v63  }
0xc2: {  	_ =	swait.ge [sflag:s30], $0x80  }
0xc3: {  	[sflag:s30] =	ssyncset.done $0x0  }
0xc4: {  	s24 =	sadd.s32 $0x0, s26;
	[sflag:s30] =	ssyncadd.s32 $0xFFFFFF80  }
0xc5: {  	[tilespmem:s31], [sflag:$0x2] =	stream.linear.gather [hbm4b:s24+s2], $0x80, $0x38;
	[tilespmem:$0x17A00] =	vst v63  }
0xc6: {  	_ =	swait.ge [sflag:s30], $0x80  }
0xc7: {  	[sflag:s30] =	ssyncset.done $0x0  }
0xc8: {  	[sflag:s30] =	ssyncadd.s32 $0xFFFFFF80  }
0xc9: {  	[tilespmem:s0], [sflag:$0x1] =	stream.indirect.gather [hbm4b:s6+s31], $0x80, s2, s31, $0xb8;
	[tilespmem:$0x17A00] =	vst v63  }
0xca: {  	_ =	swait.ge [sflag:s11], $0x4000  }
0xcb: {  	[sflag:s11] =	ssyncset.done $0x0  }
0xcc: {  	[sflag:s11] =	ssyncadd.s32 $0xFFFFC000  }
0xcd: {  	[spmem:s1] =	stream.indirect.scatter.add.f32 [tilespmem:s0], [sflag:$0x2], $0x80, s31, s31, $0xb8;
	[tilespmem:$0x17A00] =	vst v63  }
0xce: {  	_ =	swait.ge [sflag:s30], $0x4000  }
0xcf: {  	s20 =	simm.s32 $0x20;
	s19 =	simm.s32 $0x10;
	[sflag:s30] =	ssyncset.done $0x0  }
.LBB2_8:
0xd0: {  	s21 =	sadd.s32 s19, s28  }
0xd1: {  	[sflag:s30] =	ssyncadd.s32 $0xFFFFC000;
	s22 =	smov.u32 s20;
	s24 =	sadd.s32 $0x10, s20  }
0xd2: {  	[tilespmem:s2], [sflag:$0x2] =	stream.linear.gather [hbm4b:s21+s2], $0x80, $0x38;
	[tilespmem:$0x17A00] =	vst v63  }
0xd3: {  	p3 =	sne.s32 s20, $0x4E0;
	_ =	swait.ge [sflag:s30], $0x80  }
0xd4: {  	[sflag:s30] =	ssyncset.done $0x0  }
0xd5: {  	s20 =	sadd.s32 s19, s26;
	s19 =	smov.u32 s22;
	[sflag:s30] =	ssyncadd.s32 $0xFFFFFF80  }
0xd6: {  	[tilespmem:s31], [sflag:$0x2] =	stream.linear.gather [hbm4b:s20+s2], $0x80, $0x38;
	[tilespmem:$0x17A00] =	vst v63  }
0xd7: {  	_ =	swait.ge [sflag:s30], $0x80  }
0xd8: {  	[sflag:s30] =	ssyncset.done $0x0  }
0xd9: {  	[sflag:s30] =	ssyncadd.s32 $0xFFFFFF80  }
0xda: {  	[tilespmem:s0], [sflag:$0x1] =	stream.indirect.gather [hbm4b:s6+s31], $0x80, s2, s31, $0xb8;
	[tilespmem:$0x17A00] =	vst v63  }
0xdb: {  	_ =	swait.ge [sflag:s11], $0x4000  }
.Ltmp7:
0xdc: {  	[sflag:s11] =	ssyncset.done $0x0;
	(pc) =	sbr.rel @p3 .LBB2_8-.Ltmp7, $4  }
0xdd: {  	[sflag:s11] =	ssyncadd.s32 $0xFFFFC000  }
0xde: {  	[spmem:s1] =	stream.indirect.scatter.add.f32 [tilespmem:s0], [sflag:$0x2], $0x80, s31, s31, $0xb8;
	[tilespmem:$0x17A00] =	vst v63  }
0xdf: {  	_ =	swait.ge [sflag:s30], $0x4000  }
0xe0: {  	s20 =	smov.u32 s24;
	[sflag:s30] =	ssyncset.done $0x0  }
0xe1: {  	s20 =	sadd.s32 s19, s28;
	[sflag:s30] =	ssyncadd.s32 $0xFFFFC000  }
0xe2: {  	[tilespmem:s2], [sflag:$0x2] =	stream.linear.gather [hbm4b:s20+s2], $0x80, $0x38;
	[tilespmem:$0x17A00] =	vst v63  }
0xe3: {  	_ =	swait.ge [sflag:s30], $0x80  }
0xe4: {  	[sflag:s30] =	ssyncset.done $0x0  }
0xe5: {  	s20 =	sadd.s32 s19, s26;
	[sflag:s30] =	ssyncadd.s32 $0xFFFFFF80  }
0xe6: {  	[tilespmem:s31], [sflag:$0x2] =	stream.linear.gather [hbm4b:s20+s2], $0x80, $0x38;
	[tilespmem:$0x17A00] =	vst v63  }
0xe7: {  	_ =	swait.ge [sflag:s30], $0x80  }
0xe8: {  	[sflag:s30] =	ssyncset.done $0x0  }
0xe9: {  	[sflag:s30] =	ssyncadd.s32 $0xFFFFFF80  }
0xea: {  	[tilespmem:s0], [sflag:$0x1] =	stream.indirect.gather [hbm4b:s6+s31], $0x80, s2, s31, $0xb8;
	[tilespmem:$0x17A00] =	vst v63  }
0xeb: {  	_ =	swait.ge [sflag:s11], $0x4000  }
0xec: {  	[sflag:s11] =	ssyncset.done $0x0  }
0xed: {  	[sflag:s11] =	ssyncadd.s32 $0xFFFFC000  }
0xee: {  	[spmem:s1] =	stream.indirect.scatter.add.f32 [tilespmem:s0], [sflag:$0x2], $0x80, s31, s31, $0xb8;
	[tilespmem:$0x17A00] =	vst v63  }
0xef: {  	_ =	swait.ge [sflag:s30], $0x4000  }
0xf0: {  	[sflag:s30] =	ssyncset.done $0x0  }
0xf1: {  	[sflag:s30] =	ssyncadd.s32 $0xFFFFC000  }
0xf2: {  	[bflag:$0x0] =	sbarrier.arrive $0xFFFF  }
0xf3: {  	s21 =	rddreg [dreg:$0x5]  }
0xf4: {  	[hbm:s21], [sflag:s13] =	dma.local [spmem:s15], $0x2700  }
0xf5: {  	_ =	swait.ge [sflag:s30], $0x2700  }
0xf6: {  	[sflag:s30] =	ssyncset.done $0x0  }
0xf7: {  	[sflag:s30] =	ssyncadd.s32 $0xFFFFD900  }
0xf8: {  	[bflag:$0x0] =	sbarrier.arrive @p1 $0xFFFF  }
0xf9: {  	[spmem:s18], [sflag:s13] =	dma.local @p1 [hbm:s14], $0x2700  }
0xfa: {  	s18 =	simm.s32 @p1 $0x2  }
0xfb: {  	_ =	swait.ge @p1 [sflag:s18], $0x2700  }
0xfc: {  	[sflag:s18] =	ssyncset.done @p1 $0x0  }
0xfd: {  	[sflag:s18] =	ssyncadd.s32 @p1 $0xFFFFD900;
	s18 =	rddreg [dreg:$0x6]  }
0xfe: {  	[hbm:s18], [sflag:s13] =	dma.local @!p1 [spmem:s16], $0x100  }
0xff: {  	s18 =	simm.s32 @!p1 $0x2  }
0x100: {  	_ =	swait.ge @!p1 [sflag:s18], $0x100  }
0x101: {  	[sflag:s18] =	ssyncset.done @!p1 $0x0  }
0x102: {  	[sflag:s18] =	ssyncadd.s32 @!p1 $0xFFFFFF00  }
0x103: {  	[bflag:$0x0] =	sbarrier.arrive @!p1 $0xFFFF  }
0x104: {  	[spmem:s17], [sflag:s13] =	dma.local @!p1 [hbm:s14], $0x2700  }
0x105: {  	_ =	swait.ge @!p1 [sflag:s18], $0x2700  }
0x106: {  	[sflag:s18] =	ssyncset.done @!p1 $0x0  }
0x107: {  	s17 =	rddreg [dreg:$0x7];
	[sflag:s18] =	ssyncadd.s32 @!p1 $0xFFFFD900  }
0x108: {  	[spmem:s16], [sflag:s13] =	dma.local @!p1 [hbm:s17], $0x100  }
0x109: {  	_ =	swait.ge @!p1 [sflag:s18], $0x100  }
0x10a: {  	[sflag:s18] =	ssyncset.done @!p1 $0x0  }
0x10b: {  	[sflag:s18] =	ssyncadd.s32 @!p1 $0xFFFFFF00  }
0x10c: {  	s22 =	sadd.s32 $0x0, s28;
	[bflag:$0x0] =	sbarrier.arrive $0xFFFF  }
0x10d: {  	[tilespmem:s2], [sflag:$0x2] =	stream.linear.gather [hbm4b:s22+s2], $0x80, $0x38;
	[tilespmem:$0x17A00] =	vst v63  }
0x10e: {  	_ =	swait.ge [sflag:s30], $0x80  }
0x10f: {  	[sflag:s30] =	ssyncset.done $0x0  }
0x110: {  	s24 =	sadd.s32 $0x0, s26;
	[sflag:s30] =	ssyncadd.s32 $0xFFFFFF80  }
0x111: {  	[tilespmem:s31], [sflag:$0x2] =	stream.linear.gather [hbm4b:s24+s2], $0x80, $0x38;
	[tilespmem:$0x17A00] =	vst v63  }
0x112: {  	_ =	swait.ge [sflag:s30], $0x80  }
0x113: {  	[sflag:s30] =	ssyncset.done $0x0  }
0x114: {  	[sflag:s30] =	ssyncadd.s32 $0xFFFFFF80  }
0x115: {  	[tilespmem:s0], [sflag:$0x1] =	stream.indirect.gather [hbm4b:s7+s31], $0x80, s2, s31, $0xb8;
	[tilespmem:$0x17A00] =	vst v63  }
0x116: {  	_ =	swait.ge [sflag:s11], $0x4000  }
0x117: {  	[sflag:s11] =	ssyncset.done $0x0  }
0x118: {  	[sflag:s11] =	ssyncadd.s32 $0xFFFFC000  }
0x119: {  	[spmem:s1] =	stream.indirect.scatter.add.f32 [tilespmem:s0], [sflag:$0x2], $0x80, s31, s31, $0xb8;
	[tilespmem:$0x17A00] =	vst v63  }
0x11a: {  	_ =	swait.ge [sflag:s30], $0x4000  }
0x11b: {  	s16 =	simm.s32 $0x10;
	s17 =	simm.s32 $0x20;
	[sflag:s30] =	ssyncset.done $0x0  }
.LBB2_10:
0x11c: {  	s18 =	sadd.s32 s16, s28  }
0x11d: {  	[sflag:s30] =	ssyncadd.s32 $0xFFFFC000;
	s19 =	smov.u32 s17;
	s20 =	sadd.s32 $0x10, s17  }
0x11e: {  	[tilespmem:s2], [sflag:$0x2] =	stream.linear.gather [hbm4b:s18+s2], $0x80, $0x38;
	[tilespmem:$0x17A00] =	vst v63  }
0x11f: {  	p3 =	sne.s32 s17, $0x4E0;
	_ =	swait.ge [sflag:s30], $0x80  }
0x120: {  	[sflag:s30] =	ssyncset.done $0x0  }
0x121: {  	s17 =	sadd.s32 s16, s26;
	s16 =	smov.u32 s19;
	[sflag:s30] =	ssyncadd.s32 $0xFFFFFF80  }
0x122: {  	[tilespmem:s31], [sflag:$0x2] =	stream.linear.gather [hbm4b:s17+s2], $0x80, $0x38;
	[tilespmem:$0x17A00] =	vst v63  }
0x123: {  	_ =	swait.ge [sflag:s30], $0x80  }
0x124: {  	[sflag:s30] =	ssyncset.done $0x0  }
0x125: {  	[sflag:s30] =	ssyncadd.s32 $0xFFFFFF80  }
0x126: {  	[tilespmem:s0], [sflag:$0x1] =	stream.indirect.gather [hbm4b:s7+s31], $0x80, s2, s31, $0xb8;
	[tilespmem:$0x17A00] =	vst v63  }
0x127: {  	_ =	swait.ge [sflag:s11], $0x4000  }
.Ltmp8:
0x128: {  	[sflag:s11] =	ssyncset.done $0x0;
	(pc) =	sbr.rel @p3 .LBB2_10-.Ltmp8, $4  }
0x129: {  	[sflag:s11] =	ssyncadd.s32 $0xFFFFC000  }
0x12a: {  	[spmem:s1] =	stream.indirect.scatter.add.f32 [tilespmem:s0], [sflag:$0x2], $0x80, s31, s31, $0xb8;
	[tilespmem:$0x17A00] =	vst v63  }
0x12b: {  	_ =	swait.ge [sflag:s30], $0x4000  }
0x12c: {  	s17 =	smov.u32 s20;
	[sflag:s30] =	ssyncset.done $0x0  }
0x12d: {  	s17 =	sadd.s32 s16, s28;
	[sflag:s30] =	ssyncadd.s32 $0xFFFFC000  }
0x12e: {  	[tilespmem:s2], [sflag:$0x2] =	stream.linear.gather [hbm4b:s17+s2], $0x80, $0x38;
	[tilespmem:$0x17A00] =	vst v63  }
0x12f: {  	_ =	swait.ge [sflag:s30], $0x80  }
0x130: {  	[sflag:s30] =	ssyncset.done $0x0  }
0x131: {  	s22 =	sadd.s32 s16, s26;
	[sflag:s30] =	ssyncadd.s32 $0xFFFFFF80  }
0x132: {  	[tilespmem:s31], [sflag:$0x2] =	stream.linear.gather [hbm4b:s22+s2], $0x80, $0x38;
	[tilespmem:$0x17A00] =	vst v63  }
0x133: {  	_ =	swait.ge [sflag:s30], $0x80  }
0x134: {  	[sflag:s30] =	ssyncset.done $0x0  }
0x135: {  	[sflag:s30] =	ssyncadd.s32 $0xFFFFFF80  }
0x136: {  	[tilespmem:s0], [sflag:$0x1] =	stream.indirect.gather [hbm4b:s7+s31], $0x80, s2, s31, $0xb8;
	[tilespmem:$0x17A00] =	vst v63  }
0x137: {  	_ =	swait.ge [sflag:s11], $0x4000  }
0x138: {  	[sflag:s11] =	ssyncset.done $0x0  }
0x139: {  	[sflag:s11] =	ssyncadd.s32 $0xFFFFC000  }
0x13a: {  	[spmem:s1] =	stream.indirect.scatter.add.f32 [tilespmem:s0], [sflag:$0x2], $0x80, s31, s31, $0xb8;
	[tilespmem:$0x17A00] =	vst v63  }
0x13b: {  	_ =	swait.ge [sflag:s30], $0x4000  }
0x13c: {  	[sflag:s30] =	ssyncset.done $0x0  }
0x13d: {  	[sflag:s30] =	ssyncadd.s32 $0xFFFFC000  }
0x13e: {  	[bflag:$0x0] =	sbarrier.arrive $0xFFFF  }
0x13f: {  	s24 =	rddreg [dreg:$0x8]  }
0x140: {  	[hbm:s24], [sflag:s13] =	dma.local [spmem:s15], $0x2700  }
.Ltmp9:
0x141: {  	_ = 	snop;
	(pc) =	sbr.rel @p1 .LBB2_13-.Ltmp9, $4  }
.Ltmp10:
0x142: {  	_ = 	snop;
	(pc) =	sbr.rel @!p1 .LBB2_12-.Ltmp10, $4  }
0x143: {  	_ =	swait.ge [sflag:s30], $0x2700  }
0x144: {  	[sflag:s30] =	ssyncset.done $0x0  }
0x145: {  	s15 =	smov.u32 s9;
	[sflag:s30] =	ssyncadd.s32 $0xFFFFD900  }
0x146: {  	_ = 	snop  }
.LBB2_14:
0x147: {  	_ =	sfence.sel $0x180000  }
0x148: {  	[bflag:$0x0] =	sbarrier.arrive $0xFFFF  }
0x149: {  	_ =	strace $0x9000004D  }
0x14a: {  	[bflag:$0x2] =	sbarrier.arrive $0xFFFF  }
0x14b: {  	p0 =	sne.s32 s3, $0x0;
	s0 =	rddreg [dreg:$0x2]  }
0x14c: {  	s0 =	sadd.s32 @!p0 $0x100000, s0  }
0x14d: {  	[sflag:s0] =	ssyncadd.tile.s32 @!p0 $0x1;
	_ =	shalt  }
.Lfunc_end2:
_tile_overlayer_lowered:
.L_overlay_start_2:
0x14e: {  	(tag) =	ssettag $0x2  }
0x14f: {  	s0 =	rddreg [dreg:$0x0];
	s2 =	stileid.u32  }
0x150: {  	s1 =	rddreg [dreg:$0x1];
	p0 =	sne.s32 s2, $0x0  }
0x151: {  	s3 =	rddreg [dreg:$0x2];
	[bflag:$0x3] =	sbarrier.arrive $0xFFFF;
	s2 =	simm.s32 @!p0 $0x1C02  }
0x152: {  	[timem:s3], [sflag:s2] =	dma.local @!p0 [hbm:s0], s1  }
0x153: {  	s0 =	simm.s32 @!p0 $0x2  }
0x154: {  	_ =	swait.ge @!p0 [sflag:s0], s1  }
0x155: {  	s1 =	ssub.s32 @!p0 $0x0, s1;
	[sflag:s0] =	ssyncset.done @!p0 $0x0  }
0x156: {  	[sflag:s0] =	ssyncadd.s32 @!p0 s1  }
0x157: {  	[bflag:$0x3] =	sbarrier.arrive $0xFFFF  }
0x158: {  	_ =	shalt  }

// kernel: kernel.21.cloned.1.call-start
scs
__scs_entry_jumppad:
0x0: {  	(pc) =	sbr.rel $0x88, $3  }
0x1: {  	(tag) =	ssettag $0x0;
	lr =	simm.s32 $0x1  }
0x2: {  	[smem:$0x3F71] =	sst lr;
	_ =	strace $0xD0000000  }
0x3: {  	_ = 	snop  }
0x4: {  	_ = 	snop  }
0x5: {  	_ = 	snop  }
0x6: {  	_ = 	snop  }
0x7: {  	_ = 	snop  }
__scs_overlays_trampoline_lowered:
0x8: {  	[smem:$0x3F80] =	sst s0  }
0x9: {  	[smem:$0x3F81] =	sst s1  }
0xa: {  	[smem:$0x3F82] =	sst s2  }
0xb: {  	[smem:$0x3F83] =	sst s3  }
0xc: {  	[smem:$0x3F84] =	sst s4  }
0xd: {  	[smem:$0x3F85] =	sst s5  }
0xe: {  	[smem:$0x3F86] =	sst s6  }
0xf: {  	[smem:$0x3F87] =	sst s7  }
0x10: {  	[smem:$0x3F88] =	sst s8  }
0x11: {  	[smem:$0x3F89] =	sst s9;
	s0 =	simm.s32 @!p0 $0x0  }
0x12: {  	s1 =	sld [smem:$0x3F6F];
	s0 =	simm.s32 @p0 $0x1  }
0x13: {  	[smem:$0x3F8A] =	sst s0;
	s0 =	simm.s32 @!p1 $0x0  }
0x14: {  	s2 =	sld [smem:$0x3F6E];
	s0 =	simm.s32 @p1 $0x1  }
0x15: {  	[smem:$0x3F8B] =	sst s0;
	s0 =	simm.s32 @!p2 $0x0  }
0x16: {  	s3 =	sld [smem:$0x3FDB];
	s0 =	simm.s32 @p2 $0x1  }
0x17: {  	s4 =	simm.s32 $0x1BF5;
	[smem:$0x3F8D] =	sst s0  }
0x18: {  	s0 =	sld [smem:$0x3F70];
	_ =	swait.ge [sflag:s4], $0x0  }
0x19: {  	s7 =	sld [smem:$0x3F71]  }
0x1a: {  	s8 =	sadd.s32 $0xFFFFE003, lr  }
0x1b: {  	s9 =	sadd.s32 $0xFFFFFEF7, lr;
	s5 =	simm.s32 $0xFFFFFFFF;
	p2 =	slt.u32 s8, $0xFFFFF086  }
0x1c: {  	p1 =	slt.u32 s9, $0xF7A;
	s5 =	simm.s32 @!p2 $0x0  }
0x1d: {  	s5 =	simm.s32 @p1 $0x1;
	p0 =	seq.s32 s7, s2  }
0x1e: {  	s7 =	smul.u32 @!p0 $0xF7A, s2;
	p2 =	seq.s32 @!p0 s5, $0x0  }
0x1f: {  	s9 =	smul.u32 $0xF7A, s1;
	s8 =	simm.s32 @!p0 $0x1BF5;
	p2 =	por !p2, p0  }
0x20: {  	[sflag:s8] =	ssyncset.s32 @!p0 $0xFFFFF086;
	s6 =	sadd.s32 @!p0 s3, s7;
	s7 =	simm.s32 @!p0 $0x108  }
0x21: {  	s3 =	sadd.s32 s3, s9;
	s6 =	sadd.s32 @!p0 $0x88, s6;
	s7 =	simm.s32 @p2 $0x1082  }
0x22: {  	[simem:s7], [sflag:s8] =	dma.local @!p0 [hbm:s6], $0xF7A  }
0x23: {  	s9 =	sor.u32 $0xD0000000, s2;
	s6 =	simm.s32 $0x108;
	_ =	swait.ge @!p0 [sflag:s8], $0x0  }
0x24: {  	s3 =	sadd.s32 $0x88, s3;
	s6 =	simm.s32 @!p1 $0x1082;
	[sflag:s4] =	ssyncset.s32 $0xFFFFF086  }
0x25: {  	[simem:s6], [sflag:s4] =	dma.local [hbm:s3], $0xF7A  }
0x26: {  	[smem:$0x3F71] =	sst s1;
	(tag) =	ssettag s2;
	_ =	strace s9  }
0x27: {  	s1 =	sld [smem:$0x3F81]  }
0x28: {  	s2 =	sld [smem:$0x3F82]  }
0x29: {  	s4 =	sld [smem:$0x3F84]  }
0x2a: {  	p0 =	seq.s32 s5, $0x0;
	s5 =	sld [smem:$0x3F85]  }
0x2b: {  	s6 =	sld [smem:$0x3F86]  }
0x2c: {  	s7 =	sld [smem:$0x3F87]  }
0x2d: {  	s3 =	simm.s32 $0x108;
	s8 =	sld [smem:$0x3F88]  }
0x2e: {  	s3 =	simm.s32 @!p0 $0x1082;
	s9 =	sld [smem:$0x3F89]  }
0x2f: {  	lr =	sadd.s32 s0, s3;
	s0 =	sld [smem:$0x3F80]  }
0x30: {  	s3 =	sld [smem:$0x3F83]  }
0x31: {  	[smem:$0x3F8C] =	sst s10  }
0x32: {  	s10 =	sld [smem:$0x3F8A];
	_ =	sdelay $0x3  }
0x33: {  	p0 =	seq.s32 s10, $0x1;
	s10 =	sld [smem:$0x3F8C];
	_ =	sdelay $0x3  }
0x34: {  	[smem:$0x3F8C] =	sst s10  }
0x35: {  	s10 =	sld [smem:$0x3F8B];
	_ =	sdelay $0x3  }
0x36: {  	p1 =	seq.s32 s10, $0x1;
	s10 =	sld [smem:$0x3F8C];
	_ =	sdelay $0x3  }
0x37: {  	[smem:$0x3F8C] =	sst s10  }
0x38: {  	s10 =	sld [smem:$0x3F8D]  }
0x39: {  	_ = 	snop;
	(pc) =	sbr.ind lr, $3  }
0x3a: {  	_ = 	snop  }
0x3b: {  	_ = 	snop  }
0x3c: {  	p2 =	seq.s32 s10, $0x1;
	s10 =	sld [smem:$0x3F8C]  }
0x3d: {  	_ =	shalt  }
0x3e: {  	_ =	shalt  }
0x3f: {  	_ =	shalt  }
0x40: {  	_ =	shalt  }
0x41: {  	_ =	shalt  }
0x42: {  	_ =	shalt  }
0x43: {  	_ =	shalt  }
0x44: {  	_ =	shalt  }
0x45: {  	_ =	shalt  }
0x46: {  	_ =	shalt  }
0x47: {  	_ =	shalt  }
0x48: {  	_ =	shalt  }
0x49: {  	_ =	shalt  }
0x4a: {  	_ =	shalt  }
0x4b: {  	_ =	shalt  }
0x4c: {  	_ =	shalt  }
0x4d: {  	_ =	shalt  }
0x4e: {  	_ =	shalt  }
0x4f: {  	_ =	shalt  }
0x50: {  	_ =	shalt  }
0x51: {  	_ =	shalt  }
0x52: {  	_ =	shalt  }
0x53: {  	_ =	shalt  }
0x54: {  	_ =	shalt  }
0x55: {  	_ =	shalt  }
0x56: {  	_ =	shalt  }
0x57: {  	_ =	shalt  }
0x58: {  	_ =	shalt  }
0x59: {  	_ =	shalt  }
0x5a: {  	_ =	shalt  }
0x5b: {  	_ =	shalt  }
0x5c: {  	_ =	shalt  }
0x5d: {  	_ =	shalt  }
0x5e: {  	_ =	shalt  }
0x5f: {  	_ =	shalt  }
0x60: {  	_ =	shalt  }
0x61: {  	_ =	shalt  }
0x62: {  	_ =	shalt  }
0x63: {  	_ =	shalt  }
0x64: {  	_ =	shalt  }
0x65: {  	_ =	shalt  }
0x66: {  	_ =	shalt  }
0x67: {  	_ =	shalt  }
0x68: {  	_ =	shalt  }
0x69: {  	_ =	shalt  }
0x6a: {  	_ =	shalt  }
0x6b: {  	_ =	shalt  }
0x6c: {  	_ =	shalt  }
0x6d: {  	_ =	shalt  }
0x6e: {  	_ =	shalt  }
0x6f: {  	_ =	shalt  }
0x70: {  	_ =	shalt  }
0x71: {  	_ =	shalt  }
0x72: {  	_ =	shalt  }
0x73: {  	_ =	shalt  }
0x74: {  	_ =	shalt  }
0x75: {  	_ =	shalt  }
0x76: {  	_ =	shalt  }
0x77: {  	_ =	shalt  }
0x78: {  	_ =	shalt  }
0x79: {  	_ =	shalt  }
0x7a: {  	_ =	shalt  }
0x7b: {  	_ =	shalt  }
0x7c: {  	_ =	shalt  }
0x7d: {  	_ =	shalt  }
0x7e: {  	_ =	shalt  }
0x7f: {  	_ =	shalt  }
0x80: {  	_ =	shalt  }
0x81: {  	_ =	shalt  }
0x82: {  	_ =	shalt  }
0x83: {  	_ =	shalt  }
0x84: {  	_ =	shalt  }
0x85: {  	_ =	shalt  }
0x86: {  	_ =	shalt  }
0x87: {  	_ =	shalt  }
.Lfunc_end0:
.L_simem_size_0:
called_computation.3_lowered:
.L_overlay_start_0:
0x88: {  	s2 =	sld [smem:$0x3FD9]  }
0x89: {  	s3 =	sld [smem:$0x3FFE];
	_ =	sdelay $0x1  }
0x8a: {  	s1 =	srdreg.scid  }
0x8b: {  	s0 =	sand.u32 $0x1, s1  }
0x8c: {  	s16 =	sshll.u32 s0, $0xA;
	s2 =	sadd.s32 s3, s2  }
0x8d: {  	s2 =	sadd.s32 s2, s16  }
0x8e: {  	[smem:$0x3F98] =	sst s2  }
0x8f: {  	_ = 	snop  }
0x90: {  	(tm) =	ssettm $0x1  }
0x91: {  	s17 =	sld [smem:$0x3FFB];
	_ =	sdelay $0x3  }
0x92: {  	_ =	strace s17  }
0x93: {  	s2 =	sld [smem:$0x3FFC];
	_ =	sdelay $0x3  }
0x94: {  	_ =	strace s2  }
0x95: {  	s2 =	sld [smem:$0x3FFD];
	_ =	sdelay $0x3  }
0x96: {  	_ =	strace s2  }
0x97: {  	_ =	strace $0x8FFFFFFF  }
0x98: {  	s18 =	sld [smem:$0x3FDB];
	_ =	sdelay $0x1  }
0x99: {  	s19 =	simm.s32 $_scs_section_size  }
0x9a: {  	s4 =	simm.s32 $_size__tile_overlayer_lowered;
	s5 =	simm.s32 $_tile_overlayer_lowered  }
0x9b: {  	s22 =	simm.s32 $0x1BFF;
	s21 =	sshll.u32 s5, $0x1;
	s2 =	sadd.s32 s19, s18  }
0x9c: {  	s6 =	simm.s32 $0x0;
	s20 =	sshll.u32 s4, $0x1;
	s4 =	sadd.s32 s21, s2  }
0x9d: {  	[timem:s6], [sflag:s22] =	dma.local [hbm:s4], s20  }
0x9e: {  	_ =	swait.ge [sflag:s22], s20  }
0x9f: {  	s3 =	ssub.s32 $0x0, s20;
	[sflag:s22] =	ssyncset.done $0x0  }
0xa0: {  	[sflag:s22] =	ssyncadd.s32 s3;
	_ =	sdelay $0x1  }
0xa1: {  	s23 =	simm.s32 $0x1B8B  }
0xa2: {  	_ =	swait.ge [sflag:s23], $0x1  }
0xa3: {  	[sflag:s23] =	ssyncset.done $0x0  }
0xa4: {  	s25 =	simm.s32 $0x1B8E;
	s24 =	sld [smem:$0x3FFE];
	[sflag:s23] =	ssyncadd.s32 $0xFFFFFFFF  }
0xa5: {  	s26 =	simm.s32 $execute0_lowered;
	[smem:$0x3FD2] =	sst s25  }
0xa6: {  	s4 =	sshll.u32 s26, $0x1;
	_ =	strace $0x8000004F;
	[dreg:$0x1] =	wrdreg $0xFFFFFFFF  }
0xa7: {  	s28 =	simm.s32 $_size_execute0_lowered;
	s2 =	sadd.s32 s2, s4;
	[dreg:$0x0] =	wrdreg $0x0  }
0xa8: {  	s4 =	sshll.u32 s28, $0x1;
	[dreg:$0x2] =	wrdreg s2  }
0xa9: {  	[dreg:$0x3] =	wrdreg s4  }
0xaa: {  	[dreg:$0x4] =	wrdreg $0xC0  }
0xab: {  	_ =	task [dreg:s6], $0x5FFFF  }
0xac: {  	[dreg:$0x1] =	wrdreg $0xFFFFFFFF  }
0xad: {  	[dreg:$0x0] =	wrdreg $0x60  }
0xae: {  	[dreg:$0x2] =	wrdreg s24  }
0xaf: {  	[dreg:$0x3] =	wrdreg $0x41000  }
0xb0: {  	[dreg:$0x4] =	wrdreg $0x9  }
0xb1: {  	_ =	task.clear_ibuf [dreg:s6], $0x5FFFF;
	_ =	strace $0x9000004F  }
0xb2: {  	s29 =	simm.s32 $0x9;
	_ =	strace $0x80000051  }
0xb3: {  	_ =	swait.ge [sflag:s29], $0x1  }
0xb4: {  	[sflag:s29] =	ssyncadd.s32 $0xFFFFFFFF  }
0xb5: {  	_ =	strace $0x90000051  }
0xb6: {  	_ =	sfence  }
0xb7: {  	s30 =	sld [smem:$0x0];
	_ =	sdelay $0x2  }
0xb8: {  	s31 =	sshll.u32 s1, $0xD;
	s1 =	sshrl.u32 s1, $0x2  }
0xb9: {  	s3 =	sand.u32 $0x4000, s31;
	s1 =	sadd.s32 s1, s30  }
0xba: {  	s0 =	sor.u32 s3, s0;
	s1 =	sshll.u32 s1, $0x11  }
0xbb: {  	s0 =	sor.u32 s1, s0  }
0xbc: {  	s0 =	sadd.s32 $0x8F2B, s0  }
0xbd: {  	[sflag:s0] =	ssyncadd.remote.s32 $0x1  }
0xbe: {  	_ =	sfence.sel $0xFFFF  }
0xbf: {  	[dreg:$0x0] =	wrdreg $0xFFFFFFFF;
	(pc) =	sbr.abs _section_cstart, $3  }
0xc0: {  	[dreg:$0x1] =	wrdreg $0xFFFFFFFF  }
0xc1: {  	_ =	task.clear_ibuf [dreg:s6], $0x2FFFF;
	_ =	strace $0x9FFFFFFF  }
0xc2: {  	(tm) =	ssettm $0x7FFFFFFF  }
0xc3: {  	_ =	shalt  }
tec
execute0_lowered:
.L_overlay_start_1:
0x0: {  	(tag) =	ssettag $0x1  }
0x1: {  	s0 =	rddreg [dreg:$0x0]  }
0x2: {  	s1 =	rddreg [dreg:$0x1];
	s2 =	simm.s32 $0x0  }
0x3: {  	s3 =	stileid.u32;
	s9 =	srdreg.scid;
	s4 =	sadd.s32 $0x150800, s0  }
0x4: {  	s30 =	simm.s32 $0x2;
	s5 =	sadd.s32 $0x177A00, s0;
	s6 =	sadd.s32 $0x19EC00, s0  }
0x5: {  	[smem:$0x7FF] =	sst s2;
	s8 =	smul.u32 $0x4F0, s3;
	s7 =	sadd.s32 $0x1C5E00, s0  }
0x6: {  	s11 =	smul.u32 $0x2700, s3;
	s12 =	sand.u32 $0x1, s9;
	s9 =	sadd.s32 $0x262600, s0  }
0x7: {  	s31 =	simm.s32 $0x80;
	s19 =	sadd.s32 $0x1C5C00, s0;
	s21 =	sadd.s32 $0x1ECE00, s0  }
0x8: {  	s14 =	smul.u32 $0x4E000, s3;
	s24 =	sadd.s32 $0x177800, s0;
	s25 =	sadd.s32 $0x214000, s0  }
0x9: {  	p1 =	sne.s32 s3, $0xF;
	_ =	strace $0x80000050;
	[dreg:$0x4] =	wrdreg s19  }
0xa: {  	p2 =	seq.s32 s3, $0xF;
	s29 =	sadd.s32 $0x138000, s1;
	[dreg:$0x7] =	wrdreg s21  }
0xb: {  	s10 =	ssub.s32 $0x2, s12;
	[dreg:$0xa] =	wrdreg s24;
	p0 =	sne.s32 s12, $0x0  }
0xc: {  	[dreg:$0xc] =	wrdreg s25;
	s12 =	simm.s32 $0x0;
	s13 =	sadd.s32 s8, s0  }
0xd: {  	s15 =	sadd.s32 s11, s0;
	s8 =	sadd.s32 $0x214200, s0;
	s18 =	sadd.s32 s6, s11  }
0xe: {  	s16 =	sshrl.u32 s10, $0x1;
	s22 =	sadd.s32 s9, s11;
	[dreg:$0x3] =	wrdreg s18  }
0xf: {  	s17 =	sshrl.u32 s14, $0x2;
	s23 =	sadd.s32 s4, s11;
	[dreg:$0x8] =	wrdreg s22  }
0x10: {  	s16 =	ssub.s32 s10, s16;
	s20 =	sadd.s32 $0x23B400, s15;
	[dreg:$0x9] =	wrdreg s23  }
0x11: {  	s10 =	sadd.s32 s17, s1;
	s17 =	sadd.s32 $0x262400, s0;
	[dreg:$0x5] =	wrdreg s20  }
.Ltmp0:
0x12: {  	s15 =	sadd.s32 $0x1ED000, s15;
	[dreg:$0x6] =	wrdreg s17;
	(pc) =	sbr.rel .LBB2_1-.Ltmp0, $4  }
0x13: {  	s14 =	sadd.s32 s7, s11;
	s0 =	sadd.s32 $0x19EA00, s0;
	[dreg:$0xb] =	wrdreg s15  }
0x14: {  	s23 =	sadd.s32 s5, s11;
	s26 =	sadd.s32 s8, s11;
	[dreg:$0xd] =	wrdreg s0  }
0x15: {  	s28 =	sadd.s32 $0xD800, s13;
	s11 =	simm.s32 $0x1;
	[dreg:$0xe] =	wrdreg s26  }
0x16: {  	s25 =	smax.u32 s16, $0x1;
	s26 =	sadd.s32 $0x12800, s13;
	s0 =	simm.s32 $0x100  }
.LBB2_12:
0x17: {  	s15 =	sadd.s32 $0x27000, s15;
	s16 =	sshrl.u32 s29, $0x3  }
0x18: {  	[hbm:s15], [sflag:s13] =	dma.local [spmem:s16], $0x100  }
0x19: {  	_ =	swait.ge [sflag:s30], $0x100  }
0x1a: {  	[sflag:s30] =	ssyncset.done $0x0  }
0x1b: {  	[sflag:s30] =	ssyncadd.s32 $0xFFFFFF00  }
.LBB2_13:
0x1c: {  	s12 =	sadd.s32 $0x1, s12  }
0x1d: {  	p3 =	sne.s32 s12, s25  }
.Ltmp1:
0x1e: {  	_ = 	snop;
	(pc) =	sbr.rel @!p3 .LBB2_14-.Ltmp1, $2  }
0x1f: {  	_ =	sdelay $0x1  }
0x20: {  	[bflag:$0x0] =	sbarrier.arrive $0xFFFF;
	_ =	sdelay $0x1  }
.LBB2_1:
.Ltmp2:
0x21: {  	(pc) =	sbr.rel @p0 .LBB2_7-.Ltmp2, $3  }
0x22: {  	_ =	sdelay $0x1  }
0x23: {  	s19 =	sshll.u32 s3, $0x6;
	s15 =	sshrl.u32 s10, $0x3;
	s16 =	sshrl.u32 @!p1 s29, $0x3  }
0x24: {  	s18 =	sshrl.u32 @p1 s10, $0x3;
	s17 =	sshrl.u32 @!p1 s10, $0x3;
	s13 =	sor.u32 $0x1C02, s19  }
0x25: {  	s13 =	sor.u32 $0x1C02, s19;
	s21 =	rddreg [dreg:$0x9]  }
0x26: {  	[spmem:s15], [sflag:s13] =	dma.local [hbm:s21], $0x2700  }
0x27: {  	_ =	swait.ge [sflag:s30], $0x2700  }
0x28: {  	[sflag:s30] =	ssyncset.done $0x0  }
0x29: {  	s19 =	rddreg [dreg:$0xa];
	[sflag:s30] =	ssyncadd.s32 $0xFFFFD900  }
0x2a: {  	[spmem:s16], [sflag:s13] =	dma.local @!p1 [hbm:s19], $0x100  }
0x2b: {  	s19 =	simm.s32 @!p1 $0x2  }
0x2c: {  	_ =	swait.ge @!p1 [sflag:s19], $0x100  }
0x2d: {  	[sflag:s19] =	ssyncset.done @!p1 $0x0  }
0x2e: {  	[sflag:s19] =	ssyncadd.s32 @!p1 $0xFFFFFF00  }
0x2f: {  	s22 =	sadd.s32 $0x0, s28;
	[bflag:$0x0] =	sbarrier.arrive $0xFFFF  }
0x30: {  	[tilespmem:s2], [sflag:$0x2] =	stream.linear.gather [hbm4b:s22+s2], $0x80, $0x38;
	[tilespmem:$0x17A00] =	vst v63  }
0x31: {  	_ =	swait.ge [sflag:s30], $0x80  }
0x32: {  	[sflag:s30] =	ssyncset.done $0x0  }
0x33: {  	s24 =	sadd.s32 $0x0, s26;
	[sflag:s30] =	ssyncadd.s32 $0xFFFFFF80  }
0x34: {  	[tilespmem:s31], [sflag:$0x2] =	stream.linear.gather [hbm4b:s24+s2], $0x80, $0x38;
	[tilespmem:$0x17A00] =	vst v63  }
0x35: {  	_ =	swait.ge [sflag:s30], $0x80  }
0x36: {  	[sflag:s30] =	ssyncset.done $0x0  }
0x37: {  	[sflag:s30] =	ssyncadd.s32 $0xFFFFFF80  }
0x38: {  	[tilespmem:s0], [sflag:$0x1] =	stream.indirect.gather [hbm4b:s4+s31], $0x80, s2, s31, $0xb8;
	[tilespmem:$0x17A00] =	vst v63  }
0x39: {  	_ =	swait.ge [sflag:s11], $0x4000  }
0x3a: {  	[sflag:s11] =	ssyncset.done $0x0  }
0x3b: {  	[sflag:s11] =	ssyncadd.s32 $0xFFFFC000  }
0x3c: {  	[spmem:s1] =	stream.indirect.scatter.add.f32 [tilespmem:s0], [sflag:$0x2], $0x80, s31, s31, $0xb8;
	[tilespmem:$0x17A00] =	vst v63  }
0x3d: {  	_ =	swait.ge [sflag:s30], $0x4000  }
0x3e: {  	s20 =	simm.s32 $0x20;
	s19 =	simm.s32 $0x10;
	[sflag:s30] =	ssyncset.done $0x0  }
.LBB2_3:
0x3f: {  	s21 =	sadd.s32 s19, s28  }
0x40: {  	[sflag:s30] =	ssyncadd.s32 $0xFFFFC000;
	s22 =	smov.u32 s20;
	s24 =	sadd.s32 $0x10, s20  }
0x41: {  	[tilespmem:s2], [sflag:$0x2] =	stream.linear.gather [hbm4b:s21+s2], $0x80, $0x38;
	[tilespmem:$0x17A00] =	vst v63  }
0x42: {  	p3 =	sne.s32 s20, $0x4E0;
	_ =	swait.ge [sflag:s30], $0x80  }
0x43: {  	[sflag:s30] =	ssyncset.done $0x0  }
0x44: {  	s20 =	sadd.s32 s19, s26;
	s19 =	smov.u32 s22;
	[sflag:s30] =	ssyncadd.s32 $0xFFFFFF80  }
0x45: {  	[tilespmem:s31], [sflag:$0x2] =	stream.linear.gather [hbm4b:s20+s2], $0x80, $0x38;
	[tilespmem:$0x17A00] =	vst v63  }
0x46: {  	_ =	swait.ge [sflag:s30], $0x80  }
0x47: {  	[sflag:s30] =	ssyncset.done $0x0  }
0x48: {  	[sflag:s30] =	ssyncadd.s32 $0xFFFFFF80  }
0x49: {  	[tilespmem:s0], [sflag:$0x1] =	stream.indirect.gather [hbm4b:s4+s31], $0x80, s2, s31, $0xb8;
	[tilespmem:$0x17A00] =	vst v63  }
0x4a: {  	_ =	swait.ge [sflag:s11], $0x4000  }
.Ltmp3:
0x4b: {  	[sflag:s11] =	ssyncset.done $0x0;
	(pc) =	sbr.rel @p3 .LBB2_3-.Ltmp3, $4  }
0x4c: {  	[sflag:s11] =	ssyncadd.s32 $0xFFFFC000  }
0x4d: {  	[spmem:s1] =	stream.indirect.scatter.add.f32 [tilespmem:s0], [sflag:$0x2], $0x80, s31, s31, $0xb8;
	[tilespmem:$0x17A00] =	vst v63  }
0x4e: {  	_ =	swait.ge [sflag:s30], $0x4000  }
0x4f: {  	s20 =	smov.u32 s24;
	[sflag:s30] =	ssyncset.done $0x0  }
0x50: {  	s20 =	sadd.s32 s19, s28;
	[sflag:s30] =	ssyncadd.s32 $0xFFFFC000  }
0x51: {  	[tilespmem:s2], [sflag:$0x2] =	stream.linear.gather [hbm4b:s20+s2], $0x80, $0x38;
	[tilespmem:$0x17A00] =	vst v63  }
0x52: {  	_ =	swait.ge [sflag:s30], $0x80  }
0x53: {  	[sflag:s30] =	ssyncset.done $0x0  }
0x54: {  	s20 =	sadd.s32 s19, s26;
	[sflag:s30] =	ssyncadd.s32 $0xFFFFFF80  }
0x55: {  	[tilespmem:s31], [sflag:$0x2] =	stream.linear.gather [hbm4b:s20+s2], $0x80, $0x38;
	[tilespmem:$0x17A00] =	vst v63  }
0x56: {  	_ =	swait.ge [sflag:s30], $0x80  }
0x57: {  	[sflag:s30] =	ssyncset.done $0x0  }
0x58: {  	[sflag:s30] =	ssyncadd.s32 $0xFFFFFF80  }
0x59: {  	[tilespmem:s0], [sflag:$0x1] =	stream.indirect.gather [hbm4b:s4+s31], $0x80, s2, s31, $0xb8;
	[tilespmem:$0x17A00] =	vst v63  }
0x5a: {  	_ =	swait.ge [sflag:s11], $0x4000  }
0x5b: {  	[sflag:s11] =	ssyncset.done $0x0  }
0x5c: {  	[sflag:s11] =	ssyncadd.s32 $0xFFFFC000  }
0x5d: {  	[spmem:s1] =	stream.indirect.scatter.add.f32 [tilespmem:s0], [sflag:$0x2], $0x80, s31, s31, $0xb8;
	[tilespmem:$0x17A00] =	vst v63  }
0x5e: {  	_ =	swait.ge [sflag:s30], $0x4000  }
0x5f: {  	[sflag:s30] =	ssyncset.done $0x0  }
0x60: {  	[sflag:s30] =	ssyncadd.s32 $0xFFFFC000  }
0x61: {  	[bflag:$0x0] =	sbarrier.arrive $0xFFFF  }
0x62: {  	s21 =	rddreg [dreg:$0xb]  }
0x63: {  	[hbm:s21], [sflag:s13] =	dma.local [spmem:s15], $0x2700  }
0x64: {  	_ =	swait.ge [sflag:s30], $0x2700  }
0x65: {  	[sflag:s30] =	ssyncset.done $0x0  }
0x66: {  	[sflag:s30] =	ssyncadd.s32 $0xFFFFD900  }
0x67: {  	[bflag:$0x0] =	sbarrier.arrive @p1 $0xFFFF  }
0x68: {  	[spmem:s18], [sflag:s13] =	dma.local @p1 [hbm:s23], $0x2700  }
0x69: {  	s18 =	simm.s32 @p1 $0x2  }
0x6a: {  	_ =	swait.ge @p1 [sflag:s18], $0x2700  }
0x6b: {  	[sflag:s18] =	ssyncset.done @p1 $0x0  }
0x6c: {  	[sflag:s18] =	ssyncadd.s32 @p1 $0xFFFFD900;
	s18 =	rddreg [dreg:$0xc]  }
0x6d: {  	[hbm:s18], [sflag:s13] =	dma.local @!p1 [spmem:s16], $0x100  }
0x6e: {  	s18 =	simm.s32 @!p1 $0x2  }
0x6f: {  	_ =	swait.ge @!p1 [sflag:s18], $0x100  }
0x70: {  	[sflag:s18] =	ssyncset.done @!p1 $0x0  }
0x71: {  	[sflag:s18] =	ssyncadd.s32 @!p1 $0xFFFFFF00  }
0x72: {  	[bflag:$0x0] =	sbarrier.arrive @!p1 $0xFFFF  }
0x73: {  	[spmem:s17], [sflag:s13] =	dma.local @!p1 [hbm:s23], $0x2700  }
0x74: {  	_ =	swait.ge @!p1 [sflag:s18], $0x2700  }
0x75: {  	[sflag:s18] =	ssyncset.done @!p1 $0x0  }
0x76: {  	s17 =	rddreg [dreg:$0xd];
	[sflag:s18] =	ssyncadd.s32 @!p1 $0xFFFFD900  }
0x77: {  	[spmem:s16], [sflag:s13] =	dma.local @!p1 [hbm:s17], $0x100  }
0x78: {  	_ =	swait.ge @!p1 [sflag:s18], $0x100  }
0x79: {  	[sflag:s18] =	ssyncset.done @!p1 $0x0  }
0x7a: {  	[sflag:s18] =	ssyncadd.s32 @!p1 $0xFFFFFF00  }
0x7b: {  	s22 =	sadd.s32 $0x0, s28;
	[bflag:$0x0] =	sbarrier.arrive $0xFFFF  }
0x7c: {  	[tilespmem:s2], [sflag:$0x2] =	stream.linear.gather [hbm4b:s22+s2], $0x80, $0x38;
	[tilespmem:$0x17A00] =	vst v63  }
0x7d: {  	_ =	swait.ge [sflag:s30], $0x80  }
0x7e: {  	[sflag:s30] =	ssyncset.done $0x0  }
0x7f: {  	s24 =	sadd.s32 $0x0, s26;
	[sflag:s30] =	ssyncadd.s32 $0xFFFFFF80  }
0x80: {  	[tilespmem:s31], [sflag:$0x2] =	stream.linear.gather [hbm4b:s24+s2], $0x80, $0x38;
	[tilespmem:$0x17A00] =	vst v63  }
0x81: {  	_ =	swait.ge [sflag:s30], $0x80  }
0x82: {  	[sflag:s30] =	ssyncset.done $0x0  }
0x83: {  	[sflag:s30] =	ssyncadd.s32 $0xFFFFFF80  }
0x84: {  	[tilespmem:s0], [sflag:$0x1] =	stream.indirect.gather [hbm4b:s5+s31], $0x80, s2, s31, $0xb8;
	[tilespmem:$0x17A00] =	vst v63  }
0x85: {  	_ =	swait.ge [sflag:s11], $0x4000  }
0x86: {  	[sflag:s11] =	ssyncset.done $0x0  }
0x87: {  	[sflag:s11] =	ssyncadd.s32 $0xFFFFC000  }
0x88: {  	[spmem:s1] =	stream.indirect.scatter.add.f32 [tilespmem:s0], [sflag:$0x2], $0x80, s31, s31, $0xb8;
	[tilespmem:$0x17A00] =	vst v63  }
0x89: {  	_ =	swait.ge [sflag:s30], $0x4000  }
0x8a: {  	s16 =	simm.s32 $0x10;
	s17 =	simm.s32 $0x20;
	[sflag:s30] =	ssyncset.done $0x0  }
.LBB2_5:
0x8b: {  	s18 =	sadd.s32 s16, s28  }
0x8c: {  	[sflag:s30] =	ssyncadd.s32 $0xFFFFC000;
	s19 =	smov.u32 s17;
	s20 =	sadd.s32 $0x10, s17  }
0x8d: {  	[tilespmem:s2], [sflag:$0x2] =	stream.linear.gather [hbm4b:s18+s2], $0x80, $0x38;
	[tilespmem:$0x17A00] =	vst v63  }
0x8e: {  	p3 =	sne.s32 s17, $0x4E0;
	_ =	swait.ge [sflag:s30], $0x80  }
0x8f: {  	[sflag:s30] =	ssyncset.done $0x0  }
0x90: {  	s17 =	sadd.s32 s16, s26;
	s16 =	smov.u32 s19;
	[sflag:s30] =	ssyncadd.s32 $0xFFFFFF80  }
0x91: {  	[tilespmem:s31], [sflag:$0x2] =	stream.linear.gather [hbm4b:s17+s2], $0x80, $0x38;
	[tilespmem:$0x17A00] =	vst v63  }
0x92: {  	_ =	swait.ge [sflag:s30], $0x80  }
0x93: {  	[sflag:s30] =	ssyncset.done $0x0  }
0x94: {  	[sflag:s30] =	ssyncadd.s32 $0xFFFFFF80  }
0x95: {  	[tilespmem:s0], [sflag:$0x1] =	stream.indirect.gather [hbm4b:s5+s31], $0x80, s2, s31, $0xb8;
	[tilespmem:$0x17A00] =	vst v63  }
0x96: {  	_ =	swait.ge [sflag:s11], $0x4000  }
.Ltmp4:
0x97: {  	[sflag:s11] =	ssyncset.done $0x0;
	(pc) =	sbr.rel @p3 .LBB2_5-.Ltmp4, $4  }
0x98: {  	[sflag:s11] =	ssyncadd.s32 $0xFFFFC000  }
0x99: {  	[spmem:s1] =	stream.indirect.scatter.add.f32 [tilespmem:s0], [sflag:$0x2], $0x80, s31, s31, $0xb8;
	[tilespmem:$0x17A00] =	vst v63  }
0x9a: {  	_ =	swait.ge [sflag:s30], $0x4000  }
0x9b: {  	s17 =	smov.u32 s20;
	[sflag:s30] =	ssyncset.done $0x0  }
0x9c: {  	s17 =	sadd.s32 s16, s28;
	[sflag:s30] =	ssyncadd.s32 $0xFFFFC000  }
0x9d: {  	[tilespmem:s2], [sflag:$0x2] =	stream.linear.gather [hbm4b:s17+s2], $0x80, $0x38;
	[tilespmem:$0x17A00] =	vst v63  }
0x9e: {  	_ =	swait.ge [sflag:s30], $0x80  }
0x9f: {  	[sflag:s30] =	ssyncset.done $0x0  }
0xa0: {  	s22 =	sadd.s32 s16, s26;
	[sflag:s30] =	ssyncadd.s32 $0xFFFFFF80  }
0xa1: {  	[tilespmem:s31], [sflag:$0x2] =	stream.linear.gather [hbm4b:s22+s2], $0x80, $0x38;
	[tilespmem:$0x17A00] =	vst v63  }
0xa2: {  	_ =	swait.ge [sflag:s30], $0x80  }
0xa3: {  	[sflag:s30] =	ssyncset.done $0x0  }
0xa4: {  	[sflag:s30] =	ssyncadd.s32 $0xFFFFFF80  }
0xa5: {  	[tilespmem:s0], [sflag:$0x1] =	stream.indirect.gather [hbm4b:s5+s31], $0x80, s2, s31, $0xb8;
	[tilespmem:$0x17A00] =	vst v63  }
0xa6: {  	_ =	swait.ge [sflag:s11], $0x4000  }
0xa7: {  	[sflag:s11] =	ssyncset.done $0x0  }
0xa8: {  	[sflag:s11] =	ssyncadd.s32 $0xFFFFC000  }
0xa9: {  	[spmem:s1] =	stream.indirect.scatter.add.f32 [tilespmem:s0], [sflag:$0x2], $0x80, s31, s31, $0xb8;
	[tilespmem:$0x17A00] =	vst v63  }
0xaa: {  	_ =	swait.ge [sflag:s30], $0x4000  }
0xab: {  	[sflag:s30] =	ssyncset.done $0x0  }
0xac: {  	[sflag:s30] =	ssyncadd.s32 $0xFFFFC000  }
0xad: {  	[bflag:$0x0] =	sbarrier.arrive $0xFFFF  }
0xae: {  	s24 =	rddreg [dreg:$0xe]  }
0xaf: {  	[hbm:s24], [sflag:s13] =	dma.local [spmem:s15], $0x2700  }
.Ltmp5:
0xb0: {  	_ = 	snop;
	(pc) =	sbr.rel @p2 .LBB2_12-.Ltmp5, $4  }
.Ltmp6:
0xb1: {  	_ = 	snop;
	(pc) =	sbr.rel @!p2 .LBB2_13-.Ltmp6, $4  }
0xb2: {  	_ =	swait.ge [sflag:s30], $0x2700  }
0xb3: {  	[sflag:s30] =	ssyncset.done $0x0  }
0xb4: {  	s15 =	smov.u32 s8;
	[sflag:s30] =	ssyncadd.s32 $0xFFFFD900  }
0xb5: {  	_ = 	snop  }
.LBB2_7:
0xb6: {  	s19 =	rddreg [dreg:$0x3]  }
0xb7: {  	[spmem:s15], [sflag:s13] =	dma.local [hbm:s19], $0x2700  }
0xb8: {  	_ =	swait.ge [sflag:s30], $0x2700  }
0xb9: {  	[sflag:s30] =	ssyncset.done $0x0  }
0xba: {  	s19 =	rddreg [dreg:$0x4];
	[sflag:s30] =	ssyncadd.s32 $0xFFFFD900  }
0xbb: {  	[spmem:s16], [sflag:s13] =	dma.local @!p1 [hbm:s19], $0x100  }
0xbc: {  	s19 =	simm.s32 @!p1 $0x2  }
0xbd: {  	_ =	swait.ge @!p1 [sflag:s19], $0x100  }
0xbe: {  	[sflag:s19] =	ssyncset.done @!p1 $0x0  }
0xbf: {  	[sflag:s19] =	ssyncadd.s32 @!p1 $0xFFFFFF00  }
0xc0: {  	s22 =	sadd.s32 $0x0, s28;
	[bflag:$0x0] =	sbarrier.arrive $0xFFFF  }
0xc1: {  	[tilespmem:s2], [sflag:$0x2] =	stream.linear.gather [hbm4b:s22+s2], $0x80, $0x38;
	[tilespmem:$0x17A00] =	vst v63  }
0xc2: {  	_ =	swait.ge [sflag:s30], $0x80  }
0xc3: {  	[sflag:s30] =	ssyncset.done $0x0  }
0xc4: {  	s24 =	sadd.s32 $0x0, s26;
	[sflag:s30] =	ssyncadd.s32 $0xFFFFFF80  }
0xc5: {  	[tilespmem:s31], [sflag:$0x2] =	stream.linear.gather [hbm4b:s24+s2], $0x80, $0x38;
	[tilespmem:$0x17A00] =	vst v63  }
0xc6: {  	_ =	swait.ge [sflag:s30], $0x80  }
0xc7: {  	[sflag:s30] =	ssyncset.done $0x0  }
0xc8: {  	[sflag:s30] =	ssyncadd.s32 $0xFFFFFF80  }
0xc9: {  	[tilespmem:s0], [sflag:$0x1] =	stream.indirect.gather [hbm4b:s6+s31], $0x80, s2, s31, $0xb8;
	[tilespmem:$0x17A00] =	vst v63  }
0xca: {  	_ =	swait.ge [sflag:s11], $0x4000  }
0xcb: {  	[sflag:s11] =	ssyncset.done $0x0  }
0xcc: {  	[sflag:s11] =	ssyncadd.s32 $0xFFFFC000  }
0xcd: {  	[spmem:s1] =	stream.indirect.scatter.add.f32 [tilespmem:s0], [sflag:$0x2], $0x80, s31, s31, $0xb8;
	[tilespmem:$0x17A00] =	vst v63  }
0xce: {  	_ =	swait.ge [sflag:s30], $0x4000  }
0xcf: {  	s20 =	simm.s32 $0x20;
	s19 =	simm.s32 $0x10;
	[sflag:s30] =	ssyncset.done $0x0  }
.LBB2_8:
0xd0: {  	s21 =	sadd.s32 s19, s28  }
0xd1: {  	[sflag:s30] =	ssyncadd.s32 $0xFFFFC000;
	s22 =	smov.u32 s20;
	s24 =	sadd.s32 $0x10, s20  }
0xd2: {  	[tilespmem:s2], [sflag:$0x2] =	stream.linear.gather [hbm4b:s21+s2], $0x80, $0x38;
	[tilespmem:$0x17A00] =	vst v63  }
0xd3: {  	p3 =	sne.s32 s20, $0x4E0;
	_ =	swait.ge [sflag:s30], $0x80  }
0xd4: {  	[sflag:s30] =	ssyncset.done $0x0  }
0xd5: {  	s20 =	sadd.s32 s19, s26;
	s19 =	smov.u32 s22;
	[sflag:s30] =	ssyncadd.s32 $0xFFFFFF80  }
0xd6: {  	[tilespmem:s31], [sflag:$0x2] =	stream.linear.gather [hbm4b:s20+s2], $0x80, $0x38;
	[tilespmem:$0x17A00] =	vst v63  }
0xd7: {  	_ =	swait.ge [sflag:s30], $0x80  }
0xd8: {  	[sflag:s30] =	ssyncset.done $0x0  }
0xd9: {  	[sflag:s30] =	ssyncadd.s32 $0xFFFFFF80  }
0xda: {  	[tilespmem:s0], [sflag:$0x1] =	stream.indirect.gather [hbm4b:s6+s31], $0x80, s2, s31, $0xb8;
	[tilespmem:$0x17A00] =	vst v63  }
0xdb: {  	_ =	swait.ge [sflag:s11], $0x4000  }
.Ltmp7:
0xdc: {  	[sflag:s11] =	ssyncset.done $0x0;
	(pc) =	sbr.rel @p3 .LBB2_8-.Ltmp7, $4  }
0xdd: {  	[sflag:s11] =	ssyncadd.s32 $0xFFFFC000  }
0xde: {  	[spmem:s1] =	stream.indirect.scatter.add.f32 [tilespmem:s0], [sflag:$0x2], $0x80, s31, s31, $0xb8;
	[tilespmem:$0x17A00] =	vst v63  }
0xdf: {  	_ =	swait.ge [sflag:s30], $0x4000  }
0xe0: {  	s20 =	smov.u32 s24;
	[sflag:s30] =	ssyncset.done $0x0  }
0xe1: {  	s20 =	sadd.s32 s19, s28;
	[sflag:s30] =	ssyncadd.s32 $0xFFFFC000  }
0xe2: {  	[tilespmem:s2], [sflag:$0x2] =	stream.linear.gather [hbm4b:s20+s2], $0x80, $0x38;
	[tilespmem:$0x17A00] =	vst v63  }
0xe3: {  	_ =	swait.ge [sflag:s30], $0x80  }
0xe4: {  	[sflag:s30] =	ssyncset.done $0x0  }
0xe5: {  	s20 =	sadd.s32 s19, s26;
	[sflag:s30] =	ssyncadd.s32 $0xFFFFFF80  }
0xe6: {  	[tilespmem:s31], [sflag:$0x2] =	stream.linear.gather [hbm4b:s20+s2], $0x80, $0x38;
	[tilespmem:$0x17A00] =	vst v63  }
0xe7: {  	_ =	swait.ge [sflag:s30], $0x80  }
0xe8: {  	[sflag:s30] =	ssyncset.done $0x0  }
0xe9: {  	[sflag:s30] =	ssyncadd.s32 $0xFFFFFF80  }
0xea: {  	[tilespmem:s0], [sflag:$0x1] =	stream.indirect.gather [hbm4b:s6+s31], $0x80, s2, s31, $0xb8;
	[tilespmem:$0x17A00] =	vst v63  }
0xeb: {  	_ =	swait.ge [sflag:s11], $0x4000  }
0xec: {  	[sflag:s11] =	ssyncset.done $0x0  }
0xed: {  	[sflag:s11] =	ssyncadd.s32 $0xFFFFC000  }
0xee: {  	[spmem:s1] =	stream.indirect.scatter.add.f32 [tilespmem:s0], [sflag:$0x2], $0x80, s31, s31, $0xb8;
	[tilespmem:$0x17A00] =	vst v63  }
0xef: {  	_ =	swait.ge [sflag:s30], $0x4000  }
0xf0: {  	[sflag:s30] =	ssyncset.done $0x0  }
0xf1: {  	[sflag:s30] =	ssyncadd.s32 $0xFFFFC000  }
0xf2: {  	[bflag:$0x0] =	sbarrier.arrive $0xFFFF  }
0xf3: {  	s21 =	rddreg [dreg:$0x5]  }
0xf4: {  	[hbm:s21], [sflag:s13] =	dma.local [spmem:s15], $0x2700  }
0xf5: {  	_ =	swait.ge [sflag:s30], $0x2700  }
0xf6: {  	[sflag:s30] =	ssyncset.done $0x0  }
0xf7: {  	[sflag:s30] =	ssyncadd.s32 $0xFFFFD900  }
0xf8: {  	[bflag:$0x0] =	sbarrier.arrive @p1 $0xFFFF  }
0xf9: {  	[spmem:s18], [sflag:s13] =	dma.local @p1 [hbm:s14], $0x2700  }
0xfa: {  	s18 =	simm.s32 @p1 $0x2  }
0xfb: {  	_ =	swait.ge @p1 [sflag:s18], $0x2700  }
0xfc: {  	[sflag:s18] =	ssyncset.done @p1 $0x0  }
0xfd: {  	[sflag:s18] =	ssyncadd.s32 @p1 $0xFFFFD900;
	s18 =	rddreg [dreg:$0x6]  }
0xfe: {  	[hbm:s18], [sflag:s13] =	dma.local @!p1 [spmem:s16], $0x100  }
0xff: {  	s18 =	simm.s32 @!p1 $0x2  }
0x100: {  	_ =	swait.ge @!p1 [sflag:s18], $0x100  }
0x101: {  	[sflag:s18] =	ssyncset.done @!p1 $0x0  }
0x102: {  	[sflag:s18] =	ssyncadd.s32 @!p1 $0xFFFFFF00  }
0x103: {  	[bflag:$0x0] =	sbarrier.arrive @!p1 $0xFFFF  }
0x104: {  	[spmem:s17], [sflag:s13] =	dma.local @!p1 [hbm:s14], $0x2700  }
0x105: {  	_ =	swait.ge @!p1 [sflag:s18], $0x2700  }
0x106: {  	[sflag:s18] =	ssyncset.done @!p1 $0x0  }
0x107: {  	s17 =	rddreg [dreg:$0x7];
	[sflag:s18] =	ssyncadd.s32 @!p1 $0xFFFFD900  }
0x108: {  	[spmem:s16], [sflag:s13] =	dma.local @!p1 [hbm:s17], $0x100  }
0x109: {  	_ =	swait.ge @!p1 [sflag:s18], $0x100  }
0x10a: {  	[sflag:s18] =	ssyncset.done @!p1 $0x0  }
0x10b: {  	[sflag:s18] =	ssyncadd.s32 @!p1 $0xFFFFFF00  }
0x10c: {  	s22 =	sadd.s32 $0x0, s28;
	[bflag:$0x0] =	sbarrier.arrive $0xFFFF  }
0x10d: {  	[tilespmem:s2], [sflag:$0x2] =	stream.linear.gather [hbm4b:s22+s2], $0x80, $0x38;
	[tilespmem:$0x17A00] =	vst v63  }
0x10e: {  	_ =	swait.ge [sflag:s30], $0x80  }
0x10f: {  	[sflag:s30] =	ssyncset.done $0x0  }
0x110: {  	s24 =	sadd.s32 $0x0, s26;
	[sflag:s30] =	ssyncadd.s32 $0xFFFFFF80  }
0x111: {  	[tilespmem:s31], [sflag:$0x2] =	stream.linear.gather [hbm4b:s24+s2], $0x80, $0x38;
	[tilespmem:$0x17A00] =	vst v63  }
0x112: {  	_ =	swait.ge [sflag:s30], $0x80  }
0x113: {  	[sflag:s30] =	ssyncset.done $0x0  }
0x114: {  	[sflag:s30] =	ssyncadd.s32 $0xFFFFFF80  }
0x115: {  	[tilespmem:s0], [sflag:$0x1] =	stream.indirect.gather [hbm4b:s7+s31], $0x80, s2, s31, $0xb8;
	[tilespmem:$0x17A00] =	vst v63  }
0x116: {  	_ =	swait.ge [sflag:s11], $0x4000  }
0x117: {  	[sflag:s11] =	ssyncset.done $0x0  }
0x118: {  	[sflag:s11] =	ssyncadd.s32 $0xFFFFC000  }
0x119: {  	[spmem:s1] =	stream.indirect.scatter.add.f32 [tilespmem:s0], [sflag:$0x2], $0x80, s31, s31, $0xb8;
	[tilespmem:$0x17A00] =	vst v63  }
0x11a: {  	_ =	swait.ge [sflag:s30], $0x4000  }
0x11b: {  	s16 =	simm.s32 $0x10;
	s17 =	simm.s32 $0x20;
	[sflag:s30] =	ssyncset.done $0x0  }
.LBB2_10:
0x11c: {  	s18 =	sadd.s32 s16, s28  }
0x11d: {  	[sflag:s30] =	ssyncadd.s32 $0xFFFFC000;
	s19 =	smov.u32 s17;
	s20 =	sadd.s32 $0x10, s17  }
0x11e: {  	[tilespmem:s2], [sflag:$0x2] =	stream.linear.gather [hbm4b:s18+s2], $0x80, $0x38;
	[tilespmem:$0x17A00] =	vst v63  }
0x11f: {  	p3 =	sne.s32 s17, $0x4E0;
	_ =	swait.ge [sflag:s30], $0x80  }
0x120: {  	[sflag:s30] =	ssyncset.done $0x0  }
0x121: {  	s17 =	sadd.s32 s16, s26;
	s16 =	smov.u32 s19;
	[sflag:s30] =	ssyncadd.s32 $0xFFFFFF80  }
0x122: {  	[tilespmem:s31], [sflag:$0x2] =	stream.linear.gather [hbm4b:s17+s2], $0x80, $0x38;
	[tilespmem:$0x17A00] =	vst v63  }
0x123: {  	_ =	swait.ge [sflag:s30], $0x80  }
0x124: {  	[sflag:s30] =	ssyncset.done $0x0  }
0x125: {  	[sflag:s30] =	ssyncadd.s32 $0xFFFFFF80  }
0x126: {  	[tilespmem:s0], [sflag:$0x1] =	stream.indirect.gather [hbm4b:s7+s31], $0x80, s2, s31, $0xb8;
	[tilespmem:$0x17A00] =	vst v63  }
0x127: {  	_ =	swait.ge [sflag:s11], $0x4000  }
.Ltmp8:
0x128: {  	[sflag:s11] =	ssyncset.done $0x0;
	(pc) =	sbr.rel @p3 .LBB2_10-.Ltmp8, $4  }
0x129: {  	[sflag:s11] =	ssyncadd.s32 $0xFFFFC000  }
0x12a: {  	[spmem:s1] =	stream.indirect.scatter.add.f32 [tilespmem:s0], [sflag:$0x2], $0x80, s31, s31, $0xb8;
	[tilespmem:$0x17A00] =	vst v63  }
0x12b: {  	_ =	swait.ge [sflag:s30], $0x4000  }
0x12c: {  	s17 =	smov.u32 s20;
	[sflag:s30] =	ssyncset.done $0x0  }
0x12d: {  	s17 =	sadd.s32 s16, s28;
	[sflag:s30] =	ssyncadd.s32 $0xFFFFC000  }
0x12e: {  	[tilespmem:s2], [sflag:$0x2] =	stream.linear.gather [hbm4b:s17+s2], $0x80, $0x38;
	[tilespmem:$0x17A00] =	vst v63  }
0x12f: {  	_ =	swait.ge [sflag:s30], $0x80  }
0x130: {  	[sflag:s30] =	ssyncset.done $0x0  }
0x131: {  	s22 =	sadd.s32 s16, s26;
	[sflag:s30] =	ssyncadd.s32 $0xFFFFFF80  }
0x132: {  	[tilespmem:s31], [sflag:$0x2] =	stream.linear.gather [hbm4b:s22+s2], $0x80, $0x38;
	[tilespmem:$0x17A00] =	vst v63  }
0x133: {  	_ =	swait.ge [sflag:s30], $0x80  }
0x134: {  	[sflag:s30] =	ssyncset.done $0x0  }
0x135: {  	[sflag:s30] =	ssyncadd.s32 $0xFFFFFF80  }
0x136: {  	[tilespmem:s0], [sflag:$0x1] =	stream.indirect.gather [hbm4b:s7+s31], $0x80, s2, s31, $0xb8;
	[tilespmem:$0x17A00] =	vst v63  }
0x137: {  	_ =	swait.ge [sflag:s11], $0x4000  }
0x138: {  	[sflag:s11] =	ssyncset.done $0x0  }
0x139: {  	[sflag:s11] =	ssyncadd.s32 $0xFFFFC000  }
0x13a: {  	[spmem:s1] =	stream.indirect.scatter.add.f32 [tilespmem:s0], [sflag:$0x2], $0x80, s31, s31, $0xb8;
	[tilespmem:$0x17A00] =	vst v63  }
0x13b: {  	_ =	swait.ge [sflag:s30], $0x4000  }
0x13c: {  	[sflag:s30] =	ssyncset.done $0x0  }
0x13d: {  	[sflag:s30] =	ssyncadd.s32 $0xFFFFC000  }
0x13e: {  	[bflag:$0x0] =	sbarrier.arrive $0xFFFF  }
0x13f: {  	s24 =	rddreg [dreg:$0x8]  }
0x140: {  	[hbm:s24], [sflag:s13] =	dma.local [spmem:s15], $0x2700  }
.Ltmp9:
0x141: {  	_ = 	snop;
	(pc) =	sbr.rel @p1 .LBB2_13-.Ltmp9, $4  }
.Ltmp10:
0x142: {  	_ = 	snop;
	(pc) =	sbr.rel @!p1 .LBB2_12-.Ltmp10, $4  }
0x143: {  	_ =	swait.ge [sflag:s30], $0x2700  }
0x144: {  	[sflag:s30] =	ssyncset.done $0x0  }
0x145: {  	s15 =	smov.u32 s9;
	[sflag:s30] =	ssyncadd.s32 $0xFFFFD900  }
0x146: {  	_ = 	snop  }
.LBB2_14:
0x147: {  	_ =	sfence.sel $0x180000  }
0x148: {  	[bflag:$0x0] =	sbarrier.arrive $0xFFFF  }
0x149: {  	_ =	strace $0x90000050  }
0x14a: {  	[bflag:$0x2] =	sbarrier.arrive $0xFFFF  }
0x14b: {  	p0 =	sne.s32 s3, $0x0;
	s0 =	rddreg [dreg:$0x2]  }
0x14c: {  	s0 =	sadd.s32 @!p0 $0x100000, s0  }
0x14d: {  	[sflag:s0] =	ssyncadd.tile.s32 @!p0 $0x1;
	_ =	shalt  }
.Lfunc_end2:
_tile_overlayer_lowered:
.L_overlay_start_2:
0x14e: {  	(tag) =	ssettag $0x2  }
0x14f: {  	s0 =	rddreg [dreg:$0x0];
	s2 =	stileid.u32  }
0x150: {  	s1 =	rddreg [dreg:$0x1];
	p0 =	sne.s32 s2, $0x0  }
0x151: {  	s3 =	rddreg [dreg:$0x2];
	[bflag:$0x3] =	sbarrier.arrive $0xFFFF;
	s2 =	simm.s32 @!p0 $0x1C02  }
0x152: {  	[timem:s3], [sflag:s2] =	dma.local @!p0 [hbm:s0], s1  }
0x153: {  	s0 =	simm.s32 @!p0 $0x2  }
0x154: {  	_ =	swait.ge @!p0 [sflag:s0], s1  }
0x155: {  	s1 =	ssub.s32 @!p0 $0x0, s1;
	[sflag:s0] =	ssyncset.done @!p0 $0x0  }
0x156: {  	[sflag:s0] =	ssyncadd.s32 @!p0 s1  }
0x157: {  	[bflag:$0x3] =	sbarrier.arrive $0xFFFF  }
0x158: {  	_ =	shalt  }

</sc_bundles>
